<compile_context>
chip_gen: v7x
topology: tpu7x:2x2x1
jax: 0.10.2.dev20260603
libtpu: 0.0.44.dev20260713+nightly
codegen_flags: <defaults>
</compile_context>

<pallas_src>
import functools

import jax
import jax.numpy as jnp
from jax import lax
from jax.experimental import pallas as pl
from jax.experimental.pallas import tpu as pltpu
from jax.experimental.pallas import tpu_sc as plsc

N = 10000
E = 320000
D_IN = 128
D_HID = 512
D_OUT = 512

NC = 2
NS = 16
E_TILE = E // (NC * NS)
B = 80
NB = E_TILE // B
N_PAD = 10112
ROWS_T = N_PAD // NS
N_PADC = 10240
ROWS_C = N_PADC // NS


def _sc_segment_sum(src, dst, chunks, zf, zc, with_count):
  K = len(chunks)
  mesh = plsc.VectorSubcoreMesh(core_axis_name="c", subcore_axis_name="s")

  out_type = [jax.ShapeDtypeStruct((NC, K, N_PAD, D_IN), jnp.float32)]
  if with_count:
    out_type.append(jax.ShapeDtypeStruct((NC * N_PADC,), jnp.float32))

  scratch = [
      pltpu.VMEM((E_TILE,), jnp.int32),
      pltpu.VMEM((3, B), jnp.int32),
      pltpu.VMEM((3, B, D_IN), jnp.float32),
      pltpu.VMEM((B,), jnp.float32),
      pltpu.VMEM_SHARED((N_PAD, D_IN), jnp.float32),
  ] + ([pltpu.VMEM_SHARED((N_PADC,), jnp.float32)] if with_count else []) \
    + [pltpu.SemaphoreType.DMA] * (12 if with_count else 9)

  @functools.partial(pl.kernel, mesh=mesh, out_type=out_type,
                     scratch_types=scratch)
  def k(*refs):
    (src_h, dst_h, *rest) = refs
    chunk_h = rest[:K]
    rest = rest[K:]
    zf_h, zc_h = rest[0], rest[1]
    rest = rest[2:]
    if with_count:
      feat_o, cnt_o = rest[0], rest[1]
      rest = rest[2:]
    else:
      feat_o = rest[0]
      cnt_o = None
      rest = rest[1:]
    src_v, dst_v, rows_v, ones_v, acc_s = rest[:5]
    rest = rest[5:]
    if with_count:
      accc_s = rest[0]
      rest = rest[1:]
    else:
      accc_s = None
    gsem = rest[0:3]
    ssem = rest[3:6]
    dsem = rest[6:9]
    csem = rest[9:12] if with_count else None

    c = lax.axis_index("c")
    s = lax.axis_index("s")
    row0 = s * ROWS_T
    base = (c * NS + s) * E_TILE

    pltpu.sync_copy(src_h.at[pl.ds(base, E_TILE)], src_v)

    if with_count:
      for i in range(B // 16):
        ones_v[pl.ds(i * 16, 16)] = jnp.ones((16,), jnp.float32)

    def ld_dst(j, p):
      pltpu.async_copy(dst_h.at[pl.ds(base + j * B, B)], dst_v.at[p],
                       dsem[p])

    def ld_dst_wait(j, p):
      pltpu.make_async_copy(dst_h.at[pl.ds(base + j * B, B)], dst_v.at[p],
                            dsem[p]).wait()

    for kk in range(K):
      ch = chunk_h[kk]
      count_now = with_count and kk == 0

      def gather(j, p):
        pltpu.async_copy(ch.at[src_v.at[pl.ds(j * B, B)]], rows_v.at[p],
                         gsem[p])

      def gwait(j, p):
        pltpu.make_async_copy(ch.at[src_v.at[pl.ds(j * B, B)]],
                              rows_v.at[p], gsem[p]).wait()

      def scat(p):
        pltpu.async_copy(rows_v.at[p], acc_s.at[dst_v.at[p]], ssem[p],
                         add=True)
        if count_now:
          pltpu.async_copy(ones_v, accc_s.at[dst_v.at[p]], csem[p],
                           add=True)

      def swait(p):
        pltpu.make_async_copy(rows_v.at[p], acc_s.at[dst_v.at[p]],
                              ssem[p]).wait()
        if count_now:
          pltpu.make_async_copy(ones_v, accc_s.at[dst_v.at[p]],
                                csem[p]).wait()

      def step(j, p, do_swait, guard=True):
        gwait(j, p)
        ld_dst_wait(j, p)
        scat(p)
        p2 = (p + 2) % 3

        def prefetch():
          if do_swait:
            swait(p2)
          ld_dst(j + 2, p2)
          gather(j + 2, p2)

        if guard:
          pl.when(j + 2 < NB)(prefetch)
        else:
          prefetch()

      ld_dst(0, 0)
      gather(0, 0)
      ld_dst(1, 1)
      gather(1, 1)
      pltpu.sync_copy(zf_h, acc_s.at[pl.ds(row0, ROWS_T)])
      if count_now:
        pltpu.sync_copy(zc_h, accc_s.at[pl.ds(s * ROWS_C, ROWS_C)])
      plsc.subcore_barrier()

      step(0, 0, False, guard=False)

      def body(jj, _):
        j = 3 * jj + 1
        step(j, 1, True)
        step(j + 1, 2, True)
        step(j + 2, 0, True)
        return ()

      lax.fori_loop(0, (NB - 2) // 3, body, (), unroll=False)
      gwait(NB - 1, 1)
      ld_dst_wait(NB - 1, 1)
      scat(1)
      for p in (2, 0, 1):
        swait(p)
      plsc.subcore_barrier()

      pltpu.sync_copy(acc_s.at[pl.ds(row0, ROWS_T)],
                      feat_o.at[c, kk, pl.ds(row0, ROWS_T)])
      if count_now:
        pltpu.sync_copy(accc_s.at[pl.ds(s * ROWS_C, ROWS_C)],
                        cnt_o.at[pl.ds(c * N_PADC + s * ROWS_C, ROWS_C)])

  outs = k(src, dst, *chunks, zf, zc)
  if with_count:
    return outs[0], outs[1]
  return outs[0], None


M_TILE = 400


def _tc1_body(x_ref, pf_ref, pc_ref, w1l_ref, b1_ref, w1r_ref,
              h0_ref, h1_ref, h2_ref, h3_ref):
  cnt = pc_ref[0, :, 0] + pc_ref[1, :, 0]
  inv = 1.0 / jnp.maximum(cnt, 1.0)
  agg = (pf_ref[0, 0] + pf_ref[1, 0]) * inv[:, None]
  z = lax.dot_general(agg, w1l_ref[...], (((1,), (1,)), ((), ())),
                      preferred_element_type=jnp.float32)
  z = z + b1_ref[...]
  z = z + lax.dot_general(x_ref[...], w1r_ref[...], (((1,), (1,)), ((), ())),
                          preferred_element_type=jnp.float32)
  h = jnp.maximum(z, 0.0)
  h0_ref[...] = h[:, 0:128]
  h1_ref[...] = h[:, 128:256]
  h2_ref[...] = h[:, 256:384]
  h3_ref[...] = h[:, 384:512]


def _tc2_body(h0_ref, h1_ref, h2_ref, h3_ref, p2_ref, pc_ref,
              w2l_ref, b2_ref, w2r_ref, out_ref):
  cnt = pc_ref[0, :, 0] + pc_ref[1, :, 0]
  inv = 1.0 / jnp.maximum(cnt, 1.0)
  psum = p2_ref[0] + p2_ref[1]
  agg = jnp.concatenate([psum[0], psum[1], psum[2], psum[3]], axis=1)
  agg = agg * inv[:, None]
  z = lax.dot_general(agg, w2l_ref[...], (((1,), (1,)), ((), ())),
                      preferred_element_type=jnp.float32)
  z = z + b2_ref[...]
  h = jnp.concatenate([h0_ref[...], h1_ref[...], h2_ref[...], h3_ref[...]],
                      axis=1)
  z = z + lax.dot_general(h, w2r_ref[...], (((1,), (1,)), ((), ())),
                          preferred_element_type=jnp.float32)
  out_ref[...] = jnp.maximum(z, 0.0)


def _chunk_spec():
  return pl.BlockSpec((M_TILE, 128), lambda i: (i, 0))


def kernel(x, edge_index, W1l, b1, W1r, W2l, b2, W2r):
  src = edge_index[0].astype(jnp.int32)
  dst = edge_index[1].astype(jnp.int32)

  zf = jnp.zeros((ROWS_T, D_IN), jnp.float32)
  zc = jnp.zeros((ROWS_C,), jnp.float32)

  p1, pc = _sc_segment_sum(src, dst, (x,), zf, zc, with_count=True)
  pc2 = pc.reshape(NC, N_PADC, 1)

  grid = N // M_TILE
  b1_2d = b1.reshape(1, D_HID)
  h_chunks = pl.pallas_call(
      _tc1_body,
      grid=(grid,),
      in_specs=[
          pl.BlockSpec((M_TILE, D_IN), lambda i: (i, 0)),
          pl.BlockSpec((NC, 1, M_TILE, D_IN), lambda i: (0, 0, i, 0)),
          pl.BlockSpec((NC, M_TILE, 1), lambda i: (0, i, 0)),
          pl.BlockSpec((D_HID, D_IN), lambda i: (0, 0)),
          pl.BlockSpec((1, D_HID), lambda i: (0, 0)),
          pl.BlockSpec((D_HID, D_IN), lambda i: (0, 0)),
      ],
      out_specs=[_chunk_spec(), _chunk_spec(), _chunk_spec(), _chunk_spec()],
      out_shape=[jax.ShapeDtypeStruct((N, 128), jnp.float32)] * 4,
  )(x, p1, pc2, W1l, b1_2d, W1r)

  p2, _ = _sc_segment_sum(src, dst, tuple(h_chunks), zf, zc,
                          with_count=False)

  b2_2d = b2.reshape(1, D_OUT)
  out = pl.pallas_call(
      _tc2_body,
      grid=(grid,),
      in_specs=[
          _chunk_spec(), _chunk_spec(), _chunk_spec(), _chunk_spec(),
          pl.BlockSpec((NC, 4, M_TILE, 128), lambda i: (0, 0, i, 0)),
          pl.BlockSpec((NC, M_TILE, 1), lambda i: (0, i, 0)),
          pl.BlockSpec((D_OUT, D_HID), lambda i: (0, 0)),
          pl.BlockSpec((1, D_OUT), lambda i: (0, 0)),
          pl.BlockSpec((D_OUT, D_HID), lambda i: (0, 0)),
      ],
      out_specs=pl.BlockSpec((M_TILE, D_OUT), lambda i: (i, 0)),
      out_shape=jax.ShapeDtypeStruct((N, D_OUT), jnp.float32),
  )(*h_chunks, p2, pc2, W2l, b2_2d, W2r)
  return out

# --- scband reference (transcript-rebuilt; emitter-appended) ---
"""Pipeline reference for scband-gconv-13812614824173 (READ-ONLY COPY).

The authoritative reference and input builder live on the scoring server;
editing this copy changes nothing except your own understanding.
"""

import jax, jax.numpy as jnp
import numpy as np

N_NODES = 10000
N_EDGES = 320000
D_IN = 128
D_HID = 512
D_OUT = 512


def setup_inputs(seed: int = 0) -> dict:
    key = jax.random.key(seed)
    ks = jax.random.split(key, 9)
    x = jax.random.normal(ks[0], (N_NODES, D_IN), dtype=jnp.float32)
    edge_index = jax.random.randint(ks[1], (2, N_EDGES), 0, N_NODES, dtype=jnp.int64)
    # SAGEConv layer 1: lin_l (neighbors, with bias), lin_r (root, no bias)
    s1 = 1.0 / np.sqrt(D_IN)
    W1l = jax.random.uniform(ks[2], (D_HID, D_IN), dtype=jnp.float32, minval=-s1, maxval=s1)
    b1 = jax.random.uniform(ks[3], (D_HID,), dtype=jnp.float32, minval=-s1, maxval=s1)
    W1r = jax.random.uniform(ks[4], (D_HID, D_IN), dtype=jnp.float32, minval=-s1, maxval=s1)
    # SAGEConv layer 2
    s2 = 1.0 / np.sqrt(D_HID)
    W2l = jax.random.uniform(ks[5], (D_OUT, D_HID), dtype=jnp.float32, minval=-s2, maxval=s2)
    b2 = jax.random.uniform(ks[6], (D_OUT,), dtype=jnp.float32, minval=-s2, maxval=s2)
    W2r = jax.random.uniform(ks[7], (D_OUT, D_HID), dtype=jnp.float32, minval=-s2, maxval=s2)
    return {"x": x, "edge_index": edge_index, "W1l": W1l, "b1": b1, "W1r": W1r,
            "W2l": W2l, "b2": b2, "W2r": W2r}


def _sage_conv(h, src, dst, n_nodes, Wl, b, Wr):
    # PyG SAGEConv with aggr='mean': out = lin_l(mean_{j in N(i)} h_j) + lin_r(h_i)
    msg = jnp.take(h, src, axis=0)
    summed = jax.ops.segment_sum(msg, dst, num_segments=n_nodes)
    cnt = jax.ops.segment_sum(jnp.ones((src.shape[0],), dtype=h.dtype), dst, num_segments=n_nodes)
    agg = summed / jnp.clip(cnt, 1.0, None)[:, None]
    return agg @ Wl.T + b + h @ Wr.T


def reference(x, edge_index, W1l, b1, W1r, W2l, b2, W2r):
    src = edge_index[0]
    dst = edge_index[1]
    n = x.shape[0]
    h = jax.nn.relu(_sage_conv(x, src, dst, n, W1l, b1, W1r))
    h = jax.nn.relu(_sage_conv(h, src, dst, n, W2l, b2, W2r))
    return h

if __name__ == "__main__":
    import jax
    _d = setup_inputs()
    print(jax.jit(kernel)(*tuple(_d.values())))

</pallas_src>

<mosaic_0001>
#map = affine_map<(d0, d1) -> (0)>
#map1 = affine_map<(d0, d1) -> (0, 0)>
#map2 = affine_map<(d0, d1) -> (0, 0, 0, 0)>
module attributes {stable_mosaic.version = 14 : i64} {
  func.func @k(%arg0: i32, %arg1: i32, %arg2: memref<320000xi32, #tpu.memory_space<hbm>>, %arg3: memref<320000xi32, #tpu.memory_space<hbm>>, %arg4: memref<10000x128xf32, #tpu.memory_space<hbm>>, %arg5: memref<632x128xf32, #tpu.memory_space<hbm>>, %arg6: memref<640xf32, #tpu.memory_space<hbm>>, %arg7: memref<2x1x10112x128xf32, #tpu.memory_space<hbm>>, %arg8: memref<20480xf32, #tpu.memory_space<hbm>>, %arg9: memref<10000xi32, #tpu.memory_space<vmem>>, %arg10: memref<3x80xi32, #tpu.memory_space<vmem>>, %arg11: memref<3x80x128xf32, #tpu.memory_space<vmem>>, %arg12: memref<80xf32, #tpu.memory_space<vmem>>, %arg13: memref<10112x128xf32, #tpu.memory_space<vmem_shared>>, %arg14: memref<10240xf32, #tpu.memory_space<vmem_shared>>, %arg15: memref<!tpu.dma_semaphore, #tpu.memory_space<semaphore_mem>>, %arg16: memref<!tpu.dma_semaphore, #tpu.memory_space<semaphore_mem>>, %arg17: memref<!tpu.dma_semaphore, #tpu.memory_space<semaphore_mem>>, %arg18: memref<!tpu.dma_semaphore, #tpu.memory_space<semaphore_mem>>, %arg19: memref<!tpu.dma_semaphore, #tpu.memory_space<semaphore_mem>>, %arg20: memref<!tpu.dma_semaphore, #tpu.memory_space<semaphore_mem>>, %arg21: memref<!tpu.dma_semaphore, #tpu.memory_space<semaphore_mem>>, %arg22: memref<!tpu.dma_semaphore, #tpu.memory_space<semaphore_mem>>, %arg23: memref<!tpu.dma_semaphore, #tpu.memory_space<semaphore_mem>>, %arg24: memref<!tpu.dma_semaphore, #tpu.memory_space<semaphore_mem>>, %arg25: memref<!tpu.dma_semaphore, #tpu.memory_space<semaphore_mem>>, %arg26: memref<!tpu.dma_semaphore, #tpu.memory_space<semaphore_mem>>) attributes {dimension_semantics = [#tpu.dimension_semantics<core_parallel>, #tpu.dimension_semantics<subcore_parallel>], iteration_bounds = array<i64: 2, 16>, scalar_prefetch = 0 : i64, scratch_operands = 18 : i64, tpu.core_type = #tpu.core_type<sc_vector_subcore>, window_params = [{transform_indices = #map}, {transform_indices = #map}, {transform_indices = #map1}, {transform_indices = #map1}, {transform_indices = #map}, {transform_indices = #map2}, {transform_indices = #map}]} {
    %mul3A = arith.constant 632 : i32
    %mul3A_0 = arith.muli %arg1, %mul3A : i32
    %mul3A_1 = arith.constant 16 : i32
    %mul3A_2 = arith.muli %arg0, %mul3A_1 : i32
    %add3A = arith.addi %mul3A_2, %arg1 : i32
    %mul3A_3 = arith.constant 10000 : i32
    %mul3A_4 = arith.muli %add3A, %mul3A_3 : i32
    "tpu.region"() ({
      %run_scoped3A_240 = tpu.sem_alloc : memref<!tpu.dma_semaphore, #tpu.memory_space<semaphore_mem>>
      %dma_start3A_241 = tpu.memref_slice %arg2[%mul3A_4] : memref<320000xi32, #tpu.memory_space<hbm>> -> memref<10000xi32, #tpu.memory_space<hbm>>
      %dma_start3A_242 = tpu.memref_slice %arg2[%mul3A_4] : memref<320000xi32, #tpu.memory_space<hbm>> -> memref<10000xi32, #tpu.memory_space<hbm>>
      tpu.enqueue_dma source(%dma_start3A_242 : memref<10000xi32, #tpu.memory_space<hbm>>) target(%arg9 : memref<10000xi32, #tpu.memory_space<vmem>>) target_semaphore(%run_scoped3A_240 : memref<!tpu.dma_semaphore, #tpu.memory_space<semaphore_mem>>)
      %dma_wait3A_243 = tpu.memref_slice %arg2[%mul3A_4] : memref<320000xi32, #tpu.memory_space<hbm>> -> memref<10000xi32, #tpu.memory_space<hbm>>
      %dma_wait3A_244 = tpu.memref_slice %arg2[%mul3A_4] : memref<320000xi32, #tpu.memory_space<hbm>> -> memref<10000xi32, #tpu.memory_space<hbm>>
      tpu.wait_dma2 semaphore(%run_scoped3A_240 : memref<!tpu.dma_semaphore, #tpu.memory_space<semaphore_mem>>) src(%dma_wait3A_244 : memref<10000xi32, #tpu.memory_space<hbm>>) dst(%arg9 : memref<10000xi32, #tpu.memory_space<vmem>>)
      tpu.yield
    }) : () -> ()
    %broadcast_in_dim3A = arith.constant 1.000000e+00 : f32
    %broadcast_in_dim3A_5 = vector.broadcast %broadcast_in_dim3A : f32 to vector<16xf32>
    %swap3A = arith.constant 0 : index
    %swap3A_6 = tpu.vector_load %arg12[%swap3A] {strides = array<i32>} : memref<80xf32, #tpu.memory_space<vmem>>, vector<16xf32>,
    %swap3A_7 = vector.shape_cast %swap3A_6 : vector<16xf32> to vector<16xf32>
    %swap3A_8 = vector.shape_cast %broadcast_in_dim3A_5 : vector<16xf32> to vector<16xf32>
    tpu.vector_store %arg12[%swap3A], %swap3A_8 {strides = array<i32>} : memref<80xf32, #tpu.memory_space<vmem>>, vector<16xf32>,
    %broadcast_in_dim3A_9 = arith.constant 1.000000e+00 : f32
    %broadcast_in_dim3A_10 = vector.broadcast %broadcast_in_dim3A_9 : f32 to vector<16xf32>
    %swap3A_11 = arith.constant 16 : index
    %swap3A_12 = tpu.vector_load %arg12[%swap3A_11] {strides = array<i32>} : memref<80xf32, #tpu.memory_space<vmem>>, vector<16xf32>,
    %swap3A_13 = vector.shape_cast %swap3A_12 : vector<16xf32> to vector<16xf32>
    %swap3A_14 = vector.shape_cast %broadcast_in_dim3A_10 : vector<16xf32> to vector<16xf32>
    tpu.vector_store %arg12[%swap3A_11], %swap3A_14 {strides = array<i32>} : memref<80xf32, #tpu.memory_space<vmem>>, vector<16xf32>,
    %broadcast_in_dim3A_15 = arith.constant 1.000000e+00 : f32
    %broadcast_in_dim3A_16 = vector.broadcast %broadcast_in_dim3A_15 : f32 to vector<16xf32>
    %swap3A_17 = arith.constant 32 : index
    %swap3A_18 = tpu.vector_load %arg12[%swap3A_17] {strides = array<i32>} : memref<80xf32, #tpu.memory_space<vmem>>, vector<16xf32>,
    %swap3A_19 = vector.shape_cast %swap3A_18 : vector<16xf32> to vector<16xf32>
    %swap3A_20 = vector.shape_cast %broadcast_in_dim3A_16 : vector<16xf32> to vector<16xf32>
    tpu.vector_store %arg12[%swap3A_17], %swap3A_20 {strides = array<i32>} : memref<80xf32, #tpu.memory_space<vmem>>, vector<16xf32>,
    %broadcast_in_dim3A_21 = arith.constant 1.000000e+00 : f32
    %broadcast_in_dim3A_22 = vector.broadcast %broadcast_in_dim3A_21 : f32 to vector<16xf32>
    %swap3A_23 = arith.constant 48 : index
    %swap3A_24 = tpu.vector_load %arg12[%swap3A_23] {strides = array<i32>} : memref<80xf32, #tpu.memory_space<vmem>>, vector<16xf32>,
    %swap3A_25 = vector.shape_cast %swap3A_24 : vector<16xf32> to vector<16xf32>
    %swap3A_26 = vector.shape_cast %broadcast_in_dim3A_22 : vector<16xf32> to vector<16xf32>
    tpu.vector_store %arg12[%swap3A_23], %swap3A_26 {strides = array<i32>} : memref<80xf32, #tpu.memory_space<vmem>>, vector<16xf32>,
    %broadcast_in_dim3A_27 = arith.constant 1.000000e+00 : f32
    %broadcast_in_dim3A_28 = vector.broadcast %broadcast_in_dim3A_27 : f32 to vector<16xf32>
    %swap3A_29 = arith.constant 64 : index
    %swap3A_30 = tpu.vector_load %arg12[%swap3A_29] {strides = array<i32>} : memref<80xf32, #tpu.memory_space<vmem>>, vector<16xf32>,
    %swap3A_31 = vector.shape_cast %swap3A_30 : vector<16xf32> to vector<16xf32>
    %swap3A_32 = vector.shape_cast %broadcast_in_dim3A_28 : vector<16xf32> to vector<16xf32>
    tpu.vector_store %arg12[%swap3A_29], %swap3A_32 {strides = array<i32>} : memref<80xf32, #tpu.memory_space<vmem>>, vector<16xf32>,
    %add3A_33 = arith.constant 0 : i32
    %add3A_34 = arith.addi %mul3A_4, %add3A_33 : i32
    %dma_start3A = arith.constant 0 : i32
    %dma_start3A_35 = arith.constant 0 : i32
    %dma_start3A_36 = tpu.memref_slice %arg10[%dma_start3A, %dma_start3A_35] : memref<3x80xi32, #tpu.memory_space<vmem>> -> memref<1x80xi32, #tpu.memory_space<vmem>>
    %dma_start3A_37 = tpu.memref_squeeze %dma_start3A_36 : memref<1x80xi32, #tpu.memory_space<vmem>> -> memref<80xi32, #tpu.memory_space<vmem>>
    %dma_start3A_38 = tpu.memref_slice %arg3[%add3A_34] : memref<320000xi32, #tpu.memory_space<hbm>> -> memref<80xi32, #tpu.memory_space<hbm>>
    %dma_start3A_39 = arith.constant 0 : i32
    %dma_start3A_40 = tpu.memref_slice %arg10[%dma_start3A, %dma_start3A_39] : memref<3x80xi32, #tpu.memory_space<vmem>> -> memref<1x80xi32, #tpu.memory_space<vmem>>
    %dma_start3A_41 = tpu.memref_squeeze %dma_start3A_40 : memref<1x80xi32, #tpu.memory_space<vmem>> -> memref<80xi32, #tpu.memory_space<vmem>>
    %dma_start3A_42 = tpu.memref_slice %arg3[%add3A_34] : memref<320000xi32, #tpu.memory_space<hbm>> -> memref<80xi32, #tpu.memory_space<hbm>>
    tpu.enqueue_dma source(%dma_start3A_42 : memref<80xi32, #tpu.memory_space<hbm>>) target(%dma_start3A_41 : memref<80xi32, #tpu.memory_space<vmem>>) target_semaphore(%arg21 : memref<!tpu.dma_semaphore, #tpu.memory_space<semaphore_mem>>)
    %dma_start3A_43 = arith.constant 0 : i32
    %dma_start3A_44 = arith.constant 0 : i32
    %dma_start3A_45 = arith.constant 0 : i32
    %dma_start3A_46 = tpu.memref_slice %arg11[%dma_start3A_43, %dma_start3A_44, %dma_start3A_45] : memref<3x80x128xf32, #tpu.memory_space<vmem>> -> memref<1x80x128xf32, #tpu.memory_space<vmem>>
    %dma_start3A_47 = tpu.memref_squeeze %dma_start3A_46 : memref<1x80x128xf32, #tpu.memory_space<vmem>> -> memref<80x128xf32, #tpu.memory_space<vmem>>
    %dma_start3A_48 = arith.constant 0 : i32
    %dma_start3A_49 = tpu.memref_slice %arg9[%dma_start3A_48] : memref<10000xi32, #tpu.memory_space<vmem>> -> memref<80xi32, #tpu.memory_space<vmem>>
    %dma_start3A_50 = arith.constant 0 : i32
    %dma_start3A_51 = arith.constant 0 : i32
    %dma_start3A_52 = tpu.memref_slice %arg4[%dma_start3A_50, %dma_start3A_51] : memref<10000x128xf32, #tpu.memory_space<hbm>> -> memref<10000x128xf32, #tpu.memory_space<hbm>>
    tpu.enqueue_indirect_dma source(%dma_start3A_52 : memref<10000x128xf32, #tpu.memory_space<hbm>>) target(%dma_start3A_47 : memref<80x128xf32, #tpu.memory_space<vmem>>) offsets(%dma_start3A_49 : memref<80xi32, #tpu.memory_space<vmem>>) semaphore(%arg15 : memref<!tpu.dma_semaphore, #tpu.memory_space<semaphore_mem>>)
    %add3A_53 = arith.constant 80 : i32
    %add3A_54 = arith.addi %mul3A_4, %add3A_53 : i32
    %dma_start3A_55 = arith.constant 1 : i32
    %dma_start3A_56 = arith.constant 0 : i32
    %dma_start3A_57 = tpu.memref_slice %arg10[%dma_start3A_55, %dma_start3A_56] : memref<3x80xi32, #tpu.memory_space<vmem>> -> memref<1x80xi32, #tpu.memory_space<vmem>>
    %dma_start3A_58 = tpu.memref_squeeze %dma_start3A_57 : memref<1x80xi32, #tpu.memory_space<vmem>> -> memref<80xi32, #tpu.memory_space<vmem>>
    %dma_start3A_59 = tpu.memref_slice %arg3[%add3A_54] : memref<320000xi32, #tpu.memory_space<hbm>> -> memref<80xi32, #tpu.memory_space<hbm>>
    %dma_start3A_60 = arith.constant 0 : i32
    %dma_start3A_61 = tpu.memref_slice %arg10[%dma_start3A_55, %dma_start3A_60] : memref<3x80xi32, #tpu.memory_space<vmem>> -> memref<1x80xi32, #tpu.memory_space<vmem>>
    %dma_start3A_62 = tpu.memref_squeeze %dma_start3A_61 : memref<1x80xi32, #tpu.memory_space<vmem>> -> memref<80xi32, #tpu.memory_space<vmem>>
    %dma_start3A_63 = tpu.memref_slice %arg3[%add3A_54] : memref<320000xi32, #tpu.memory_space<hbm>> -> memref<80xi32, #tpu.memory_space<hbm>>
    tpu.enqueue_dma source(%dma_start3A_63 : memref<80xi32, #tpu.memory_space<hbm>>) target(%dma_start3A_62 : memref<80xi32, #tpu.memory_space<vmem>>) target_semaphore(%arg22 : memref<!tpu.dma_semaphore, #tpu.memory_space<semaphore_mem>>)
    %dma_start3A_64 = arith.constant 1 : i32
    %dma_start3A_65 = arith.constant 0 : i32
    %dma_start3A_66 = arith.constant 0 : i32
    %dma_start3A_67 = tpu.memref_slice %arg11[%dma_start3A_64, %dma_start3A_65, %dma_start3A_66] : memref<3x80x128xf32, #tpu.memory_space<vmem>> -> memref<1x80x128xf32, #tpu.memory_space<vmem>>
    %dma_start3A_68 = tpu.memref_squeeze %dma_start3A_67 : memref<1x80x128xf32, #tpu.memory_space<vmem>> -> memref<80x128xf32, #tpu.memory_space<vmem>>
    %dma_start3A_69 = arith.constant 80 : i32
    %dma_start3A_70 = tpu.memref_slice %arg9[%dma_start3A_69] : memref<10000xi32, #tpu.memory_space<vmem>> -> memref<80xi32, #tpu.memory_space<vmem>>
    %dma_start3A_71 = arith.constant 0 : i32
    %dma_start3A_72 = arith.constant 0 : i32
    %dma_start3A_73 = tpu.memref_slice %arg4[%dma_start3A_71, %dma_start3A_72] : memref<10000x128xf32, #tpu.memory_space<hbm>> -> memref<10000x128xf32, #tpu.memory_space<hbm>>
    tpu.enqueue_indirect_dma source(%dma_start3A_73 : memref<10000x128xf32, #tpu.memory_space<hbm>>) target(%dma_start3A_68 : memref<80x128xf32, #tpu.memory_space<vmem>>) offsets(%dma_start3A_70 : memref<80xi32, #tpu.memory_space<vmem>>) semaphore(%arg16 : memref<!tpu.dma_semaphore, #tpu.memory_space<semaphore_mem>>)
    "tpu.region"() ({
      %run_scoped3A_240 = tpu.sem_alloc : memref<!tpu.dma_semaphore, #tpu.memory_space<semaphore_mem>>
      %dma_start3A_241 = arith.constant 0 : i32
      %dma_start3A_242 = tpu.memref_slice %arg13[%mul3A_0, %dma_start3A_241] : memref<10112x128xf32, #tpu.memory_space<vmem_shared>> -> memref<632x128xf32, #tpu.memory_space<vmem_shared>>
      tpu.enqueue_dma source(%arg5 : memref<632x128xf32, #tpu.memory_space<hbm>>) target(%dma_start3A_242 : memref<632x128xf32, #tpu.memory_space<vmem_shared>>) target_semaphore(%run_scoped3A_240 : memref<!tpu.dma_semaphore, #tpu.memory_space<semaphore_mem>>)
      %dma_wait3A_243 = arith.constant 0 : i32
      %dma_wait3A_244 = tpu.memref_slice %arg13[%mul3A_0, %dma_wait3A_243] : memref<10112x128xf32, #tpu.memory_space<vmem_shared>> -> memref<632x128xf32, #tpu.memory_space<vmem_shared>>
      tpu.wait_dma2 semaphore(%run_scoped3A_240 : memref<!tpu.dma_semaphore, #tpu.memory_space<semaphore_mem>>) src(%arg5 : memref<632x128xf32, #tpu.memory_space<hbm>>) dst(%dma_wait3A_244 : memref<632x128xf32, #tpu.memory_space<vmem_shared>>)
      tpu.yield
    }) : () -> ()
    %mul3A_74 = arith.constant 640 : i32
    %mul3A_75 = arith.muli %arg1, %mul3A_74 : i32
    "tpu.region"() ({
      %run_scoped3A_240 = tpu.sem_alloc : memref<!tpu.dma_semaphore, #tpu.memory_space<semaphore_mem>>
      %dma_start3A_241 = tpu.memref_slice %arg14[%mul3A_75] : memref<10240xf32, #tpu.memory_space<vmem_shared>> -> memref<640xf32, #tpu.memory_space<vmem_shared>>
      tpu.enqueue_dma source(%arg6 : memref<640xf32, #tpu.memory_space<hbm>>) target(%dma_start3A_241 : memref<640xf32, #tpu.memory_space<vmem_shared>>) target_semaphore(%run_scoped3A_240 : memref<!tpu.dma_semaphore, #tpu.memory_space<semaphore_mem>>)
      %dma_wait3A_242 = tpu.memref_slice %arg14[%mul3A_75] : memref<10240xf32, #tpu.memory_space<vmem_shared>> -> memref<640xf32, #tpu.memory_space<vmem_shared>>
      tpu.wait_dma2 semaphore(%run_scoped3A_240 : memref<!tpu.dma_semaphore, #tpu.memory_space<semaphore_mem>>) src(%arg6 : memref<640xf32, #tpu.memory_space<hbm>>) dst(%dma_wait3A_242 : memref<640xf32, #tpu.memory_space<vmem_shared>>)
      tpu.yield
    }) : () -> ()
    %barrier3A = arith.constant 0 : index
    tpu.barrier barrier_id(%barrier3A)
    %dma_wait3A = arith.constant 0 : i32
    %dma_wait3A_76 = arith.constant 0 : i32
    %dma_wait3A_77 = arith.constant 0 : i32
    %dma_wait3A_78 = tpu.memref_slice %arg11[%dma_wait3A, %dma_wait3A_76, %dma_wait3A_77] : memref<3x80x128xf32, #tpu.memory_space<vmem>> -> memref<1x80x128xf32, #tpu.memory_space<vmem>>
    %dma_wait3A_79 = tpu.memref_squeeze %dma_wait3A_78 : memref<1x80x128xf32, #tpu.memory_space<vmem>> -> memref<80x128xf32, #tpu.memory_space<vmem>>
    %dma_wait3A_80 = arith.constant 0 : i32
    %dma_wait3A_81 = tpu.memref_slice %arg9[%dma_wait3A_80] : memref<10000xi32, #tpu.memory_space<vmem>> -> memref<80xi32, #tpu.memory_space<vmem>>
    %dma_wait3A_82 = arith.constant 0 : i32
    %dma_wait3A_83 = arith.constant 0 : i32
    %dma_wait3A_84 = tpu.memref_slice %arg4[%dma_wait3A_82, %dma_wait3A_83] : memref<10000x128xf32, #tpu.memory_space<hbm>> -> memref<10000x128xf32, #tpu.memory_space<hbm>>
    tpu.wait_indirect_dma semaphore(%arg15 : memref<!tpu.dma_semaphore, #tpu.memory_space<semaphore_mem>>) src(%dma_wait3A_84 : memref<10000x128xf32, #tpu.memory_space<hbm>>) dst(%dma_wait3A_79 : memref<80x128xf32, #tpu.memory_space<vmem>>)
    %add3A_85 = arith.constant 0 : i32
    %add3A_86 = arith.addi %mul3A_4, %add3A_85 : i32
    %dma_wait3A_87 = arith.constant 0 : i32
    %dma_wait3A_88 = arith.constant 0 : i32
    %dma_wait3A_89 = tpu.memref_slice %arg10[%dma_wait3A_87, %dma_wait3A_88] : memref<3x80xi32, #tpu.memory_space<vmem>> -> memref<1x80xi32, #tpu.memory_space<vmem>>
    %dma_wait3A_90 = tpu.memref_squeeze %dma_wait3A_89 : memref<1x80xi32, #tpu.memory_space<vmem>> -> memref<80xi32, #tpu.memory_space<vmem>>
    %dma_wait3A_91 = tpu.memref_slice %arg3[%add3A_86] : memref<320000xi32, #tpu.memory_space<hbm>> -> memref<80xi32, #tpu.memory_space<hbm>>
    %dma_wait3A_92 = arith.constant 0 : i32
    %dma_wait3A_93 = tpu.memref_slice %arg10[%dma_wait3A_87, %dma_wait3A_92] : memref<3x80xi32, #tpu.memory_space<vmem>> -> memref<1x80xi32, #tpu.memory_space<vmem>>
    %dma_wait3A_94 = tpu.memref_squeeze %dma_wait3A_93 : memref<1x80xi32, #tpu.memory_space<vmem>> -> memref<80xi32, #tpu.memory_space<vmem>>
    %dma_wait3A_95 = tpu.memref_slice %arg3[%add3A_86] : memref<320000xi32, #tpu.memory_space<hbm>> -> memref<80xi32, #tpu.memory_space<hbm>>
    tpu.wait_dma2 semaphore(%arg21 : memref<!tpu.dma_semaphore, #tpu.memory_space<semaphore_mem>>) src(%dma_wait3A_95 : memref<80xi32, #tpu.memory_space<hbm>>) dst(%dma_wait3A_94 : memref<80xi32, #tpu.memory_space<vmem>>)
    %dma_start3A_96 = arith.constant 0 : i32
    %dma_start3A_97 = arith.constant 0 : i32
    %dma_start3A_98 = arith.constant 0 : i32
    %dma_start3A_99 = arith.constant 0 : i32
    %dma_start3A_100 = tpu.memref_slice %arg11[%dma_start3A_96, %dma_start3A_98, %dma_start3A_99] : memref<3x80x128xf32, #tpu.memory_space<vmem>> -> memref<1x80x128xf32, #tpu.memory_space<vmem>>
    %dma_start3A_101 = tpu.memref_squeeze %dma_start3A_100 : memref<1x80x128xf32, #tpu.memory_space<vmem>> -> memref<80x128xf32, #tpu.memory_space<vmem>>
    %dma_start3A_102 = arith.constant 0 : i32
    %dma_start3A_103 = tpu.memref_slice %arg10[%dma_start3A_97, %dma_start3A_102] : memref<3x80xi32, #tpu.memory_space<vmem>> -> memref<1x80xi32, #tpu.memory_space<vmem>>
    %dma_start3A_104 = tpu.memref_squeeze %dma_start3A_103 : memref<1x80xi32, #tpu.memory_space<vmem>> -> memref<80xi32, #tpu.memory_space<vmem>>
    %dma_start3A_105 = arith.constant 0 : i32
    %dma_start3A_106 = arith.constant 0 : i32
    %dma_start3A_107 = tpu.memref_slice %arg13[%dma_start3A_105, %dma_start3A_106] : memref<10112x128xf32, #tpu.memory_space<vmem_shared>> -> memref<10112x128xf32, #tpu.memory_space<vmem_shared>>
    tpu.enqueue_indirect_dma source(%dma_start3A_101 : memref<80x128xf32, #tpu.memory_space<vmem>>) target(%dma_start3A_107 : memref<10112x128xf32, #tpu.memory_space<vmem_shared>>) offsets(%dma_start3A_104 : memref<80xi32, #tpu.memory_space<vmem>>) semaphore(%arg18 : memref<!tpu.dma_semaphore, #tpu.memory_space<semaphore_mem>>) {add = true}
    %dma_start3A_108 = arith.constant 0 : i32
    %dma_start3A_109 = arith.constant 0 : i32
    %dma_start3A_110 = tpu.memref_slice %arg10[%dma_start3A_108, %dma_start3A_109] : memref<3x80xi32, #tpu.memory_space<vmem>> -> memref<1x80xi32, #tpu.memory_space<vmem>>
    %dma_start3A_111 = tpu.memref_squeeze %dma_start3A_110 : memref<1x80xi32, #tpu.memory_space<vmem>> -> memref<80xi32, #tpu.memory_space<vmem>>
    %dma_start3A_112 = arith.constant 0 : i32
    %dma_start3A_113 = tpu.memref_slice %arg14[%dma_start3A_112] : memref<10240xf32, #tpu.memory_space<vmem_shared>> -> memref<10240xf32, #tpu.memory_space<vmem_shared>>
    tpu.enqueue_indirect_dma source(%arg12 : memref<80xf32, #tpu.memory_space<vmem>>) target(%dma_start3A_113 : memref<10240xf32, #tpu.memory_space<vmem_shared>>) offsets(%dma_start3A_111 : memref<80xi32, #tpu.memory_space<vmem>>) semaphore(%arg24 : memref<!tpu.dma_semaphore, #tpu.memory_space<semaphore_mem>>) {add = true}
    %add3A_114 = arith.constant 160 : i32
    %add3A_115 = arith.addi %mul3A_4, %add3A_114 : i32
    %dma_start3A_116 = arith.constant 2 : i32
    %dma_start3A_117 = arith.constant 0 : i32
    %dma_start3A_118 = tpu.memref_slice %arg10[%dma_start3A_116, %dma_start3A_117] : memref<3x80xi32, #tpu.memory_space<vmem>> -> memref<1x80xi32, #tpu.memory_space<vmem>>
    %dma_start3A_119 = tpu.memref_squeeze %dma_start3A_118 : memref<1x80xi32, #tpu.memory_space<vmem>> -> memref<80xi32, #tpu.memory_space<vmem>>
    %dma_start3A_120 = tpu.memref_slice %arg3[%add3A_115] : memref<320000xi32, #tpu.memory_space<hbm>> -> memref<80xi32, #tpu.memory_space<hbm>>
    %dma_start3A_121 = arith.constant 0 : i32
    %dma_start3A_122 = tpu.memref_slice %arg10[%dma_start3A_116, %dma_start3A_121] : memref<3x80xi32, #tpu.memory_space<vmem>> -> memref<1x80xi32, #tpu.memory_space<vmem>>
    %dma_start3A_123 = tpu.memref_squeeze %dma_start3A_122 : memref<1x80xi32, #tpu.memory_space<vmem>> -> memref<80xi32, #tpu.memory_space<vmem>>
    %dma_start3A_124 = tpu.memref_slice %arg3[%add3A_115] : memref<320000xi32, #tpu.memory_space<hbm>> -> memref<80xi32, #tpu.memory_space<hbm>>
    tpu.enqueue_dma source(%dma_start3A_124 : memref<80xi32, #tpu.memory_space<hbm>>) target(%dma_start3A_123 : memref<80xi32, #tpu.memory_space<vmem>>) target_semaphore(%arg23 : memref<!tpu.dma_semaphore, #tpu.memory_space<semaphore_mem>>)
    %dma_start3A_125 = arith.constant 2 : i32
    %dma_start3A_126 = arith.constant 0 : i32
    %dma_start3A_127 = arith.constant 0 : i32
    %dma_start3A_128 = tpu.memref_slice %arg11[%dma_start3A_125, %dma_start3A_126, %dma_start3A_127] : memref<3x80x128xf32, #tpu.memory_space<vmem>> -> memref<1x80x128xf32, #tpu.memory_space<vmem>>
    %dma_start3A_129 = tpu.memref_squeeze %dma_start3A_128 : memref<1x80x128xf32, #tpu.memory_space<vmem>> -> memref<80x128xf32, #tpu.memory_space<vmem>>
    %dma_start3A_130 = arith.constant 160 : i32
    %dma_start3A_131 = tpu.memref_slice %arg9[%dma_start3A_130] : memref<10000xi32, #tpu.memory_space<vmem>> -> memref<80xi32, #tpu.memory_space<vmem>>
    %dma_start3A_132 = arith.constant 0 : i32
    %dma_start3A_133 = arith.constant 0 : i32
    %dma_start3A_134 = tpu.memref_slice %arg4[%dma_start3A_132, %dma_start3A_133] : memref<10000x128xf32, #tpu.memory_space<hbm>> -> memref<10000x128xf32, #tpu.memory_space<hbm>>
    tpu.enqueue_indirect_dma source(%dma_start3A_134 : memref<10000x128xf32, #tpu.memory_space<hbm>>) target(%dma_start3A_129 : memref<80x128xf32, #tpu.memory_space<vmem>>) offsets(%dma_start3A_131 : memref<80xi32, #tpu.memory_space<vmem>>) semaphore(%arg17 : memref<!tpu.dma_semaphore, #tpu.memory_space<semaphore_mem>>)
    %scan3A = arith.constant 0 : i32
    %scan3A_135 = arith.constant 41 : i32
    %scan3A_136 = arith.addi %scan3A, %scan3A_135 : i32
    %scan3A_137 = arith.constant 1 : i32
    scf.for %scan3A_240 = %scan3A to %scan3A_136 step %scan3A_137  : i32 {
      %mul3A_241 = arith.constant 3 : i32
      %mul3A_242 = arith.muli %mul3A_241, %scan3A_240 : i32
      %add3A_243 = arith.constant 1 : i32
      %add3A_244 = arith.addi %mul3A_242, %add3A_243 : i32
      %mul3A_245 = arith.constant 80 : i32
      %mul3A_246 = arith.muli %add3A_244, %mul3A_245 : i32
      %dma_wait3A_247 = arith.constant 1 : i32
      %dma_wait3A_248 = arith.constant 0 : i32
      %dma_wait3A_249 = arith.constant 0 : i32
      %dma_wait3A_250 = tpu.memref_slice %arg11[%dma_wait3A_247, %dma_wait3A_248, %dma_wait3A_249] : memref<3x80x128xf32, #tpu.memory_space<vmem>> -> memref<1x80x128xf32, #tpu.memory_space<vmem>>
      %dma_wait3A_251 = tpu.memref_squeeze %dma_wait3A_250 : memref<1x80x128xf32, #tpu.memory_space<vmem>> -> memref<80x128xf32, #tpu.memory_space<vmem>>
      %dma_wait3A_252 = tpu.memref_slice %arg9[%mul3A_246] : memref<10000xi32, #tpu.memory_space<vmem>> -> memref<80xi32, #tpu.memory_space<vmem>>
      %dma_wait3A_253 = arith.constant 0 : i32
      %dma_wait3A_254 = arith.constant 0 : i32
      %dma_wait3A_255 = tpu.memref_slice %arg4[%dma_wait3A_253, %dma_wait3A_254] : memref<10000x128xf32, #tpu.memory_space<hbm>> -> memref<10000x128xf32, #tpu.memory_space<hbm>>
      tpu.wait_indirect_dma semaphore(%arg16 : memref<!tpu.dma_semaphore, #tpu.memory_space<semaphore_mem>>) src(%dma_wait3A_255 : memref<10000x128xf32, #tpu.memory_space<hbm>>) dst(%dma_wait3A_251 : memref<80x128xf32, #tpu.memory_space<vmem>>)
      %mul3A_256 = arith.constant 80 : i32
      %mul3A_257 = arith.muli %add3A_244, %mul3A_256 : i32
      %add3A_258 = arith.addi %mul3A_4, %mul3A_257 : i32
      %dma_wait3A_259 = arith.constant 1 : i32
      %dma_wait3A_260 = arith.constant 0 : i32
      %dma_wait3A_261 = tpu.memref_slice %arg10[%dma_wait3A_259, %dma_wait3A_260] : memref<3x80xi32, #tpu.memory_space<vmem>> -> memref<1x80xi32, #tpu.memory_space<vmem>>
      %dma_wait3A_262 = tpu.memref_squeeze %dma_wait3A_261 : memref<1x80xi32, #tpu.memory_space<vmem>> -> memref<80xi32, #tpu.memory_space<vmem>>
      %dma_wait3A_263 = tpu.memref_slice %arg3[%add3A_258] : memref<320000xi32, #tpu.memory_space<hbm>> -> memref<80xi32, #tpu.memory_space<hbm>>
      %dma_wait3A_264 = arith.constant 0 : i32
      %dma_wait3A_265 = tpu.memref_slice %arg10[%dma_wait3A_259, %dma_wait3A_264] : memref<3x80xi32, #tpu.memory_space<vmem>> -> memref<1x80xi32, #tpu.memory_space<vmem>>
      %dma_wait3A_266 = tpu.memref_squeeze %dma_wait3A_265 : memref<1x80xi32, #tpu.memory_space<vmem>> -> memref<80xi32, #tpu.memory_space<vmem>>
      %dma_wait3A_267 = tpu.memref_slice %arg3[%add3A_258] : memref<320000xi32, #tpu.memory_space<hbm>> -> memref<80xi32, #tpu.memory_space<hbm>>
      tpu.wait_dma2 semaphore(%arg22 : memref<!tpu.dma_semaphore, #tpu.memory_space<semaphore_mem>>) src(%dma_wait3A_267 : memref<80xi32, #tpu.memory_space<hbm>>) dst(%dma_wait3A_266 : memref<80xi32, #tpu.memory_space<vmem>>)
      %dma_start3A_268 = arith.constant 1 : i32
      %dma_start3A_269 = arith.constant 1 : i32
      %dma_start3A_270 = arith.constant 0 : i32
      %dma_start3A_271 = arith.constant 0 : i32
      %dma_start3A_272 = tpu.memref_slice %arg11[%dma_start3A_268, %dma_start3A_270, %dma_start3A_271] : memref<3x80x128xf32, #tpu.memory_space<vmem>> -> memref<1x80x128xf32, #tpu.memory_space<vmem>>
      %dma_start3A_273 = tpu.memref_squeeze %dma_start3A_272 : memref<1x80x128xf32, #tpu.memory_space<vmem>> -> memref<80x128xf32, #tpu.memory_space<vmem>>
      %dma_start3A_274 = arith.constant 0 : i32
      %dma_start3A_275 = tpu.memref_slice %arg10[%dma_start3A_269, %dma_start3A_274] : memref<3x80xi32, #tpu.memory_space<vmem>> -> memref<1x80xi32, #tpu.memory_space<vmem>>
      %dma_start3A_276 = tpu.memref_squeeze %dma_start3A_275 : memref<1x80xi32, #tpu.memory_space<vmem>> -> memref<80xi32, #tpu.memory_space<vmem>>
      %dma_start3A_277 = arith.constant 0 : i32
      %dma_start3A_278 = arith.constant 0 : i32
      %dma_start3A_279 = tpu.memref_slice %arg13[%dma_start3A_277, %dma_start3A_278] : memref<10112x128xf32, #tpu.memory_space<vmem_shared>> -> memref<10112x128xf32, #tpu.memory_space<vmem_shared>>
      tpu.enqueue_indirect_dma source(%dma_start3A_273 : memref<80x128xf32, #tpu.memory_space<vmem>>) target(%dma_start3A_279 : memref<10112x128xf32, #tpu.memory_space<vmem_shared>>) offsets(%dma_start3A_276 : memref<80xi32, #tpu.memory_space<vmem>>) semaphore(%arg19 : memref<!tpu.dma_semaphore, #tpu.memory_space<semaphore_mem>>) {add = true}
      %dma_start3A_280 = arith.constant 1 : i32
      %dma_start3A_281 = arith.constant 0 : i32
      %dma_start3A_282 = tpu.memref_slice %arg10[%dma_start3A_280, %dma_start3A_281] : memref<3x80xi32, #tpu.memory_space<vmem>> -> memref<1x80xi32, #tpu.memory_space<vmem>>
      %dma_start3A_283 = tpu.memref_squeeze %dma_start3A_282 : memref<1x80xi32, #tpu.memory_space<vmem>> -> memref<80xi32, #tpu.memory_space<vmem>>
      %dma_start3A_284 = arith.constant 0 : i32
      %dma_start3A_285 = tpu.memref_slice %arg14[%dma_start3A_284] : memref<10240xf32, #tpu.memory_space<vmem_shared>> -> memref<10240xf32, #tpu.memory_space<vmem_shared>>
      tpu.enqueue_indirect_dma source(%arg12 : memref<80xf32, #tpu.memory_space<vmem>>) target(%dma_start3A_285 : memref<10240xf32, #tpu.memory_space<vmem_shared>>) offsets(%dma_start3A_283 : memref<80xi32, #tpu.memory_space<vmem>>) semaphore(%arg25 : memref<!tpu.dma_semaphore, #tpu.memory_space<semaphore_mem>>) {add = true}
      %add3A_286 = arith.constant 2 : i32
      %add3A_287 = arith.addi %add3A_244, %add3A_286 : i32
      %lt3A = arith.constant 125 : i32
      %lt3A_288 = arith.cmpi slt, %add3A_287, %lt3A : i32
      %convert_element_type3A = arith.extui %lt3A_288 : i1 to i32
      %cond3A = arith.constant 0 : i32
      %cond3A_289 = arith.cmpi ne, %convert_element_type3A, %cond3A : i32
      scf.if %cond3A_289 {
        %dma_wait3A_390 = arith.constant 0 : i32
        %dma_wait3A_391 = arith.constant 0 : i32
        %dma_wait3A_392 = arith.constant 0 : i32
        %dma_wait3A_393 = arith.constant 0 : i32
        %dma_wait3A_394 = tpu.memref_slice %arg11[%dma_wait3A_390, %dma_wait3A_392, %dma_wait3A_393] : memref<3x80x128xf32, #tpu.memory_space<vmem>> -> memref<1x80x128xf32, #tpu.memory_space<vmem>>
        %dma_wait3A_395 = tpu.memref_squeeze %dma_wait3A_394 : memref<1x80x128xf32, #tpu.memory_space<vmem>> -> memref<80x128xf32, #tpu.memory_space<vmem>>
        %dma_wait3A_396 = arith.constant 0 : i32
        %dma_wait3A_397 = tpu.memref_slice %arg10[%dma_wait3A_391, %dma_wait3A_396] : memref<3x80xi32, #tpu.memory_space<vmem>> -> memref<1x80xi32, #tpu.memory_space<vmem>>
        %dma_wait3A_398 = tpu.memref_squeeze %dma_wait3A_397 : memref<1x80xi32, #tpu.memory_space<vmem>> -> memref<80xi32, #tpu.memory_space<vmem>>
        %dma_wait3A_399 = arith.constant 0 : i32
        %dma_wait3A_400 = arith.constant 0 : i32
        %dma_wait3A_401 = tpu.memref_slice %arg13[%dma_wait3A_399, %dma_wait3A_400] : memref<10112x128xf32, #tpu.memory_space<vmem_shared>> -> memref<10112x128xf32, #tpu.memory_space<vmem_shared>>
        tpu.wait_indirect_dma semaphore(%arg18 : memref<!tpu.dma_semaphore, #tpu.memory_space<semaphore_mem>>) src(%dma_wait3A_395 : memref<80x128xf32, #tpu.memory_space<vmem>>) dst(%dma_wait3A_401 : memref<10112x128xf32, #tpu.memory_space<vmem_shared>>)
        %dma_wait3A_402 = arith.constant 0 : i32
        %dma_wait3A_403 = arith.constant 0 : i32
        %dma_wait3A_404 = tpu.memref_slice %arg10[%dma_wait3A_402, %dma_wait3A_403] : memref<3x80xi32, #tpu.memory_space<vmem>> -> memref<1x80xi32, #tpu.memory_space<vmem>>
        %dma_wait3A_405 = tpu.memref_squeeze %dma_wait3A_404 : memref<1x80xi32, #tpu.memory_space<vmem>> -> memref<80xi32, #tpu.memory_space<vmem>>
        %dma_wait3A_406 = arith.constant 0 : i32
        %dma_wait3A_407 = tpu.memref_slice %arg14[%dma_wait3A_406] : memref<10240xf32, #tpu.memory_space<vmem_shared>> -> memref<10240xf32, #tpu.memory_space<vmem_shared>>
        tpu.wait_indirect_dma semaphore(%arg24 : memref<!tpu.dma_semaphore, #tpu.memory_space<semaphore_mem>>) src(%arg12 : memref<80xf32, #tpu.memory_space<vmem>>) dst(%dma_wait3A_407 : memref<10240xf32, #tpu.memory_space<vmem_shared>>)
        %add3A_408 = arith.constant 2 : i32
        %add3A_409 = arith.addi %add3A_244, %add3A_408 : i32
        %mul3A_410 = arith.constant 80 : i32
        %mul3A_411 = arith.muli %add3A_409, %mul3A_410 : i32
        %add3A_412 = arith.addi %mul3A_4, %mul3A_411 : i32
        %dma_start3A_413 = arith.constant 0 : i32
        %dma_start3A_414 = arith.constant 0 : i32
        %dma_start3A_415 = tpu.memref_slice %arg10[%dma_start3A_413, %dma_start3A_414] : memref<3x80xi32, #tpu.memory_space<vmem>> -> memref<1x80xi32, #tpu.memory_space<vmem>>
        %dma_start3A_416 = tpu.memref_squeeze %dma_start3A_415 : memref<1x80xi32, #tpu.memory_space<vmem>> -> memref<80xi32, #tpu.memory_space<vmem>>
        %dma_start3A_417 = tpu.memref_slice %arg3[%add3A_412] : memref<320000xi32, #tpu.memory_space<hbm>> -> memref<80xi32, #tpu.memory_space<hbm>>
        %dma_start3A_418 = arith.constant 0 : i32
        %dma_start3A_419 = tpu.memref_slice %arg10[%dma_start3A_413, %dma_start3A_418] : memref<3x80xi32, #tpu.memory_space<vmem>> -> memref<1x80xi32, #tpu.memory_space<vmem>>
        %dma_start3A_420 = tpu.memref_squeeze %dma_start3A_419 : memref<1x80xi32, #tpu.memory_space<vmem>> -> memref<80xi32, #tpu.memory_space<vmem>>
        %dma_start3A_421 = tpu.memref_slice %arg3[%add3A_412] : memref<320000xi32, #tpu.memory_space<hbm>> -> memref<80xi32, #tpu.memory_space<hbm>>
        tpu.enqueue_dma source(%dma_start3A_421 : memref<80xi32, #tpu.memory_space<hbm>>) target(%dma_start3A_420 : memref<80xi32, #tpu.memory_space<vmem>>) target_semaphore(%arg21 : memref<!tpu.dma_semaphore, #tpu.memory_space<semaphore_mem>>)
        %add3A_422 = arith.constant 2 : i32
        %add3A_423 = arith.addi %add3A_244, %add3A_422 : i32
        %mul3A_424 = arith.constant 80 : i32
        %mul3A_425 = arith.muli %add3A_423, %mul3A_424 : i32
        %dma_start3A_426 = arith.constant 0 : i32
        %dma_start3A_427 = arith.constant 0 : i32
        %dma_start3A_428 = arith.constant 0 : i32
        %dma_start3A_429 = tpu.memref_slice %arg11[%dma_start3A_426, %dma_start3A_427, %dma_start3A_428] : memref<3x80x128xf32, #tpu.memory_space<vmem>> -> memref<1x80x128xf32, #tpu.memory_space<vmem>>
        %dma_start3A_430 = tpu.memref_squeeze %dma_start3A_429 : memref<1x80x128xf32, #tpu.memory_space<vmem>> -> memref<80x128xf32, #tpu.memory_space<vmem>>
        %dma_start3A_431 = tpu.memref_slice %arg9[%mul3A_425] : memref<10000xi32, #tpu.memory_space<vmem>> -> memref<80xi32, #tpu.memory_space<vmem>>
        %dma_start3A_432 = arith.constant 0 : i32
        %dma_start3A_433 = arith.constant 0 : i32
        %dma_start3A_434 = tpu.memref_slice %arg4[%dma_start3A_432, %dma_start3A_433] : memref<10000x128xf32, #tpu.memory_space<hbm>> -> memref<10000x128xf32, #tpu.memory_space<hbm>>
        tpu.enqueue_indirect_dma source(%dma_start3A_434 : memref<10000x128xf32, #tpu.memory_space<hbm>>) target(%dma_start3A_430 : memref<80x128xf32, #tpu.memory_space<vmem>>) offsets(%dma_start3A_431 : memref<80xi32, #tpu.memory_space<vmem>>) semaphore(%arg15 : memref<!tpu.dma_semaphore, #tpu.memory_space<semaphore_mem>>)
      } else {
      }
      %add3A_290 = arith.constant 1 : i32
      %add3A_291 = arith.addi %add3A_244, %add3A_290 : i32
      %mul3A_292 = arith.constant 80 : i32
      %mul3A_293 = arith.muli %add3A_291, %mul3A_292 : i32
      %dma_wait3A_294 = arith.constant 2 : i32
      %dma_wait3A_295 = arith.constant 0 : i32
      %dma_wait3A_296 = arith.constant 0 : i32
      %dma_wait3A_297 = tpu.memref_slice %arg11[%dma_wait3A_294, %dma_wait3A_295, %dma_wait3A_296] : memref<3x80x128xf32, #tpu.memory_space<vmem>> -> memref<1x80x128xf32, #tpu.memory_space<vmem>>
      %dma_wait3A_298 = tpu.memref_squeeze %dma_wait3A_297 : memref<1x80x128xf32, #tpu.memory_space<vmem>> -> memref<80x128xf32, #tpu.memory_space<vmem>>
      %dma_wait3A_299 = tpu.memref_slice %arg9[%mul3A_293] : memref<10000xi32, #tpu.memory_space<vmem>> -> memref<80xi32, #tpu.memory_space<vmem>>
      %dma_wait3A_300 = arith.constant 0 : i32
      %dma_wait3A_301 = arith.constant 0 : i32
      %dma_wait3A_302 = tpu.memref_slice %arg4[%dma_wait3A_300, %dma_wait3A_301] : memref<10000x128xf32, #tpu.memory_space<hbm>> -> memref<10000x128xf32, #tpu.memory_space<hbm>>
      tpu.wait_indirect_dma semaphore(%arg17 : memref<!tpu.dma_semaphore, #tpu.memory_space<semaphore_mem>>) src(%dma_wait3A_302 : memref<10000x128xf32, #tpu.memory_space<hbm>>) dst(%dma_wait3A_298 : memref<80x128xf32, #tpu.memory_space<vmem>>)
      %mul3A_303 = arith.constant 80 : i32
      %mul3A_304 = arith.muli %add3A_291, %mul3A_303 : i32
      %add3A_305 = arith.addi %mul3A_4, %mul3A_304 : i32
      %dma_wait3A_306 = arith.constant 2 : i32
      %dma_wait3A_307 = arith.constant 0 : i32
      %dma_wait3A_308 = tpu.memref_slice %arg10[%dma_wait3A_306, %dma_wait3A_307] : memref<3x80xi32, #tpu.memory_space<vmem>> -> memref<1x80xi32, #tpu.memory_space<vmem>>
      %dma_wait3A_309 = tpu.memref_squeeze %dma_wait3A_308 : memref<1x80xi32, #tpu.memory_space<vmem>> -> memref<80xi32, #tpu.memory_space<vmem>>
      %dma_wait3A_310 = tpu.memref_slice %arg3[%add3A_305] : memref<320000xi32, #tpu.memory_space<hbm>> -> memref<80xi32, #tpu.memory_space<hbm>>
      %dma_wait3A_311 = arith.constant 0 : i32
      %dma_wait3A_312 = tpu.memref_slice %arg10[%dma_wait3A_306, %dma_wait3A_311] : memref<3x80xi32, #tpu.memory_space<vmem>> -> memref<1x80xi32, #tpu.memory_space<vmem>>
      %dma_wait3A_313 = tpu.memref_squeeze %dma_wait3A_312 : memref<1x80xi32, #tpu.memory_space<vmem>> -> memref<80xi32, #tpu.memory_space<vmem>>
      %dma_wait3A_314 = tpu.memref_slice %arg3[%add3A_305] : memref<320000xi32, #tpu.memory_space<hbm>> -> memref<80xi32, #tpu.memory_space<hbm>>
      tpu.wait_dma2 semaphore(%arg23 : memref<!tpu.dma_semaphore, #tpu.memory_space<semaphore_mem>>) src(%dma_wait3A_314 : memref<80xi32, #tpu.memory_space<hbm>>) dst(%dma_wait3A_313 : memref<80xi32, #tpu.memory_space<vmem>>)
      %dma_start3A_315 = arith.constant 2 : i32
      %dma_start3A_316 = arith.constant 2 : i32
      %dma_start3A_317 = arith.constant 0 : i32
      %dma_start3A_318 = arith.constant 0 : i32
      %dma_start3A_319 = tpu.memref_slice %arg11[%dma_start3A_315, %dma_start3A_317, %dma_start3A_318] : memref<3x80x128xf32, #tpu.memory_space<vmem>> -> memref<1x80x128xf32, #tpu.memory_space<vmem>>
      %dma_start3A_320 = tpu.memref_squeeze %dma_start3A_319 : memref<1x80x128xf32, #tpu.memory_space<vmem>> -> memref<80x128xf32, #tpu.memory_space<vmem>>
      %dma_start3A_321 = arith.constant 0 : i32
      %dma_start3A_322 = tpu.memref_slice %arg10[%dma_start3A_316, %dma_start3A_321] : memref<3x80xi32, #tpu.memory_space<vmem>> -> memref<1x80xi32, #tpu.memory_space<vmem>>
      %dma_start3A_323 = tpu.memref_squeeze %dma_start3A_322 : memref<1x80xi32, #tpu.memory_space<vmem>> -> memref<80xi32, #tpu.memory_space<vmem>>
      %dma_start3A_324 = arith.constant 0 : i32
      %dma_start3A_325 = arith.constant 0 : i32
      %dma_start3A_326 = tpu.memref_slice %arg13[%dma_start3A_324, %dma_start3A_325] : memref<10112x128xf32, #tpu.memory_space<vmem_shared>> -> memref<10112x128xf32, #tpu.memory_space<vmem_shared>>
      tpu.enqueue_indirect_dma source(%dma_start3A_320 : memref<80x128xf32, #tpu.memory_space<vmem>>) target(%dma_start3A_326 : memref<10112x128xf32, #tpu.memory_space<vmem_shared>>) offsets(%dma_start3A_323 : memref<80xi32, #tpu.memory_space<vmem>>) semaphore(%arg20 : memref<!tpu.dma_semaphore, #tpu.memory_space<semaphore_mem>>) {add = true}
      %dma_start3A_327 = arith.constant 2 : i32
      %dma_start3A_328 = arith.constant 0 : i32
      %dma_start3A_329 = tpu.memref_slice %arg10[%dma_start3A_327, %dma_start3A_328] : memref<3x80xi32, #tpu.memory_space<vmem>> -> memref<1x80xi32, #tpu.memory_space<vmem>>
      %dma_start3A_330 = tpu.memref_squeeze %dma_start3A_329 : memref<1x80xi32, #tpu.memory_space<vmem>> -> memref<80xi32, #tpu.memory_space<vmem>>
      %dma_start3A_331 = arith.constant 0 : i32
      %dma_start3A_332 = tpu.memref_slice %arg14[%dma_start3A_331] : memref<10240xf32, #tpu.memory_space<vmem_shared>> -> memref<10240xf32, #tpu.memory_space<vmem_shared>>
      tpu.enqueue_indirect_dma source(%arg12 : memref<80xf32, #tpu.memory_space<vmem>>) target(%dma_start3A_332 : memref<10240xf32, #tpu.memory_space<vmem_shared>>) offsets(%dma_start3A_330 : memref<80xi32, #tpu.memory_space<vmem>>) semaphore(%arg26 : memref<!tpu.dma_semaphore, #tpu.memory_space<semaphore_mem>>) {add = true}
      %add3A_333 = arith.constant 2 : i32
      %add3A_334 = arith.addi %add3A_291, %add3A_333 : i32
      %lt3A_335 = arith.constant 125 : i32
      %lt3A_336 = arith.cmpi slt, %add3A_334, %lt3A_335 : i32
      %convert_element_type3A_337 = arith.extui %lt3A_336 : i1 to i32
      %cond3A_338 = arith.constant 0 : i32
      %cond3A_339 = arith.cmpi ne, %convert_element_type3A_337, %cond3A_338 : i32
      scf.if %cond3A_339 {
        %dma_wait3A_390 = arith.constant 1 : i32
        %dma_wait3A_391 = arith.constant 1 : i32
        %dma_wait3A_392 = arith.constant 0 : i32
        %dma_wait3A_393 = arith.constant 0 : i32
        %dma_wait3A_394 = tpu.memref_slice %arg11[%dma_wait3A_390, %dma_wait3A_392, %dma_wait3A_393] : memref<3x80x128xf32, #tpu.memory_space<vmem>> -> memref<1x80x128xf32, #tpu.memory_space<vmem>>
        %dma_wait3A_395 = tpu.memref_squeeze %dma_wait3A_394 : memref<1x80x128xf32, #tpu.memory_space<vmem>> -> memref<80x128xf32, #tpu.memory_space<vmem>>
        %dma_wait3A_396 = arith.constant 0 : i32
        %dma_wait3A_397 = tpu.memref_slice %arg10[%dma_wait3A_391, %dma_wait3A_396] : memref<3x80xi32, #tpu.memory_space<vmem>> -> memref<1x80xi32, #tpu.memory_space<vmem>>
        %dma_wait3A_398 = tpu.memref_squeeze %dma_wait3A_397 : memref<1x80xi32, #tpu.memory_space<vmem>> -> memref<80xi32, #tpu.memory_space<vmem>>
        %dma_wait3A_399 = arith.constant 0 : i32
        %dma_wait3A_400 = arith.constant 0 : i32
        %dma_wait3A_401 = tpu.memref_slice %arg13[%dma_wait3A_399, %dma_wait3A_400] : memref<10112x128xf32, #tpu.memory_space<vmem_shared>> -> memref<10112x128xf32, #tpu.memory_space<vmem_shared>>
        tpu.wait_indirect_dma semaphore(%arg19 : memref<!tpu.dma_semaphore, #tpu.memory_space<semaphore_mem>>) src(%dma_wait3A_395 : memref<80x128xf32, #tpu.memory_space<vmem>>) dst(%dma_wait3A_401 : memref<10112x128xf32, #tpu.memory_space<vmem_shared>>)
        %dma_wait3A_402 = arith.constant 1 : i32
        %dma_wait3A_403 = arith.constant 0 : i32
        %dma_wait3A_404 = tpu.memref_slice %arg10[%dma_wait3A_402, %dma_wait3A_403] : memref<3x80xi32, #tpu.memory_space<vmem>> -> memref<1x80xi32, #tpu.memory_space<vmem>>
        %dma_wait3A_405 = tpu.memref_squeeze %dma_wait3A_404 : memref<1x80xi32, #tpu.memory_space<vmem>> -> memref<80xi32, #tpu.memory_space<vmem>>
        %dma_wait3A_406 = arith.constant 0 : i32
        %dma_wait3A_407 = tpu.memref_slice %arg14[%dma_wait3A_406] : memref<10240xf32, #tpu.memory_space<vmem_shared>> -> memref<10240xf32, #tpu.memory_space<vmem_shared>>
        tpu.wait_indirect_dma semaphore(%arg25 : memref<!tpu.dma_semaphore, #tpu.memory_space<semaphore_mem>>) src(%arg12 : memref<80xf32, #tpu.memory_space<vmem>>) dst(%dma_wait3A_407 : memref<10240xf32, #tpu.memory_space<vmem_shared>>)
        %add3A_408 = arith.constant 2 : i32
        %add3A_409 = arith.addi %add3A_291, %add3A_408 : i32
        %mul3A_410 = arith.constant 80 : i32
        %mul3A_411 = arith.muli %add3A_409, %mul3A_410 : i32
        %add3A_412 = arith.addi %mul3A_4, %mul3A_411 : i32
        %dma_start3A_413 = arith.constant 1 : i32
        %dma_start3A_414 = arith.constant 0 : i32
        %dma_start3A_415 = tpu.memref_slice %arg10[%dma_start3A_413, %dma_start3A_414] : memref<3x80xi32, #tpu.memory_space<vmem>> -> memref<1x80xi32, #tpu.memory_space<vmem>>
        %dma_start3A_416 = tpu.memref_squeeze %dma_start3A_415 : memref<1x80xi32, #tpu.memory_space<vmem>> -> memref<80xi32, #tpu.memory_space<vmem>>
        %dma_start3A_417 = tpu.memref_slice %arg3[%add3A_412] : memref<320000xi32, #tpu.memory_space<hbm>> -> memref<80xi32, #tpu.memory_space<hbm>>
        %dma_start3A_418 = arith.constant 0 : i32
        %dma_start3A_419 = tpu.memref_slice %arg10[%dma_start3A_413, %dma_start3A_418] : memref<3x80xi32, #tpu.memory_space<vmem>> -> memref<1x80xi32, #tpu.memory_space<vmem>>
        %dma_start3A_420 = tpu.memref_squeeze %dma_start3A_419 : memref<1x80xi32, #tpu.memory_space<vmem>> -> memref<80xi32, #tpu.memory_space<vmem>>
        %dma_start3A_421 = tpu.memref_slice %arg3[%add3A_412] : memref<320000xi32, #tpu.memory_space<hbm>> -> memref<80xi32, #tpu.memory_space<hbm>>
        tpu.enqueue_dma source(%dma_start3A_421 : memref<80xi32, #tpu.memory_space<hbm>>) target(%dma_start3A_420 : memref<80xi32, #tpu.memory_space<vmem>>) target_semaphore(%arg22 : memref<!tpu.dma_semaphore, #tpu.memory_space<semaphore_mem>>)
        %add3A_422 = arith.constant 2 : i32
        %add3A_423 = arith.addi %add3A_291, %add3A_422 : i32
        %mul3A_424 = arith.constant 80 : i32
        %mul3A_425 = arith.muli %add3A_423, %mul3A_424 : i32
        %dma_start3A_426 = arith.constant 1 : i32
        %dma_start3A_427 = arith.constant 0 : i32
        %dma_start3A_428 = arith.constant 0 : i32
        %dma_start3A_429 = tpu.memref_slice %arg11[%dma_start3A_426, %dma_start3A_427, %dma_start3A_428] : memref<3x80x128xf32, #tpu.memory_space<vmem>> -> memref<1x80x128xf32, #tpu.memory_space<vmem>>
        %dma_start3A_430 = tpu.memref_squeeze %dma_start3A_429 : memref<1x80x128xf32, #tpu.memory_space<vmem>> -> memref<80x128xf32, #tpu.memory_space<vmem>>
        %dma_start3A_431 = tpu.memref_slice %arg9[%mul3A_425] : memref<10000xi32, #tpu.memory_space<vmem>> -> memref<80xi32, #tpu.memory_space<vmem>>
        %dma_start3A_432 = arith.constant 0 : i32
        %dma_start3A_433 = arith.constant 0 : i32
        %dma_start3A_434 = tpu.memref_slice %arg4[%dma_start3A_432, %dma_start3A_433] : memref<10000x128xf32, #tpu.memory_space<hbm>> -> memref<10000x128xf32, #tpu.memory_space<hbm>>
        tpu.enqueue_indirect_dma source(%dma_start3A_434 : memref<10000x128xf32, #tpu.memory_space<hbm>>) target(%dma_start3A_430 : memref<80x128xf32, #tpu.memory_space<vmem>>) offsets(%dma_start3A_431 : memref<80xi32, #tpu.memory_space<vmem>>) semaphore(%arg16 : memref<!tpu.dma_semaphore, #tpu.memory_space<semaphore_mem>>)
      } else {
      }
      %add3A_340 = arith.constant 2 : i32
      %add3A_341 = arith.addi %add3A_244, %add3A_340 : i32
      %mul3A_342 = arith.constant 80 : i32
      %mul3A_343 = arith.muli %add3A_341, %mul3A_342 : i32
      %dma_wait3A_344 = arith.constant 0 : i32
      %dma_wait3A_345 = arith.constant 0 : i32
      %dma_wait3A_346 = arith.constant 0 : i32
      %dma_wait3A_347 = tpu.memref_slice %arg11[%dma_wait3A_344, %dma_wait3A_345, %dma_wait3A_346] : memref<3x80x128xf32, #tpu.memory_space<vmem>> -> memref<1x80x128xf32, #tpu.memory_space<vmem>>
      %dma_wait3A_348 = tpu.memref_squeeze %dma_wait3A_347 : memref<1x80x128xf32, #tpu.memory_space<vmem>> -> memref<80x128xf32, #tpu.memory_space<vmem>>
      %dma_wait3A_349 = tpu.memref_slice %arg9[%mul3A_343] : memref<10000xi32, #tpu.memory_space<vmem>> -> memref<80xi32, #tpu.memory_space<vmem>>
      %dma_wait3A_350 = arith.constant 0 : i32
      %dma_wait3A_351 = arith.constant 0 : i32
      %dma_wait3A_352 = tpu.memref_slice %arg4[%dma_wait3A_350, %dma_wait3A_351] : memref<10000x128xf32, #tpu.memory_space<hbm>> -> memref<10000x128xf32, #tpu.memory_space<hbm>>
      tpu.wait_indirect_dma semaphore(%arg15 : memref<!tpu.dma_semaphore, #tpu.memory_space<semaphore_mem>>) src(%dma_wait3A_352 : memref<10000x128xf32, #tpu.memory_space<hbm>>) dst(%dma_wait3A_348 : memref<80x128xf32, #tpu.memory_space<vmem>>)
      %mul3A_353 = arith.constant 80 : i32
      %mul3A_354 = arith.muli %add3A_341, %mul3A_353 : i32
      %add3A_355 = arith.addi %mul3A_4, %mul3A_354 : i32
      %dma_wait3A_356 = arith.constant 0 : i32
      %dma_wait3A_357 = arith.constant 0 : i32
      %dma_wait3A_358 = tpu.memref_slice %arg10[%dma_wait3A_356, %dma_wait3A_357] : memref<3x80xi32, #tpu.memory_space<vmem>> -> memref<1x80xi32, #tpu.memory_space<vmem>>
      %dma_wait3A_359 = tpu.memref_squeeze %dma_wait3A_358 : memref<1x80xi32, #tpu.memory_space<vmem>> -> memref<80xi32, #tpu.memory_space<vmem>>
      %dma_wait3A_360 = tpu.memref_slice %arg3[%add3A_355] : memref<320000xi32, #tpu.memory_space<hbm>> -> memref<80xi32, #tpu.memory_space<hbm>>
      %dma_wait3A_361 = arith.constant 0 : i32
      %dma_wait3A_362 = tpu.memref_slice %arg10[%dma_wait3A_356, %dma_wait3A_361] : memref<3x80xi32, #tpu.memory_space<vmem>> -> memref<1x80xi32, #tpu.memory_space<vmem>>
      %dma_wait3A_363 = tpu.memref_squeeze %dma_wait3A_362 : memref<1x80xi32, #tpu.memory_space<vmem>> -> memref<80xi32, #tpu.memory_space<vmem>>
      %dma_wait3A_364 = tpu.memref_slice %arg3[%add3A_355] : memref<320000xi32, #tpu.memory_space<hbm>> -> memref<80xi32, #tpu.memory_space<hbm>>
      tpu.wait_dma2 semaphore(%arg21 : memref<!tpu.dma_semaphore, #tpu.memory_space<semaphore_mem>>) src(%dma_wait3A_364 : memref<80xi32, #tpu.memory_space<hbm>>) dst(%dma_wait3A_363 : memref<80xi32, #tpu.memory_space<vmem>>)
      %dma_start3A_365 = arith.constant 0 : i32
      %dma_start3A_366 = arith.constant 0 : i32
      %dma_start3A_367 = arith.constant 0 : i32
      %dma_start3A_368 = arith.constant 0 : i32
      %dma_start3A_369 = tpu.memref_slice %arg11[%dma_start3A_365, %dma_start3A_367, %dma_start3A_368] : memref<3x80x128xf32, #tpu.memory_space<vmem>> -> memref<1x80x128xf32, #tpu.memory_space<vmem>>
      %dma_start3A_370 = tpu.memref_squeeze %dma_start3A_369 : memref<1x80x128xf32, #tpu.memory_space<vmem>> -> memref<80x128xf32, #tpu.memory_space<vmem>>
      %dma_start3A_371 = arith.constant 0 : i32
      %dma_start3A_372 = tpu.memref_slice %arg10[%dma_start3A_366, %dma_start3A_371] : memref<3x80xi32, #tpu.memory_space<vmem>> -> memref<1x80xi32, #tpu.memory_space<vmem>>
      %dma_start3A_373 = tpu.memref_squeeze %dma_start3A_372 : memref<1x80xi32, #tpu.memory_space<vmem>> -> memref<80xi32, #tpu.memory_space<vmem>>
      %dma_start3A_374 = arith.constant 0 : i32
      %dma_start3A_375 = arith.constant 0 : i32
      %dma_start3A_376 = tpu.memref_slice %arg13[%dma_start3A_374, %dma_start3A_375] : memref<10112x128xf32, #tpu.memory_space<vmem_shared>> -> memref<10112x128xf32, #tpu.memory_space<vmem_shared>>
      tpu.enqueue_indirect_dma source(%dma_start3A_370 : memref<80x128xf32, #tpu.memory_space<vmem>>) target(%dma_start3A_376 : memref<10112x128xf32, #tpu.memory_space<vmem_shared>>) offsets(%dma_start3A_373 : memref<80xi32, #tpu.memory_space<vmem>>) semaphore(%arg18 : memref<!tpu.dma_semaphore, #tpu.memory_space<semaphore_mem>>) {add = true}
      %dma_start3A_377 = arith.constant 0 : i32
      %dma_start3A_378 = arith.constant 0 : i32
      %dma_start3A_379 = tpu.memref_slice %arg10[%dma_start3A_377, %dma_start3A_378] : memref<3x80xi32, #tpu.memory_space<vmem>> -> memref<1x80xi32, #tpu.memory_space<vmem>>
      %dma_start3A_380 = tpu.memref_squeeze %dma_start3A_379 : memref<1x80xi32, #tpu.memory_space<vmem>> -> memref<80xi32, #tpu.memory_space<vmem>>
      %dma_start3A_381 = arith.constant 0 : i32
      %dma_start3A_382 = tpu.memref_slice %arg14[%dma_start3A_381] : memref<10240xf32, #tpu.memory_space<vmem_shared>> -> memref<10240xf32, #tpu.memory_space<vmem_shared>>
      tpu.enqueue_indirect_dma source(%arg12 : memref<80xf32, #tpu.memory_space<vmem>>) target(%dma_start3A_382 : memref<10240xf32, #tpu.memory_space<vmem_shared>>) offsets(%dma_start3A_380 : memref<80xi32, #tpu.memory_space<vmem>>) semaphore(%arg24 : memref<!tpu.dma_semaphore, #tpu.memory_space<semaphore_mem>>) {add = true}
      %add3A_383 = arith.constant 2 : i32
      %add3A_384 = arith.addi %add3A_341, %add3A_383 : i32
      %lt3A_385 = arith.constant 125 : i32
      %lt3A_386 = arith.cmpi slt, %add3A_384, %lt3A_385 : i32
      %convert_element_type3A_387 = arith.extui %lt3A_386 : i1 to i32
      %cond3A_388 = arith.constant 0 : i32
      %cond3A_389 = arith.cmpi ne, %convert_element_type3A_387, %cond3A_388 : i32
      scf.if %cond3A_389 {
        %dma_wait3A_390 = arith.constant 2 : i32
        %dma_wait3A_391 = arith.constant 2 : i32
        %dma_wait3A_392 = arith.constant 0 : i32
        %dma_wait3A_393 = arith.constant 0 : i32
        %dma_wait3A_394 = tpu.memref_slice %arg11[%dma_wait3A_390, %dma_wait3A_392, %dma_wait3A_393] : memref<3x80x128xf32, #tpu.memory_space<vmem>> -> memref<1x80x128xf32, #tpu.memory_space<vmem>>
        %dma_wait3A_395 = tpu.memref_squeeze %dma_wait3A_394 : memref<1x80x128xf32, #tpu.memory_space<vmem>> -> memref<80x128xf32, #tpu.memory_space<vmem>>
        %dma_wait3A_396 = arith.constant 0 : i32
        %dma_wait3A_397 = tpu.memref_slice %arg10[%dma_wait3A_391, %dma_wait3A_396] : memref<3x80xi32, #tpu.memory_space<vmem>> -> memref<1x80xi32, #tpu.memory_space<vmem>>
        %dma_wait3A_398 = tpu.memref_squeeze %dma_wait3A_397 : memref<1x80xi32, #tpu.memory_space<vmem>> -> memref<80xi32, #tpu.memory_space<vmem>>
        %dma_wait3A_399 = arith.constant 0 : i32
        %dma_wait3A_400 = arith.constant 0 : i32
        %dma_wait3A_401 = tpu.memref_slice %arg13[%dma_wait3A_399, %dma_wait3A_400] : memref<10112x128xf32, #tpu.memory_space<vmem_shared>> -> memref<10112x128xf32, #tpu.memory_space<vmem_shared>>
        tpu.wait_indirect_dma semaphore(%arg20 : memref<!tpu.dma_semaphore, #tpu.memory_space<semaphore_mem>>) src(%dma_wait3A_395 : memref<80x128xf32, #tpu.memory_space<vmem>>) dst(%dma_wait3A_401 : memref<10112x128xf32, #tpu.memory_space<vmem_shared>>)
        %dma_wait3A_402 = arith.constant 2 : i32
        %dma_wait3A_403 = arith.constant 0 : i32
        %dma_wait3A_404 = tpu.memref_slice %arg10[%dma_wait3A_402, %dma_wait3A_403] : memref<3x80xi32, #tpu.memory_space<vmem>> -> memref<1x80xi32, #tpu.memory_space<vmem>>
        %dma_wait3A_405 = tpu.memref_squeeze %dma_wait3A_404 : memref<1x80xi32, #tpu.memory_space<vmem>> -> memref<80xi32, #tpu.memory_space<vmem>>
        %dma_wait3A_406 = arith.constant 0 : i32
        %dma_wait3A_407 = tpu.memref_slice %arg14[%dma_wait3A_406] : memref<10240xf32, #tpu.memory_space<vmem_shared>> -> memref<10240xf32, #tpu.memory_space<vmem_shared>>
        tpu.wait_indirect_dma semaphore(%arg26 : memref<!tpu.dma_semaphore, #tpu.memory_space<semaphore_mem>>) src(%arg12 : memref<80xf32, #tpu.memory_space<vmem>>) dst(%dma_wait3A_407 : memref<10240xf32, #tpu.memory_space<vmem_shared>>)
        %add3A_408 = arith.constant 2 : i32
        %add3A_409 = arith.addi %add3A_341, %add3A_408 : i32
        %mul3A_410 = arith.constant 80 : i32
        %mul3A_411 = arith.muli %add3A_409, %mul3A_410 : i32
        %add3A_412 = arith.addi %mul3A_4, %mul3A_411 : i32
        %dma_start3A_413 = arith.constant 2 : i32
        %dma_start3A_414 = arith.constant 0 : i32
        %dma_start3A_415 = tpu.memref_slice %arg10[%dma_start3A_413, %dma_start3A_414] : memref<3x80xi32, #tpu.memory_space<vmem>> -> memref<1x80xi32, #tpu.memory_space<vmem>>
        %dma_start3A_416 = tpu.memref_squeeze %dma_start3A_415 : memref<1x80xi32, #tpu.memory_space<vmem>> -> memref<80xi32, #tpu.memory_space<vmem>>
        %dma_start3A_417 = tpu.memref_slice %arg3[%add3A_412] : memref<320000xi32, #tpu.memory_space<hbm>> -> memref<80xi32, #tpu.memory_space<hbm>>
        %dma_start3A_418 = arith.constant 0 : i32
        %dma_start3A_419 = tpu.memref_slice %arg10[%dma_start3A_413, %dma_start3A_418] : memref<3x80xi32, #tpu.memory_space<vmem>> -> memref<1x80xi32, #tpu.memory_space<vmem>>
        %dma_start3A_420 = tpu.memref_squeeze %dma_start3A_419 : memref<1x80xi32, #tpu.memory_space<vmem>> -> memref<80xi32, #tpu.memory_space<vmem>>
        %dma_start3A_421 = tpu.memref_slice %arg3[%add3A_412] : memref<320000xi32, #tpu.memory_space<hbm>> -> memref<80xi32, #tpu.memory_space<hbm>>
        tpu.enqueue_dma source(%dma_start3A_421 : memref<80xi32, #tpu.memory_space<hbm>>) target(%dma_start3A_420 : memref<80xi32, #tpu.memory_space<vmem>>) target_semaphore(%arg23 : memref<!tpu.dma_semaphore, #tpu.memory_space<semaphore_mem>>)
        %add3A_422 = arith.constant 2 : i32
        %add3A_423 = arith.addi %add3A_341, %add3A_422 : i32
        %mul3A_424 = arith.constant 80 : i32
        %mul3A_425 = arith.muli %add3A_423, %mul3A_424 : i32
        %dma_start3A_426 = arith.constant 2 : i32
        %dma_start3A_427 = arith.constant 0 : i32
        %dma_start3A_428 = arith.constant 0 : i32
        %dma_start3A_429 = tpu.memref_slice %arg11[%dma_start3A_426, %dma_start3A_427, %dma_start3A_428] : memref<3x80x128xf32, #tpu.memory_space<vmem>> -> memref<1x80x128xf32, #tpu.memory_space<vmem>>
        %dma_start3A_430 = tpu.memref_squeeze %dma_start3A_429 : memref<1x80x128xf32, #tpu.memory_space<vmem>> -> memref<80x128xf32, #tpu.memory_space<vmem>>
        %dma_start3A_431 = tpu.memref_slice %arg9[%mul3A_425] : memref<10000xi32, #tpu.memory_space<vmem>> -> memref<80xi32, #tpu.memory_space<vmem>>
        %dma_start3A_432 = arith.constant 0 : i32
        %dma_start3A_433 = arith.constant 0 : i32
        %dma_start3A_434 = tpu.memref_slice %arg4[%dma_start3A_432, %dma_start3A_433] : memref<10000x128xf32, #tpu.memory_space<hbm>> -> memref<10000x128xf32, #tpu.memory_space<hbm>>
        tpu.enqueue_indirect_dma source(%dma_start3A_434 : memref<10000x128xf32, #tpu.memory_space<hbm>>) target(%dma_start3A_430 : memref<80x128xf32, #tpu.memory_space<vmem>>) offsets(%dma_start3A_431 : memref<80xi32, #tpu.memory_space<vmem>>) semaphore(%arg17 : memref<!tpu.dma_semaphore, #tpu.memory_space<semaphore_mem>>)
      } else {
      }
    }
    %scan3A_138 = arith.constant 41 : i32
    %dma_wait3A_139 = arith.constant 1 : i32
    %dma_wait3A_140 = arith.constant 0 : i32
    %dma_wait3A_141 = arith.constant 0 : i32
    %dma_wait3A_142 = tpu.memref_slice %arg11[%dma_wait3A_139, %dma_wait3A_140, %dma_wait3A_141] : memref<3x80x128xf32, #tpu.memory_space<vmem>> -> memref<1x80x128xf32, #tpu.memory_space<vmem>>
    %dma_wait3A_143 = tpu.memref_squeeze %dma_wait3A_142 : memref<1x80x128xf32, #tpu.memory_space<vmem>> -> memref<80x128xf32, #tpu.memory_space<vmem>>
    %dma_wait3A_144 = arith.constant 9920 : i32
    %dma_wait3A_145 = tpu.memref_slice %arg9[%dma_wait3A_144] : memref<10000xi32, #tpu.memory_space<vmem>> -> memref<80xi32, #tpu.memory_space<vmem>>
    %dma_wait3A_146 = arith.constant 0 : i32
    %dma_wait3A_147 = arith.constant 0 : i32
    %dma_wait3A_148 = tpu.memref_slice %arg4[%dma_wait3A_146, %dma_wait3A_147] : memref<10000x128xf32, #tpu.memory_space<hbm>> -> memref<10000x128xf32, #tpu.memory_space<hbm>>
    tpu.wait_indirect_dma semaphore(%arg16 : memref<!tpu.dma_semaphore, #tpu.memory_space<semaphore_mem>>) src(%dma_wait3A_148 : memref<10000x128xf32, #tpu.memory_space<hbm>>) dst(%dma_wait3A_143 : memref<80x128xf32, #tpu.memory_space<vmem>>)
    %add3A_149 = arith.constant 9920 : i32
    %add3A_150 = arith.addi %mul3A_4, %add3A_149 : i32
    %dma_wait3A_151 = arith.constant 1 : i32
    %dma_wait3A_152 = arith.constant 0 : i32
    %dma_wait3A_153 = tpu.memref_slice %arg10[%dma_wait3A_151, %dma_wait3A_152] : memref<3x80xi32, #tpu.memory_space<vmem>> -> memref<1x80xi32, #tpu.memory_space<vmem>>
    %dma_wait3A_154 = tpu.memref_squeeze %dma_wait3A_153 : memref<1x80xi32, #tpu.memory_space<vmem>> -> memref<80xi32, #tpu.memory_space<vmem>>
    %dma_wait3A_155 = tpu.memref_slice %arg3[%add3A_150] : memref<320000xi32, #tpu.memory_space<hbm>> -> memref<80xi32, #tpu.memory_space<hbm>>
    %dma_wait3A_156 = arith.constant 0 : i32
    %dma_wait3A_157 = tpu.memref_slice %arg10[%dma_wait3A_151, %dma_wait3A_156] : memref<3x80xi32, #tpu.memory_space<vmem>> -> memref<1x80xi32, #tpu.memory_space<vmem>>
    %dma_wait3A_158 = tpu.memref_squeeze %dma_wait3A_157 : memref<1x80xi32, #tpu.memory_space<vmem>> -> memref<80xi32, #tpu.memory_space<vmem>>
    %dma_wait3A_159 = tpu.memref_slice %arg3[%add3A_150] : memref<320000xi32, #tpu.memory_space<hbm>> -> memref<80xi32, #tpu.memory_space<hbm>>
    tpu.wait_dma2 semaphore(%arg22 : memref<!tpu.dma_semaphore, #tpu.memory_space<semaphore_mem>>) src(%dma_wait3A_159 : memref<80xi32, #tpu.memory_space<hbm>>) dst(%dma_wait3A_158 : memref<80xi32, #tpu.memory_space<vmem>>)
    %dma_start3A_160 = arith.constant 1 : i32
    %dma_start3A_161 = arith.constant 1 : i32
    %dma_start3A_162 = arith.constant 0 : i32
    %dma_start3A_163 = arith.constant 0 : i32
    %dma_start3A_164 = tpu.memref_slice %arg11[%dma_start3A_160, %dma_start3A_162, %dma_start3A_163] : memref<3x80x128xf32, #tpu.memory_space<vmem>> -> memref<1x80x128xf32, #tpu.memory_space<vmem>>
    %dma_start3A_165 = tpu.memref_squeeze %dma_start3A_164 : memref<1x80x128xf32, #tpu.memory_space<vmem>> -> memref<80x128xf32, #tpu.memory_space<vmem>>
    %dma_start3A_166 = arith.constant 0 : i32
    %dma_start3A_167 = tpu.memref_slice %arg10[%dma_start3A_161, %dma_start3A_166] : memref<3x80xi32, #tpu.memory_space<vmem>> -> memref<1x80xi32, #tpu.memory_space<vmem>>
    %dma_start3A_168 = tpu.memref_squeeze %dma_start3A_167 : memref<1x80xi32, #tpu.memory_space<vmem>> -> memref<80xi32, #tpu.memory_space<vmem>>
    %dma_start3A_169 = arith.constant 0 : i32
    %dma_start3A_170 = arith.constant 0 : i32
    %dma_start3A_171 = tpu.memref_slice %arg13[%dma_start3A_169, %dma_start3A_170] : memref<10112x128xf32, #tpu.memory_space<vmem_shared>> -> memref<10112x128xf32, #tpu.memory_space<vmem_shared>>
    tpu.enqueue_indirect_dma source(%dma_start3A_165 : memref<80x128xf32, #tpu.memory_space<vmem>>) target(%dma_start3A_171 : memref<10112x128xf32, #tpu.memory_space<vmem_shared>>) offsets(%dma_start3A_168 : memref<80xi32, #tpu.memory_space<vmem>>) semaphore(%arg19 : memref<!tpu.dma_semaphore, #tpu.memory_space<semaphore_mem>>) {add = true}
    %dma_start3A_172 = arith.constant 1 : i32
    %dma_start3A_173 = arith.constant 0 : i32
    %dma_start3A_174 = tpu.memref_slice %arg10[%dma_start3A_172, %dma_start3A_173] : memref<3x80xi32, #tpu.memory_space<vmem>> -> memref<1x80xi32, #tpu.memory_space<vmem>>
    %dma_start3A_175 = tpu.memref_squeeze %dma_start3A_174 : memref<1x80xi32, #tpu.memory_space<vmem>> -> memref<80xi32, #tpu.memory_space<vmem>>
    %dma_start3A_176 = arith.constant 0 : i32
    %dma_start3A_177 = tpu.memref_slice %arg14[%dma_start3A_176] : memref<10240xf32, #tpu.memory_space<vmem_shared>> -> memref<10240xf32, #tpu.memory_space<vmem_shared>>
    tpu.enqueue_indirect_dma source(%arg12 : memref<80xf32, #tpu.memory_space<vmem>>) target(%dma_start3A_177 : memref<10240xf32, #tpu.memory_space<vmem_shared>>) offsets(%dma_start3A_175 : memref<80xi32, #tpu.memory_space<vmem>>) semaphore(%arg25 : memref<!tpu.dma_semaphore, #tpu.memory_space<semaphore_mem>>) {add = true}
    %dma_wait3A_178 = arith.constant 2 : i32
    %dma_wait3A_179 = arith.constant 2 : i32
    %dma_wait3A_180 = arith.constant 0 : i32
    %dma_wait3A_181 = arith.constant 0 : i32
    %dma_wait3A_182 = tpu.memref_slice %arg11[%dma_wait3A_178, %dma_wait3A_180, %dma_wait3A_181] : memref<3x80x128xf32, #tpu.memory_space<vmem>> -> memref<1x80x128xf32, #tpu.memory_space<vmem>>
    %dma_wait3A_183 = tpu.memref_squeeze %dma_wait3A_182 : memref<1x80x128xf32, #tpu.memory_space<vmem>> -> memref<80x128xf32, #tpu.memory_space<vmem>>
    %dma_wait3A_184 = arith.constant 0 : i32
    %dma_wait3A_185 = tpu.memref_slice %arg10[%dma_wait3A_179, %dma_wait3A_184] : memref<3x80xi32, #tpu.memory_space<vmem>> -> memref<1x80xi32, #tpu.memory_space<vmem>>
    %dma_wait3A_186 = tpu.memref_squeeze %dma_wait3A_185 : memref<1x80xi32, #tpu.memory_space<vmem>> -> memref<80xi32, #tpu.memory_space<vmem>>
    %dma_wait3A_187 = arith.constant 0 : i32
    %dma_wait3A_188 = arith.constant 0 : i32
    %dma_wait3A_189 = tpu.memref_slice %arg13[%dma_wait3A_187, %dma_wait3A_188] : memref<10112x128xf32, #tpu.memory_space<vmem_shared>> -> memref<10112x128xf32, #tpu.memory_space<vmem_shared>>
    tpu.wait_indirect_dma semaphore(%arg20 : memref<!tpu.dma_semaphore, #tpu.memory_space<semaphore_mem>>) src(%dma_wait3A_183 : memref<80x128xf32, #tpu.memory_space<vmem>>) dst(%dma_wait3A_189 : memref<10112x128xf32, #tpu.memory_space<vmem_shared>>)
    %dma_wait3A_190 = arith.constant 2 : i32
    %dma_wait3A_191 = arith.constant 0 : i32
    %dma_wait3A_192 = tpu.memref_slice %arg10[%dma_wait3A_190, %dma_wait3A_191] : memref<3x80xi32, #tpu.memory_space<vmem>> -> memref<1x80xi32, #tpu.memory_space<vmem>>
    %dma_wait3A_193 = tpu.memref_squeeze %dma_wait3A_192 : memref<1x80xi32, #tpu.memory_space<vmem>> -> memref<80xi32, #tpu.memory_space<vmem>>
    %dma_wait3A_194 = arith.constant 0 : i32
    %dma_wait3A_195 = tpu.memref_slice %arg14[%dma_wait3A_194] : memref<10240xf32, #tpu.memory_space<vmem_shared>> -> memref<10240xf32, #tpu.memory_space<vmem_shared>>
    tpu.wait_indirect_dma semaphore(%arg26 : memref<!tpu.dma_semaphore, #tpu.memory_space<semaphore_mem>>) src(%arg12 : memref<80xf32, #tpu.memory_space<vmem>>) dst(%dma_wait3A_195 : memref<10240xf32, #tpu.memory_space<vmem_shared>>)
    %dma_wait3A_196 = arith.constant 0 : i32
    %dma_wait3A_197 = arith.constant 0 : i32
    %dma_wait3A_198 = arith.constant 0 : i32
    %dma_wait3A_199 = arith.constant 0 : i32
    %dma_wait3A_200 = tpu.memref_slice %arg11[%dma_wait3A_196, %dma_wait3A_198, %dma_wait3A_199] : memref<3x80x128xf32, #tpu.memory_space<vmem>> -> memref<1x80x128xf32, #tpu.memory_space<vmem>>
    %dma_wait3A_201 = tpu.memref_squeeze %dma_wait3A_200 : memref<1x80x128xf32, #tpu.memory_space<vmem>> -> memref<80x128xf32, #tpu.memory_space<vmem>>
    %dma_wait3A_202 = arith.constant 0 : i32
    %dma_wait3A_203 = tpu.memref_slice %arg10[%dma_wait3A_197, %dma_wait3A_202] : memref<3x80xi32, #tpu.memory_space<vmem>> -> memref<1x80xi32, #tpu.memory_space<vmem>>
    %dma_wait3A_204 = tpu.memref_squeeze %dma_wait3A_203 : memref<1x80xi32, #tpu.memory_space<vmem>> -> memref<80xi32, #tpu.memory_space<vmem>>
    %dma_wait3A_205 = arith.constant 0 : i32
    %dma_wait3A_206 = arith.constant 0 : i32
    %dma_wait3A_207 = tpu.memref_slice %arg13[%dma_wait3A_205, %dma_wait3A_206] : memref<10112x128xf32, #tpu.memory_space<vmem_shared>> -> memref<10112x128xf32, #tpu.memory_space<vmem_shared>>
    tpu.wait_indirect_dma semaphore(%arg18 : memref<!tpu.dma_semaphore, #tpu.memory_space<semaphore_mem>>) src(%dma_wait3A_201 : memref<80x128xf32, #tpu.memory_space<vmem>>) dst(%dma_wait3A_207 : memref<10112x128xf32, #tpu.memory_space<vmem_shared>>)
    %dma_wait3A_208 = arith.constant 0 : i32
    %dma_wait3A_209 = arith.constant 0 : i32
    %dma_wait3A_210 = tpu.memref_slice %arg10[%dma_wait3A_208, %dma_wait3A_209] : memref<3x80xi32, #tpu.memory_space<vmem>> -> memref<1x80xi32, #tpu.memory_space<vmem>>
    %dma_wait3A_211 = tpu.memref_squeeze %dma_wait3A_210 : memref<1x80xi32, #tpu.memory_space<vmem>> -> memref<80xi32, #tpu.memory_space<vmem>>
    %dma_wait3A_212 = arith.constant 0 : i32
    %dma_wait3A_213 = tpu.memref_slice %arg14[%dma_wait3A_212] : memref<10240xf32, #tpu.memory_space<vmem_shared>> -> memref<10240xf32, #tpu.memory_space<vmem_shared>>
    tpu.wait_indirect_dma semaphore(%arg24 : memref<!tpu.dma_semaphore, #tpu.memory_space<semaphore_mem>>) src(%arg12 : memref<80xf32, #tpu.memory_space<vmem>>) dst(%dma_wait3A_213 : memref<10240xf32, #tpu.memory_space<vmem_shared>>)
    %dma_wait3A_214 = arith.constant 1 : i32
    %dma_wait3A_215 = arith.constant 1 : i32
    %dma_wait3A_216 = arith.constant 0 : i32
    %dma_wait3A_217 = arith.constant 0 : i32
    %dma_wait3A_218 = tpu.memref_slice %arg11[%dma_wait3A_214, %dma_wait3A_216, %dma_wait3A_217] : memref<3x80x128xf32, #tpu.memory_space<vmem>> -> memref<1x80x128xf32, #tpu.memory_space<vmem>>
    %dma_wait3A_219 = tpu.memref_squeeze %dma_wait3A_218 : memref<1x80x128xf32, #tpu.memory_space<vmem>> -> memref<80x128xf32, #tpu.memory_space<vmem>>
    %dma_wait3A_220 = arith.constant 0 : i32
    %dma_wait3A_221 = tpu.memref_slice %arg10[%dma_wait3A_215, %dma_wait3A_220] : memref<3x80xi32, #tpu.memory_space<vmem>> -> memref<1x80xi32, #tpu.memory_space<vmem>>
    %dma_wait3A_222 = tpu.memref_squeeze %dma_wait3A_221 : memref<1x80xi32, #tpu.memory_space<vmem>> -> memref<80xi32, #tpu.memory_space<vmem>>
    %dma_wait3A_223 = arith.constant 0 : i32
    %dma_wait3A_224 = arith.constant 0 : i32
    %dma_wait3A_225 = tpu.memref_slice %arg13[%dma_wait3A_223, %dma_wait3A_224] : memref<10112x128xf32, #tpu.memory_space<vmem_shared>> -> memref<10112x128xf32, #tpu.memory_space<vmem_shared>>
    tpu.wait_indirect_dma semaphore(%arg19 : memref<!tpu.dma_semaphore, #tpu.memory_space<semaphore_mem>>) src(%dma_wait3A_219 : memref<80x128xf32, #tpu.memory_space<vmem>>) dst(%dma_wait3A_225 : memref<10112x128xf32, #tpu.memory_space<vmem_shared>>)
    %dma_wait3A_226 = arith.constant 1 : i32
    %dma_wait3A_227 = arith.constant 0 : i32
    %dma_wait3A_228 = tpu.memref_slice %arg10[%dma_wait3A_226, %dma_wait3A_227] : memref<3x80xi32, #tpu.memory_space<vmem>> -> memref<1x80xi32, #tpu.memory_space<vmem>>
    %dma_wait3A_229 = tpu.memref_squeeze %dma_wait3A_228 : memref<1x80xi32, #tpu.memory_space<vmem>> -> memref<80xi32, #tpu.memory_space<vmem>>
    %dma_wait3A_230 = arith.constant 0 : i32
    %dma_wait3A_231 = tpu.memref_slice %arg14[%dma_wait3A_230] : memref<10240xf32, #tpu.memory_space<vmem_shared>> -> memref<10240xf32, #tpu.memory_space<vmem_shared>>
    tpu.wait_indirect_dma semaphore(%arg25 : memref<!tpu.dma_semaphore, #tpu.memory_space<semaphore_mem>>) src(%arg12 : memref<80xf32, #tpu.memory_space<vmem>>) dst(%dma_wait3A_231 : memref<10240xf32, #tpu.memory_space<vmem_shared>>)
    %barrier3A_232 = arith.constant 0 : index
    tpu.barrier barrier_id(%barrier3A_232)
    %run_scoped3A = arith.constant 0 : i32
    "tpu.region"() ({
      %run_scoped3A_240 = tpu.sem_alloc : memref<!tpu.dma_semaphore, #tpu.memory_space<semaphore_mem>>
      %dma_start3A_241 = arith.constant 0 : i32
      %dma_start3A_242 = tpu.memref_slice %arg7[%arg0, %run_scoped3A, %mul3A_0, %dma_start3A_241] : memref<2x1x10112x128xf32, #tpu.memory_space<hbm>> -> memref<1x1x632x128xf32, #tpu.memory_space<hbm>>
      %dma_start3A_243 = tpu.memref_squeeze %dma_start3A_242 : memref<1x1x632x128xf32, #tpu.memory_space<hbm>> -> memref<632x128xf32, #tpu.memory_space<hbm>>
      %dma_start3A_244 = arith.constant 0 : i32
      %dma_start3A_245 = tpu.memref_slice %arg13[%mul3A_0, %dma_start3A_244] : memref<10112x128xf32, #tpu.memory_space<vmem_shared>> -> memref<632x128xf32, #tpu.memory_space<vmem_shared>>
      tpu.enqueue_dma source(%dma_start3A_245 : memref<632x128xf32, #tpu.memory_space<vmem_shared>>) target(%dma_start3A_243 : memref<632x128xf32, #tpu.memory_space<hbm>>) target_semaphore(%run_scoped3A_240 : memref<!tpu.dma_semaphore, #tpu.memory_space<semaphore_mem>>)
      %dma_wait3A_246 = arith.constant 0 : i32
      %dma_wait3A_247 = tpu.memref_slice %arg7[%arg0, %run_scoped3A, %mul3A_0, %dma_wait3A_246] : memref<2x1x10112x128xf32, #tpu.memory_space<hbm>> -> memref<1x1x632x128xf32, #tpu.memory_space<hbm>>
      %dma_wait3A_248 = tpu.memref_squeeze %dma_wait3A_247 : memref<1x1x632x128xf32, #tpu.memory_space<hbm>> -> memref<632x128xf32, #tpu.memory_space<hbm>>
      %dma_wait3A_249 = arith.constant 0 : i32
      %dma_wait3A_250 = tpu.memref_slice %arg13[%mul3A_0, %dma_wait3A_249] : memref<10112x128xf32, #tpu.memory_space<vmem_shared>> -> memref<632x128xf32, #tpu.memory_space<vmem_shared>>
      tpu.wait_dma2 semaphore(%run_scoped3A_240 : memref<!tpu.dma_semaphore, #tpu.memory_space<semaphore_mem>>) src(%dma_wait3A_250 : memref<632x128xf32, #tpu.memory_space<vmem_shared>>) dst(%dma_wait3A_248 : memref<632x128xf32, #tpu.memory_space<hbm>>)
      tpu.yield
    }) : () -> ()
    %mul3A_233 = arith.constant 640 : i32
    %mul3A_234 = arith.muli %arg1, %mul3A_233 : i32
    %mul3A_235 = arith.constant 10240 : i32
    %mul3A_236 = arith.muli %arg0, %mul3A_235 : i32
    %mul3A_237 = arith.constant 640 : i32
    %mul3A_238 = arith.muli %arg1, %mul3A_237 : i32
    %add3A_239 = arith.addi %mul3A_236, %mul3A_238 : i32
    "tpu.region"() ({
      %run_scoped3A_240 = tpu.sem_alloc : memref<!tpu.dma_semaphore, #tpu.memory_space<semaphore_mem>>
      %dma_start3A_241 = tpu.memref_slice %arg8[%add3A_239] : memref<20480xf32, #tpu.memory_space<hbm>> -> memref<640xf32, #tpu.memory_space<hbm>>
      %dma_start3A_242 = tpu.memref_slice %arg14[%mul3A_234] : memref<10240xf32, #tpu.memory_space<vmem_shared>> -> memref<640xf32, #tpu.memory_space<vmem_shared>>
      tpu.enqueue_dma source(%dma_start3A_242 : memref<640xf32, #tpu.memory_space<vmem_shared>>) target(%dma_start3A_241 : memref<640xf32, #tpu.memory_space<hbm>>) target_semaphore(%run_scoped3A_240 : memref<!tpu.dma_semaphore, #tpu.memory_space<semaphore_mem>>)
      %dma_wait3A_243 = tpu.memref_slice %arg8[%add3A_239] : memref<20480xf32, #tpu.memory_space<hbm>> -> memref<640xf32, #tpu.memory_space<hbm>>
      %dma_wait3A_244 = tpu.memref_slice %arg14[%mul3A_234] : memref<10240xf32, #tpu.memory_space<vmem_shared>> -> memref<640xf32, #tpu.memory_space<vmem_shared>>
      tpu.wait_dma2 semaphore(%run_scoped3A_240 : memref<!tpu.dma_semaphore, #tpu.memory_space<semaphore_mem>>) src(%dma_wait3A_244 : memref<640xf32, #tpu.memory_space<vmem_shared>>) dst(%dma_wait3A_243 : memref<640xf32, #tpu.memory_space<hbm>>)
      tpu.yield
    }) : () -> ()
    return
  }
}

#map = affine_map<(d0, d1) -> (0)>
#map1 = affine_map<(d0, d1) -> (0, 0)>
#map2 = affine_map<(d0, d1) -> (0, 0, 0, 0)>
module attributes {stable_mosaic.version = 14 : i64} {
  func.func @k(%arg0: i32, %arg1: i32, %arg2: memref<320000xi32, #tpu.memory_space<hbm>>, %arg3: memref<320000xi32, #tpu.memory_space<hbm>>, %arg4: memref<10000x128xf32, #tpu.memory_space<hbm>>, %arg5: memref<10000x128xf32, #tpu.memory_space<hbm>>, %arg6: memref<10000x128xf32, #tpu.memory_space<hbm>>, %arg7: memref<10000x128xf32, #tpu.memory_space<hbm>>, %arg8: memref<632x128xf32, #tpu.memory_space<hbm>>, %arg9: memref<640xf32, #tpu.memory_space<hbm>>, %arg10: memref<2x4x10112x128xf32, #tpu.memory_space<hbm>>, %arg11: memref<10000xi32, #tpu.memory_space<vmem>>, %arg12: memref<3x80xi32, #tpu.memory_space<vmem>>, %arg13: memref<3x80x128xf32, #tpu.memory_space<vmem>>, %arg14: memref<80xf32, #tpu.memory_space<vmem>>, %arg15: memref<10112x128xf32, #tpu.memory_space<vmem_shared>>, %arg16: memref<!tpu.dma_semaphore, #tpu.memory_space<semaphore_mem>>, %arg17: memref<!tpu.dma_semaphore, #tpu.memory_space<semaphore_mem>>, %arg18: memref<!tpu.dma_semaphore, #tpu.memory_space<semaphore_mem>>, %arg19: memref<!tpu.dma_semaphore, #tpu.memory_space<semaphore_mem>>, %arg20: memref<!tpu.dma_semaphore, #tpu.memory_space<semaphore_mem>>, %arg21: memref<!tpu.dma_semaphore, #tpu.memory_space<semaphore_mem>>, %arg22: memref<!tpu.dma_semaphore, #tpu.memory_space<semaphore_mem>>, %arg23: memref<!tpu.dma_semaphore, #tpu.memory_space<semaphore_mem>>, %arg24: memref<!tpu.dma_semaphore, #tpu.memory_space<semaphore_mem>>) attributes {dimension_semantics = [#tpu.dimension_semantics<core_parallel>, #tpu.dimension_semantics<subcore_parallel>], iteration_bounds = array<i64: 2, 16>, scalar_prefetch = 0 : i64, scratch_operands = 14 : i64, tpu.core_type = #tpu.core_type<sc_vector_subcore>, window_params = [{transform_indices = #map}, {transform_indices = #map}, {transform_indices = #map1}, {transform_indices = #map1}, {transform_indices = #map1}, {transform_indices = #map1}, {transform_indices = #map1}, {transform_indices = #map}, {transform_indices = #map2}]} {
    %mul3A = arith.constant 632 : i32
    %mul3A_0 = arith.muli %arg1, %mul3A : i32
    %mul3A_1 = arith.constant 16 : i32
    %mul3A_2 = arith.muli %arg0, %mul3A_1 : i32
    %add3A = arith.addi %mul3A_2, %arg1 : i32
    %mul3A_3 = arith.constant 10000 : i32
    %mul3A_4 = arith.muli %add3A, %mul3A_3 : i32
    "tpu.region"() ({
      %run_scoped3A_692 = tpu.sem_alloc : memref<!tpu.dma_semaphore, #tpu.memory_space<semaphore_mem>>
      %dma_start3A_693 = tpu.memref_slice %arg2[%mul3A_4] : memref<320000xi32, #tpu.memory_space<hbm>> -> memref<10000xi32, #tpu.memory_space<hbm>>
      %dma_start3A_694 = tpu.memref_slice %arg2[%mul3A_4] : memref<320000xi32, #tpu.memory_space<hbm>> -> memref<10000xi32, #tpu.memory_space<hbm>>
      tpu.enqueue_dma source(%dma_start3A_694 : memref<10000xi32, #tpu.memory_space<hbm>>) target(%arg11 : memref<10000xi32, #tpu.memory_space<vmem>>) target_semaphore(%run_scoped3A_692 : memref<!tpu.dma_semaphore, #tpu.memory_space<semaphore_mem>>)
      %dma_wait3A_695 = tpu.memref_slice %arg2[%mul3A_4] : memref<320000xi32, #tpu.memory_space<hbm>> -> memref<10000xi32, #tpu.memory_space<hbm>>
      %dma_wait3A_696 = tpu.memref_slice %arg2[%mul3A_4] : memref<320000xi32, #tpu.memory_space<hbm>> -> memref<10000xi32, #tpu.memory_space<hbm>>
      tpu.wait_dma2 semaphore(%run_scoped3A_692 : memref<!tpu.dma_semaphore, #tpu.memory_space<semaphore_mem>>) src(%dma_wait3A_696 : memref<10000xi32, #tpu.memory_space<hbm>>) dst(%arg11 : memref<10000xi32, #tpu.memory_space<vmem>>)
      tpu.yield
    }) : () -> ()
    %add3A_5 = arith.constant 0 : i32
    %add3A_6 = arith.addi %mul3A_4, %add3A_5 : i32
    %dma_start3A = arith.constant 0 : i32
    %dma_start3A_7 = arith.constant 0 : i32
    %dma_start3A_8 = tpu.memref_slice %arg12[%dma_start3A, %dma_start3A_7] : memref<3x80xi32, #tpu.memory_space<vmem>> -> memref<1x80xi32, #tpu.memory_space<vmem>>
    %dma_start3A_9 = tpu.memref_squeeze %dma_start3A_8 : memref<1x80xi32, #tpu.memory_space<vmem>> -> memref<80xi32, #tpu.memory_space<vmem>>
    %dma_start3A_10 = tpu.memref_slice %arg3[%add3A_6] : memref<320000xi32, #tpu.memory_space<hbm>> -> memref<80xi32, #tpu.memory_space<hbm>>
    %dma_start3A_11 = arith.constant 0 : i32
    %dma_start3A_12 = tpu.memref_slice %arg12[%dma_start3A, %dma_start3A_11] : memref<3x80xi32, #tpu.memory_space<vmem>> -> memref<1x80xi32, #tpu.memory_space<vmem>>
    %dma_start3A_13 = tpu.memref_squeeze %dma_start3A_12 : memref<1x80xi32, #tpu.memory_space<vmem>> -> memref<80xi32, #tpu.memory_space<vmem>>
    %dma_start3A_14 = tpu.memref_slice %arg3[%add3A_6] : memref<320000xi32, #tpu.memory_space<hbm>> -> memref<80xi32, #tpu.memory_space<hbm>>
    tpu.enqueue_dma source(%dma_start3A_14 : memref<80xi32, #tpu.memory_space<hbm>>) target(%dma_start3A_13 : memref<80xi32, #tpu.memory_space<vmem>>) target_semaphore(%arg22 : memref<!tpu.dma_semaphore, #tpu.memory_space<semaphore_mem>>)
    %dma_start3A_15 = arith.constant 0 : i32
    %dma_start3A_16 = arith.constant 0 : i32
    %dma_start3A_17 = arith.constant 0 : i32
    %dma_start3A_18 = tpu.memref_slice %arg13[%dma_start3A_15, %dma_start3A_16, %dma_start3A_17] : memref<3x80x128xf32, #tpu.memory_space<vmem>> -> memref<1x80x128xf32, #tpu.memory_space<vmem>>
    %dma_start3A_19 = tpu.memref_squeeze %dma_start3A_18 : memref<1x80x128xf32, #tpu.memory_space<vmem>> -> memref<80x128xf32, #tpu.memory_space<vmem>>
    %dma_start3A_20 = arith.constant 0 : i32
    %dma_start3A_21 = tpu.memref_slice %arg11[%dma_start3A_20] : memref<10000xi32, #tpu.memory_space<vmem>> -> memref<80xi32, #tpu.memory_space<vmem>>
    %dma_start3A_22 = arith.constant 0 : i32
    %dma_start3A_23 = arith.constant 0 : i32
    %dma_start3A_24 = tpu.memref_slice %arg4[%dma_start3A_22, %dma_start3A_23] : memref<10000x128xf32, #tpu.memory_space<hbm>> -> memref<10000x128xf32, #tpu.memory_space<hbm>>
    tpu.enqueue_indirect_dma source(%dma_start3A_24 : memref<10000x128xf32, #tpu.memory_space<hbm>>) target(%dma_start3A_19 : memref<80x128xf32, #tpu.memory_space<vmem>>) offsets(%dma_start3A_21 : memref<80xi32, #tpu.memory_space<vmem>>) semaphore(%arg16 : memref<!tpu.dma_semaphore, #tpu.memory_space<semaphore_mem>>)
    %add3A_25 = arith.constant 80 : i32
    %add3A_26 = arith.addi %mul3A_4, %add3A_25 : i32
    %dma_start3A_27 = arith.constant 1 : i32
    %dma_start3A_28 = arith.constant 0 : i32
    %dma_start3A_29 = tpu.memref_slice %arg12[%dma_start3A_27, %dma_start3A_28] : memref<3x80xi32, #tpu.memory_space<vmem>> -> memref<1x80xi32, #tpu.memory_space<vmem>>
    %dma_start3A_30 = tpu.memref_squeeze %dma_start3A_29 : memref<1x80xi32, #tpu.memory_space<vmem>> -> memref<80xi32, #tpu.memory_space<vmem>>
    %dma_start3A_31 = tpu.memref_slice %arg3[%add3A_26] : memref<320000xi32, #tpu.memory_space<hbm>> -> memref<80xi32, #tpu.memory_space<hbm>>
    %dma_start3A_32 = arith.constant 0 : i32
    %dma_start3A_33 = tpu.memref_slice %arg12[%dma_start3A_27, %dma_start3A_32] : memref<3x80xi32, #tpu.memory_space<vmem>> -> memref<1x80xi32, #tpu.memory_space<vmem>>
    %dma_start3A_34 = tpu.memref_squeeze %dma_start3A_33 : memref<1x80xi32, #tpu.memory_space<vmem>> -> memref<80xi32, #tpu.memory_space<vmem>>
    %dma_start3A_35 = tpu.memref_slice %arg3[%add3A_26] : memref<320000xi32, #tpu.memory_space<hbm>> -> memref<80xi32, #tpu.memory_space<hbm>>
    tpu.enqueue_dma source(%dma_start3A_35 : memref<80xi32, #tpu.memory_space<hbm>>) target(%dma_start3A_34 : memref<80xi32, #tpu.memory_space<vmem>>) target_semaphore(%arg23 : memref<!tpu.dma_semaphore, #tpu.memory_space<semaphore_mem>>)
    %dma_start3A_36 = arith.constant 1 : i32
    %dma_start3A_37 = arith.constant 0 : i32
    %dma_start3A_38 = arith.constant 0 : i32
    %dma_start3A_39 = tpu.memref_slice %arg13[%dma_start3A_36, %dma_start3A_37, %dma_start3A_38] : memref<3x80x128xf32, #tpu.memory_space<vmem>> -> memref<1x80x128xf32, #tpu.memory_space<vmem>>
    %dma_start3A_40 = tpu.memref_squeeze %dma_start3A_39 : memref<1x80x128xf32, #tpu.memory_space<vmem>> -> memref<80x128xf32, #tpu.memory_space<vmem>>
    %dma_start3A_41 = arith.constant 80 : i32
    %dma_start3A_42 = tpu.memref_slice %arg11[%dma_start3A_41] : memref<10000xi32, #tpu.memory_space<vmem>> -> memref<80xi32, #tpu.memory_space<vmem>>
    %dma_start3A_43 = arith.constant 0 : i32
    %dma_start3A_44 = arith.constant 0 : i32
    %dma_start3A_45 = tpu.memref_slice %arg4[%dma_start3A_43, %dma_start3A_44] : memref<10000x128xf32, #tpu.memory_space<hbm>> -> memref<10000x128xf32, #tpu.memory_space<hbm>>
    tpu.enqueue_indirect_dma source(%dma_start3A_45 : memref<10000x128xf32, #tpu.memory_space<hbm>>) target(%dma_start3A_40 : memref<80x128xf32, #tpu.memory_space<vmem>>) offsets(%dma_start3A_42 : memref<80xi32, #tpu.memory_space<vmem>>) semaphore(%arg17 : memref<!tpu.dma_semaphore, #tpu.memory_space<semaphore_mem>>)
    "tpu.region"() ({
      %run_scoped3A_692 = tpu.sem_alloc : memref<!tpu.dma_semaphore, #tpu.memory_space<semaphore_mem>>
      %dma_start3A_693 = arith.constant 0 : i32
      %dma_start3A_694 = tpu.memref_slice %arg15[%mul3A_0, %dma_start3A_693] : memref<10112x128xf32, #tpu.memory_space<vmem_shared>> -> memref<632x128xf32, #tpu.memory_space<vmem_shared>>
      tpu.enqueue_dma source(%arg8 : memref<632x128xf32, #tpu.memory_space<hbm>>) target(%dma_start3A_694 : memref<632x128xf32, #tpu.memory_space<vmem_shared>>) target_semaphore(%run_scoped3A_692 : memref<!tpu.dma_semaphore, #tpu.memory_space<semaphore_mem>>)
      %dma_wait3A_695 = arith.constant 0 : i32
      %dma_wait3A_696 = tpu.memref_slice %arg15[%mul3A_0, %dma_wait3A_695] : memref<10112x128xf32, #tpu.memory_space<vmem_shared>> -> memref<632x128xf32, #tpu.memory_space<vmem_shared>>
      tpu.wait_dma2 semaphore(%run_scoped3A_692 : memref<!tpu.dma_semaphore, #tpu.memory_space<semaphore_mem>>) src(%arg8 : memref<632x128xf32, #tpu.memory_space<hbm>>) dst(%dma_wait3A_696 : memref<632x128xf32, #tpu.memory_space<vmem_shared>>)
      tpu.yield
    }) : () -> ()
    %barrier3A = arith.constant 0 : index
    tpu.barrier barrier_id(%barrier3A)
    %dma_wait3A = arith.constant 0 : i32
    %dma_wait3A_46 = arith.constant 0 : i32
    %dma_wait3A_47 = arith.constant 0 : i32
    %dma_wait3A_48 = tpu.memref_slice %arg13[%dma_wait3A, %dma_wait3A_46, %dma_wait3A_47] : memref<3x80x128xf32, #tpu.memory_space<vmem>> -> memref<1x80x128xf32, #tpu.memory_space<vmem>>
    %dma_wait3A_49 = tpu.memref_squeeze %dma_wait3A_48 : memref<1x80x128xf32, #tpu.memory_space<vmem>> -> memref<80x128xf32, #tpu.memory_space<vmem>>
    %dma_wait3A_50 = arith.constant 0 : i32
    %dma_wait3A_51 = tpu.memref_slice %arg11[%dma_wait3A_50] : memref<10000xi32, #tpu.memory_space<vmem>> -> memref<80xi32, #tpu.memory_space<vmem>>
    %dma_wait3A_52 = arith.constant 0 : i32
    %dma_wait3A_53 = arith.constant 0 : i32
    %dma_wait3A_54 = tpu.memref_slice %arg4[%dma_wait3A_52, %dma_wait3A_53] : memref<10000x128xf32, #tpu.memory_space<hbm>> -> memref<10000x128xf32, #tpu.memory_space<hbm>>
    tpu.wait_indirect_dma semaphore(%arg16 : memref<!tpu.dma_semaphore, #tpu.memory_space<semaphore_mem>>) src(%dma_wait3A_54 : memref<10000x128xf32, #tpu.memory_space<hbm>>) dst(%dma_wait3A_49 : memref<80x128xf32, #tpu.memory_space<vmem>>)
    %add3A_55 = arith.constant 0 : i32
    %add3A_56 = arith.addi %mul3A_4, %add3A_55 : i32
    %dma_wait3A_57 = arith.constant 0 : i32
    %dma_wait3A_58 = arith.constant 0 : i32
    %dma_wait3A_59 = tpu.memref_slice %arg12[%dma_wait3A_57, %dma_wait3A_58] : memref<3x80xi32, #tpu.memory_space<vmem>> -> memref<1x80xi32, #tpu.memory_space<vmem>>
    %dma_wait3A_60 = tpu.memref_squeeze %dma_wait3A_59 : memref<1x80xi32, #tpu.memory_space<vmem>> -> memref<80xi32, #tpu.memory_space<vmem>>
    %dma_wait3A_61 = tpu.memref_slice %arg3[%add3A_56] : memref<320000xi32, #tpu.memory_space<hbm>> -> memref<80xi32, #tpu.memory_space<hbm>>
    %dma_wait3A_62 = arith.constant 0 : i32
    %dma_wait3A_63 = tpu.memref_slice %arg12[%dma_wait3A_57, %dma_wait3A_62] : memref<3x80xi32, #tpu.memory_space<vmem>> -> memref<1x80xi32, #tpu.memory_space<vmem>>
    %dma_wait3A_64 = tpu.memref_squeeze %dma_wait3A_63 : memref<1x80xi32, #tpu.memory_space<vmem>> -> memref<80xi32, #tpu.memory_space<vmem>>
    %dma_wait3A_65 = tpu.memref_slice %arg3[%add3A_56] : memref<320000xi32, #tpu.memory_space<hbm>> -> memref<80xi32, #tpu.memory_space<hbm>>
    tpu.wait_dma2 semaphore(%arg22 : memref<!tpu.dma_semaphore, #tpu.memory_space<semaphore_mem>>) src(%dma_wait3A_65 : memref<80xi32, #tpu.memory_space<hbm>>) dst(%dma_wait3A_64 : memref<80xi32, #tpu.memory_space<vmem>>)
    %dma_start3A_66 = arith.constant 0 : i32
    %dma_start3A_67 = arith.constant 0 : i32
    %dma_start3A_68 = arith.constant 0 : i32
    %dma_start3A_69 = arith.constant 0 : i32
    %dma_start3A_70 = tpu.memref_slice %arg13[%dma_start3A_66, %dma_start3A_68, %dma_start3A_69] : memref<3x80x128xf32, #tpu.memory_space<vmem>> -> memref<1x80x128xf32, #tpu.memory_space<vmem>>
    %dma_start3A_71 = tpu.memref_squeeze %dma_start3A_70 : memref<1x80x128xf32, #tpu.memory_space<vmem>> -> memref<80x128xf32, #tpu.memory_space<vmem>>
    %dma_start3A_72 = arith.constant 0 : i32
    %dma_start3A_73 = tpu.memref_slice %arg12[%dma_start3A_67, %dma_start3A_72] : memref<3x80xi32, #tpu.memory_space<vmem>> -> memref<1x80xi32, #tpu.memory_space<vmem>>
    %dma_start3A_74 = tpu.memref_squeeze %dma_start3A_73 : memref<1x80xi32, #tpu.memory_space<vmem>> -> memref<80xi32, #tpu.memory_space<vmem>>
    %dma_start3A_75 = arith.constant 0 : i32
    %dma_start3A_76 = arith.constant 0 : i32
    %dma_start3A_77 = tpu.memref_slice %arg15[%dma_start3A_75, %dma_start3A_76] : memref<10112x128xf32, #tpu.memory_space<vmem_shared>> -> memref<10112x128xf32, #tpu.memory_space<vmem_shared>>
    tpu.enqueue_indirect_dma source(%dma_start3A_71 : memref<80x128xf32, #tpu.memory_space<vmem>>) target(%dma_start3A_77 : memref<10112x128xf32, #tpu.memory_space<vmem_shared>>) offsets(%dma_start3A_74 : memref<80xi32, #tpu.memory_space<vmem>>) semaphore(%arg19 : memref<!tpu.dma_semaphore, #tpu.memory_space<semaphore_mem>>) {add = true}
    %add3A_78 = arith.constant 160 : i32
    %add3A_79 = arith.addi %mul3A_4, %add3A_78 : i32
    %dma_start3A_80 = arith.constant 2 : i32
    %dma_start3A_81 = arith.constant 0 : i32
    %dma_start3A_82 = tpu.memref_slice %arg12[%dma_start3A_80, %dma_start3A_81] : memref<3x80xi32, #tpu.memory_space<vmem>> -> memref<1x80xi32, #tpu.memory_space<vmem>>
    %dma_start3A_83 = tpu.memref_squeeze %dma_start3A_82 : memref<1x80xi32, #tpu.memory_space<vmem>> -> memref<80xi32, #tpu.memory_space<vmem>>
    %dma_start3A_84 = tpu.memref_slice %arg3[%add3A_79] : memref<320000xi32, #tpu.memory_space<hbm>> -> memref<80xi32, #tpu.memory_space<hbm>>
    %dma_start3A_85 = arith.constant 0 : i32
    %dma_start3A_86 = tpu.memref_slice %arg12[%dma_start3A_80, %dma_start3A_85] : memref<3x80xi32, #tpu.memory_space<vmem>> -> memref<1x80xi32, #tpu.memory_space<vmem>>
    %dma_start3A_87 = tpu.memref_squeeze %dma_start3A_86 : memref<1x80xi32, #tpu.memory_space<vmem>> -> memref<80xi32, #tpu.memory_space<vmem>>
    %dma_start3A_88 = tpu.memref_slice %arg3[%add3A_79] : memref<320000xi32, #tpu.memory_space<hbm>> -> memref<80xi32, #tpu.memory_space<hbm>>
    tpu.enqueue_dma source(%dma_start3A_88 : memref<80xi32, #tpu.memory_space<hbm>>) target(%dma_start3A_87 : memref<80xi32, #tpu.memory_space<vmem>>) target_semaphore(%arg24 : memref<!tpu.dma_semaphore, #tpu.memory_space<semaphore_mem>>)
    %dma_start3A_89 = arith.constant 2 : i32
    %dma_start3A_90 = arith.constant 0 : i32
    %dma_start3A_91 = arith.constant 0 : i32
    %dma_start3A_92 = tpu.memref_slice %arg13[%dma_start3A_89, %dma_start3A_90, %dma_start3A_91] : memref<3x80x128xf32, #tpu.memory_space<vmem>> -> memref<1x80x128xf32, #tpu.memory_space<vmem>>
    %dma_start3A_93 = tpu.memref_squeeze %dma_start3A_92 : memref<1x80x128xf32, #tpu.memory_space<vmem>> -> memref<80x128xf32, #tpu.memory_space<vmem>>
    %dma_start3A_94 = arith.constant 160 : i32
    %dma_start3A_95 = tpu.memref_slice %arg11[%dma_start3A_94] : memref<10000xi32, #tpu.memory_space<vmem>> -> memref<80xi32, #tpu.memory_space<vmem>>
    %dma_start3A_96 = arith.constant 0 : i32
    %dma_start3A_97 = arith.constant 0 : i32
    %dma_start3A_98 = tpu.memref_slice %arg4[%dma_start3A_96, %dma_start3A_97] : memref<10000x128xf32, #tpu.memory_space<hbm>> -> memref<10000x128xf32, #tpu.memory_space<hbm>>
    tpu.enqueue_indirect_dma source(%dma_start3A_98 : memref<10000x128xf32, #tpu.memory_space<hbm>>) target(%dma_start3A_93 : memref<80x128xf32, #tpu.memory_space<vmem>>) offsets(%dma_start3A_95 : memref<80xi32, #tpu.memory_space<vmem>>) semaphore(%arg18 : memref<!tpu.dma_semaphore, #tpu.memory_space<semaphore_mem>>)
    %scan3A = arith.constant 0 : i32
    %scan3A_99 = arith.constant 41 : i32
    %scan3A_100 = arith.addi %scan3A, %scan3A_99 : i32
    %scan3A_101 = arith.constant 1 : i32
    scf.for %scan3A_692 = %scan3A to %scan3A_100 step %scan3A_101  : i32 {
      %mul3A_693 = arith.constant 3 : i32
      %mul3A_694 = arith.muli %mul3A_693, %scan3A_692 : i32
      %add3A_695 = arith.constant 1 : i32
      %add3A_696 = arith.addi %mul3A_694, %add3A_695 : i32
      %mul3A_697 = arith.constant 80 : i32
      %mul3A_698 = arith.muli %add3A_696, %mul3A_697 : i32
      %dma_wait3A_699 = arith.constant 1 : i32
      %dma_wait3A_700 = arith.constant 0 : i32
      %dma_wait3A_701 = arith.constant 0 : i32
      %dma_wait3A_702 = tpu.memref_slice %arg13[%dma_wait3A_699, %dma_wait3A_700, %dma_wait3A_701] : memref<3x80x128xf32, #tpu.memory_space<vmem>> -> memref<1x80x128xf32, #tpu.memory_space<vmem>>
      %dma_wait3A_703 = tpu.memref_squeeze %dma_wait3A_702 : memref<1x80x128xf32, #tpu.memory_space<vmem>> -> memref<80x128xf32, #tpu.memory_space<vmem>>
      %dma_wait3A_704 = tpu.memref_slice %arg11[%mul3A_698] : memref<10000xi32, #tpu.memory_space<vmem>> -> memref<80xi32, #tpu.memory_space<vmem>>
      %dma_wait3A_705 = arith.constant 0 : i32
      %dma_wait3A_706 = arith.constant 0 : i32
      %dma_wait3A_707 = tpu.memref_slice %arg4[%dma_wait3A_705, %dma_wait3A_706] : memref<10000x128xf32, #tpu.memory_space<hbm>> -> memref<10000x128xf32, #tpu.memory_space<hbm>>
      tpu.wait_indirect_dma semaphore(%arg17 : memref<!tpu.dma_semaphore, #tpu.memory_space<semaphore_mem>>) src(%dma_wait3A_707 : memref<10000x128xf32, #tpu.memory_space<hbm>>) dst(%dma_wait3A_703 : memref<80x128xf32, #tpu.memory_space<vmem>>)
      %mul3A_708 = arith.constant 80 : i32
      %mul3A_709 = arith.muli %add3A_696, %mul3A_708 : i32
      %add3A_710 = arith.addi %mul3A_4, %mul3A_709 : i32
      %dma_wait3A_711 = arith.constant 1 : i32
      %dma_wait3A_712 = arith.constant 0 : i32
      %dma_wait3A_713 = tpu.memref_slice %arg12[%dma_wait3A_711, %dma_wait3A_712] : memref<3x80xi32, #tpu.memory_space<vmem>> -> memref<1x80xi32, #tpu.memory_space<vmem>>
      %dma_wait3A_714 = tpu.memref_squeeze %dma_wait3A_713 : memref<1x80xi32, #tpu.memory_space<vmem>> -> memref<80xi32, #tpu.memory_space<vmem>>
      %dma_wait3A_715 = tpu.memref_slice %arg3[%add3A_710] : memref<320000xi32, #tpu.memory_space<hbm>> -> memref<80xi32, #tpu.memory_space<hbm>>
      %dma_wait3A_716 = arith.constant 0 : i32
      %dma_wait3A_717 = tpu.memref_slice %arg12[%dma_wait3A_711, %dma_wait3A_716] : memref<3x80xi32, #tpu.memory_space<vmem>> -> memref<1x80xi32, #tpu.memory_space<vmem>>
      %dma_wait3A_718 = tpu.memref_squeeze %dma_wait3A_717 : memref<1x80xi32, #tpu.memory_space<vmem>> -> memref<80xi32, #tpu.memory_space<vmem>>
      %dma_wait3A_719 = tpu.memref_slice %arg3[%add3A_710] : memref<320000xi32, #tpu.memory_space<hbm>> -> memref<80xi32, #tpu.memory_space<hbm>>
      tpu.wait_dma2 semaphore(%arg23 : memref<!tpu.dma_semaphore, #tpu.memory_space<semaphore_mem>>) src(%dma_wait3A_719 : memref<80xi32, #tpu.memory_space<hbm>>) dst(%dma_wait3A_718 : memref<80xi32, #tpu.memory_space<vmem>>)
      %dma_start3A_720 = arith.constant 1 : i32
      %dma_start3A_721 = arith.constant 1 : i32
      %dma_start3A_722 = arith.constant 0 : i32
      %dma_start3A_723 = arith.constant 0 : i32
      %dma_start3A_724 = tpu.memref_slice %arg13[%dma_start3A_720, %dma_start3A_722, %dma_start3A_723] : memref<3x80x128xf32, #tpu.memory_space<vmem>> -> memref<1x80x128xf32, #tpu.memory_space<vmem>>
      %dma_start3A_725 = tpu.memref_squeeze %dma_start3A_724 : memref<1x80x128xf32, #tpu.memory_space<vmem>> -> memref<80x128xf32, #tpu.memory_space<vmem>>
      %dma_start3A_726 = arith.constant 0 : i32
      %dma_start3A_727 = tpu.memref_slice %arg12[%dma_start3A_721, %dma_start3A_726] : memref<3x80xi32, #tpu.memory_space<vmem>> -> memref<1x80xi32, #tpu.memory_space<vmem>>
      %dma_start3A_728 = tpu.memref_squeeze %dma_start3A_727 : memref<1x80xi32, #tpu.memory_space<vmem>> -> memref<80xi32, #tpu.memory_space<vmem>>
      %dma_start3A_729 = arith.constant 0 : i32
      %dma_start3A_730 = arith.constant 0 : i32
      %dma_start3A_731 = tpu.memref_slice %arg15[%dma_start3A_729, %dma_start3A_730] : memref<10112x128xf32, #tpu.memory_space<vmem_shared>> -> memref<10112x128xf32, #tpu.memory_space<vmem_shared>>
      tpu.enqueue_indirect_dma source(%dma_start3A_725 : memref<80x128xf32, #tpu.memory_space<vmem>>) target(%dma_start3A_731 : memref<10112x128xf32, #tpu.memory_space<vmem_shared>>) offsets(%dma_start3A_728 : memref<80xi32, #tpu.memory_space<vmem>>) semaphore(%arg20 : memref<!tpu.dma_semaphore, #tpu.memory_space<semaphore_mem>>) {add = true}
      %add3A_732 = arith.constant 2 : i32
      %add3A_733 = arith.addi %add3A_696, %add3A_732 : i32
      %lt3A = arith.constant 125 : i32
      %lt3A_734 = arith.cmpi slt, %add3A_733, %lt3A : i32
      %convert_element_type3A = arith.extui %lt3A_734 : i1 to i32
      %cond3A = arith.constant 0 : i32
      %cond3A_735 = arith.cmpi ne, %convert_element_type3A, %cond3A : i32
      scf.if %cond3A_735 {
        %dma_wait3A_824 = arith.constant 0 : i32
        %dma_wait3A_825 = arith.constant 0 : i32
        %dma_wait3A_826 = arith.constant 0 : i32
        %dma_wait3A_827 = arith.constant 0 : i32
        %dma_wait3A_828 = tpu.memref_slice %arg13[%dma_wait3A_824, %dma_wait3A_826, %dma_wait3A_827] : memref<3x80x128xf32, #tpu.memory_space<vmem>> -> memref<1x80x128xf32, #tpu.memory_space<vmem>>
        %dma_wait3A_829 = tpu.memref_squeeze %dma_wait3A_828 : memref<1x80x128xf32, #tpu.memory_space<vmem>> -> memref<80x128xf32, #tpu.memory_space<vmem>>
        %dma_wait3A_830 = arith.constant 0 : i32
        %dma_wait3A_831 = tpu.memref_slice %arg12[%dma_wait3A_825, %dma_wait3A_830] : memref<3x80xi32, #tpu.memory_space<vmem>> -> memref<1x80xi32, #tpu.memory_space<vmem>>
        %dma_wait3A_832 = tpu.memref_squeeze %dma_wait3A_831 : memref<1x80xi32, #tpu.memory_space<vmem>> -> memref<80xi32, #tpu.memory_space<vmem>>
        %dma_wait3A_833 = arith.constant 0 : i32
        %dma_wait3A_834 = arith.constant 0 : i32
        %dma_wait3A_835 = tpu.memref_slice %arg15[%dma_wait3A_833, %dma_wait3A_834] : memref<10112x128xf32, #tpu.memory_space<vmem_shared>> -> memref<10112x128xf32, #tpu.memory_space<vmem_shared>>
        tpu.wait_indirect_dma semaphore(%arg19 : memref<!tpu.dma_semaphore, #tpu.memory_space<semaphore_mem>>) src(%dma_wait3A_829 : memref<80x128xf32, #tpu.memory_space<vmem>>) dst(%dma_wait3A_835 : memref<10112x128xf32, #tpu.memory_space<vmem_shared>>)
        %add3A_836 = arith.constant 2 : i32
        %add3A_837 = arith.addi %add3A_696, %add3A_836 : i32
        %mul3A_838 = arith.constant 80 : i32
        %mul3A_839 = arith.muli %add3A_837, %mul3A_838 : i32
        %add3A_840 = arith.addi %mul3A_4, %mul3A_839 : i32
        %dma_start3A_841 = arith.constant 0 : i32
        %dma_start3A_842 = arith.constant 0 : i32
        %dma_start3A_843 = tpu.memref_slice %arg12[%dma_start3A_841, %dma_start3A_842] : memref<3x80xi32, #tpu.memory_space<vmem>> -> memref<1x80xi32, #tpu.memory_space<vmem>>
        %dma_start3A_844 = tpu.memref_squeeze %dma_start3A_843 : memref<1x80xi32, #tpu.memory_space<vmem>> -> memref<80xi32, #tpu.memory_space<vmem>>
        %dma_start3A_845 = tpu.memref_slice %arg3[%add3A_840] : memref<320000xi32, #tpu.memory_space<hbm>> -> memref<80xi32, #tpu.memory_space<hbm>>
        %dma_start3A_846 = arith.constant 0 : i32
        %dma_start3A_847 = tpu.memref_slice %arg12[%dma_start3A_841, %dma_start3A_846] : memref<3x80xi32, #tpu.memory_space<vmem>> -> memref<1x80xi32, #tpu.memory_space<vmem>>
        %dma_start3A_848 = tpu.memref_squeeze %dma_start3A_847 : memref<1x80xi32, #tpu.memory_space<vmem>> -> memref<80xi32, #tpu.memory_space<vmem>>
        %dma_start3A_849 = tpu.memref_slice %arg3[%add3A_840] : memref<320000xi32, #tpu.memory_space<hbm>> -> memref<80xi32, #tpu.memory_space<hbm>>
        tpu.enqueue_dma source(%dma_start3A_849 : memref<80xi32, #tpu.memory_space<hbm>>) target(%dma_start3A_848 : memref<80xi32, #tpu.memory_space<vmem>>) target_semaphore(%arg22 : memref<!tpu.dma_semaphore, #tpu.memory_space<semaphore_mem>>)
        %add3A_850 = arith.constant 2 : i32
        %add3A_851 = arith.addi %add3A_696, %add3A_850 : i32
        %mul3A_852 = arith.constant 80 : i32
        %mul3A_853 = arith.muli %add3A_851, %mul3A_852 : i32
        %dma_start3A_854 = arith.constant 0 : i32
        %dma_start3A_855 = arith.constant 0 : i32
        %dma_start3A_856 = arith.constant 0 : i32
        %dma_start3A_857 = tpu.memref_slice %arg13[%dma_start3A_854, %dma_start3A_855, %dma_start3A_856] : memref<3x80x128xf32, #tpu.memory_space<vmem>> -> memref<1x80x128xf32, #tpu.memory_space<vmem>>
        %dma_start3A_858 = tpu.memref_squeeze %dma_start3A_857 : memref<1x80x128xf32, #tpu.memory_space<vmem>> -> memref<80x128xf32, #tpu.memory_space<vmem>>
        %dma_start3A_859 = tpu.memref_slice %arg11[%mul3A_853] : memref<10000xi32, #tpu.memory_space<vmem>> -> memref<80xi32, #tpu.memory_space<vmem>>
        %dma_start3A_860 = arith.constant 0 : i32
        %dma_start3A_861 = arith.constant 0 : i32
        %dma_start3A_862 = tpu.memref_slice %arg4[%dma_start3A_860, %dma_start3A_861] : memref<10000x128xf32, #tpu.memory_space<hbm>> -> memref<10000x128xf32, #tpu.memory_space<hbm>>
        tpu.enqueue_indirect_dma source(%dma_start3A_862 : memref<10000x128xf32, #tpu.memory_space<hbm>>) target(%dma_start3A_858 : memref<80x128xf32, #tpu.memory_space<vmem>>) offsets(%dma_start3A_859 : memref<80xi32, #tpu.memory_space<vmem>>) semaphore(%arg16 : memref<!tpu.dma_semaphore, #tpu.memory_space<semaphore_mem>>)
      } else {
      }
      %add3A_736 = arith.constant 1 : i32
      %add3A_737 = arith.addi %add3A_696, %add3A_736 : i32
      %mul3A_738 = arith.constant 80 : i32
      %mul3A_739 = arith.muli %add3A_737, %mul3A_738 : i32
      %dma_wait3A_740 = arith.constant 2 : i32
      %dma_wait3A_741 = arith.constant 0 : i32
      %dma_wait3A_742 = arith.constant 0 : i32
      %dma_wait3A_743 = tpu.memref_slice %arg13[%dma_wait3A_740, %dma_wait3A_741, %dma_wait3A_742] : memref<3x80x128xf32, #tpu.memory_space<vmem>> -> memref<1x80x128xf32, #tpu.memory_space<vmem>>
      %dma_wait3A_744 = tpu.memref_squeeze %dma_wait3A_743 : memref<1x80x128xf32, #tpu.memory_space<vmem>> -> memref<80x128xf32, #tpu.memory_space<vmem>>
      %dma_wait3A_745 = tpu.memref_slice %arg11[%mul3A_739] : memref<10000xi32, #tpu.memory_space<vmem>> -> memref<80xi32, #tpu.memory_space<vmem>>
      %dma_wait3A_746 = arith.constant 0 : i32
      %dma_wait3A_747 = arith.constant 0 : i32
      %dma_wait3A_748 = tpu.memref_slice %arg4[%dma_wait3A_746, %dma_wait3A_747] : memref<10000x128xf32, #tpu.memory_space<hbm>> -> memref<10000x128xf32, #tpu.memory_space<hbm>>
      tpu.wait_indirect_dma semaphore(%arg18 : memref<!tpu.dma_semaphore, #tpu.memory_space<semaphore_mem>>) src(%dma_wait3A_748 : memref<10000x128xf32, #tpu.memory_space<hbm>>) dst(%dma_wait3A_744 : memref<80x128xf32, #tpu.memory_space<vmem>>)
      %mul3A_749 = arith.constant 80 : i32
      %mul3A_750 = arith.muli %add3A_737, %mul3A_749 : i32
      %add3A_751 = arith.addi %mul3A_4, %mul3A_750 : i32
      %dma_wait3A_752 = arith.constant 2 : i32
      %dma_wait3A_753 = arith.constant 0 : i32
      %dma_wait3A_754 = tpu.memref_slice %arg12[%dma_wait3A_752, %dma_wait3A_753] : memref<3x80xi32, #tpu.memory_space<vmem>> -> memref<1x80xi32, #tpu.memory_space<vmem>>
      %dma_wait3A_755 = tpu.memref_squeeze %dma_wait3A_754 : memref<1x80xi32, #tpu.memory_space<vmem>> -> memref<80xi32, #tpu.memory_space<vmem>>
      %dma_wait3A_756 = tpu.memref_slice %arg3[%add3A_751] : memref<320000xi32, #tpu.memory_space<hbm>> -> memref<80xi32, #tpu.memory_space<hbm>>
      %dma_wait3A_757 = arith.constant 0 : i32
      %dma_wait3A_758 = tpu.memref_slice %arg12[%dma_wait3A_752, %dma_wait3A_757] : memref<3x80xi32, #tpu.memory_space<vmem>> -> memref<1x80xi32, #tpu.memory_space<vmem>>
      %dma_wait3A_759 = tpu.memref_squeeze %dma_wait3A_758 : memref<1x80xi32, #tpu.memory_space<vmem>> -> memref<80xi32, #tpu.memory_space<vmem>>
      %dma_wait3A_760 = tpu.memref_slice %arg3[%add3A_751] : memref<320000xi32, #tpu.memory_space<hbm>> -> memref<80xi32, #tpu.memory_space<hbm>>
      tpu.wait_dma2 semaphore(%arg24 : memref<!tpu.dma_semaphore, #tpu.memory_space<semaphore_mem>>) src(%dma_wait3A_760 : memref<80xi32, #tpu.memory_space<hbm>>) dst(%dma_wait3A_759 : memref<80xi32, #tpu.memory_space<vmem>>)
      %dma_start3A_761 = arith.constant 2 : i32
      %dma_start3A_762 = arith.constant 2 : i32
      %dma_start3A_763 = arith.constant 0 : i32
      %dma_start3A_764 = arith.constant 0 : i32
      %dma_start3A_765 = tpu.memref_slice %arg13[%dma_start3A_761, %dma_start3A_763, %dma_start3A_764] : memref<3x80x128xf32, #tpu.memory_space<vmem>> -> memref<1x80x128xf32, #tpu.memory_space<vmem>>
      %dma_start3A_766 = tpu.memref_squeeze %dma_start3A_765 : memref<1x80x128xf32, #tpu.memory_space<vmem>> -> memref<80x128xf32, #tpu.memory_space<vmem>>
      %dma_start3A_767 = arith.constant 0 : i32
      %dma_start3A_768 = tpu.memref_slice %arg12[%dma_start3A_762, %dma_start3A_767] : memref<3x80xi32, #tpu.memory_space<vmem>> -> memref<1x80xi32, #tpu.memory_space<vmem>>
      %dma_start3A_769 = tpu.memref_squeeze %dma_start3A_768 : memref<1x80xi32, #tpu.memory_space<vmem>> -> memref<80xi32, #tpu.memory_space<vmem>>
      %dma_start3A_770 = arith.constant 0 : i32
      %dma_start3A_771 = arith.constant 0 : i32
      %dma_start3A_772 = tpu.memref_slice %arg15[%dma_start3A_770, %dma_start3A_771] : memref<10112x128xf32, #tpu.memory_space<vmem_shared>> -> memref<10112x128xf32, #tpu.memory_space<vmem_shared>>
      tpu.enqueue_indirect_dma source(%dma_start3A_766 : memref<80x128xf32, #tpu.memory_space<vmem>>) target(%dma_start3A_772 : memref<10112x128xf32, #tpu.memory_space<vmem_shared>>) offsets(%dma_start3A_769 : memref<80xi32, #tpu.memory_space<vmem>>) semaphore(%arg21 : memref<!tpu.dma_semaphore, #tpu.memory_space<semaphore_mem>>) {add = true}
      %add3A_773 = arith.constant 2 : i32
      %add3A_774 = arith.addi %add3A_737, %add3A_773 : i32
      %lt3A_775 = arith.constant 125 : i32
      %lt3A_776 = arith.cmpi slt, %add3A_774, %lt3A_775 : i32
      %convert_element_type3A_777 = arith.extui %lt3A_776 : i1 to i32
      %cond3A_778 = arith.constant 0 : i32
      %cond3A_779 = arith.cmpi ne, %convert_element_type3A_777, %cond3A_778 : i32
      scf.if %cond3A_779 {
        %dma_wait3A_824 = arith.constant 1 : i32
        %dma_wait3A_825 = arith.constant 1 : i32
        %dma_wait3A_826 = arith.constant 0 : i32
        %dma_wait3A_827 = arith.constant 0 : i32
        %dma_wait3A_828 = tpu.memref_slice %arg13[%dma_wait3A_824, %dma_wait3A_826, %dma_wait3A_827] : memref<3x80x128xf32, #tpu.memory_space<vmem>> -> memref<1x80x128xf32, #tpu.memory_space<vmem>>
        %dma_wait3A_829 = tpu.memref_squeeze %dma_wait3A_828 : memref<1x80x128xf32, #tpu.memory_space<vmem>> -> memref<80x128xf32, #tpu.memory_space<vmem>>
        %dma_wait3A_830 = arith.constant 0 : i32
        %dma_wait3A_831 = tpu.memref_slice %arg12[%dma_wait3A_825, %dma_wait3A_830] : memref<3x80xi32, #tpu.memory_space<vmem>> -> memref<1x80xi32, #tpu.memory_space<vmem>>
        %dma_wait3A_832 = tpu.memref_squeeze %dma_wait3A_831 : memref<1x80xi32, #tpu.memory_space<vmem>> -> memref<80xi32, #tpu.memory_space<vmem>>
        %dma_wait3A_833 = arith.constant 0 : i32
        %dma_wait3A_834 = arith.constant 0 : i32
        %dma_wait3A_835 = tpu.memref_slice %arg15[%dma_wait3A_833, %dma_wait3A_834] : memref<10112x128xf32, #tpu.memory_space<vmem_shared>> -> memref<10112x128xf32, #tpu.memory_space<vmem_shared>>
        tpu.wait_indirect_dma semaphore(%arg20 : memref<!tpu.dma_semaphore, #tpu.memory_space<semaphore_mem>>) src(%dma_wait3A_829 : memref<80x128xf32, #tpu.memory_space<vmem>>) dst(%dma_wait3A_835 : memref<10112x128xf32, #tpu.memory_space<vmem_shared>>)
        %add3A_836 = arith.constant 2 : i32
        %add3A_837 = arith.addi %add3A_737, %add3A_836 : i32
        %mul3A_838 = arith.constant 80 : i32
        %mul3A_839 = arith.muli %add3A_837, %mul3A_838 : i32
        %add3A_840 = arith.addi %mul3A_4, %mul3A_839 : i32
        %dma_start3A_841 = arith.constant 1 : i32
        %dma_start3A_842 = arith.constant 0 : i32
        %dma_start3A_843 = tpu.memref_slice %arg12[%dma_start3A_841, %dma_start3A_842] : memref<3x80xi32, #tpu.memory_space<vmem>> -> memref<1x80xi32, #tpu.memory_space<vmem>>
        %dma_start3A_844 = tpu.memref_squeeze %dma_start3A_843 : memref<1x80xi32, #tpu.memory_space<vmem>> -> memref<80xi32, #tpu.memory_space<vmem>>
        %dma_start3A_845 = tpu.memref_slice %arg3[%add3A_840] : memref<320000xi32, #tpu.memory_space<hbm>> -> memref<80xi32, #tpu.memory_space<hbm>>
        %dma_start3A_846 = arith.constant 0 : i32
        %dma_start3A_847 = tpu.memref_slice %arg12[%dma_start3A_841, %dma_start3A_846] : memref<3x80xi32, #tpu.memory_space<vmem>> -> memref<1x80xi32, #tpu.memory_space<vmem>>
        %dma_start3A_848 = tpu.memref_squeeze %dma_start3A_847 : memref<1x80xi32, #tpu.memory_space<vmem>> -> memref<80xi32, #tpu.memory_space<vmem>>
        %dma_start3A_849 = tpu.memref_slice %arg3[%add3A_840] : memref<320000xi32, #tpu.memory_space<hbm>> -> memref<80xi32, #tpu.memory_space<hbm>>
        tpu.enqueue_dma source(%dma_start3A_849 : memref<80xi32, #tpu.memory_space<hbm>>) target(%dma_start3A_848 : memref<80xi32, #tpu.memory_space<vmem>>) target_semaphore(%arg23 : memref<!tpu.dma_semaphore, #tpu.memory_space<semaphore_mem>>)
        %add3A_850 = arith.constant 2 : i32
        %add3A_851 = arith.addi %add3A_737, %add3A_850 : i32
        %mul3A_852 = arith.constant 80 : i32
        %mul3A_853 = arith.muli %add3A_851, %mul3A_852 : i32
        %dma_start3A_854 = arith.constant 1 : i32
        %dma_start3A_855 = arith.constant 0 : i32
        %dma_start3A_856 = arith.constant 0 : i32
        %dma_start3A_857 = tpu.memref_slice %arg13[%dma_start3A_854, %dma_start3A_855, %dma_start3A_856] : memref<3x80x128xf32, #tpu.memory_space<vmem>> -> memref<1x80x128xf32, #tpu.memory_space<vmem>>
        %dma_start3A_858 = tpu.memref_squeeze %dma_start3A_857 : memref<1x80x128xf32, #tpu.memory_space<vmem>> -> memref<80x128xf32, #tpu.memory_space<vmem>>
        %dma_start3A_859 = tpu.memref_slice %arg11[%mul3A_853] : memref<10000xi32, #tpu.memory_space<vmem>> -> memref<80xi32, #tpu.memory_space<vmem>>
        %dma_start3A_860 = arith.constant 0 : i32
        %dma_start3A_861 = arith.constant 0 : i32
        %dma_start3A_862 = tpu.memref_slice %arg4[%dma_start3A_860, %dma_start3A_861] : memref<10000x128xf32, #tpu.memory_space<hbm>> -> memref<10000x128xf32, #tpu.memory_space<hbm>>
        tpu.enqueue_indirect_dma source(%dma_start3A_862 : memref<10000x128xf32, #tpu.memory_space<hbm>>) target(%dma_start3A_858 : memref<80x128xf32, #tpu.memory_space<vmem>>) offsets(%dma_start3A_859 : memref<80xi32, #tpu.memory_space<vmem>>) semaphore(%arg17 : memref<!tpu.dma_semaphore, #tpu.memory_space<semaphore_mem>>)
      } else {
      }
      %add3A_780 = arith.constant 2 : i32
      %add3A_781 = arith.addi %add3A_696, %add3A_780 : i32
      %mul3A_782 = arith.constant 80 : i32
      %mul3A_783 = arith.muli %add3A_781, %mul3A_782 : i32
      %dma_wait3A_784 = arith.constant 0 : i32
      %dma_wait3A_785 = arith.constant 0 : i32
      %dma_wait3A_786 = arith.constant 0 : i32
      %dma_wait3A_787 = tpu.memref_slice %arg13[%dma_wait3A_784, %dma_wait3A_785, %dma_wait3A_786] : memref<3x80x128xf32, #tpu.memory_space<vmem>> -> memref<1x80x128xf32, #tpu.memory_space<vmem>>
      %dma_wait3A_788 = tpu.memref_squeeze %dma_wait3A_787 : memref<1x80x128xf32, #tpu.memory_space<vmem>> -> memref<80x128xf32, #tpu.memory_space<vmem>>
      %dma_wait3A_789 = tpu.memref_slice %arg11[%mul3A_783] : memref<10000xi32, #tpu.memory_space<vmem>> -> memref<80xi32, #tpu.memory_space<vmem>>
      %dma_wait3A_790 = arith.constant 0 : i32
      %dma_wait3A_791 = arith.constant 0 : i32
      %dma_wait3A_792 = tpu.memref_slice %arg4[%dma_wait3A_790, %dma_wait3A_791] : memref<10000x128xf32, #tpu.memory_space<hbm>> -> memref<10000x128xf32, #tpu.memory_space<hbm>>
      tpu.wait_indirect_dma semaphore(%arg16 : memref<!tpu.dma_semaphore, #tpu.memory_space<semaphore_mem>>) src(%dma_wait3A_792 : memref<10000x128xf32, #tpu.memory_space<hbm>>) dst(%dma_wait3A_788 : memref<80x128xf32, #tpu.memory_space<vmem>>)
      %mul3A_793 = arith.constant 80 : i32
      %mul3A_794 = arith.muli %add3A_781, %mul3A_793 : i32
      %add3A_795 = arith.addi %mul3A_4, %mul3A_794 : i32
      %dma_wait3A_796 = arith.constant 0 : i32
      %dma_wait3A_797 = arith.constant 0 : i32
      %dma_wait3A_798 = tpu.memref_slice %arg12[%dma_wait3A_796, %dma_wait3A_797] : memref<3x80xi32, #tpu.memory_space<vmem>> -> memref<1x80xi32, #tpu.memory_space<vmem>>
      %dma_wait3A_799 = tpu.memref_squeeze %dma_wait3A_798 : memref<1x80xi32, #tpu.memory_space<vmem>> -> memref<80xi32, #tpu.memory_space<vmem>>
      %dma_wait3A_800 = tpu.memref_slice %arg3[%add3A_795] : memref<320000xi32, #tpu.memory_space<hbm>> -> memref<80xi32, #tpu.memory_space<hbm>>
      %dma_wait3A_801 = arith.constant 0 : i32
      %dma_wait3A_802 = tpu.memref_slice %arg12[%dma_wait3A_796, %dma_wait3A_801] : memref<3x80xi32, #tpu.memory_space<vmem>> -> memref<1x80xi32, #tpu.memory_space<vmem>>
      %dma_wait3A_803 = tpu.memref_squeeze %dma_wait3A_802 : memref<1x80xi32, #tpu.memory_space<vmem>> -> memref<80xi32, #tpu.memory_space<vmem>>
      %dma_wait3A_804 = tpu.memref_slice %arg3[%add3A_795] : memref<320000xi32, #tpu.memory_space<hbm>> -> memref<80xi32, #tpu.memory_space<hbm>>
      tpu.wait_dma2 semaphore(%arg22 : memref<!tpu.dma_semaphore, #tpu.memory_space<semaphore_mem>>) src(%dma_wait3A_804 : memref<80xi32, #tpu.memory_space<hbm>>) dst(%dma_wait3A_803 : memref<80xi32, #tpu.memory_space<vmem>>)
      %dma_start3A_805 = arith.constant 0 : i32
      %dma_start3A_806 = arith.constant 0 : i32
      %dma_start3A_807 = arith.constant 0 : i32
      %dma_start3A_808 = arith.constant 0 : i32
      %dma_start3A_809 = tpu.memref_slice %arg13[%dma_start3A_805, %dma_start3A_807, %dma_start3A_808] : memref<3x80x128xf32, #tpu.memory_space<vmem>> -> memref<1x80x128xf32, #tpu.memory_space<vmem>>
      %dma_start3A_810 = tpu.memref_squeeze %dma_start3A_809 : memref<1x80x128xf32, #tpu.memory_space<vmem>> -> memref<80x128xf32, #tpu.memory_space<vmem>>
      %dma_start3A_811 = arith.constant 0 : i32
      %dma_start3A_812 = tpu.memref_slice %arg12[%dma_start3A_806, %dma_start3A_811] : memref<3x80xi32, #tpu.memory_space<vmem>> -> memref<1x80xi32, #tpu.memory_space<vmem>>
      %dma_start3A_813 = tpu.memref_squeeze %dma_start3A_812 : memref<1x80xi32, #tpu.memory_space<vmem>> -> memref<80xi32, #tpu.memory_space<vmem>>
      %dma_start3A_814 = arith.constant 0 : i32
      %dma_start3A_815 = arith.constant 0 : i32
      %dma_start3A_816 = tpu.memref_slice %arg15[%dma_start3A_814, %dma_start3A_815] : memref<10112x128xf32, #tpu.memory_space<vmem_shared>> -> memref<10112x128xf32, #tpu.memory_space<vmem_shared>>
      tpu.enqueue_indirect_dma source(%dma_start3A_810 : memref<80x128xf32, #tpu.memory_space<vmem>>) target(%dma_start3A_816 : memref<10112x128xf32, #tpu.memory_space<vmem_shared>>) offsets(%dma_start3A_813 : memref<80xi32, #tpu.memory_space<vmem>>) semaphore(%arg19 : memref<!tpu.dma_semaphore, #tpu.memory_space<semaphore_mem>>) {add = true}
      %add3A_817 = arith.constant 2 : i32
      %add3A_818 = arith.addi %add3A_781, %add3A_817 : i32
      %lt3A_819 = arith.constant 125 : i32
      %lt3A_820 = arith.cmpi slt, %add3A_818, %lt3A_819 : i32
      %convert_element_type3A_821 = arith.extui %lt3A_820 : i1 to i32
      %cond3A_822 = arith.constant 0 : i32
      %cond3A_823 = arith.cmpi ne, %convert_element_type3A_821, %cond3A_822 : i32
      scf.if %cond3A_823 {
        %dma_wait3A_824 = arith.constant 2 : i32
        %dma_wait3A_825 = arith.constant 2 : i32
        %dma_wait3A_826 = arith.constant 0 : i32
        %dma_wait3A_827 = arith.constant 0 : i32
        %dma_wait3A_828 = tpu.memref_slice %arg13[%dma_wait3A_824, %dma_wait3A_826, %dma_wait3A_827] : memref<3x80x128xf32, #tpu.memory_space<vmem>> -> memref<1x80x128xf32, #tpu.memory_space<vmem>>
        %dma_wait3A_829 = tpu.memref_squeeze %dma_wait3A_828 : memref<1x80x128xf32, #tpu.memory_space<vmem>> -> memref<80x128xf32, #tpu.memory_space<vmem>>
        %dma_wait3A_830 = arith.constant 0 : i32
        %dma_wait3A_831 = tpu.memref_slice %arg12[%dma_wait3A_825, %dma_wait3A_830] : memref<3x80xi32, #tpu.memory_space<vmem>> -> memref<1x80xi32, #tpu.memory_space<vmem>>
        %dma_wait3A_832 = tpu.memref_squeeze %dma_wait3A_831 : memref<1x80xi32, #tpu.memory_space<vmem>> -> memref<80xi32, #tpu.memory_space<vmem>>
        %dma_wait3A_833 = arith.constant 0 : i32
        %dma_wait3A_834 = arith.constant 0 : i32
        %dma_wait3A_835 = tpu.memref_slice %arg15[%dma_wait3A_833, %dma_wait3A_834] : memref<10112x128xf32, #tpu.memory_space<vmem_shared>> -> memref<10112x128xf32, #tpu.memory_space<vmem_shared>>
        tpu.wait_indirect_dma semaphore(%arg21 : memref<!tpu.dma_semaphore, #tpu.memory_space<semaphore_mem>>) src(%dma_wait3A_829 : memref<80x128xf32, #tpu.memory_space<vmem>>) dst(%dma_wait3A_835 : memref<10112x128xf32, #tpu.memory_space<vmem_shared>>)
        %add3A_836 = arith.constant 2 : i32
        %add3A_837 = arith.addi %add3A_781, %add3A_836 : i32
        %mul3A_838 = arith.constant 80 : i32
        %mul3A_839 = arith.muli %add3A_837, %mul3A_838 : i32
        %add3A_840 = arith.addi %mul3A_4, %mul3A_839 : i32
        %dma_start3A_841 = arith.constant 2 : i32
        %dma_start3A_842 = arith.constant 0 : i32
        %dma_start3A_843 = tpu.memref_slice %arg12[%dma_start3A_841, %dma_start3A_842] : memref<3x80xi32, #tpu.memory_space<vmem>> -> memref<1x80xi32, #tpu.memory_space<vmem>>
        %dma_start3A_844 = tpu.memref_squeeze %dma_start3A_843 : memref<1x80xi32, #tpu.memory_space<vmem>> -> memref<80xi32, #tpu.memory_space<vmem>>
        %dma_start3A_845 = tpu.memref_slice %arg3[%add3A_840] : memref<320000xi32, #tpu.memory_space<hbm>> -> memref<80xi32, #tpu.memory_space<hbm>>
        %dma_start3A_846 = arith.constant 0 : i32
        %dma_start3A_847 = tpu.memref_slice %arg12[%dma_start3A_841, %dma_start3A_846] : memref<3x80xi32, #tpu.memory_space<vmem>> -> memref<1x80xi32, #tpu.memory_space<vmem>>
        %dma_start3A_848 = tpu.memref_squeeze %dma_start3A_847 : memref<1x80xi32, #tpu.memory_space<vmem>> -> memref<80xi32, #tpu.memory_space<vmem>>
        %dma_start3A_849 = tpu.memref_slice %arg3[%add3A_840] : memref<320000xi32, #tpu.memory_space<hbm>> -> memref<80xi32, #tpu.memory_space<hbm>>
        tpu.enqueue_dma source(%dma_start3A_849 : memref<80xi32, #tpu.memory_space<hbm>>) target(%dma_start3A_848 : memref<80xi32, #tpu.memory_space<vmem>>) target_semaphore(%arg24 : memref<!tpu.dma_semaphore, #tpu.memory_space<semaphore_mem>>)
        %add3A_850 = arith.constant 2 : i32
        %add3A_851 = arith.addi %add3A_781, %add3A_850 : i32
        %mul3A_852 = arith.constant 80 : i32
        %mul3A_853 = arith.muli %add3A_851, %mul3A_852 : i32
        %dma_start3A_854 = arith.constant 2 : i32
        %dma_start3A_855 = arith.constant 0 : i32
        %dma_start3A_856 = arith.constant 0 : i32
        %dma_start3A_857 = tpu.memref_slice %arg13[%dma_start3A_854, %dma_start3A_855, %dma_start3A_856] : memref<3x80x128xf32, #tpu.memory_space<vmem>> -> memref<1x80x128xf32, #tpu.memory_space<vmem>>
        %dma_start3A_858 = tpu.memref_squeeze %dma_start3A_857 : memref<1x80x128xf32, #tpu.memory_space<vmem>> -> memref<80x128xf32, #tpu.memory_space<vmem>>
        %dma_start3A_859 = tpu.memref_slice %arg11[%mul3A_853] : memref<10000xi32, #tpu.memory_space<vmem>> -> memref<80xi32, #tpu.memory_space<vmem>>
        %dma_start3A_860 = arith.constant 0 : i32
        %dma_start3A_861 = arith.constant 0 : i32
        %dma_start3A_862 = tpu.memref_slice %arg4[%dma_start3A_860, %dma_start3A_861] : memref<10000x128xf32, #tpu.memory_space<hbm>> -> memref<10000x128xf32, #tpu.memory_space<hbm>>
        tpu.enqueue_indirect_dma source(%dma_start3A_862 : memref<10000x128xf32, #tpu.memory_space<hbm>>) target(%dma_start3A_858 : memref<80x128xf32, #tpu.memory_space<vmem>>) offsets(%dma_start3A_859 : memref<80xi32, #tpu.memory_space<vmem>>) semaphore(%arg18 : memref<!tpu.dma_semaphore, #tpu.memory_space<semaphore_mem>>)
      } else {
      }
    }
    %scan3A_102 = arith.constant 41 : i32
    %dma_wait3A_103 = arith.constant 1 : i32
    %dma_wait3A_104 = arith.constant 0 : i32
    %dma_wait3A_105 = arith.constant 0 : i32
    %dma_wait3A_106 = tpu.memref_slice %arg13[%dma_wait3A_103, %dma_wait3A_104, %dma_wait3A_105] : memref<3x80x128xf32, #tpu.memory_space<vmem>> -> memref<1x80x128xf32, #tpu.memory_space<vmem>>
    %dma_wait3A_107 = tpu.memref_squeeze %dma_wait3A_106 : memref<1x80x128xf32, #tpu.memory_space<vmem>> -> memref<80x128xf32, #tpu.memory_space<vmem>>
    %dma_wait3A_108 = arith.constant 9920 : i32
    %dma_wait3A_109 = tpu.memref_slice %arg11[%dma_wait3A_108] : memref<10000xi32, #tpu.memory_space<vmem>> -> memref<80xi32, #tpu.memory_space<vmem>>
    %dma_wait3A_110 = arith.constant 0 : i32
    %dma_wait3A_111 = arith.constant 0 : i32
    %dma_wait3A_112 = tpu.memref_slice %arg4[%dma_wait3A_110, %dma_wait3A_111] : memref<10000x128xf32, #tpu.memory_space<hbm>> -> memref<10000x128xf32, #tpu.memory_space<hbm>>
    tpu.wait_indirect_dma semaphore(%arg17 : memref<!tpu.dma_semaphore, #tpu.memory_space<semaphore_mem>>) src(%dma_wait3A_112 : memref<10000x128xf32, #tpu.memory_space<hbm>>) dst(%dma_wait3A_107 : memref<80x128xf32, #tpu.memory_space<vmem>>)
    %add3A_113 = arith.constant 9920 : i32
    %add3A_114 = arith.addi %mul3A_4, %add3A_113 : i32
    %dma_wait3A_115 = arith.constant 1 : i32
    %dma_wait3A_116 = arith.constant 0 : i32
    %dma_wait3A_117 = tpu.memref_slice %arg12[%dma_wait3A_115, %dma_wait3A_116] : memref<3x80xi32, #tpu.memory_space<vmem>> -> memref<1x80xi32, #tpu.memory_space<vmem>>
    %dma_wait3A_118 = tpu.memref_squeeze %dma_wait3A_117 : memref<1x80xi32, #tpu.memory_space<vmem>> -> memref<80xi32, #tpu.memory_space<vmem>>
    %dma_wait3A_119 = tpu.memref_slice %arg3[%add3A_114] : memref<320000xi32, #tpu.memory_space<hbm>> -> memref<80xi32, #tpu.memory_space<hbm>>
    %dma_wait3A_120 = arith.constant 0 : i32
    %dma_wait3A_121 = tpu.memref_slice %arg12[%dma_wait3A_115, %dma_wait3A_120] : memref<3x80xi32, #tpu.memory_space<vmem>> -> memref<1x80xi32, #tpu.memory_space<vmem>>
    %dma_wait3A_122 = tpu.memref_squeeze %dma_wait3A_121 : memref<1x80xi32, #tpu.memory_space<vmem>> -> memref<80xi32, #tpu.memory_space<vmem>>
    %dma_wait3A_123 = tpu.memref_slice %arg3[%add3A_114] : memref<320000xi32, #tpu.memory_space<hbm>> -> memref<80xi32, #tpu.memory_space<hbm>>
    tpu.wait_dma2 semaphore(%arg23 : memref<!tpu.dma_semaphore, #tpu.memory_space<semaphore_mem>>) src(%dma_wait3A_123 : memref<80xi32, #tpu.memory_space<hbm>>) dst(%dma_wait3A_122 : memref<80xi32, #tpu.memory_space<vmem>>)
    %dma_start3A_124 = arith.constant 1 : i32
    %dma_start3A_125 = arith.constant 1 : i32
    %dma_start3A_126 = arith.constant 0 : i32
    %dma_start3A_127 = arith.constant 0 : i32
    %dma_start3A_128 = tpu.memref_slice %arg13[%dma_start3A_124, %dma_start3A_126, %dma_start3A_127] : memref<3x80x128xf32, #tpu.memory_space<vmem>> -> memref<1x80x128xf32, #tpu.memory_space<vmem>>
    %dma_start3A_129 = tpu.memref_squeeze %dma_start3A_128 : memref<1x80x128xf32, #tpu.memory_space<vmem>> -> memref<80x128xf32, #tpu.memory_space<vmem>>
    %dma_start3A_130 = arith.constant 0 : i32
    %dma_start3A_131 = tpu.memref_slice %arg12[%dma_start3A_125, %dma_start3A_130] : memref<3x80xi32, #tpu.memory_space<vmem>> -> memref<1x80xi32, #tpu.memory_space<vmem>>
    %dma_start3A_132 = tpu.memref_squeeze %dma_start3A_131 : memref<1x80xi32, #tpu.memory_space<vmem>> -> memref<80xi32, #tpu.memory_space<vmem>>
    %dma_start3A_133 = arith.constant 0 : i32
    %dma_start3A_134 = arith.constant 0 : i32
    %dma_start3A_135 = tpu.memref_slice %arg15[%dma_start3A_133, %dma_start3A_134] : memref<10112x128xf32, #tpu.memory_space<vmem_shared>> -> memref<10112x128xf32, #tpu.memory_space<vmem_shared>>
    tpu.enqueue_indirect_dma source(%dma_start3A_129 : memref<80x128xf32, #tpu.memory_space<vmem>>) target(%dma_start3A_135 : memref<10112x128xf32, #tpu.memory_space<vmem_shared>>) offsets(%dma_start3A_132 : memref<80xi32, #tpu.memory_space<vmem>>) semaphore(%arg20 : memref<!tpu.dma_semaphore, #tpu.memory_space<semaphore_mem>>) {add = true}
    %dma_wait3A_136 = arith.constant 2 : i32
    %dma_wait3A_137 = arith.constant 2 : i32
    %dma_wait3A_138 = arith.constant 0 : i32
    %dma_wait3A_139 = arith.constant 0 : i32
    %dma_wait3A_140 = tpu.memref_slice %arg13[%dma_wait3A_136, %dma_wait3A_138, %dma_wait3A_139] : memref<3x80x128xf32, #tpu.memory_space<vmem>> -> memref<1x80x128xf32, #tpu.memory_space<vmem>>
    %dma_wait3A_141 = tpu.memref_squeeze %dma_wait3A_140 : memref<1x80x128xf32, #tpu.memory_space<vmem>> -> memref<80x128xf32, #tpu.memory_space<vmem>>
    %dma_wait3A_142 = arith.constant 0 : i32
    %dma_wait3A_143 = tpu.memref_slice %arg12[%dma_wait3A_137, %dma_wait3A_142] : memref<3x80xi32, #tpu.memory_space<vmem>> -> memref<1x80xi32, #tpu.memory_space<vmem>>
    %dma_wait3A_144 = tpu.memref_squeeze %dma_wait3A_143 : memref<1x80xi32, #tpu.memory_space<vmem>> -> memref<80xi32, #tpu.memory_space<vmem>>
    %dma_wait3A_145 = arith.constant 0 : i32
    %dma_wait3A_146 = arith.constant 0 : i32
    %dma_wait3A_147 = tpu.memref_slice %arg15[%dma_wait3A_145, %dma_wait3A_146] : memref<10112x128xf32, #tpu.memory_space<vmem_shared>> -> memref<10112x128xf32, #tpu.memory_space<vmem_shared>>
    tpu.wait_indirect_dma semaphore(%arg21 : memref<!tpu.dma_semaphore, #tpu.memory_space<semaphore_mem>>) src(%dma_wait3A_141 : memref<80x128xf32, #tpu.memory_space<vmem>>) dst(%dma_wait3A_147 : memref<10112x128xf32, #tpu.memory_space<vmem_shared>>)
    %dma_wait3A_148 = arith.constant 0 : i32
    %dma_wait3A_149 = arith.constant 0 : i32
    %dma_wait3A_150 = arith.constant 0 : i32
    %dma_wait3A_151 = arith.constant 0 : i32
    %dma_wait3A_152 = tpu.memref_slice %arg13[%dma_wait3A_148, %dma_wait3A_150, %dma_wait3A_151] : memref<3x80x128xf32, #tpu.memory_space<vmem>> -> memref<1x80x128xf32, #tpu.memory_space<vmem>>
    %dma_wait3A_153 = tpu.memref_squeeze %dma_wait3A_152 : memref<1x80x128xf32, #tpu.memory_space<vmem>> -> memref<80x128xf32, #tpu.memory_space<vmem>>
    %dma_wait3A_154 = arith.constant 0 : i32
    %dma_wait3A_155 = tpu.memref_slice %arg12[%dma_wait3A_149, %dma_wait3A_154] : memref<3x80xi32, #tpu.memory_space<vmem>> -> memref<1x80xi32, #tpu.memory_space<vmem>>
    %dma_wait3A_156 = tpu.memref_squeeze %dma_wait3A_155 : memref<1x80xi32, #tpu.memory_space<vmem>> -> memref<80xi32, #tpu.memory_space<vmem>>
    %dma_wait3A_157 = arith.constant 0 : i32
    %dma_wait3A_158 = arith.constant 0 : i32
    %dma_wait3A_159 = tpu.memref_slice %arg15[%dma_wait3A_157, %dma_wait3A_158] : memref<10112x128xf32, #tpu.memory_space<vmem_shared>> -> memref<10112x128xf32, #tpu.memory_space<vmem_shared>>
    tpu.wait_indirect_dma semaphore(%arg19 : memref<!tpu.dma_semaphore, #tpu.memory_space<semaphore_mem>>) src(%dma_wait3A_153 : memref<80x128xf32, #tpu.memory_space<vmem>>) dst(%dma_wait3A_159 : memref<10112x128xf32, #tpu.memory_space<vmem_shared>>)
    %dma_wait3A_160 = arith.constant 1 : i32
    %dma_wait3A_161 = arith.constant 1 : i32
    %dma_wait3A_162 = arith.constant 0 : i32
    %dma_wait3A_163 = arith.constant 0 : i32
    %dma_wait3A_164 = tpu.memref_slice %arg13[%dma_wait3A_160, %dma_wait3A_162, %dma_wait3A_163] : memref<3x80x128xf32, #tpu.memory_space<vmem>> -> memref<1x80x128xf32, #tpu.memory_space<vmem>>
    %dma_wait3A_165 = tpu.memref_squeeze %dma_wait3A_164 : memref<1x80x128xf32, #tpu.memory_space<vmem>> -> memref<80x128xf32, #tpu.memory_space<vmem>>
    %dma_wait3A_166 = arith.constant 0 : i32
    %dma_wait3A_167 = tpu.memref_slice %arg12[%dma_wait3A_161, %dma_wait3A_166] : memref<3x80xi32, #tpu.memory_space<vmem>> -> memref<1x80xi32, #tpu.memory_space<vmem>>
    %dma_wait3A_168 = tpu.memref_squeeze %dma_wait3A_167 : memref<1x80xi32, #tpu.memory_space<vmem>> -> memref<80xi32, #tpu.memory_space<vmem>>
    %dma_wait3A_169 = arith.constant 0 : i32
    %dma_wait3A_170 = arith.constant 0 : i32
    %dma_wait3A_171 = tpu.memref_slice %arg15[%dma_wait3A_169, %dma_wait3A_170] : memref<10112x128xf32, #tpu.memory_space<vmem_shared>> -> memref<10112x128xf32, #tpu.memory_space<vmem_shared>>
    tpu.wait_indirect_dma semaphore(%arg20 : memref<!tpu.dma_semaphore, #tpu.memory_space<semaphore_mem>>) src(%dma_wait3A_165 : memref<80x128xf32, #tpu.memory_space<vmem>>) dst(%dma_wait3A_171 : memref<10112x128xf32, #tpu.memory_space<vmem_shared>>)
    %barrier3A_172 = arith.constant 0 : index
    tpu.barrier barrier_id(%barrier3A_172)
    %run_scoped3A = arith.constant 0 : i32
    "tpu.region"() ({
      %run_scoped3A_692 = tpu.sem_alloc : memref<!tpu.dma_semaphore, #tpu.memory_space<semaphore_mem>>
      %dma_start3A_693 = arith.constant 0 : i32
      %dma_start3A_694 = tpu.memref_slice %arg10[%arg0, %run_scoped3A, %mul3A_0, %dma_start3A_693] : memref<2x4x10112x128xf32, #tpu.memory_space<hbm>> -> memref<1x1x632x128xf32, #tpu.memory_space<hbm>>
      %dma_start3A_695 = tpu.memref_squeeze %dma_start3A_694 : memref<1x1x632x128xf32, #tpu.memory_space<hbm>> -> memref<632x128xf32, #tpu.memory_space<hbm>>
      %dma_start3A_696 = arith.constant 0 : i32
      %dma_start3A_697 = tpu.memref_slice %arg15[%mul3A_0, %dma_start3A_696] : memref<10112x128xf32, #tpu.memory_space<vmem_shared>> -> memref<632x128xf32, #tpu.memory_space<vmem_shared>>
      tpu.enqueue_dma source(%dma_start3A_697 : memref<632x128xf32, #tpu.memory_space<vmem_shared>>) target(%dma_start3A_695 : memref<632x128xf32, #tpu.memory_space<hbm>>) target_semaphore(%run_scoped3A_692 : memref<!tpu.dma_semaphore, #tpu.memory_space<semaphore_mem>>)
      %dma_wait3A_698 = arith.constant 0 : i32
      %dma_wait3A_699 = tpu.memref_slice %arg10[%arg0, %run_scoped3A, %mul3A_0, %dma_wait3A_698] : memref<2x4x10112x128xf32, #tpu.memory_space<hbm>> -> memref<1x1x632x128xf32, #tpu.memory_space<hbm>>
      %dma_wait3A_700 = tpu.memref_squeeze %dma_wait3A_699 : memref<1x1x632x128xf32, #tpu.memory_space<hbm>> -> memref<632x128xf32, #tpu.memory_space<hbm>>
      %dma_wait3A_701 = arith.constant 0 : i32
      %dma_wait3A_702 = tpu.memref_slice %arg15[%mul3A_0, %dma_wait3A_701] : memref<10112x128xf32, #tpu.memory_space<vmem_shared>> -> memref<632x128xf32, #tpu.memory_space<vmem_shared>>
      tpu.wait_dma2 semaphore(%run_scoped3A_692 : memref<!tpu.dma_semaphore, #tpu.memory_space<semaphore_mem>>) src(%dma_wait3A_702 : memref<632x128xf32, #tpu.memory_space<vmem_shared>>) dst(%dma_wait3A_700 : memref<632x128xf32, #tpu.memory_space<hbm>>)
      tpu.yield
    }) : () -> ()
    %add3A_173 = arith.constant 0 : i32
    %add3A_174 = arith.addi %mul3A_4, %add3A_173 : i32
    %dma_start3A_175 = arith.constant 0 : i32
    %dma_start3A_176 = arith.constant 0 : i32
    %dma_start3A_177 = tpu.memref_slice %arg12[%dma_start3A_175, %dma_start3A_176] : memref<3x80xi32, #tpu.memory_space<vmem>> -> memref<1x80xi32, #tpu.memory_space<vmem>>
    %dma_start3A_178 = tpu.memref_squeeze %dma_start3A_177 : memref<1x80xi32, #tpu.memory_space<vmem>> -> memref<80xi32, #tpu.memory_space<vmem>>
    %dma_start3A_179 = tpu.memref_slice %arg3[%add3A_174] : memref<320000xi32, #tpu.memory_space<hbm>> -> memref<80xi32, #tpu.memory_space<hbm>>
    %dma_start3A_180 = arith.constant 0 : i32
    %dma_start3A_181 = tpu.memref_slice %arg12[%dma_start3A_175, %dma_start3A_180] : memref<3x80xi32, #tpu.memory_space<vmem>> -> memref<1x80xi32, #tpu.memory_space<vmem>>
    %dma_start3A_182 = tpu.memref_squeeze %dma_start3A_181 : memref<1x80xi32, #tpu.memory_space<vmem>> -> memref<80xi32, #tpu.memory_space<vmem>>
    %dma_start3A_183 = tpu.memref_slice %arg3[%add3A_174] : memref<320000xi32, #tpu.memory_space<hbm>> -> memref<80xi32, #tpu.memory_space<hbm>>
    tpu.enqueue_dma source(%dma_start3A_183 : memref<80xi32, #tpu.memory_space<hbm>>) target(%dma_start3A_182 : memref<80xi32, #tpu.memory_space<vmem>>) target_semaphore(%arg22 : memref<!tpu.dma_semaphore, #tpu.memory_space<semaphore_mem>>)
    %dma_start3A_184 = arith.constant 0 : i32
    %dma_start3A_185 = arith.constant 0 : i32
    %dma_start3A_186 = arith.constant 0 : i32
    %dma_start3A_187 = tpu.memref_slice %arg13[%dma_start3A_184, %dma_start3A_185, %dma_start3A_186] : memref<3x80x128xf32, #tpu.memory_space<vmem>> -> memref<1x80x128xf32, #tpu.memory_space<vmem>>
    %dma_start3A_188 = tpu.memref_squeeze %dma_start3A_187 : memref<1x80x128xf32, #tpu.memory_space<vmem>> -> memref<80x128xf32, #tpu.memory_space<vmem>>
    %dma_start3A_189 = arith.constant 0 : i32
    %dma_start3A_190 = tpu.memref_slice %arg11[%dma_start3A_189] : memref<10000xi32, #tpu.memory_space<vmem>> -> memref<80xi32, #tpu.memory_space<vmem>>
    %dma_start3A_191 = arith.constant 0 : i32
    %dma_start3A_192 = arith.constant 0 : i32
    %dma_start3A_193 = tpu.memref_slice %arg5[%dma_start3A_191, %dma_start3A_192] : memref<10000x128xf32, #tpu.memory_space<hbm>> -> memref<10000x128xf32, #tpu.memory_space<hbm>>
    tpu.enqueue_indirect_dma source(%dma_start3A_193 : memref<10000x128xf32, #tpu.memory_space<hbm>>) target(%dma_start3A_188 : memref<80x128xf32, #tpu.memory_space<vmem>>) offsets(%dma_start3A_190 : memref<80xi32, #tpu.memory_space<vmem>>) semaphore(%arg16 : memref<!tpu.dma_semaphore, #tpu.memory_space<semaphore_mem>>)
    %add3A_194 = arith.constant 80 : i32
    %add3A_195 = arith.addi %mul3A_4, %add3A_194 : i32
    %dma_start3A_196 = arith.constant 1 : i32
    %dma_start3A_197 = arith.constant 0 : i32
    %dma_start3A_198 = tpu.memref_slice %arg12[%dma_start3A_196, %dma_start3A_197] : memref<3x80xi32, #tpu.memory_space<vmem>> -> memref<1x80xi32, #tpu.memory_space<vmem>>
    %dma_start3A_199 = tpu.memref_squeeze %dma_start3A_198 : memref<1x80xi32, #tpu.memory_space<vmem>> -> memref<80xi32, #tpu.memory_space<vmem>>
    %dma_start3A_200 = tpu.memref_slice %arg3[%add3A_195] : memref<320000xi32, #tpu.memory_space<hbm>> -> memref<80xi32, #tpu.memory_space<hbm>>
    %dma_start3A_201 = arith.constant 0 : i32
    %dma_start3A_202 = tpu.memref_slice %arg12[%dma_start3A_196, %dma_start3A_201] : memref<3x80xi32, #tpu.memory_space<vmem>> -> memref<1x80xi32, #tpu.memory_space<vmem>>
    %dma_start3A_203 = tpu.memref_squeeze %dma_start3A_202 : memref<1x80xi32, #tpu.memory_space<vmem>> -> memref<80xi32, #tpu.memory_space<vmem>>
    %dma_start3A_204 = tpu.memref_slice %arg3[%add3A_195] : memref<320000xi32, #tpu.memory_space<hbm>> -> memref<80xi32, #tpu.memory_space<hbm>>
    tpu.enqueue_dma source(%dma_start3A_204 : memref<80xi32, #tpu.memory_space<hbm>>) target(%dma_start3A_203 : memref<80xi32, #tpu.memory_space<vmem>>) target_semaphore(%arg23 : memref<!tpu.dma_semaphore, #tpu.memory_space<semaphore_mem>>)
    %dma_start3A_205 = arith.constant 1 : i32
    %dma_start3A_206 = arith.constant 0 : i32
    %dma_start3A_207 = arith.constant 0 : i32
    %dma_start3A_208 = tpu.memref_slice %arg13[%dma_start3A_205, %dma_start3A_206, %dma_start3A_207] : memref<3x80x128xf32, #tpu.memory_space<vmem>> -> memref<1x80x128xf32, #tpu.memory_space<vmem>>
    %dma_start3A_209 = tpu.memref_squeeze %dma_start3A_208 : memref<1x80x128xf32, #tpu.memory_space<vmem>> -> memref<80x128xf32, #tpu.memory_space<vmem>>
    %dma_start3A_210 = arith.constant 80 : i32
    %dma_start3A_211 = tpu.memref_slice %arg11[%dma_start3A_210] : memref<10000xi32, #tpu.memory_space<vmem>> -> memref<80xi32, #tpu.memory_space<vmem>>
    %dma_start3A_212 = arith.constant 0 : i32
    %dma_start3A_213 = arith.constant 0 : i32
    %dma_start3A_214 = tpu.memref_slice %arg5[%dma_start3A_212, %dma_start3A_213] : memref<10000x128xf32, #tpu.memory_space<hbm>> -> memref<10000x128xf32, #tpu.memory_space<hbm>>
    tpu.enqueue_indirect_dma source(%dma_start3A_214 : memref<10000x128xf32, #tpu.memory_space<hbm>>) target(%dma_start3A_209 : memref<80x128xf32, #tpu.memory_space<vmem>>) offsets(%dma_start3A_211 : memref<80xi32, #tpu.memory_space<vmem>>) semaphore(%arg17 : memref<!tpu.dma_semaphore, #tpu.memory_space<semaphore_mem>>)
    "tpu.region"() ({
      %run_scoped3A_692 = tpu.sem_alloc : memref<!tpu.dma_semaphore, #tpu.memory_space<semaphore_mem>>
      %dma_start3A_693 = arith.constant 0 : i32
      %dma_start3A_694 = tpu.memref_slice %arg15[%mul3A_0, %dma_start3A_693] : memref<10112x128xf32, #tpu.memory_space<vmem_shared>> -> memref<632x128xf32, #tpu.memory_space<vmem_shared>>
      tpu.enqueue_dma source(%arg8 : memref<632x128xf32, #tpu.memory_space<hbm>>) target(%dma_start3A_694 : memref<632x128xf32, #tpu.memory_space<vmem_shared>>) target_semaphore(%run_scoped3A_692 : memref<!tpu.dma_semaphore, #tpu.memory_space<semaphore_mem>>)
      %dma_wait3A_695 = arith.constant 0 : i32
      %dma_wait3A_696 = tpu.memref_slice %arg15[%mul3A_0, %dma_wait3A_695] : memref<10112x128xf32, #tpu.memory_space<vmem_shared>> -> memref<632x128xf32, #tpu.memory_space<vmem_shared>>
      tpu.wait_dma2 semaphore(%run_scoped3A_692 : memref<!tpu.dma_semaphore, #tpu.memory_space<semaphore_mem>>) src(%arg8 : memref<632x128xf32, #tpu.memory_space<hbm>>) dst(%dma_wait3A_696 : memref<632x128xf32, #tpu.memory_space<vmem_shared>>)
      tpu.yield
    }) : () -> ()
    %barrier3A_215 = arith.constant 0 : index
    tpu.barrier barrier_id(%barrier3A_215)
    %dma_wait3A_216 = arith.constant 0 : i32
    %dma_wait3A_217 = arith.constant 0 : i32
    %dma_wait3A_218 = arith.constant 0 : i32
    %dma_wait3A_219 = tpu.memref_slice %arg13[%dma_wait3A_216, %dma_wait3A_217, %dma_wait3A_218] : memref<3x80x128xf32, #tpu.memory_space<vmem>> -> memref<1x80x128xf32, #tpu.memory_space<vmem>>
    %dma_wait3A_220 = tpu.memref_squeeze %dma_wait3A_219 : memref<1x80x128xf32, #tpu.memory_space<vmem>> -> memref<80x128xf32, #tpu.memory_space<vmem>>
    %dma_wait3A_221 = arith.constant 0 : i32
    %dma_wait3A_222 = tpu.memref_slice %arg11[%dma_wait3A_221] : memref<10000xi32, #tpu.memory_space<vmem>> -> memref<80xi32, #tpu.memory_space<vmem>>
    %dma_wait3A_223 = arith.constant 0 : i32
    %dma_wait3A_224 = arith.constant 0 : i32
    %dma_wait3A_225 = tpu.memref_slice %arg5[%dma_wait3A_223, %dma_wait3A_224] : memref<10000x128xf32, #tpu.memory_space<hbm>> -> memref<10000x128xf32, #tpu.memory_space<hbm>>
    tpu.wait_indirect_dma semaphore(%arg16 : memref<!tpu.dma_semaphore, #tpu.memory_space<semaphore_mem>>) src(%dma_wait3A_225 : memref<10000x128xf32, #tpu.memory_space<hbm>>) dst(%dma_wait3A_220 : memref<80x128xf32, #tpu.memory_space<vmem>>)
    %add3A_226 = arith.constant 0 : i32
    %add3A_227 = arith.addi %mul3A_4, %add3A_226 : i32
    %dma_wait3A_228 = arith.constant 0 : i32
    %dma_wait3A_229 = arith.constant 0 : i32
    %dma_wait3A_230 = tpu.memref_slice %arg12[%dma_wait3A_228, %dma_wait3A_229] : memref<3x80xi32, #tpu.memory_space<vmem>> -> memref<1x80xi32, #tpu.memory_space<vmem>>
    %dma_wait3A_231 = tpu.memref_squeeze %dma_wait3A_230 : memref<1x80xi32, #tpu.memory_space<vmem>> -> memref<80xi32, #tpu.memory_space<vmem>>
    %dma_wait3A_232 = tpu.memref_slice %arg3[%add3A_227] : memref<320000xi32, #tpu.memory_space<hbm>> -> memref<80xi32, #tpu.memory_space<hbm>>
    %dma_wait3A_233 = arith.constant 0 : i32
    %dma_wait3A_234 = tpu.memref_slice %arg12[%dma_wait3A_228, %dma_wait3A_233] : memref<3x80xi32, #tpu.memory_space<vmem>> -> memref<1x80xi32, #tpu.memory_space<vmem>>
    %dma_wait3A_235 = tpu.memref_squeeze %dma_wait3A_234 : memref<1x80xi32, #tpu.memory_space<vmem>> -> memref<80xi32, #tpu.memory_space<vmem>>
    %dma_wait3A_236 = tpu.memref_slice %arg3[%add3A_227] : memref<320000xi32, #tpu.memory_space<hbm>> -> memref<80xi32, #tpu.memory_space<hbm>>
    tpu.wait_dma2 semaphore(%arg22 : memref<!tpu.dma_semaphore, #tpu.memory_space<semaphore_mem>>) src(%dma_wait3A_236 : memref<80xi32, #tpu.memory_space<hbm>>) dst(%dma_wait3A_235 : memref<80xi32, #tpu.memory_space<vmem>>)
    %dma_start3A_237 = arith.constant 0 : i32
    %dma_start3A_238 = arith.constant 0 : i32
    %dma_start3A_239 = arith.constant 0 : i32
    %dma_start3A_240 = arith.constant 0 : i32
    %dma_start3A_241 = tpu.memref_slice %arg13[%dma_start3A_237, %dma_start3A_239, %dma_start3A_240] : memref<3x80x128xf32, #tpu.memory_space<vmem>> -> memref<1x80x128xf32, #tpu.memory_space<vmem>>
    %dma_start3A_242 = tpu.memref_squeeze %dma_start3A_241 : memref<1x80x128xf32, #tpu.memory_space<vmem>> -> memref<80x128xf32, #tpu.memory_space<vmem>>
    %dma_start3A_243 = arith.constant 0 : i32
    %dma_start3A_244 = tpu.memref_slice %arg12[%dma_start3A_238, %dma_start3A_243] : memref<3x80xi32, #tpu.memory_space<vmem>> -> memref<1x80xi32, #tpu.memory_space<vmem>>
    %dma_start3A_245 = tpu.memref_squeeze %dma_start3A_244 : memref<1x80xi32, #tpu.memory_space<vmem>> -> memref<80xi32, #tpu.memory_space<vmem>>
    %dma_start3A_246 = arith.constant 0 : i32
    %dma_start3A_247 = arith.constant 0 : i32
    %dma_start3A_248 = tpu.memref_slice %arg15[%dma_start3A_246, %dma_start3A_247] : memref<10112x128xf32, #tpu.memory_space<vmem_shared>> -> memref<10112x128xf32, #tpu.memory_space<vmem_shared>>
    tpu.enqueue_indirect_dma source(%dma_start3A_242 : memref<80x128xf32, #tpu.memory_space<vmem>>) target(%dma_start3A_248 : memref<10112x128xf32, #tpu.memory_space<vmem_shared>>) offsets(%dma_start3A_245 : memref<80xi32, #tpu.memory_space<vmem>>) semaphore(%arg19 : memref<!tpu.dma_semaphore, #tpu.memory_space<semaphore_mem>>) {add = true}
    %add3A_249 = arith.constant 160 : i32
    %add3A_250 = arith.addi %mul3A_4, %add3A_249 : i32
    %dma_start3A_251 = arith.constant 2 : i32
    %dma_start3A_252 = arith.constant 0 : i32
    %dma_start3A_253 = tpu.memref_slice %arg12[%dma_start3A_251, %dma_start3A_252] : memref<3x80xi32, #tpu.memory_space<vmem>> -> memref<1x80xi32, #tpu.memory_space<vmem>>
    %dma_start3A_254 = tpu.memref_squeeze %dma_start3A_253 : memref<1x80xi32, #tpu.memory_space<vmem>> -> memref<80xi32, #tpu.memory_space<vmem>>
    %dma_start3A_255 = tpu.memref_slice %arg3[%add3A_250] : memref<320000xi32, #tpu.memory_space<hbm>> -> memref<80xi32, #tpu.memory_space<hbm>>
    %dma_start3A_256 = arith.constant 0 : i32
    %dma_start3A_257 = tpu.memref_slice %arg12[%dma_start3A_251, %dma_start3A_256] : memref<3x80xi32, #tpu.memory_space<vmem>> -> memref<1x80xi32, #tpu.memory_space<vmem>>
    %dma_start3A_258 = tpu.memref_squeeze %dma_start3A_257 : memref<1x80xi32, #tpu.memory_space<vmem>> -> memref<80xi32, #tpu.memory_space<vmem>>
    %dma_start3A_259 = tpu.memref_slice %arg3[%add3A_250] : memref<320000xi32, #tpu.memory_space<hbm>> -> memref<80xi32, #tpu.memory_space<hbm>>
    tpu.enqueue_dma source(%dma_start3A_259 : memref<80xi32, #tpu.memory_space<hbm>>) target(%dma_start3A_258 : memref<80xi32, #tpu.memory_space<vmem>>) target_semaphore(%arg24 : memref<!tpu.dma_semaphore, #tpu.memory_space<semaphore_mem>>)
    %dma_start3A_260 = arith.constant 2 : i32
    %dma_start3A_261 = arith.constant 0 : i32
    %dma_start3A_262 = arith.constant 0 : i32
    %dma_start3A_263 = tpu.memref_slice %arg13[%dma_start3A_260, %dma_start3A_261, %dma_start3A_262] : memref<3x80x128xf32, #tpu.memory_space<vmem>> -> memref<1x80x128xf32, #tpu.memory_space<vmem>>
    %dma_start3A_264 = tpu.memref_squeeze %dma_start3A_263 : memref<1x80x128xf32, #tpu.memory_space<vmem>> -> memref<80x128xf32, #tpu.memory_space<vmem>>
    %dma_start3A_265 = arith.constant 160 : i32
    %dma_start3A_266 = tpu.memref_slice %arg11[%dma_start3A_265] : memref<10000xi32, #tpu.memory_space<vmem>> -> memref<80xi32, #tpu.memory_space<vmem>>
    %dma_start3A_267 = arith.constant 0 : i32
    %dma_start3A_268 = arith.constant 0 : i32
    %dma_start3A_269 = tpu.memref_slice %arg5[%dma_start3A_267, %dma_start3A_268] : memref<10000x128xf32, #tpu.memory_space<hbm>> -> memref<10000x128xf32, #tpu.memory_space<hbm>>
    tpu.enqueue_indirect_dma source(%dma_start3A_269 : memref<10000x128xf32, #tpu.memory_space<hbm>>) target(%dma_start3A_264 : memref<80x128xf32, #tpu.memory_space<vmem>>) offsets(%dma_start3A_266 : memref<80xi32, #tpu.memory_space<vmem>>) semaphore(%arg18 : memref<!tpu.dma_semaphore, #tpu.memory_space<semaphore_mem>>)
    %scan3A_270 = arith.constant 0 : i32
    %scan3A_271 = arith.constant 41 : i32
    %scan3A_272 = arith.addi %scan3A_270, %scan3A_271 : i32
    %scan3A_273 = arith.constant 1 : i32
    scf.for %scan3A_692 = %scan3A_270 to %scan3A_272 step %scan3A_273  : i32 {
      %mul3A_693 = arith.constant 3 : i32
      %mul3A_694 = arith.muli %mul3A_693, %scan3A_692 : i32
      %add3A_695 = arith.constant 1 : i32
      %add3A_696 = arith.addi %mul3A_694, %add3A_695 : i32
      %mul3A_697 = arith.constant 80 : i32
      %mul3A_698 = arith.muli %add3A_696, %mul3A_697 : i32
      %dma_wait3A_699 = arith.constant 1 : i32
      %dma_wait3A_700 = arith.constant 0 : i32
      %dma_wait3A_701 = arith.constant 0 : i32
      %dma_wait3A_702 = tpu.memref_slice %arg13[%dma_wait3A_699, %dma_wait3A_700, %dma_wait3A_701] : memref<3x80x128xf32, #tpu.memory_space<vmem>> -> memref<1x80x128xf32, #tpu.memory_space<vmem>>
      %dma_wait3A_703 = tpu.memref_squeeze %dma_wait3A_702 : memref<1x80x128xf32, #tpu.memory_space<vmem>> -> memref<80x128xf32, #tpu.memory_space<vmem>>
      %dma_wait3A_704 = tpu.memref_slice %arg11[%mul3A_698] : memref<10000xi32, #tpu.memory_space<vmem>> -> memref<80xi32, #tpu.memory_space<vmem>>
      %dma_wait3A_705 = arith.constant 0 : i32
      %dma_wait3A_706 = arith.constant 0 : i32
      %dma_wait3A_707 = tpu.memref_slice %arg5[%dma_wait3A_705, %dma_wait3A_706] : memref<10000x128xf32, #tpu.memory_space<hbm>> -> memref<10000x128xf32, #tpu.memory_space<hbm>>
      tpu.wait_indirect_dma semaphore(%arg17 : memref<!tpu.dma_semaphore, #tpu.memory_space<semaphore_mem>>) src(%dma_wait3A_707 : memref<10000x128xf32, #tpu.memory_space<hbm>>) dst(%dma_wait3A_703 : memref<80x128xf32, #tpu.memory_space<vmem>>)
      %mul3A_708 = arith.constant 80 : i32
      %mul3A_709 = arith.muli %add3A_696, %mul3A_708 : i32
      %add3A_710 = arith.addi %mul3A_4, %mul3A_709 : i32
      %dma_wait3A_711 = arith.constant 1 : i32
      %dma_wait3A_712 = arith.constant 0 : i32
      %dma_wait3A_713 = tpu.memref_slice %arg12[%dma_wait3A_711, %dma_wait3A_712] : memref<3x80xi32, #tpu.memory_space<vmem>> -> memref<1x80xi32, #tpu.memory_space<vmem>>
      %dma_wait3A_714 = tpu.memref_squeeze %dma_wait3A_713 : memref<1x80xi32, #tpu.memory_space<vmem>> -> memref<80xi32, #tpu.memory_space<vmem>>
      %dma_wait3A_715 = tpu.memref_slice %arg3[%add3A_710] : memref<320000xi32, #tpu.memory_space<hbm>> -> memref<80xi32, #tpu.memory_space<hbm>>
      %dma_wait3A_716 = arith.constant 0 : i32
      %dma_wait3A_717 = tpu.memref_slice %arg12[%dma_wait3A_711, %dma_wait3A_716] : memref<3x80xi32, #tpu.memory_space<vmem>> -> memref<1x80xi32, #tpu.memory_space<vmem>>
      %dma_wait3A_718 = tpu.memref_squeeze %dma_wait3A_717 : memref<1x80xi32, #tpu.memory_space<vmem>> -> memref<80xi32, #tpu.memory_space<vmem>>
      %dma_wait3A_719 = tpu.memref_slice %arg3[%add3A_710] : memref<320000xi32, #tpu.memory_space<hbm>> -> memref<80xi32, #tpu.memory_space<hbm>>
      tpu.wait_dma2 semaphore(%arg23 : memref<!tpu.dma_semaphore, #tpu.memory_space<semaphore_mem>>) src(%dma_wait3A_719 : memref<80xi32, #tpu.memory_space<hbm>>) dst(%dma_wait3A_718 : memref<80xi32, #tpu.memory_space<vmem>>)
      %dma_start3A_720 = arith.constant 1 : i32
      %dma_start3A_721 = arith.constant 1 : i32
      %dma_start3A_722 = arith.constant 0 : i32
      %dma_start3A_723 = arith.constant 0 : i32
      %dma_start3A_724 = tpu.memref_slice %arg13[%dma_start3A_720, %dma_start3A_722, %dma_start3A_723] : memref<3x80x128xf32, #tpu.memory_space<vmem>> -> memref<1x80x128xf32, #tpu.memory_space<vmem>>
      %dma_start3A_725 = tpu.memref_squeeze %dma_start3A_724 : memref<1x80x128xf32, #tpu.memory_space<vmem>> -> memref<80x128xf32, #tpu.memory_space<vmem>>
      %dma_start3A_726 = arith.constant 0 : i32
      %dma_start3A_727 = tpu.memref_slice %arg12[%dma_start3A_721, %dma_start3A_726] : memref<3x80xi32, #tpu.memory_space<vmem>> -> memref<1x80xi32, #tpu.memory_space<vmem>>
      %dma_start3A_728 = tpu.memref_squeeze %dma_start3A_727 : memref<1x80xi32, #tpu.memory_space<vmem>> -> memref<80xi32, #tpu.memory_space<vmem>>
      %dma_start3A_729 = arith.constant 0 : i32
      %dma_start3A_730 = arith.constant 0 : i32
      %dma_start3A_731 = tpu.memref_slice %arg15[%dma_start3A_729, %dma_start3A_730] : memref<10112x128xf32, #tpu.memory_space<vmem_shared>> -> memref<10112x128xf32, #tpu.memory_space<vmem_shared>>
      tpu.enqueue_indirect_dma source(%dma_start3A_725 : memref<80x128xf32, #tpu.memory_space<vmem>>) target(%dma_start3A_731 : memref<10112x128xf32, #tpu.memory_space<vmem_shared>>) offsets(%dma_start3A_728 : memref<80xi32, #tpu.memory_space<vmem>>) semaphore(%arg20 : memref<!tpu.dma_semaphore, #tpu.memory_space<semaphore_mem>>) {add = true}
      %add3A_732 = arith.constant 2 : i32
      %add3A_733 = arith.addi %add3A_696, %add3A_732 : i32
      %lt3A = arith.constant 125 : i32
      %lt3A_734 = arith.cmpi slt, %add3A_733, %lt3A : i32
      %convert_element_type3A = arith.extui %lt3A_734 : i1 to i32
      %cond3A = arith.constant 0 : i32
      %cond3A_735 = arith.cmpi ne, %convert_element_type3A, %cond3A : i32
      scf.if %cond3A_735 {
        %dma_wait3A_824 = arith.constant 0 : i32
        %dma_wait3A_825 = arith.constant 0 : i32
        %dma_wait3A_826 = arith.constant 0 : i32
        %dma_wait3A_827 = arith.constant 0 : i32
        %dma_wait3A_828 = tpu.memref_slice %arg13[%dma_wait3A_824, %dma_wait3A_826, %dma_wait3A_827] : memref<3x80x128xf32, #tpu.memory_space<vmem>> -> memref<1x80x128xf32, #tpu.memory_space<vmem>>
        %dma_wait3A_829 = tpu.memref_squeeze %dma_wait3A_828 : memref<1x80x128xf32, #tpu.memory_space<vmem>> -> memref<80x128xf32, #tpu.memory_space<vmem>>
        %dma_wait3A_830 = arith.constant 0 : i32
        %dma_wait3A_831 = tpu.memref_slice %arg12[%dma_wait3A_825, %dma_wait3A_830] : memref<3x80xi32, #tpu.memory_space<vmem>> -> memref<1x80xi32, #tpu.memory_space<vmem>>
        %dma_wait3A_832 = tpu.memref_squeeze %dma_wait3A_831 : memref<1x80xi32, #tpu.memory_space<vmem>> -> memref<80xi32, #tpu.memory_space<vmem>>
        %dma_wait3A_833 = arith.constant 0 : i32
        %dma_wait3A_834 = arith.constant 0 : i32
        %dma_wait3A_835 = tpu.memref_slice %arg15[%dma_wait3A_833, %dma_wait3A_834] : memref<10112x128xf32, #tpu.memory_space<vmem_shared>> -> memref<10112x128xf32, #tpu.memory_space<vmem_shared>>
        tpu.wait_indirect_dma semaphore(%arg19 : memref<!tpu.dma_semaphore, #tpu.memory_space<semaphore_mem>>) src(%dma_wait3A_829 : memref<80x128xf32, #tpu.memory_space<vmem>>) dst(%dma_wait3A_835 : memref<10112x128xf32, #tpu.memory_space<vmem_shared>>)
        %add3A_836 = arith.constant 2 : i32
        %add3A_837 = arith.addi %add3A_696, %add3A_836 : i32
        %mul3A_838 = arith.constant 80 : i32
        %mul3A_839 = arith.muli %add3A_837, %mul3A_838 : i32
        %add3A_840 = arith.addi %mul3A_4, %mul3A_839 : i32
        %dma_start3A_841 = arith.constant 0 : i32
        %dma_start3A_842 = arith.constant 0 : i32
        %dma_start3A_843 = tpu.memref_slice %arg12[%dma_start3A_841, %dma_start3A_842] : memref<3x80xi32, #tpu.memory_space<vmem>> -> memref<1x80xi32, #tpu.memory_space<vmem>>
        %dma_start3A_844 = tpu.memref_squeeze %dma_start3A_843 : memref<1x80xi32, #tpu.memory_space<vmem>> -> memref<80xi32, #tpu.memory_space<vmem>>
        %dma_start3A_845 = tpu.memref_slice %arg3[%add3A_840] : memref<320000xi32, #tpu.memory_space<hbm>> -> memref<80xi32, #tpu.memory_space<hbm>>
        %dma_start3A_846 = arith.constant 0 : i32
        %dma_start3A_847 = tpu.memref_slice %arg12[%dma_start3A_841, %dma_start3A_846] : memref<3x80xi32, #tpu.memory_space<vmem>> -> memref<1x80xi32, #tpu.memory_space<vmem>>
        %dma_start3A_848 = tpu.memref_squeeze %dma_start3A_847 : memref<1x80xi32, #tpu.memory_space<vmem>> -> memref<80xi32, #tpu.memory_space<vmem>>
        %dma_start3A_849 = tpu.memref_slice %arg3[%add3A_840] : memref<320000xi32, #tpu.memory_space<hbm>> -> memref<80xi32, #tpu.memory_space<hbm>>
        tpu.enqueue_dma source(%dma_start3A_849 : memref<80xi32, #tpu.memory_space<hbm>>) target(%dma_start3A_848 : memref<80xi32, #tpu.memory_space<vmem>>) target_semaphore(%arg22 : memref<!tpu.dma_semaphore, #tpu.memory_space<semaphore_mem>>)
        %add3A_850 = arith.constant 2 : i32
        %add3A_851 = arith.addi %add3A_696, %add3A_850 : i32
        %mul3A_852 = arith.constant 80 : i32
        %mul3A_853 = arith.muli %add3A_851, %mul3A_852 : i32
        %dma_start3A_854 = arith.constant 0 : i32
        %dma_start3A_855 = arith.constant 0 : i32
        %dma_start3A_856 = arith.constant 0 : i32
        %dma_start3A_857 = tpu.memref_slice %arg13[%dma_start3A_854, %dma_start3A_855, %dma_start3A_856] : memref<3x80x128xf32, #tpu.memory_space<vmem>> -> memref<1x80x128xf32, #tpu.memory_space<vmem>>
        %dma_start3A_858 = tpu.memref_squeeze %dma_start3A_857 : memref<1x80x128xf32, #tpu.memory_space<vmem>> -> memref<80x128xf32, #tpu.memory_space<vmem>>
        %dma_start3A_859 = tpu.memref_slice %arg11[%mul3A_853] : memref<10000xi32, #tpu.memory_space<vmem>> -> memref<80xi32, #tpu.memory_space<vmem>>
        %dma_start3A_860 = arith.constant 0 : i32
        %dma_start3A_861 = arith.constant 0 : i32
        %dma_start3A_862 = tpu.memref_slice %arg5[%dma_start3A_860, %dma_start3A_861] : memref<10000x128xf32, #tpu.memory_space<hbm>> -> memref<10000x128xf32, #tpu.memory_space<hbm>>
        tpu.enqueue_indirect_dma source(%dma_start3A_862 : memref<10000x128xf32, #tpu.memory_space<hbm>>) target(%dma_start3A_858 : memref<80x128xf32, #tpu.memory_space<vmem>>) offsets(%dma_start3A_859 : memref<80xi32, #tpu.memory_space<vmem>>) semaphore(%arg16 : memref<!tpu.dma_semaphore, #tpu.memory_space<semaphore_mem>>)
      } else {
      }
      %add3A_736 = arith.constant 1 : i32
      %add3A_737 = arith.addi %add3A_696, %add3A_736 : i32
      %mul3A_738 = arith.constant 80 : i32
      %mul3A_739 = arith.muli %add3A_737, %mul3A_738 : i32
      %dma_wait3A_740 = arith.constant 2 : i32
      %dma_wait3A_741 = arith.constant 0 : i32
      %dma_wait3A_742 = arith.constant 0 : i32
      %dma_wait3A_743 = tpu.memref_slice %arg13[%dma_wait3A_740, %dma_wait3A_741, %dma_wait3A_742] : memref<3x80x128xf32, #tpu.memory_space<vmem>> -> memref<1x80x128xf32, #tpu.memory_space<vmem>>
      %dma_wait3A_744 = tpu.memref_squeeze %dma_wait3A_743 : memref<1x80x128xf32, #tpu.memory_space<vmem>> -> memref<80x128xf32, #tpu.memory_space<vmem>>
      %dma_wait3A_745 = tpu.memref_slice %arg11[%mul3A_739] : memref<10000xi32, #tpu.memory_space<vmem>> -> memref<80xi32, #tpu.memory_space<vmem>>
      %dma_wait3A_746 = arith.constant 0 : i32
      %dma_wait3A_747 = arith.constant 0 : i32
      %dma_wait3A_748 = tpu.memref_slice %arg5[%dma_wait3A_746, %dma_wait3A_747] : memref<10000x128xf32, #tpu.memory_space<hbm>> -> memref<10000x128xf32, #tpu.memory_space<hbm>>
      tpu.wait_indirect_dma semaphore(%arg18 : memref<!tpu.dma_semaphore, #tpu.memory_space<semaphore_mem>>) src(%dma_wait3A_748 : memref<10000x128xf32, #tpu.memory_space<hbm>>) dst(%dma_wait3A_744 : memref<80x128xf32, #tpu.memory_space<vmem>>)
      %mul3A_749 = arith.constant 80 : i32
      %mul3A_750 = arith.muli %add3A_737, %mul3A_749 : i32
      %add3A_751 = arith.addi %mul3A_4, %mul3A_750 : i32
      %dma_wait3A_752 = arith.constant 2 : i32
      %dma_wait3A_753 = arith.constant 0 : i32
      %dma_wait3A_754 = tpu.memref_slice %arg12[%dma_wait3A_752, %dma_wait3A_753] : memref<3x80xi32, #tpu.memory_space<vmem>> -> memref<1x80xi32, #tpu.memory_space<vmem>>
      %dma_wait3A_755 = tpu.memref_squeeze %dma_wait3A_754 : memref<1x80xi32, #tpu.memory_space<vmem>> -> memref<80xi32, #tpu.memory_space<vmem>>
      %dma_wait3A_756 = tpu.memref_slice %arg3[%add3A_751] : memref<320000xi32, #tpu.memory_space<hbm>> -> memref<80xi32, #tpu.memory_space<hbm>>
      %dma_wait3A_757 = arith.constant 0 : i32
      %dma_wait3A_758 = tpu.memref_slice %arg12[%dma_wait3A_752, %dma_wait3A_757] : memref<3x80xi32, #tpu.memory_space<vmem>> -> memref<1x80xi32, #tpu.memory_space<vmem>>
      %dma_wait3A_759 = tpu.memref_squeeze %dma_wait3A_758 : memref<1x80xi32, #tpu.memory_space<vmem>> -> memref<80xi32, #tpu.memory_space<vmem>>
      %dma_wait3A_760 = tpu.memref_slice %arg3[%add3A_751] : memref<320000xi32, #tpu.memory_space<hbm>> -> memref<80xi32, #tpu.memory_space<hbm>>
      tpu.wait_dma2 semaphore(%arg24 : memref<!tpu.dma_semaphore, #tpu.memory_space<semaphore_mem>>) src(%dma_wait3A_760 : memref<80xi32, #tpu.memory_space<hbm>>) dst(%dma_wait3A_759 : memref<80xi32, #tpu.memory_space<vmem>>)
      %dma_start3A_761 = arith.constant 2 : i32
      %dma_start3A_762 = arith.constant 2 : i32
      %dma_start3A_763 = arith.constant 0 : i32
      %dma_start3A_764 = arith.constant 0 : i32
      %dma_start3A_765 = tpu.memref_slice %arg13[%dma_start3A_761, %dma_start3A_763, %dma_start3A_764] : memref<3x80x128xf32, #tpu.memory_space<vmem>> -> memref<1x80x128xf32, #tpu.memory_space<vmem>>
      %dma_start3A_766 = tpu.memref_squeeze %dma_start3A_765 : memref<1x80x128xf32, #tpu.memory_space<vmem>> -> memref<80x128xf32, #tpu.memory_space<vmem>>
      %dma_start3A_767 = arith.constant 0 : i32
      %dma_start3A_768 = tpu.memref_slice %arg12[%dma_start3A_762, %dma_start3A_767] : memref<3x80xi32, #tpu.memory_space<vmem>> -> memref<1x80xi32, #tpu.memory_space<vmem>>
      %dma_start3A_769 = tpu.memref_squeeze %dma_start3A_768 : memref<1x80xi32, #tpu.memory_space<vmem>> -> memref<80xi32, #tpu.memory_space<vmem>>
      %dma_start3A_770 = arith.constant 0 : i32
      %dma_start3A_771 = arith.constant 0 : i32
      %dma_start3A_772 = tpu.memref_slice %arg15[%dma_start3A_770, %dma_start3A_771] : memref<10112x128xf32, #tpu.memory_space<vmem_shared>> -> memref<10112x128xf32, #tpu.memory_space<vmem_shared>>
      tpu.enqueue_indirect_dma source(%dma_start3A_766 : memref<80x128xf32, #tpu.memory_space<vmem>>) target(%dma_start3A_772 : memref<10112x128xf32, #tpu.memory_space<vmem_shared>>) offsets(%dma_start3A_769 : memref<80xi32, #tpu.memory_space<vmem>>) semaphore(%arg21 : memref<!tpu.dma_semaphore, #tpu.memory_space<semaphore_mem>>) {add = true}
      %add3A_773 = arith.constant 2 : i32
      %add3A_774 = arith.addi %add3A_737, %add3A_773 : i32
      %lt3A_775 = arith.constant 125 : i32
      %lt3A_776 = arith.cmpi slt, %add3A_774, %lt3A_775 : i32
      %convert_element_type3A_777 = arith.extui %lt3A_776 : i1 to i32
      %cond3A_778 = arith.constant 0 : i32
      %cond3A_779 = arith.cmpi ne, %convert_element_type3A_777, %cond3A_778 : i32
      scf.if %cond3A_779 {
        %dma_wait3A_824 = arith.constant 1 : i32
        %dma_wait3A_825 = arith.constant 1 : i32
        %dma_wait3A_826 = arith.constant 0 : i32
        %dma_wait3A_827 = arith.constant 0 : i32
        %dma_wait3A_828 = tpu.memref_slice %arg13[%dma_wait3A_824, %dma_wait3A_826, %dma_wait3A_827] : memref<3x80x128xf32, #tpu.memory_space<vmem>> -> memref<1x80x128xf32, #tpu.memory_space<vmem>>
        %dma_wait3A_829 = tpu.memref_squeeze %dma_wait3A_828 : memref<1x80x128xf32, #tpu.memory_space<vmem>> -> memref<80x128xf32, #tpu.memory_space<vmem>>
        %dma_wait3A_830 = arith.constant 0 : i32
        %dma_wait3A_831 = tpu.memref_slice %arg12[%dma_wait3A_825, %dma_wait3A_830] : memref<3x80xi32, #tpu.memory_space<vmem>> -> memref<1x80xi32, #tpu.memory_space<vmem>>
        %dma_wait3A_832 = tpu.memref_squeeze %dma_wait3A_831 : memref<1x80xi32, #tpu.memory_space<vmem>> -> memref<80xi32, #tpu.memory_space<vmem>>
        %dma_wait3A_833 = arith.constant 0 : i32
        %dma_wait3A_834 = arith.constant 0 : i32
        %dma_wait3A_835 = tpu.memref_slice %arg15[%dma_wait3A_833, %dma_wait3A_834] : memref<10112x128xf32, #tpu.memory_space<vmem_shared>> -> memref<10112x128xf32, #tpu.memory_space<vmem_shared>>
        tpu.wait_indirect_dma semaphore(%arg20 : memref<!tpu.dma_semaphore, #tpu.memory_space<semaphore_mem>>) src(%dma_wait3A_829 : memref<80x128xf32, #tpu.memory_space<vmem>>) dst(%dma_wait3A_835 : memref<10112x128xf32, #tpu.memory_space<vmem_shared>>)
        %add3A_836 = arith.constant 2 : i32
        %add3A_837 = arith.addi %add3A_737, %add3A_836 : i32
        %mul3A_838 = arith.constant 80 : i32
        %mul3A_839 = arith.muli %add3A_837, %mul3A_838 : i32
        %add3A_840 = arith.addi %mul3A_4, %mul3A_839 : i32
        %dma_start3A_841 = arith.constant 1 : i32
        %dma_start3A_842 = arith.constant 0 : i32
        %dma_start3A_843 = tpu.memref_slice %arg12[%dma_start3A_841, %dma_start3A_842] : memref<3x80xi32, #tpu.memory_space<vmem>> -> memref<1x80xi32, #tpu.memory_space<vmem>>
        %dma_start3A_844 = tpu.memref_squeeze %dma_start3A_843 : memref<1x80xi32, #tpu.memory_space<vmem>> -> memref<80xi32, #tpu.memory_space<vmem>>
        %dma_start3A_845 = tpu.memref_slice %arg3[%add3A_840] : memref<320000xi32, #tpu.memory_space<hbm>> -> memref<80xi32, #tpu.memory_space<hbm>>
        %dma_start3A_846 = arith.constant 0 : i32
        %dma_start3A_847 = tpu.memref_slice %arg12[%dma_start3A_841, %dma_start3A_846] : memref<3x80xi32, #tpu.memory_space<vmem>> -> memref<1x80xi32, #tpu.memory_space<vmem>>
        %dma_start3A_848 = tpu.memref_squeeze %dma_start3A_847 : memref<1x80xi32, #tpu.memory_space<vmem>> -> memref<80xi32, #tpu.memory_space<vmem>>
        %dma_start3A_849 = tpu.memref_slice %arg3[%add3A_840] : memref<320000xi32, #tpu.memory_space<hbm>> -> memref<80xi32, #tpu.memory_space<hbm>>
        tpu.enqueue_dma source(%dma_start3A_849 : memref<80xi32, #tpu.memory_space<hbm>>) target(%dma_start3A_848 : memref<80xi32, #tpu.memory_space<vmem>>) target_semaphore(%arg23 : memref<!tpu.dma_semaphore, #tpu.memory_space<semaphore_mem>>)
        %add3A_850 = arith.constant 2 : i32
        %add3A_851 = arith.addi %add3A_737, %add3A_850 : i32
        %mul3A_852 = arith.constant 80 : i32
        %mul3A_853 = arith.muli %add3A_851, %mul3A_852 : i32
        %dma_start3A_854 = arith.constant 1 : i32
        %dma_start3A_855 = arith.constant 0 : i32
        %dma_start3A_856 = arith.constant 0 : i32
        %dma_start3A_857 = tpu.memref_slice %arg13[%dma_start3A_854, %dma_start3A_855, %dma_start3A_856] : memref<3x80x128xf32, #tpu.memory_space<vmem>> -> memref<1x80x128xf32, #tpu.memory_space<vmem>>
        %dma_start3A_858 = tpu.memref_squeeze %dma_start3A_857 : memref<1x80x128xf32, #tpu.memory_space<vmem>> -> memref<80x128xf32, #tpu.memory_space<vmem>>
        %dma_start3A_859 = tpu.memref_slice %arg11[%mul3A_853] : memref<10000xi32, #tpu.memory_space<vmem>> -> memref<80xi32, #tpu.memory_space<vmem>>
        %dma_start3A_860 = arith.constant 0 : i32
        %dma_start3A_861 = arith.constant 0 : i32
        %dma_start3A_862 = tpu.memref_slice %arg5[%dma_start3A_860, %dma_start3A_861] : memref<10000x128xf32, #tpu.memory_space<hbm>> -> memref<10000x128xf32, #tpu.memory_space<hbm>>
        tpu.enqueue_indirect_dma source(%dma_start3A_862 : memref<10000x128xf32, #tpu.memory_space<hbm>>) target(%dma_start3A_858 : memref<80x128xf32, #tpu.memory_space<vmem>>) offsets(%dma_start3A_859 : memref<80xi32, #tpu.memory_space<vmem>>) semaphore(%arg17 : memref<!tpu.dma_semaphore, #tpu.memory_space<semaphore_mem>>)
      } else {
      }
      %add3A_780 = arith.constant 2 : i32
      %add3A_781 = arith.addi %add3A_696, %add3A_780 : i32
      %mul3A_782 = arith.constant 80 : i32
      %mul3A_783 = arith.muli %add3A_781, %mul3A_782 : i32
      %dma_wait3A_784 = arith.constant 0 : i32
      %dma_wait3A_785 = arith.constant 0 : i32
      %dma_wait3A_786 = arith.constant 0 : i32
      %dma_wait3A_787 = tpu.memref_slice %arg13[%dma_wait3A_784, %dma_wait3A_785, %dma_wait3A_786] : memref<3x80x128xf32, #tpu.memory_space<vmem>> -> memref<1x80x128xf32, #tpu.memory_space<vmem>>
      %dma_wait3A_788 = tpu.memref_squeeze %dma_wait3A_787 : memref<1x80x128xf32, #tpu.memory_space<vmem>> -> memref<80x128xf32, #tpu.memory_space<vmem>>
      %dma_wait3A_789 = tpu.memref_slice %arg11[%mul3A_783] : memref<10000xi32, #tpu.memory_space<vmem>> -> memref<80xi32, #tpu.memory_space<vmem>>
      %dma_wait3A_790 = arith.constant 0 : i32
      %dma_wait3A_791 = arith.constant 0 : i32
      %dma_wait3A_792 = tpu.memref_slice %arg5[%dma_wait3A_790, %dma_wait3A_791] : memref<10000x128xf32, #tpu.memory_space<hbm>> -> memref<10000x128xf32, #tpu.memory_space<hbm>>
      tpu.wait_indirect_dma semaphore(%arg16 : memref<!tpu.dma_semaphore, #tpu.memory_space<semaphore_mem>>) src(%dma_wait3A_792 : memref<10000x128xf32, #tpu.memory_space<hbm>>) dst(%dma_wait3A_788 : memref<80x128xf32, #tpu.memory_space<vmem>>)
      %mul3A_793 = arith.constant 80 : i32
      %mul3A_794 = arith.muli %add3A_781, %mul3A_793 : i32
      %add3A_795 = arith.addi %mul3A_4, %mul3A_794 : i32
      %dma_wait3A_796 = arith.constant 0 : i32
      %dma_wait3A_797 = arith.constant 0 : i32
      %dma_wait3A_798 = tpu.memref_slice %arg12[%dma_wait3A_796, %dma_wait3A_797] : memref<3x80xi32, #tpu.memory_space<vmem>> -> memref<1x80xi32, #tpu.memory_space<vmem>>
      %dma_wait3A_799 = tpu.memref_squeeze %dma_wait3A_798 : memref<1x80xi32, #tpu.memory_space<vmem>> -> memref<80xi32, #tpu.memory_space<vmem>>
      %dma_wait3A_800 = tpu.memref_slice %arg3[%add3A_795] : memref<320000xi32, #tpu.memory_space<hbm>> -> memref<80xi32, #tpu.memory_space<hbm>>
      %dma_wait3A_801 = arith.constant 0 : i32
      %dma_wait3A_802 = tpu.memref_slice %arg12[%dma_wait3A_796, %dma_wait3A_801] : memref<3x80xi32, #tpu.memory_space<vmem>> -> memref<1x80xi32, #tpu.memory_space<vmem>>
      %dma_wait3A_803 = tpu.memref_squeeze %dma_wait3A_802 : memref<1x80xi32, #tpu.memory_space<vmem>> -> memref<80xi32, #tpu.memory_space<vmem>>
      %dma_wait3A_804 = tpu.memref_slice %arg3[%add3A_795] : memref<320000xi32, #tpu.memory_space<hbm>> -> memref<80xi32, #tpu.memory_space<hbm>>
      tpu.wait_dma2 semaphore(%arg22 : memref<!tpu.dma_semaphore, #tpu.memory_space<semaphore_mem>>) src(%dma_wait3A_804 : memref<80xi32, #tpu.memory_space<hbm>>) dst(%dma_wait3A_803 : memref<80xi32, #tpu.memory_space<vmem>>)
      %dma_start3A_805 = arith.constant 0 : i32
      %dma_start3A_806 = arith.constant 0 : i32
      %dma_start3A_807 = arith.constant 0 : i32
      %dma_start3A_808 = arith.constant 0 : i32
      %dma_start3A_809 = tpu.memref_slice %arg13[%dma_start3A_805, %dma_start3A_807, %dma_start3A_808] : memref<3x80x128xf32, #tpu.memory_space<vmem>> -> memref<1x80x128xf32, #tpu.memory_space<vmem>>
      %dma_start3A_810 = tpu.memref_squeeze %dma_start3A_809 : memref<1x80x128xf32, #tpu.memory_space<vmem>> -> memref<80x128xf32, #tpu.memory_space<vmem>>
      %dma_start3A_811 = arith.constant 0 : i32
      %dma_start3A_812 = tpu.memref_slice %arg12[%dma_start3A_806, %dma_start3A_811] : memref<3x80xi32, #tpu.memory_space<vmem>> -> memref<1x80xi32, #tpu.memory_space<vmem>>
      %dma_start3A_813 = tpu.memref_squeeze %dma_start3A_812 : memref<1x80xi32, #tpu.memory_space<vmem>> -> memref<80xi32, #tpu.memory_space<vmem>>
      %dma_start3A_814 = arith.constant 0 : i32
      %dma_start3A_815 = arith.constant 0 : i32
      %dma_start3A_816 = tpu.memref_slice %arg15[%dma_start3A_814, %dma_start3A_815] : memref<10112x128xf32, #tpu.memory_space<vmem_shared>> -> memref<10112x128xf32, #tpu.memory_space<vmem_shared>>
      tpu.enqueue_indirect_dma source(%dma_start3A_810 : memref<80x128xf32, #tpu.memory_space<vmem>>) target(%dma_start3A_816 : memref<10112x128xf32, #tpu.memory_space<vmem_shared>>) offsets(%dma_start3A_813 : memref<80xi32, #tpu.memory_space<vmem>>) semaphore(%arg19 : memref<!tpu.dma_semaphore, #tpu.memory_space<semaphore_mem>>) {add = true}
      %add3A_817 = arith.constant 2 : i32
      %add3A_818 = arith.addi %add3A_781, %add3A_817 : i32
      %lt3A_819 = arith.constant 125 : i32
      %lt3A_820 = arith.cmpi slt, %add3A_818, %lt3A_819 : i32
      %convert_element_type3A_821 = arith.extui %lt3A_820 : i1 to i32
      %cond3A_822 = arith.constant 0 : i32
      %cond3A_823 = arith.cmpi ne, %convert_element_type3A_821, %cond3A_822 : i32
      scf.if %cond3A_823 {
        %dma_wait3A_824 = arith.constant 2 : i32
        %dma_wait3A_825 = arith.constant 2 : i32
        %dma_wait3A_826 = arith.constant 0 : i32
        %dma_wait3A_827 = arith.constant 0 : i32
        %dma_wait3A_828 = tpu.memref_slice %arg13[%dma_wait3A_824, %dma_wait3A_826, %dma_wait3A_827] : memref<3x80x128xf32, #tpu.memory_space<vmem>> -> memref<1x80x128xf32, #tpu.memory_space<vmem>>
        %dma_wait3A_829 = tpu.memref_squeeze %dma_wait3A_828 : memref<1x80x128xf32, #tpu.memory_space<vmem>> -> memref<80x128xf32, #tpu.memory_space<vmem>>
        %dma_wait3A_830 = arith.constant 0 : i32
        %dma_wait3A_831 = tpu.memref_slice %arg12[%dma_wait3A_825, %dma_wait3A_830] : memref<3x80xi32, #tpu.memory_space<vmem>> -> memref<1x80xi32, #tpu.memory_space<vmem>>
        %dma_wait3A_832 = tpu.memref_squeeze %dma_wait3A_831 : memref<1x80xi32, #tpu.memory_space<vmem>> -> memref<80xi32, #tpu.memory_space<vmem>>
        %dma_wait3A_833 = arith.constant 0 : i32
        %dma_wait3A_834 = arith.constant 0 : i32
        %dma_wait3A_835 = tpu.memref_slice %arg15[%dma_wait3A_833, %dma_wait3A_834] : memref<10112x128xf32, #tpu.memory_space<vmem_shared>> -> memref<10112x128xf32, #tpu.memory_space<vmem_shared>>
        tpu.wait_indirect_dma semaphore(%arg21 : memref<!tpu.dma_semaphore, #tpu.memory_space<semaphore_mem>>) src(%dma_wait3A_829 : memref<80x128xf32, #tpu.memory_space<vmem>>) dst(%dma_wait3A_835 : memref<10112x128xf32, #tpu.memory_space<vmem_shared>>)
        %add3A_836 = arith.constant 2 : i32
        %add3A_837 = arith.addi %add3A_781, %add3A_836 : i32
        %mul3A_838 = arith.constant 80 : i32
        %mul3A_839 = arith.muli %add3A_837, %mul3A_838 : i32
        %add3A_840 = arith.addi %mul3A_4, %mul3A_839 : i32
        %dma_start3A_841 = arith.constant 2 : i32
        %dma_start3A_842 = arith.constant 0 : i32
        %dma_start3A_843 = tpu.memref_slice %arg12[%dma_start3A_841, %dma_start3A_842] : memref<3x80xi32, #tpu.memory_space<vmem>> -> memref<1x80xi32, #tpu.memory_space<vmem>>
        %dma_start3A_844 = tpu.memref_squeeze %dma_start3A_843 : memref<1x80xi32, #tpu.memory_space<vmem>> -> memref<80xi32, #tpu.memory_space<vmem>>
        %dma_start3A_845 = tpu.memref_slice %arg3[%add3A_840] : memref<320000xi32, #tpu.memory_space<hbm>> -> memref<80xi32, #tpu.memory_space<hbm>>
        %dma_start3A_846 = arith.constant 0 : i32
        %dma_start3A_847 = tpu.memref_slice %arg12[%dma_start3A_841, %dma_start3A_846] : memref<3x80xi32, #tpu.memory_space<vmem>> -> memref<1x80xi32, #tpu.memory_space<vmem>>
        %dma_start3A_848 = tpu.memref_squeeze %dma_start3A_847 : memref<1x80xi32, #tpu.memory_space<vmem>> -> memref<80xi32, #tpu.memory_space<vmem>>
        %dma_start3A_849 = tpu.memref_slice %arg3[%add3A_840] : memref<320000xi32, #tpu.memory_space<hbm>> -> memref<80xi32, #tpu.memory_space<hbm>>
        tpu.enqueue_dma source(%dma_start3A_849 : memref<80xi32, #tpu.memory_space<hbm>>) target(%dma_start3A_848 : memref<80xi32, #tpu.memory_space<vmem>>) target_semaphore(%arg24 : memref<!tpu.dma_semaphore, #tpu.memory_space<semaphore_mem>>)
        %add3A_850 = arith.constant 2 : i32
        %add3A_851 = arith.addi %add3A_781, %add3A_850 : i32
        %mul3A_852 = arith.constant 80 : i32
        %mul3A_853 = arith.muli %add3A_851, %mul3A_852 : i32
        %dma_start3A_854 = arith.constant 2 : i32
        %dma_start3A_855 = arith.constant 0 : i32
        %dma_start3A_856 = arith.constant 0 : i32
        %dma_start3A_857 = tpu.memref_slice %arg13[%dma_start3A_854, %dma_start3A_855, %dma_start3A_856] : memref<3x80x128xf32, #tpu.memory_space<vmem>> -> memref<1x80x128xf32, #tpu.memory_space<vmem>>
        %dma_start3A_858 = tpu.memref_squeeze %dma_start3A_857 : memref<1x80x128xf32, #tpu.memory_space<vmem>> -> memref<80x128xf32, #tpu.memory_space<vmem>>
        %dma_start3A_859 = tpu.memref_slice %arg11[%mul3A_853] : memref<10000xi32, #tpu.memory_space<vmem>> -> memref<80xi32, #tpu.memory_space<vmem>>
        %dma_start3A_860 = arith.constant 0 : i32
        %dma_start3A_861 = arith.constant 0 : i32
        %dma_start3A_862 = tpu.memref_slice %arg5[%dma_start3A_860, %dma_start3A_861] : memref<10000x128xf32, #tpu.memory_space<hbm>> -> memref<10000x128xf32, #tpu.memory_space<hbm>>
        tpu.enqueue_indirect_dma source(%dma_start3A_862 : memref<10000x128xf32, #tpu.memory_space<hbm>>) target(%dma_start3A_858 : memref<80x128xf32, #tpu.memory_space<vmem>>) offsets(%dma_start3A_859 : memref<80xi32, #tpu.memory_space<vmem>>) semaphore(%arg18 : memref<!tpu.dma_semaphore, #tpu.memory_space<semaphore_mem>>)
      } else {
      }
    }
    %scan3A_274 = arith.constant 41 : i32
    %dma_wait3A_275 = arith.constant 1 : i32
    %dma_wait3A_276 = arith.constant 0 : i32
    %dma_wait3A_277 = arith.constant 0 : i32
    %dma_wait3A_278 = tpu.memref_slice %arg13[%dma_wait3A_275, %dma_wait3A_276, %dma_wait3A_277] : memref<3x80x128xf32, #tpu.memory_space<vmem>> -> memref<1x80x128xf32, #tpu.memory_space<vmem>>
    %dma_wait3A_279 = tpu.memref_squeeze %dma_wait3A_278 : memref<1x80x128xf32, #tpu.memory_space<vmem>> -> memref<80x128xf32, #tpu.memory_space<vmem>>
    %dma_wait3A_280 = arith.constant 9920 : i32
    %dma_wait3A_281 = tpu.memref_slice %arg11[%dma_wait3A_280] : memref<10000xi32, #tpu.memory_space<vmem>> -> memref<80xi32, #tpu.memory_space<vmem>>
    %dma_wait3A_282 = arith.constant 0 : i32
    %dma_wait3A_283 = arith.constant 0 : i32
    %dma_wait3A_284 = tpu.memref_slice %arg5[%dma_wait3A_282, %dma_wait3A_283] : memref<10000x128xf32, #tpu.memory_space<hbm>> -> memref<10000x128xf32, #tpu.memory_space<hbm>>
    tpu.wait_indirect_dma semaphore(%arg17 : memref<!tpu.dma_semaphore, #tpu.memory_space<semaphore_mem>>) src(%dma_wait3A_284 : memref<10000x128xf32, #tpu.memory_space<hbm>>) dst(%dma_wait3A_279 : memref<80x128xf32, #tpu.memory_space<vmem>>)
    %add3A_285 = arith.constant 9920 : i32
    %add3A_286 = arith.addi %mul3A_4, %add3A_285 : i32
    %dma_wait3A_287 = arith.constant 1 : i32
    %dma_wait3A_288 = arith.constant 0 : i32
    %dma_wait3A_289 = tpu.memref_slice %arg12[%dma_wait3A_287, %dma_wait3A_288] : memref<3x80xi32, #tpu.memory_space<vmem>> -> memref<1x80xi32, #tpu.memory_space<vmem>>
    %dma_wait3A_290 = tpu.memref_squeeze %dma_wait3A_289 : memref<1x80xi32, #tpu.memory_space<vmem>> -> memref<80xi32, #tpu.memory_space<vmem>>
    %dma_wait3A_291 = tpu.memref_slice %arg3[%add3A_286] : memref<320000xi32, #tpu.memory_space<hbm>> -> memref<80xi32, #tpu.memory_space<hbm>>
    %dma_wait3A_292 = arith.constant 0 : i32
    %dma_wait3A_293 = tpu.memref_slice %arg12[%dma_wait3A_287, %dma_wait3A_292] : memref<3x80xi32, #tpu.memory_space<vmem>> -> memref<1x80xi32, #tpu.memory_space<vmem>>
    %dma_wait3A_294 = tpu.memref_squeeze %dma_wait3A_293 : memref<1x80xi32, #tpu.memory_space<vmem>> -> memref<80xi32, #tpu.memory_space<vmem>>
    %dma_wait3A_295 = tpu.memref_slice %arg3[%add3A_286] : memref<320000xi32, #tpu.memory_space<hbm>> -> memref<80xi32, #tpu.memory_space<hbm>>
    tpu.wait_dma2 semaphore(%arg23 : memref<!tpu.dma_semaphore, #tpu.memory_space<semaphore_mem>>) src(%dma_wait3A_295 : memref<80xi32, #tpu.memory_space<hbm>>) dst(%dma_wait3A_294 : memref<80xi32, #tpu.memory_space<vmem>>)
    %dma_start3A_296 = arith.constant 1 : i32
    %dma_start3A_297 = arith.constant 1 : i32
    %dma_start3A_298 = arith.constant 0 : i32
    %dma_start3A_299 = arith.constant 0 : i32
    %dma_start3A_300 = tpu.memref_slice %arg13[%dma_start3A_296, %dma_start3A_298, %dma_start3A_299] : memref<3x80x128xf32, #tpu.memory_space<vmem>> -> memref<1x80x128xf32, #tpu.memory_space<vmem>>
    %dma_start3A_301 = tpu.memref_squeeze %dma_start3A_300 : memref<1x80x128xf32, #tpu.memory_space<vmem>> -> memref<80x128xf32, #tpu.memory_space<vmem>>
    %dma_start3A_302 = arith.constant 0 : i32
    %dma_start3A_303 = tpu.memref_slice %arg12[%dma_start3A_297, %dma_start3A_302] : memref<3x80xi32, #tpu.memory_space<vmem>> -> memref<1x80xi32, #tpu.memory_space<vmem>>
    %dma_start3A_304 = tpu.memref_squeeze %dma_start3A_303 : memref<1x80xi32, #tpu.memory_space<vmem>> -> memref<80xi32, #tpu.memory_space<vmem>>
    %dma_start3A_305 = arith.constant 0 : i32
    %dma_start3A_306 = arith.constant 0 : i32
    %dma_start3A_307 = tpu.memref_slice %arg15[%dma_start3A_305, %dma_start3A_306] : memref<10112x128xf32, #tpu.memory_space<vmem_shared>> -> memref<10112x128xf32, #tpu.memory_space<vmem_shared>>
    tpu.enqueue_indirect_dma source(%dma_start3A_301 : memref<80x128xf32, #tpu.memory_space<vmem>>) target(%dma_start3A_307 : memref<10112x128xf32, #tpu.memory_space<vmem_shared>>) offsets(%dma_start3A_304 : memref<80xi32, #tpu.memory_space<vmem>>) semaphore(%arg20 : memref<!tpu.dma_semaphore, #tpu.memory_space<semaphore_mem>>) {add = true}
    %dma_wait3A_308 = arith.constant 2 : i32
    %dma_wait3A_309 = arith.constant 2 : i32
    %dma_wait3A_310 = arith.constant 0 : i32
    %dma_wait3A_311 = arith.constant 0 : i32
    %dma_wait3A_312 = tpu.memref_slice %arg13[%dma_wait3A_308, %dma_wait3A_310, %dma_wait3A_311] : memref<3x80x128xf32, #tpu.memory_space<vmem>> -> memref<1x80x128xf32, #tpu.memory_space<vmem>>
    %dma_wait3A_313 = tpu.memref_squeeze %dma_wait3A_312 : memref<1x80x128xf32, #tpu.memory_space<vmem>> -> memref<80x128xf32, #tpu.memory_space<vmem>>
    %dma_wait3A_314 = arith.constant 0 : i32
    %dma_wait3A_315 = tpu.memref_slice %arg12[%dma_wait3A_309, %dma_wait3A_314] : memref<3x80xi32, #tpu.memory_space<vmem>> -> memref<1x80xi32, #tpu.memory_space<vmem>>
    %dma_wait3A_316 = tpu.memref_squeeze %dma_wait3A_315 : memref<1x80xi32, #tpu.memory_space<vmem>> -> memref<80xi32, #tpu.memory_space<vmem>>
    %dma_wait3A_317 = arith.constant 0 : i32
    %dma_wait3A_318 = arith.constant 0 : i32
    %dma_wait3A_319 = tpu.memref_slice %arg15[%dma_wait3A_317, %dma_wait3A_318] : memref<10112x128xf32, #tpu.memory_space<vmem_shared>> -> memref<10112x128xf32, #tpu.memory_space<vmem_shared>>
    tpu.wait_indirect_dma semaphore(%arg21 : memref<!tpu.dma_semaphore, #tpu.memory_space<semaphore_mem>>) src(%dma_wait3A_313 : memref<80x128xf32, #tpu.memory_space<vmem>>) dst(%dma_wait3A_319 : memref<10112x128xf32, #tpu.memory_space<vmem_shared>>)
    %dma_wait3A_320 = arith.constant 0 : i32
    %dma_wait3A_321 = arith.constant 0 : i32
    %dma_wait3A_322 = arith.constant 0 : i32
    %dma_wait3A_323 = arith.constant 0 : i32
    %dma_wait3A_324 = tpu.memref_slice %arg13[%dma_wait3A_320, %dma_wait3A_322, %dma_wait3A_323] : memref<3x80x128xf32, #tpu.memory_space<vmem>> -> memref<1x80x128xf32, #tpu.memory_space<vmem>>
    %dma_wait3A_325 = tpu.memref_squeeze %dma_wait3A_324 : memref<1x80x128xf32, #tpu.memory_space<vmem>> -> memref<80x128xf32, #tpu.memory_space<vmem>>
    %dma_wait3A_326 = arith.constant 0 : i32
    %dma_wait3A_327 = tpu.memref_slice %arg12[%dma_wait3A_321, %dma_wait3A_326] : memref<3x80xi32, #tpu.memory_space<vmem>> -> memref<1x80xi32, #tpu.memory_space<vmem>>
    %dma_wait3A_328 = tpu.memref_squeeze %dma_wait3A_327 : memref<1x80xi32, #tpu.memory_space<vmem>> -> memref<80xi32, #tpu.memory_space<vmem>>
    %dma_wait3A_329 = arith.constant 0 : i32
    %dma_wait3A_330 = arith.constant 0 : i32
    %dma_wait3A_331 = tpu.memref_slice %arg15[%dma_wait3A_329, %dma_wait3A_330] : memref<10112x128xf32, #tpu.memory_space<vmem_shared>> -> memref<10112x128xf32, #tpu.memory_space<vmem_shared>>
    tpu.wait_indirect_dma semaphore(%arg19 : memref<!tpu.dma_semaphore, #tpu.memory_space<semaphore_mem>>) src(%dma_wait3A_325 : memref<80x128xf32, #tpu.memory_space<vmem>>) dst(%dma_wait3A_331 : memref<10112x128xf32, #tpu.memory_space<vmem_shared>>)
    %dma_wait3A_332 = arith.constant 1 : i32
    %dma_wait3A_333 = arith.constant 1 : i32
    %dma_wait3A_334 = arith.constant 0 : i32
    %dma_wait3A_335 = arith.constant 0 : i32
    %dma_wait3A_336 = tpu.memref_slice %arg13[%dma_wait3A_332, %dma_wait3A_334, %dma_wait3A_335] : memref<3x80x128xf32, #tpu.memory_space<vmem>> -> memref<1x80x128xf32, #tpu.memory_space<vmem>>
    %dma_wait3A_337 = tpu.memref_squeeze %dma_wait3A_336 : memref<1x80x128xf32, #tpu.memory_space<vmem>> -> memref<80x128xf32, #tpu.memory_space<vmem>>
    %dma_wait3A_338 = arith.constant 0 : i32
    %dma_wait3A_339 = tpu.memref_slice %arg12[%dma_wait3A_333, %dma_wait3A_338] : memref<3x80xi32, #tpu.memory_space<vmem>> -> memref<1x80xi32, #tpu.memory_space<vmem>>
    %dma_wait3A_340 = tpu.memref_squeeze %dma_wait3A_339 : memref<1x80xi32, #tpu.memory_space<vmem>> -> memref<80xi32, #tpu.memory_space<vmem>>
    %dma_wait3A_341 = arith.constant 0 : i32
    %dma_wait3A_342 = arith.constant 0 : i32
    %dma_wait3A_343 = tpu.memref_slice %arg15[%dma_wait3A_341, %dma_wait3A_342] : memref<10112x128xf32, #tpu.memory_space<vmem_shared>> -> memref<10112x128xf32, #tpu.memory_space<vmem_shared>>
    tpu.wait_indirect_dma semaphore(%arg20 : memref<!tpu.dma_semaphore, #tpu.memory_space<semaphore_mem>>) src(%dma_wait3A_337 : memref<80x128xf32, #tpu.memory_space<vmem>>) dst(%dma_wait3A_343 : memref<10112x128xf32, #tpu.memory_space<vmem_shared>>)
    %barrier3A_344 = arith.constant 0 : index
    tpu.barrier barrier_id(%barrier3A_344)
    %run_scoped3A_345 = arith.constant 1 : i32
    "tpu.region"() ({
      %run_scoped3A_692 = tpu.sem_alloc : memref<!tpu.dma_semaphore, #tpu.memory_space<semaphore_mem>>
      %dma_start3A_693 = arith.constant 0 : i32
      %dma_start3A_694 = tpu.memref_slice %arg10[%arg0, %run_scoped3A_345, %mul3A_0, %dma_start3A_693] : memref<2x4x10112x128xf32, #tpu.memory_space<hbm>> -> memref<1x1x632x128xf32, #tpu.memory_space<hbm>>
      %dma_start3A_695 = tpu.memref_squeeze %dma_start3A_694 : memref<1x1x632x128xf32, #tpu.memory_space<hbm>> -> memref<632x128xf32, #tpu.memory_space<hbm>>
      %dma_start3A_696 = arith.constant 0 : i32
      %dma_start3A_697 = tpu.memref_slice %arg15[%mul3A_0, %dma_start3A_696] : memref<10112x128xf32, #tpu.memory_space<vmem_shared>> -> memref<632x128xf32, #tpu.memory_space<vmem_shared>>
      tpu.enqueue_dma source(%dma_start3A_697 : memref<632x128xf32, #tpu.memory_space<vmem_shared>>) target(%dma_start3A_695 : memref<632x128xf32, #tpu.memory_space<hbm>>) target_semaphore(%run_scoped3A_692 : memref<!tpu.dma_semaphore, #tpu.memory_space<semaphore_mem>>)
      %dma_wait3A_698 = arith.constant 0 : i32
      %dma_wait3A_699 = tpu.memref_slice %arg10[%arg0, %run_scoped3A_345, %mul3A_0, %dma_wait3A_698] : memref<2x4x10112x128xf32, #tpu.memory_space<hbm>> -> memref<1x1x632x128xf32, #tpu.memory_space<hbm>>
      %dma_wait3A_700 = tpu.memref_squeeze %dma_wait3A_699 : memref<1x1x632x128xf32, #tpu.memory_space<hbm>> -> memref<632x128xf32, #tpu.memory_space<hbm>>
      %dma_wait3A_701 = arith.constant 0 : i32
      %dma_wait3A_702 = tpu.memref_slice %arg15[%mul3A_0, %dma_wait3A_701] : memref<10112x128xf32, #tpu.memory_space<vmem_shared>> -> memref<632x128xf32, #tpu.memory_space<vmem_shared>>
      tpu.wait_dma2 semaphore(%run_scoped3A_692 : memref<!tpu.dma_semaphore, #tpu.memory_space<semaphore_mem>>) src(%dma_wait3A_702 : memref<632x128xf32, #tpu.memory_space<vmem_shared>>) dst(%dma_wait3A_700 : memref<632x128xf32, #tpu.memory_space<hbm>>)
      tpu.yield
    }) : () -> ()
    %add3A_346 = arith.constant 0 : i32
    %add3A_347 = arith.addi %mul3A_4, %add3A_346 : i32
    %dma_start3A_348 = arith.constant 0 : i32
    %dma_start3A_349 = arith.constant 0 : i32
    %dma_start3A_350 = tpu.memref_slice %arg12[%dma_start3A_348, %dma_start3A_349] : memref<3x80xi32, #tpu.memory_space<vmem>> -> memref<1x80xi32, #tpu.memory_space<vmem>>
    %dma_start3A_351 = tpu.memref_squeeze %dma_start3A_350 : memref<1x80xi32, #tpu.memory_space<vmem>> -> memref<80xi32, #tpu.memory_space<vmem>>
    %dma_start3A_352 = tpu.memref_slice %arg3[%add3A_347] : memref<320000xi32, #tpu.memory_space<hbm>> -> memref<80xi32, #tpu.memory_space<hbm>>
    %dma_start3A_353 = arith.constant 0 : i32
    %dma_start3A_354 = tpu.memref_slice %arg12[%dma_start3A_348, %dma_start3A_353] : memref<3x80xi32, #tpu.memory_space<vmem>> -> memref<1x80xi32, #tpu.memory_space<vmem>>
    %dma_start3A_355 = tpu.memref_squeeze %dma_start3A_354 : memref<1x80xi32, #tpu.memory_space<vmem>> -> memref<80xi32, #tpu.memory_space<vmem>>
    %dma_start3A_356 = tpu.memref_slice %arg3[%add3A_347] : memref<320000xi32, #tpu.memory_space<hbm>> -> memref<80xi32, #tpu.memory_space<hbm>>
    tpu.enqueue_dma source(%dma_start3A_356 : memref<80xi32, #tpu.memory_space<hbm>>) target(%dma_start3A_355 : memref<80xi32, #tpu.memory_space<vmem>>) target_semaphore(%arg22 : memref<!tpu.dma_semaphore, #tpu.memory_space<semaphore_mem>>)
    %dma_start3A_357 = arith.constant 0 : i32
    %dma_start3A_358 = arith.constant 0 : i32
    %dma_start3A_359 = arith.constant 0 : i32
    %dma_start3A_360 = tpu.memref_slice %arg13[%dma_start3A_357, %dma_start3A_358, %dma_start3A_359] : memref<3x80x128xf32, #tpu.memory_space<vmem>> -> memref<1x80x128xf32, #tpu.memory_space<vmem>>
    %dma_start3A_361 = tpu.memref_squeeze %dma_start3A_360 : memref<1x80x128xf32, #tpu.memory_space<vmem>> -> memref<80x128xf32, #tpu.memory_space<vmem>>
    %dma_start3A_362 = arith.constant 0 : i32
    %dma_start3A_363 = tpu.memref_slice %arg11[%dma_start3A_362] : memref<10000xi32, #tpu.memory_space<vmem>> -> memref<80xi32, #tpu.memory_space<vmem>>
    %dma_start3A_364 = arith.constant 0 : i32
    %dma_start3A_365 = arith.constant 0 : i32
    %dma_start3A_366 = tpu.memref_slice %arg6[%dma_start3A_364, %dma_start3A_365] : memref<10000x128xf32, #tpu.memory_space<hbm>> -> memref<10000x128xf32, #tpu.memory_space<hbm>>
    tpu.enqueue_indirect_dma source(%dma_start3A_366 : memref<10000x128xf32, #tpu.memory_space<hbm>>) target(%dma_start3A_361 : memref<80x128xf32, #tpu.memory_space<vmem>>) offsets(%dma_start3A_363 : memref<80xi32, #tpu.memory_space<vmem>>) semaphore(%arg16 : memref<!tpu.dma_semaphore, #tpu.memory_space<semaphore_mem>>)
    %add3A_367 = arith.constant 80 : i32
    %add3A_368 = arith.addi %mul3A_4, %add3A_367 : i32
    %dma_start3A_369 = arith.constant 1 : i32
    %dma_start3A_370 = arith.constant 0 : i32
    %dma_start3A_371 = tpu.memref_slice %arg12[%dma_start3A_369, %dma_start3A_370] : memref<3x80xi32, #tpu.memory_space<vmem>> -> memref<1x80xi32, #tpu.memory_space<vmem>>
    %dma_start3A_372 = tpu.memref_squeeze %dma_start3A_371 : memref<1x80xi32, #tpu.memory_space<vmem>> -> memref<80xi32, #tpu.memory_space<vmem>>
    %dma_start3A_373 = tpu.memref_slice %arg3[%add3A_368] : memref<320000xi32, #tpu.memory_space<hbm>> -> memref<80xi32, #tpu.memory_space<hbm>>
    %dma_start3A_374 = arith.constant 0 : i32
    %dma_start3A_375 = tpu.memref_slice %arg12[%dma_start3A_369, %dma_start3A_374] : memref<3x80xi32, #tpu.memory_space<vmem>> -> memref<1x80xi32, #tpu.memory_space<vmem>>
    %dma_start3A_376 = tpu.memref_squeeze %dma_start3A_375 : memref<1x80xi32, #tpu.memory_space<vmem>> -> memref<80xi32, #tpu.memory_space<vmem>>
    %dma_start3A_377 = tpu.memref_slice %arg3[%add3A_368] : memref<320000xi32, #tpu.memory_space<hbm>> -> memref<80xi32, #tpu.memory_space<hbm>>
    tpu.enqueue_dma source(%dma_start3A_377 : memref<80xi32, #tpu.memory_space<hbm>>) target(%dma_start3A_376 : memref<80xi32, #tpu.memory_space<vmem>>) target_semaphore(%arg23 : memref<!tpu.dma_semaphore, #tpu.memory_space<semaphore_mem>>)
    %dma_start3A_378 = arith.constant 1 : i32
    %dma_start3A_379 = arith.constant 0 : i32
    %dma_start3A_380 = arith.constant 0 : i32
    %dma_start3A_381 = tpu.memref_slice %arg13[%dma_start3A_378, %dma_start3A_379, %dma_start3A_380] : memref<3x80x128xf32, #tpu.memory_space<vmem>> -> memref<1x80x128xf32, #tpu.memory_space<vmem>>
    %dma_start3A_382 = tpu.memref_squeeze %dma_start3A_381 : memref<1x80x128xf32, #tpu.memory_space<vmem>> -> memref<80x128xf32, #tpu.memory_space<vmem>>
    %dma_start3A_383 = arith.constant 80 : i32
    %dma_start3A_384 = tpu.memref_slice %arg11[%dma_start3A_383] : memref<10000xi32, #tpu.memory_space<vmem>> -> memref<80xi32, #tpu.memory_space<vmem>>
    %dma_start3A_385 = arith.constant 0 : i32
    %dma_start3A_386 = arith.constant 0 : i32
    %dma_start3A_387 = tpu.memref_slice %arg6[%dma_start3A_385, %dma_start3A_386] : memref<10000x128xf32, #tpu.memory_space<hbm>> -> memref<10000x128xf32, #tpu.memory_space<hbm>>
    tpu.enqueue_indirect_dma source(%dma_start3A_387 : memref<10000x128xf32, #tpu.memory_space<hbm>>) target(%dma_start3A_382 : memref<80x128xf32, #tpu.memory_space<vmem>>) offsets(%dma_start3A_384 : memref<80xi32, #tpu.memory_space<vmem>>) semaphore(%arg17 : memref<!tpu.dma_semaphore, #tpu.memory_space<semaphore_mem>>)
    "tpu.region"() ({
      %run_scoped3A_692 = tpu.sem_alloc : memref<!tpu.dma_semaphore, #tpu.memory_space<semaphore_mem>>
      %dma_start3A_693 = arith.constant 0 : i32
      %dma_start3A_694 = tpu.memref_slice %arg15[%mul3A_0, %dma_start3A_693] : memref<10112x128xf32, #tpu.memory_space<vmem_shared>> -> memref<632x128xf32, #tpu.memory_space<vmem_shared>>
      tpu.enqueue_dma source(%arg8 : memref<632x128xf32, #tpu.memory_space<hbm>>) target(%dma_start3A_694 : memref<632x128xf32, #tpu.memory_space<vmem_shared>>) target_semaphore(%run_scoped3A_692 : memref<!tpu.dma_semaphore, #tpu.memory_space<semaphore_mem>>)
      %dma_wait3A_695 = arith.constant 0 : i32
      %dma_wait3A_696 = tpu.memref_slice %arg15[%mul3A_0, %dma_wait3A_695] : memref<10112x128xf32, #tpu.memory_space<vmem_shared>> -> memref<632x128xf32, #tpu.memory_space<vmem_shared>>
      tpu.wait_dma2 semaphore(%run_scoped3A_692 : memref<!tpu.dma_semaphore, #tpu.memory_space<semaphore_mem>>) src(%arg8 : memref<632x128xf32, #tpu.memory_space<hbm>>) dst(%dma_wait3A_696 : memref<632x128xf32, #tpu.memory_space<vmem_shared>>)
      tpu.yield
    }) : () -> ()
    %barrier3A_388 = arith.constant 0 : index
    tpu.barrier barrier_id(%barrier3A_388)
    %dma_wait3A_389 = arith.constant 0 : i32
    %dma_wait3A_390 = arith.constant 0 : i32
    %dma_wait3A_391 = arith.constant 0 : i32
    %dma_wait3A_392 = tpu.memref_slice %arg13[%dma_wait3A_389, %dma_wait3A_390, %dma_wait3A_391] : memref<3x80x128xf32, #tpu.memory_space<vmem>> -> memref<1x80x128xf32, #tpu.memory_space<vmem>>
    %dma_wait3A_393 = tpu.memref_squeeze %dma_wait3A_392 : memref<1x80x128xf32, #tpu.memory_space<vmem>> -> memref<80x128xf32, #tpu.memory_space<vmem>>
    %dma_wait3A_394 = arith.constant 0 : i32
    %dma_wait3A_395 = tpu.memref_slice %arg11[%dma_wait3A_394] : memref<10000xi32, #tpu.memory_space<vmem>> -> memref<80xi32, #tpu.memory_space<vmem>>
    %dma_wait3A_396 = arith.constant 0 : i32
    %dma_wait3A_397 = arith.constant 0 : i32
    %dma_wait3A_398 = tpu.memref_slice %arg6[%dma_wait3A_396, %dma_wait3A_397] : memref<10000x128xf32, #tpu.memory_space<hbm>> -> memref<10000x128xf32, #tpu.memory_space<hbm>>
    tpu.wait_indirect_dma semaphore(%arg16 : memref<!tpu.dma_semaphore, #tpu.memory_space<semaphore_mem>>) src(%dma_wait3A_398 : memref<10000x128xf32, #tpu.memory_space<hbm>>) dst(%dma_wait3A_393 : memref<80x128xf32, #tpu.memory_space<vmem>>)
    %add3A_399 = arith.constant 0 : i32
    %add3A_400 = arith.addi %mul3A_4, %add3A_399 : i32
    %dma_wait3A_401 = arith.constant 0 : i32
    %dma_wait3A_402 = arith.constant 0 : i32
    %dma_wait3A_403 = tpu.memref_slice %arg12[%dma_wait3A_401, %dma_wait3A_402] : memref<3x80xi32, #tpu.memory_space<vmem>> -> memref<1x80xi32, #tpu.memory_space<vmem>>
    %dma_wait3A_404 = tpu.memref_squeeze %dma_wait3A_403 : memref<1x80xi32, #tpu.memory_space<vmem>> -> memref<80xi32, #tpu.memory_space<vmem>>
    %dma_wait3A_405 = tpu.memref_slice %arg3[%add3A_400] : memref<320000xi32, #tpu.memory_space<hbm>> -> memref<80xi32, #tpu.memory_space<hbm>>
    %dma_wait3A_406 = arith.constant 0 : i32
    %dma_wait3A_407 = tpu.memref_slice %arg12[%dma_wait3A_401, %dma_wait3A_406] : memref<3x80xi32, #tpu.memory_space<vmem>> -> memref<1x80xi32, #tpu.memory_space<vmem>>
    %dma_wait3A_408 = tpu.memref_squeeze %dma_wait3A_407 : memref<1x80xi32, #tpu.memory_space<vmem>> -> memref<80xi32, #tpu.memory_space<vmem>>
    %dma_wait3A_409 = tpu.memref_slice %arg3[%add3A_400] : memref<320000xi32, #tpu.memory_space<hbm>> -> memref<80xi32, #tpu.memory_space<hbm>>
    tpu.wait_dma2 semaphore(%arg22 : memref<!tpu.dma_semaphore, #tpu.memory_space<semaphore_mem>>) src(%dma_wait3A_409 : memref<80xi32, #tpu.memory_space<hbm>>) dst(%dma_wait3A_408 : memref<80xi32, #tpu.memory_space<vmem>>)
    %dma_start3A_410 = arith.constant 0 : i32
    %dma_start3A_411 = arith.constant 0 : i32
    %dma_start3A_412 = arith.constant 0 : i32
    %dma_start3A_413 = arith.constant 0 : i32
    %dma_start3A_414 = tpu.memref_slice %arg13[%dma_start3A_410, %dma_start3A_412, %dma_start3A_413] : memref<3x80x128xf32, #tpu.memory_space<vmem>> -> memref<1x80x128xf32, #tpu.memory_space<vmem>>
    %dma_start3A_415 = tpu.memref_squeeze %dma_start3A_414 : memref<1x80x128xf32, #tpu.memory_space<vmem>> -> memref<80x128xf32, #tpu.memory_space<vmem>>
    %dma_start3A_416 = arith.constant 0 : i32
    %dma_start3A_417 = tpu.memref_slice %arg12[%dma_start3A_411, %dma_start3A_416] : memref<3x80xi32, #tpu.memory_space<vmem>> -> memref<1x80xi32, #tpu.memory_space<vmem>>
    %dma_start3A_418 = tpu.memref_squeeze %dma_start3A_417 : memref<1x80xi32, #tpu.memory_space<vmem>> -> memref<80xi32, #tpu.memory_space<vmem>>
    %dma_start3A_419 = arith.constant 0 : i32
    %dma_start3A_420 = arith.constant 0 : i32
    %dma_start3A_421 = tpu.memref_slice %arg15[%dma_start3A_419, %dma_start3A_420] : memref<10112x128xf32, #tpu.memory_space<vmem_shared>> -> memref<10112x128xf32, #tpu.memory_space<vmem_shared>>
    tpu.enqueue_indirect_dma source(%dma_start3A_415 : memref<80x128xf32, #tpu.memory_space<vmem>>) target(%dma_start3A_421 : memref<10112x128xf32, #tpu.memory_space<vmem_shared>>) offsets(%dma_start3A_418 : memref<80xi32, #tpu.memory_space<vmem>>) semaphore(%arg19 : memref<!tpu.dma_semaphore, #tpu.memory_space<semaphore_mem>>) {add = true}
    %add3A_422 = arith.constant 160 : i32
    %add3A_423 = arith.addi %mul3A_4, %add3A_422 : i32
    %dma_start3A_424 = arith.constant 2 : i32
    %dma_start3A_425 = arith.constant 0 : i32
    %dma_start3A_426 = tpu.memref_slice %arg12[%dma_start3A_424, %dma_start3A_425] : memref<3x80xi32, #tpu.memory_space<vmem>> -> memref<1x80xi32, #tpu.memory_space<vmem>>
    %dma_start3A_427 = tpu.memref_squeeze %dma_start3A_426 : memref<1x80xi32, #tpu.memory_space<vmem>> -> memref<80xi32, #tpu.memory_space<vmem>>
    %dma_start3A_428 = tpu.memref_slice %arg3[%add3A_423] : memref<320000xi32, #tpu.memory_space<hbm>> -> memref<80xi32, #tpu.memory_space<hbm>>
    %dma_start3A_429 = arith.constant 0 : i32
    %dma_start3A_430 = tpu.memref_slice %arg12[%dma_start3A_424, %dma_start3A_429] : memref<3x80xi32, #tpu.memory_space<vmem>> -> memref<1x80xi32, #tpu.memory_space<vmem>>
    %dma_start3A_431 = tpu.memref_squeeze %dma_start3A_430 : memref<1x80xi32, #tpu.memory_space<vmem>> -> memref<80xi32, #tpu.memory_space<vmem>>
    %dma_start3A_432 = tpu.memref_slice %arg3[%add3A_423] : memref<320000xi32, #tpu.memory_space<hbm>> -> memref<80xi32, #tpu.memory_space<hbm>>
    tpu.enqueue_dma source(%dma_start3A_432 : memref<80xi32, #tpu.memory_space<hbm>>) target(%dma_start3A_431 : memref<80xi32, #tpu.memory_space<vmem>>) target_semaphore(%arg24 : memref<!tpu.dma_semaphore, #tpu.memory_space<semaphore_mem>>)
    %dma_start3A_433 = arith.constant 2 : i32
    %dma_start3A_434 = arith.constant 0 : i32
    %dma_start3A_435 = arith.constant 0 : i32
    %dma_start3A_436 = tpu.memref_slice %arg13[%dma_start3A_433, %dma_start3A_434, %dma_start3A_435] : memref<3x80x128xf32, #tpu.memory_space<vmem>> -> memref<1x80x128xf32, #tpu.memory_space<vmem>>
    %dma_start3A_437 = tpu.memref_squeeze %dma_start3A_436 : memref<1x80x128xf32, #tpu.memory_space<vmem>> -> memref<80x128xf32, #tpu.memory_space<vmem>>
    %dma_start3A_438 = arith.constant 160 : i32
    %dma_start3A_439 = tpu.memref_slice %arg11[%dma_start3A_438] : memref<10000xi32, #tpu.memory_space<vmem>> -> memref<80xi32, #tpu.memory_space<vmem>>
    %dma_start3A_440 = arith.constant 0 : i32
    %dma_start3A_441 = arith.constant 0 : i32
    %dma_start3A_442 = tpu.memref_slice %arg6[%dma_start3A_440, %dma_start3A_441] : memref<10000x128xf32, #tpu.memory_space<hbm>> -> memref<10000x128xf32, #tpu.memory_space<hbm>>
    tpu.enqueue_indirect_dma source(%dma_start3A_442 : memref<10000x128xf32, #tpu.memory_space<hbm>>) target(%dma_start3A_437 : memref<80x128xf32, #tpu.memory_space<vmem>>) offsets(%dma_start3A_439 : memref<80xi32, #tpu.memory_space<vmem>>) semaphore(%arg18 : memref<!tpu.dma_semaphore, #tpu.memory_space<semaphore_mem>>)
    %scan3A_443 = arith.constant 0 : i32
    %scan3A_444 = arith.constant 41 : i32
    %scan3A_445 = arith.addi %scan3A_443, %scan3A_444 : i32
    %scan3A_446 = arith.constant 1 : i32
    scf.for %scan3A_692 = %scan3A_443 to %scan3A_445 step %scan3A_446  : i32 {
      %mul3A_693 = arith.constant 3 : i32
      %mul3A_694 = arith.muli %mul3A_693, %scan3A_692 : i32
      %add3A_695 = arith.constant 1 : i32
      %add3A_696 = arith.addi %mul3A_694, %add3A_695 : i32
      %mul3A_697 = arith.constant 80 : i32
      %mul3A_698 = arith.muli %add3A_696, %mul3A_697 : i32
      %dma_wait3A_699 = arith.constant 1 : i32
      %dma_wait3A_700 = arith.constant 0 : i32
      %dma_wait3A_701 = arith.constant 0 : i32
      %dma_wait3A_702 = tpu.memref_slice %arg13[%dma_wait3A_699, %dma_wait3A_700, %dma_wait3A_701] : memref<3x80x128xf32, #tpu.memory_space<vmem>> -> memref<1x80x128xf32, #tpu.memory_space<vmem>>
      %dma_wait3A_703 = tpu.memref_squeeze %dma_wait3A_702 : memref<1x80x128xf32, #tpu.memory_space<vmem>> -> memref<80x128xf32, #tpu.memory_space<vmem>>
      %dma_wait3A_704 = tpu.memref_slice %arg11[%mul3A_698] : memref<10000xi32, #tpu.memory_space<vmem>> -> memref<80xi32, #tpu.memory_space<vmem>>
      %dma_wait3A_705 = arith.constant 0 : i32
      %dma_wait3A_706 = arith.constant 0 : i32
      %dma_wait3A_707 = tpu.memref_slice %arg6[%dma_wait3A_705, %dma_wait3A_706] : memref<10000x128xf32, #tpu.memory_space<hbm>> -> memref<10000x128xf32, #tpu.memory_space<hbm>>
      tpu.wait_indirect_dma semaphore(%arg17 : memref<!tpu.dma_semaphore, #tpu.memory_space<semaphore_mem>>) src(%dma_wait3A_707 : memref<10000x128xf32, #tpu.memory_space<hbm>>) dst(%dma_wait3A_703 : memref<80x128xf32, #tpu.memory_space<vmem>>)
      %mul3A_708 = arith.constant 80 : i32
      %mul3A_709 = arith.muli %add3A_696, %mul3A_708 : i32
      %add3A_710 = arith.addi %mul3A_4, %mul3A_709 : i32
      %dma_wait3A_711 = arith.constant 1 : i32
      %dma_wait3A_712 = arith.constant 0 : i32
      %dma_wait3A_713 = tpu.memref_slice %arg12[%dma_wait3A_711, %dma_wait3A_712] : memref<3x80xi32, #tpu.memory_space<vmem>> -> memref<1x80xi32, #tpu.memory_space<vmem>>
      %dma_wait3A_714 = tpu.memref_squeeze %dma_wait3A_713 : memref<1x80xi32, #tpu.memory_space<vmem>> -> memref<80xi32, #tpu.memory_space<vmem>>
      %dma_wait3A_715 = tpu.memref_slice %arg3[%add3A_710] : memref<320000xi32, #tpu.memory_space<hbm>> -> memref<80xi32, #tpu.memory_space<hbm>>
      %dma_wait3A_716 = arith.constant 0 : i32
      %dma_wait3A_717 = tpu.memref_slice %arg12[%dma_wait3A_711, %dma_wait3A_716] : memref<3x80xi32, #tpu.memory_space<vmem>> -> memref<1x80xi32, #tpu.memory_space<vmem>>
      %dma_wait3A_718 = tpu.memref_squeeze %dma_wait3A_717 : memref<1x80xi32, #tpu.memory_space<vmem>> -> memref<80xi32, #tpu.memory_space<vmem>>
      %dma_wait3A_719 = tpu.memref_slice %arg3[%add3A_710] : memref<320000xi32, #tpu.memory_space<hbm>> -> memref<80xi32, #tpu.memory_space<hbm>>
      tpu.wait_dma2 semaphore(%arg23 : memref<!tpu.dma_semaphore, #tpu.memory_space<semaphore_mem>>) src(%dma_wait3A_719 : memref<80xi32, #tpu.memory_space<hbm>>) dst(%dma_wait3A_718 : memref<80xi32, #tpu.memory_space<vmem>>)
      %dma_start3A_720 = arith.constant 1 : i32
      %dma_start3A_721 = arith.constant 1 : i32
      %dma_start3A_722 = arith.constant 0 : i32
      %dma_start3A_723 = arith.constant 0 : i32
      %dma_start3A_724 = tpu.memref_slice %arg13[%dma_start3A_720, %dma_start3A_722, %dma_start3A_723] : memref<3x80x128xf32, #tpu.memory_space<vmem>> -> memref<1x80x128xf32, #tpu.memory_space<vmem>>
      %dma_start3A_725 = tpu.memref_squeeze %dma_start3A_724 : memref<1x80x128xf32, #tpu.memory_space<vmem>> -> memref<80x128xf32, #tpu.memory_space<vmem>>
      %dma_start3A_726 = arith.constant 0 : i32
      %dma_start3A_727 = tpu.memref_slice %arg12[%dma_start3A_721, %dma_start3A_726] : memref<3x80xi32, #tpu.memory_space<vmem>> -> memref<1x80xi32, #tpu.memory_space<vmem>>
      %dma_start3A_728 = tpu.memref_squeeze %dma_start3A_727 : memref<1x80xi32, #tpu.memory_space<vmem>> -> memref<80xi32, #tpu.memory_space<vmem>>
      %dma_start3A_729 = arith.constant 0 : i32
      %dma_start3A_730 = arith.constant 0 : i32
      %dma_start3A_731 = tpu.memref_slice %arg15[%dma_start3A_729, %dma_start3A_730] : memref<10112x128xf32, #tpu.memory_space<vmem_shared>> -> memref<10112x128xf32, #tpu.memory_space<vmem_shared>>
      tpu.enqueue_indirect_dma source(%dma_start3A_725 : memref<80x128xf32, #tpu.memory_space<vmem>>) target(%dma_start3A_731 : memref<10112x128xf32, #tpu.memory_space<vmem_shared>>) offsets(%dma_start3A_728 : memref<80xi32, #tpu.memory_space<vmem>>) semaphore(%arg20 : memref<!tpu.dma_semaphore, #tpu.memory_space<semaphore_mem>>) {add = true}
      %add3A_732 = arith.constant 2 : i32
      %add3A_733 = arith.addi %add3A_696, %add3A_732 : i32
      %lt3A = arith.constant 125 : i32
      %lt3A_734 = arith.cmpi slt, %add3A_733, %lt3A : i32
      %convert_element_type3A = arith.extui %lt3A_734 : i1 to i32
      %cond3A = arith.constant 0 : i32
      %cond3A_735 = arith.cmpi ne, %convert_element_type3A, %cond3A : i32
      scf.if %cond3A_735 {
        %dma_wait3A_824 = arith.constant 0 : i32
        %dma_wait3A_825 = arith.constant 0 : i32
        %dma_wait3A_826 = arith.constant 0 : i32
        %dma_wait3A_827 = arith.constant 0 : i32
        %dma_wait3A_828 = tpu.memref_slice %arg13[%dma_wait3A_824, %dma_wait3A_826, %dma_wait3A_827] : memref<3x80x128xf32, #tpu.memory_space<vmem>> -> memref<1x80x128xf32, #tpu.memory_space<vmem>>
        %dma_wait3A_829 = tpu.memref_squeeze %dma_wait3A_828 : memref<1x80x128xf32, #tpu.memory_space<vmem>> -> memref<80x128xf32, #tpu.memory_space<vmem>>
        %dma_wait3A_830 = arith.constant 0 : i32
        %dma_wait3A_831 = tpu.memref_slice %arg12[%dma_wait3A_825, %dma_wait3A_830] : memref<3x80xi32, #tpu.memory_space<vmem>> -> memref<1x80xi32, #tpu.memory_space<vmem>>
        %dma_wait3A_832 = tpu.memref_squeeze %dma_wait3A_831 : memref<1x80xi32, #tpu.memory_space<vmem>> -> memref<80xi32, #tpu.memory_space<vmem>>
        %dma_wait3A_833 = arith.constant 0 : i32
        %dma_wait3A_834 = arith.constant 0 : i32
        %dma_wait3A_835 = tpu.memref_slice %arg15[%dma_wait3A_833, %dma_wait3A_834] : memref<10112x128xf32, #tpu.memory_space<vmem_shared>> -> memref<10112x128xf32, #tpu.memory_space<vmem_shared>>
        tpu.wait_indirect_dma semaphore(%arg19 : memref<!tpu.dma_semaphore, #tpu.memory_space<semaphore_mem>>) src(%dma_wait3A_829 : memref<80x128xf32, #tpu.memory_space<vmem>>) dst(%dma_wait3A_835 : memref<10112x128xf32, #tpu.memory_space<vmem_shared>>)
        %add3A_836 = arith.constant 2 : i32
        %add3A_837 = arith.addi %add3A_696, %add3A_836 : i32
        %mul3A_838 = arith.constant 80 : i32
        %mul3A_839 = arith.muli %add3A_837, %mul3A_838 : i32
        %add3A_840 = arith.addi %mul3A_4, %mul3A_839 : i32
        %dma_start3A_841 = arith.constant 0 : i32
        %dma_start3A_842 = arith.constant 0 : i32
        %dma_start3A_843 = tpu.memref_slice %arg12[%dma_start3A_841, %dma_start3A_842] : memref<3x80xi32, #tpu.memory_space<vmem>> -> memref<1x80xi32, #tpu.memory_space<vmem>>
        %dma_start3A_844 = tpu.memref_squeeze %dma_start3A_843 : memref<1x80xi32, #tpu.memory_space<vmem>> -> memref<80xi32, #tpu.memory_space<vmem>>
        %dma_start3A_845 = tpu.memref_slice %arg3[%add3A_840] : memref<320000xi32, #tpu.memory_space<hbm>> -> memref<80xi32, #tpu.memory_space<hbm>>
        %dma_start3A_846 = arith.constant 0 : i32
        %dma_start3A_847 = tpu.memref_slice %arg12[%dma_start3A_841, %dma_start3A_846] : memref<3x80xi32, #tpu.memory_space<vmem>> -> memref<1x80xi32, #tpu.memory_space<vmem>>
        %dma_start3A_848 = tpu.memref_squeeze %dma_start3A_847 : memref<1x80xi32, #tpu.memory_space<vmem>> -> memref<80xi32, #tpu.memory_space<vmem>>
        %dma_start3A_849 = tpu.memref_slice %arg3[%add3A_840] : memref<320000xi32, #tpu.memory_space<hbm>> -> memref<80xi32, #tpu.memory_space<hbm>>
        tpu.enqueue_dma source(%dma_start3A_849 : memref<80xi32, #tpu.memory_space<hbm>>) target(%dma_start3A_848 : memref<80xi32, #tpu.memory_space<vmem>>) target_semaphore(%arg22 : memref<!tpu.dma_semaphore, #tpu.memory_space<semaphore_mem>>)
        %add3A_850 = arith.constant 2 : i32
        %add3A_851 = arith.addi %add3A_696, %add3A_850 : i32
        %mul3A_852 = arith.constant 80 : i32
        %mul3A_853 = arith.muli %add3A_851, %mul3A_852 : i32
        %dma_start3A_854 = arith.constant 0 : i32
        %dma_start3A_855 = arith.constant 0 : i32
        %dma_start3A_856 = arith.constant 0 : i32
        %dma_start3A_857 = tpu.memref_slice %arg13[%dma_start3A_854, %dma_start3A_855, %dma_start3A_856] : memref<3x80x128xf32, #tpu.memory_space<vmem>> -> memref<1x80x128xf32, #tpu.memory_space<vmem>>
        %dma_start3A_858 = tpu.memref_squeeze %dma_start3A_857 : memref<1x80x128xf32, #tpu.memory_space<vmem>> -> memref<80x128xf32, #tpu.memory_space<vmem>>
        %dma_start3A_859 = tpu.memref_slice %arg11[%mul3A_853] : memref<10000xi32, #tpu.memory_space<vmem>> -> memref<80xi32, #tpu.memory_space<vmem>>
        %dma_start3A_860 = arith.constant 0 : i32
        %dma_start3A_861 = arith.constant 0 : i32
        %dma_start3A_862 = tpu.memref_slice %arg6[%dma_start3A_860, %dma_start3A_861] : memref<10000x128xf32, #tpu.memory_space<hbm>> -> memref<10000x128xf32, #tpu.memory_space<hbm>>
        tpu.enqueue_indirect_dma source(%dma_start3A_862 : memref<10000x128xf32, #tpu.memory_space<hbm>>) target(%dma_start3A_858 : memref<80x128xf32, #tpu.memory_space<vmem>>) offsets(%dma_start3A_859 : memref<80xi32, #tpu.memory_space<vmem>>) semaphore(%arg16 : memref<!tpu.dma_semaphore, #tpu.memory_space<semaphore_mem>>)
      } else {
      }
      %add3A_736 = arith.constant 1 : i32
      %add3A_737 = arith.addi %add3A_696, %add3A_736 : i32
      %mul3A_738 = arith.constant 80 : i32
      %mul3A_739 = arith.muli %add3A_737, %mul3A_738 : i32
      %dma_wait3A_740 = arith.constant 2 : i32
      %dma_wait3A_741 = arith.constant 0 : i32
      %dma_wait3A_742 = arith.constant 0 : i32
      %dma_wait3A_743 = tpu.memref_slice %arg13[%dma_wait3A_740, %dma_wait3A_741, %dma_wait3A_742] : memref<3x80x128xf32, #tpu.memory_space<vmem>> -> memref<1x80x128xf32, #tpu.memory_space<vmem>>
      %dma_wait3A_744 = tpu.memref_squeeze %dma_wait3A_743 : memref<1x80x128xf32, #tpu.memory_space<vmem>> -> memref<80x128xf32, #tpu.memory_space<vmem>>
      %dma_wait3A_745 = tpu.memref_slice %arg11[%mul3A_739] : memref<10000xi32, #tpu.memory_space<vmem>> -> memref<80xi32, #tpu.memory_space<vmem>>
      %dma_wait3A_746 = arith.constant 0 : i32
      %dma_wait3A_747 = arith.constant 0 : i32
      %dma_wait3A_748 = tpu.memref_slice %arg6[%dma_wait3A_746, %dma_wait3A_747] : memref<10000x128xf32, #tpu.memory_space<hbm>> -> memref<10000x128xf32, #tpu.memory_space<hbm>>
      tpu.wait_indirect_dma semaphore(%arg18 : memref<!tpu.dma_semaphore, #tpu.memory_space<semaphore_mem>>) src(%dma_wait3A_748 : memref<10000x128xf32, #tpu.memory_space<hbm>>) dst(%dma_wait3A_744 : memref<80x128xf32, #tpu.memory_space<vmem>>)
      %mul3A_749 = arith.constant 80 : i32
      %mul3A_750 = arith.muli %add3A_737, %mul3A_749 : i32
      %add3A_751 = arith.addi %mul3A_4, %mul3A_750 : i32
      %dma_wait3A_752 = arith.constant 2 : i32
      %dma_wait3A_753 = arith.constant 0 : i32
      %dma_wait3A_754 = tpu.memref_slice %arg12[%dma_wait3A_752, %dma_wait3A_753] : memref<3x80xi32, #tpu.memory_space<vmem>> -> memref<1x80xi32, #tpu.memory_space<vmem>>
      %dma_wait3A_755 = tpu.memref_squeeze %dma_wait3A_754 : memref<1x80xi32, #tpu.memory_space<vmem>> -> memref<80xi32, #tpu.memory_space<vmem>>
      %dma_wait3A_756 = tpu.memref_slice %arg3[%add3A_751] : memref<320000xi32, #tpu.memory_space<hbm>> -> memref<80xi32, #tpu.memory_space<hbm>>
      %dma_wait3A_757 = arith.constant 0 : i32
      %dma_wait3A_758 = tpu.memref_slice %arg12[%dma_wait3A_752, %dma_wait3A_757] : memref<3x80xi32, #tpu.memory_space<vmem>> -> memref<1x80xi32, #tpu.memory_space<vmem>>
      %dma_wait3A_759 = tpu.memref_squeeze %dma_wait3A_758 : memref<1x80xi32, #tpu.memory_space<vmem>> -> memref<80xi32, #tpu.memory_space<vmem>>
      %dma_wait3A_760 = tpu.memref_slice %arg3[%add3A_751] : memref<320000xi32, #tpu.memory_space<hbm>> -> memref<80xi32, #tpu.memory_space<hbm>>
      tpu.wait_dma2 semaphore(%arg24 : memref<!tpu.dma_semaphore, #tpu.memory_space<semaphore_mem>>) src(%dma_wait3A_760 : memref<80xi32, #tpu.memory_space<hbm>>) dst(%dma_wait3A_759 : memref<80xi32, #tpu.memory_space<vmem>>)
      %dma_start3A_761 = arith.constant 2 : i32
      %dma_start3A_762 = arith.constant 2 : i32
      %dma_start3A_763 = arith.constant 0 : i32
      %dma_start3A_764 = arith.constant 0 : i32
      %dma_start3A_765 = tpu.memref_slice %arg13[%dma_start3A_761, %dma_start3A_763, %dma_start3A_764] : memref<3x80x128xf32, #tpu.memory_space<vmem>> -> memref<1x80x128xf32, #tpu.memory_space<vmem>>
      %dma_start3A_766 = tpu.memref_squeeze %dma_start3A_765 : memref<1x80x128xf32, #tpu.memory_space<vmem>> -> memref<80x128xf32, #tpu.memory_space<vmem>>
      %dma_start3A_767 = arith.constant 0 : i32
      %dma_start3A_768 = tpu.memref_slice %arg12[%dma_start3A_762, %dma_start3A_767] : memref<3x80xi32, #tpu.memory_space<vmem>> -> memref<1x80xi32, #tpu.memory_space<vmem>>
      %dma_start3A_769 = tpu.memref_squeeze %dma_start3A_768 : memref<1x80xi32, #tpu.memory_space<vmem>> -> memref<80xi32, #tpu.memory_space<vmem>>
      %dma_start3A_770 = arith.constant 0 : i32
      %dma_start3A_771 = arith.constant 0 : i32
      %dma_start3A_772 = tpu.memref_slice %arg15[%dma_start3A_770, %dma_start3A_771] : memref<10112x128xf32, #tpu.memory_space<vmem_shared>> -> memref<10112x128xf32, #tpu.memory_space<vmem_shared>>
      tpu.enqueue_indirect_dma source(%dma_start3A_766 : memref<80x128xf32, #tpu.memory_space<vmem>>) target(%dma_start3A_772 : memref<10112x128xf32, #tpu.memory_space<vmem_shared>>) offsets(%dma_start3A_769 : memref<80xi32, #tpu.memory_space<vmem>>) semaphore(%arg21 : memref<!tpu.dma_semaphore, #tpu.memory_space<semaphore_mem>>) {add = true}
      %add3A_773 = arith.constant 2 : i32
      %add3A_774 = arith.addi %add3A_737, %add3A_773 : i32
      %lt3A_775 = arith.constant 125 : i32
      %lt3A_776 = arith.cmpi slt, %add3A_774, %lt3A_775 : i32
      %convert_element_type3A_777 = arith.extui %lt3A_776 : i1 to i32
      %cond3A_778 = arith.constant 0 : i32
      %cond3A_779 = arith.cmpi ne, %convert_element_type3A_777, %cond3A_778 : i32
      scf.if %cond3A_779 {
        %dma_wait3A_824 = arith.constant 1 : i32
        %dma_wait3A_825 = arith.constant 1 : i32
        %dma_wait3A_826 = arith.constant 0 : i32
        %dma_wait3A_827 = arith.constant 0 : i32
        %dma_wait3A_828 = tpu.memref_slice %arg13[%dma_wait3A_824, %dma_wait3A_826, %dma_wait3A_827] : memref<3x80x128xf32, #tpu.memory_space<vmem>> -> memref<1x80x128xf32, #tpu.memory_space<vmem>>
        %dma_wait3A_829 = tpu.memref_squeeze %dma_wait3A_828 : memref<1x80x128xf32, #tpu.memory_space<vmem>> -> memref<80x128xf32, #tpu.memory_space<vmem>>
        %dma_wait3A_830 = arith.constant 0 : i32
        %dma_wait3A_831 = tpu.memref_slice %arg12[%dma_wait3A_825, %dma_wait3A_830] : memref<3x80xi32, #tpu.memory_space<vmem>> -> memref<1x80xi32, #tpu.memory_space<vmem>>
        %dma_wait3A_832 = tpu.memref_squeeze %dma_wait3A_831 : memref<1x80xi32, #tpu.memory_space<vmem>> -> memref<80xi32, #tpu.memory_space<vmem>>
        %dma_wait3A_833 = arith.constant 0 : i32
        %dma_wait3A_834 = arith.constant 0 : i32
        %dma_wait3A_835 = tpu.memref_slice %arg15[%dma_wait3A_833, %dma_wait3A_834] : memref<10112x128xf32, #tpu.memory_space<vmem_shared>> -> memref<10112x128xf32, #tpu.memory_space<vmem_shared>>
        tpu.wait_indirect_dma semaphore(%arg20 : memref<!tpu.dma_semaphore, #tpu.memory_space<semaphore_mem>>) src(%dma_wait3A_829 : memref<80x128xf32, #tpu.memory_space<vmem>>) dst(%dma_wait3A_835 : memref<10112x128xf32, #tpu.memory_space<vmem_shared>>)
        %add3A_836 = arith.constant 2 : i32
        %add3A_837 = arith.addi %add3A_737, %add3A_836 : i32
        %mul3A_838 = arith.constant 80 : i32
        %mul3A_839 = arith.muli %add3A_837, %mul3A_838 : i32
        %add3A_840 = arith.addi %mul3A_4, %mul3A_839 : i32
        %dma_start3A_841 = arith.constant 1 : i32
        %dma_start3A_842 = arith.constant 0 : i32
        %dma_start3A_843 = tpu.memref_slice %arg12[%dma_start3A_841, %dma_start3A_842] : memref<3x80xi32, #tpu.memory_space<vmem>> -> memref<1x80xi32, #tpu.memory_space<vmem>>
        %dma_start3A_844 = tpu.memref_squeeze %dma_start3A_843 : memref<1x80xi32, #tpu.memory_space<vmem>> -> memref<80xi32, #tpu.memory_space<vmem>>
        %dma_start3A_845 = tpu.memref_slice %arg3[%add3A_840] : memref<320000xi32, #tpu.memory_space<hbm>> -> memref<80xi32, #tpu.memory_space<hbm>>
        %dma_start3A_846 = arith.constant 0 : i32
        %dma_start3A_847 = tpu.memref_slice %arg12[%dma_start3A_841, %dma_start3A_846] : memref<3x80xi32, #tpu.memory_space<vmem>> -> memref<1x80xi32, #tpu.memory_space<vmem>>
        %dma_start3A_848 = tpu.memref_squeeze %dma_start3A_847 : memref<1x80xi32, #tpu.memory_space<vmem>> -> memref<80xi32, #tpu.memory_space<vmem>>
        %dma_start3A_849 = tpu.memref_slice %arg3[%add3A_840] : memref<320000xi32, #tpu.memory_space<hbm>> -> memref<80xi32, #tpu.memory_space<hbm>>
        tpu.enqueue_dma source(%dma_start3A_849 : memref<80xi32, #tpu.memory_space<hbm>>) target(%dma_start3A_848 : memref<80xi32, #tpu.memory_space<vmem>>) target_semaphore(%arg23 : memref<!tpu.dma_semaphore, #tpu.memory_space<semaphore_mem>>)
        %add3A_850 = arith.constant 2 : i32
        %add3A_851 = arith.addi %add3A_737, %add3A_850 : i32
        %mul3A_852 = arith.constant 80 : i32
        %mul3A_853 = arith.muli %add3A_851, %mul3A_852 : i32
        %dma_start3A_854 = arith.constant 1 : i32
        %dma_start3A_855 = arith.constant 0 : i32
        %dma_start3A_856 = arith.constant 0 : i32
        %dma_start3A_857 = tpu.memref_slice %arg13[%dma_start3A_854, %dma_start3A_855, %dma_start3A_856] : memref<3x80x128xf32, #tpu.memory_space<vmem>> -> memref<1x80x128xf32, #tpu.memory_space<vmem>>
        %dma_start3A_858 = tpu.memref_squeeze %dma_start3A_857 : memref<1x80x128xf32, #tpu.memory_space<vmem>> -> memref<80x128xf32, #tpu.memory_space<vmem>>
        %dma_start3A_859 = tpu.memref_slice %arg11[%mul3A_853] : memref<10000xi32, #tpu.memory_space<vmem>> -> memref<80xi32, #tpu.memory_space<vmem>>
        %dma_start3A_860 = arith.constant 0 : i32
        %dma_start3A_861 = arith.constant 0 : i32
        %dma_start3A_862 = tpu.memref_slice %arg6[%dma_start3A_860, %dma_start3A_861] : memref<10000x128xf32, #tpu.memory_space<hbm>> -> memref<10000x128xf32, #tpu.memory_space<hbm>>
        tpu.enqueue_indirect_dma source(%dma_start3A_862 : memref<10000x128xf32, #tpu.memory_space<hbm>>) target(%dma_start3A_858 : memref<80x128xf32, #tpu.memory_space<vmem>>) offsets(%dma_start3A_859 : memref<80xi32, #tpu.memory_space<vmem>>) semaphore(%arg17 : memref<!tpu.dma_semaphore, #tpu.memory_space<semaphore_mem>>)
      } else {
      }
      %add3A_780 = arith.constant 2 : i32
      %add3A_781 = arith.addi %add3A_696, %add3A_780 : i32
      %mul3A_782 = arith.constant 80 : i32
      %mul3A_783 = arith.muli %add3A_781, %mul3A_782 : i32
      %dma_wait3A_784 = arith.constant 0 : i32
      %dma_wait3A_785 = arith.constant 0 : i32
      %dma_wait3A_786 = arith.constant 0 : i32
      %dma_wait3A_787 = tpu.memref_slice %arg13[%dma_wait3A_784, %dma_wait3A_785, %dma_wait3A_786] : memref<3x80x128xf32, #tpu.memory_space<vmem>> -> memref<1x80x128xf32, #tpu.memory_space<vmem>>
      %dma_wait3A_788 = tpu.memref_squeeze %dma_wait3A_787 : memref<1x80x128xf32, #tpu.memory_space<vmem>> -> memref<80x128xf32, #tpu.memory_space<vmem>>
      %dma_wait3A_789 = tpu.memref_slice %arg11[%mul3A_783] : memref<10000xi32, #tpu.memory_space<vmem>> -> memref<80xi32, #tpu.memory_space<vmem>>
      %dma_wait3A_790 = arith.constant 0 : i32
      %dma_wait3A_791 = arith.constant 0 : i32
      %dma_wait3A_792 = tpu.memref_slice %arg6[%dma_wait3A_790, %dma_wait3A_791] : memref<10000x128xf32, #tpu.memory_space<hbm>> -> memref<10000x128xf32, #tpu.memory_space<hbm>>
      tpu.wait_indirect_dma semaphore(%arg16 : memref<!tpu.dma_semaphore, #tpu.memory_space<semaphore_mem>>) src(%dma_wait3A_792 : memref<10000x128xf32, #tpu.memory_space<hbm>>) dst(%dma_wait3A_788 : memref<80x128xf32, #tpu.memory_space<vmem>>)
      %mul3A_793 = arith.constant 80 : i32
      %mul3A_794 = arith.muli %add3A_781, %mul3A_793 : i32
      %add3A_795 = arith.addi %mul3A_4, %mul3A_794 : i32
      %dma_wait3A_796 = arith.constant 0 : i32
      %dma_wait3A_797 = arith.constant 0 : i32
      %dma_wait3A_798 = tpu.memref_slice %arg12[%dma_wait3A_796, %dma_wait3A_797] : memref<3x80xi32, #tpu.memory_space<vmem>> -> memref<1x80xi32, #tpu.memory_space<vmem>>
      %dma_wait3A_799 = tpu.memref_squeeze %dma_wait3A_798 : memref<1x80xi32, #tpu.memory_space<vmem>> -> memref<80xi32, #tpu.memory_space<vmem>>
      %dma_wait3A_800 = tpu.memref_slice %arg3[%add3A_795] : memref<320000xi32, #tpu.memory_space<hbm>> -> memref<80xi32, #tpu.memory_space<hbm>>
      %dma_wait3A_801 = arith.constant 0 : i32
      %dma_wait3A_802 = tpu.memref_slice %arg12[%dma_wait3A_796, %dma_wait3A_801] : memref<3x80xi32, #tpu.memory_space<vmem>> -> memref<1x80xi32, #tpu.memory_space<vmem>>
      %dma_wait3A_803 = tpu.memref_squeeze %dma_wait3A_802 : memref<1x80xi32, #tpu.memory_space<vmem>> -> memref<80xi32, #tpu.memory_space<vmem>>
      %dma_wait3A_804 = tpu.memref_slice %arg3[%add3A_795] : memref<320000xi32, #tpu.memory_space<hbm>> -> memref<80xi32, #tpu.memory_space<hbm>>
      tpu.wait_dma2 semaphore(%arg22 : memref<!tpu.dma_semaphore, #tpu.memory_space<semaphore_mem>>) src(%dma_wait3A_804 : memref<80xi32, #tpu.memory_space<hbm>>) dst(%dma_wait3A_803 : memref<80xi32, #tpu.memory_space<vmem>>)
      %dma_start3A_805 = arith.constant 0 : i32
      %dma_start3A_806 = arith.constant 0 : i32
      %dma_start3A_807 = arith.constant 0 : i32
      %dma_start3A_808 = arith.constant 0 : i32
      %dma_start3A_809 = tpu.memref_slice %arg13[%dma_start3A_805, %dma_start3A_807, %dma_start3A_808] : memref<3x80x128xf32, #tpu.memory_space<vmem>> -> memref<1x80x128xf32, #tpu.memory_space<vmem>>
      %dma_start3A_810 = tpu.memref_squeeze %dma_start3A_809 : memref<1x80x128xf32, #tpu.memory_space<vmem>> -> memref<80x128xf32, #tpu.memory_space<vmem>>
      %dma_start3A_811 = arith.constant 0 : i32
      %dma_start3A_812 = tpu.memref_slice %arg12[%dma_start3A_806, %dma_start3A_811] : memref<3x80xi32, #tpu.memory_space<vmem>> -> memref<1x80xi32, #tpu.memory_space<vmem>>
      %dma_start3A_813 = tpu.memref_squeeze %dma_start3A_812 : memref<1x80xi32, #tpu.memory_space<vmem>> -> memref<80xi32, #tpu.memory_space<vmem>>
      %dma_start3A_814 = arith.constant 0 : i32
      %dma_start3A_815 = arith.constant 0 : i32
      %dma_start3A_816 = tpu.memref_slice %arg15[%dma_start3A_814, %dma_start3A_815] : memref<10112x128xf32, #tpu.memory_space<vmem_shared>> -> memref<10112x128xf32, #tpu.memory_space<vmem_shared>>
      tpu.enqueue_indirect_dma source(%dma_start3A_810 : memref<80x128xf32, #tpu.memory_space<vmem>>) target(%dma_start3A_816 : memref<10112x128xf32, #tpu.memory_space<vmem_shared>>) offsets(%dma_start3A_813 : memref<80xi32, #tpu.memory_space<vmem>>) semaphore(%arg19 : memref<!tpu.dma_semaphore, #tpu.memory_space<semaphore_mem>>) {add = true}
      %add3A_817 = arith.constant 2 : i32
      %add3A_818 = arith.addi %add3A_781, %add3A_817 : i32
      %lt3A_819 = arith.constant 125 : i32
      %lt3A_820 = arith.cmpi slt, %add3A_818, %lt3A_819 : i32
      %convert_element_type3A_821 = arith.extui %lt3A_820 : i1 to i32
      %cond3A_822 = arith.constant 0 : i32
      %cond3A_823 = arith.cmpi ne, %convert_element_type3A_821, %cond3A_822 : i32
      scf.if %cond3A_823 {
        %dma_wait3A_824 = arith.constant 2 : i32
        %dma_wait3A_825 = arith.constant 2 : i32
        %dma_wait3A_826 = arith.constant 0 : i32
        %dma_wait3A_827 = arith.constant 0 : i32
        %dma_wait3A_828 = tpu.memref_slice %arg13[%dma_wait3A_824, %dma_wait3A_826, %dma_wait3A_827] : memref<3x80x128xf32, #tpu.memory_space<vmem>> -> memref<1x80x128xf32, #tpu.memory_space<vmem>>
        %dma_wait3A_829 = tpu.memref_squeeze %dma_wait3A_828 : memref<1x80x128xf32, #tpu.memory_space<vmem>> -> memref<80x128xf32, #tpu.memory_space<vmem>>
        %dma_wait3A_830 = arith.constant 0 : i32
        %dma_wait3A_831 = tpu.memref_slice %arg12[%dma_wait3A_825, %dma_wait3A_830] : memref<3x80xi32, #tpu.memory_space<vmem>> -> memref<1x80xi32, #tpu.memory_space<vmem>>
        %dma_wait3A_832 = tpu.memref_squeeze %dma_wait3A_831 : memref<1x80xi32, #tpu.memory_space<vmem>> -> memref<80xi32, #tpu.memory_space<vmem>>
        %dma_wait3A_833 = arith.constant 0 : i32
        %dma_wait3A_834 = arith.constant 0 : i32
        %dma_wait3A_835 = tpu.memref_slice %arg15[%dma_wait3A_833, %dma_wait3A_834] : memref<10112x128xf32, #tpu.memory_space<vmem_shared>> -> memref<10112x128xf32, #tpu.memory_space<vmem_shared>>
        tpu.wait_indirect_dma semaphore(%arg21 : memref<!tpu.dma_semaphore, #tpu.memory_space<semaphore_mem>>) src(%dma_wait3A_829 : memref<80x128xf32, #tpu.memory_space<vmem>>) dst(%dma_wait3A_835 : memref<10112x128xf32, #tpu.memory_space<vmem_shared>>)
        %add3A_836 = arith.constant 2 : i32
        %add3A_837 = arith.addi %add3A_781, %add3A_836 : i32
        %mul3A_838 = arith.constant 80 : i32
        %mul3A_839 = arith.muli %add3A_837, %mul3A_838 : i32
        %add3A_840 = arith.addi %mul3A_4, %mul3A_839 : i32
        %dma_start3A_841 = arith.constant 2 : i32
        %dma_start3A_842 = arith.constant 0 : i32
        %dma_start3A_843 = tpu.memref_slice %arg12[%dma_start3A_841, %dma_start3A_842] : memref<3x80xi32, #tpu.memory_space<vmem>> -> memref<1x80xi32, #tpu.memory_space<vmem>>
        %dma_start3A_844 = tpu.memref_squeeze %dma_start3A_843 : memref<1x80xi32, #tpu.memory_space<vmem>> -> memref<80xi32, #tpu.memory_space<vmem>>
        %dma_start3A_845 = tpu.memref_slice %arg3[%add3A_840] : memref<320000xi32, #tpu.memory_space<hbm>> -> memref<80xi32, #tpu.memory_space<hbm>>
        %dma_start3A_846 = arith.constant 0 : i32
        %dma_start3A_847 = tpu.memref_slice %arg12[%dma_start3A_841, %dma_start3A_846] : memref<3x80xi32, #tpu.memory_space<vmem>> -> memref<1x80xi32, #tpu.memory_space<vmem>>
        %dma_start3A_848 = tpu.memref_squeeze %dma_start3A_847 : memref<1x80xi32, #tpu.memory_space<vmem>> -> memref<80xi32, #tpu.memory_space<vmem>>
        %dma_start3A_849 = tpu.memref_slice %arg3[%add3A_840] : memref<320000xi32, #tpu.memory_space<hbm>> -> memref<80xi32, #tpu.memory_space<hbm>>
        tpu.enqueue_dma source(%dma_start3A_849 : memref<80xi32, #tpu.memory_space<hbm>>) target(%dma_start3A_848 : memref<80xi32, #tpu.memory_space<vmem>>) target_semaphore(%arg24 : memref<!tpu.dma_semaphore, #tpu.memory_space<semaphore_mem>>)
        %add3A_850 = arith.constant 2 : i32
        %add3A_851 = arith.addi %add3A_781, %add3A_850 : i32
        %mul3A_852 = arith.constant 80 : i32
        %mul3A_853 = arith.muli %add3A_851, %mul3A_852 : i32
        %dma_start3A_854 = arith.constant 2 : i32
        %dma_start3A_855 = arith.constant 0 : i32
        %dma_start3A_856 = arith.constant 0 : i32
        %dma_start3A_857 = tpu.memref_slice %arg13[%dma_start3A_854, %dma_start3A_855, %dma_start3A_856] : memref<3x80x128xf32, #tpu.memory_space<vmem>> -> memref<1x80x128xf32, #tpu.memory_space<vmem>>
        %dma_start3A_858 = tpu.memref_squeeze %dma_start3A_857 : memref<1x80x128xf32, #tpu.memory_space<vmem>> -> memref<80x128xf32, #tpu.memory_space<vmem>>
        %dma_start3A_859 = tpu.memref_slice %arg11[%mul3A_853] : memref<10000xi32, #tpu.memory_space<vmem>> -> memref<80xi32, #tpu.memory_space<vmem>>
        %dma_start3A_860 = arith.constant 0 : i32
        %dma_start3A_861 = arith.constant 0 : i32
        %dma_start3A_862 = tpu.memref_slice %arg6[%dma_start3A_860, %dma_start3A_861] : memref<10000x128xf32, #tpu.memory_space<hbm>> -> memref<10000x128xf32, #tpu.memory_space<hbm>>
        tpu.enqueue_indirect_dma source(%dma_start3A_862 : memref<10000x128xf32, #tpu.memory_space<hbm>>) target(%dma_start3A_858 : memref<80x128xf32, #tpu.memory_space<vmem>>) offsets(%dma_start3A_859 : memref<80xi32, #tpu.memory_space<vmem>>) semaphore(%arg18 : memref<!tpu.dma_semaphore, #tpu.memory_space<semaphore_mem>>)
      } else {
      }
    }
    %scan3A_447 = arith.constant 41 : i32
    %dma_wait3A_448 = arith.constant 1 : i32
    %dma_wait3A_449 = arith.constant 0 : i32
    %dma_wait3A_450 = arith.constant 0 : i32
    %dma_wait3A_451 = tpu.memref_slice %arg13[%dma_wait3A_448, %dma_wait3A_449, %dma_wait3A_450] : memref<3x80x128xf32, #tpu.memory_space<vmem>> -> memref<1x80x128xf32, #tpu.memory_space<vmem>>
    %dma_wait3A_452 = tpu.memref_squeeze %dma_wait3A_451 : memref<1x80x128xf32, #tpu.memory_space<vmem>> -> memref<80x128xf32, #tpu.memory_space<vmem>>
    %dma_wait3A_453 = arith.constant 9920 : i32
    %dma_wait3A_454 = tpu.memref_slice %arg11[%dma_wait3A_453] : memref<10000xi32, #tpu.memory_space<vmem>> -> memref<80xi32, #tpu.memory_space<vmem>>
    %dma_wait3A_455 = arith.constant 0 : i32
    %dma_wait3A_456 = arith.constant 0 : i32
    %dma_wait3A_457 = tpu.memref_slice %arg6[%dma_wait3A_455, %dma_wait3A_456] : memref<10000x128xf32, #tpu.memory_space<hbm>> -> memref<10000x128xf32, #tpu.memory_space<hbm>>
    tpu.wait_indirect_dma semaphore(%arg17 : memref<!tpu.dma_semaphore, #tpu.memory_space<semaphore_mem>>) src(%dma_wait3A_457 : memref<10000x128xf32, #tpu.memory_space<hbm>>) dst(%dma_wait3A_452 : memref<80x128xf32, #tpu.memory_space<vmem>>)
    %add3A_458 = arith.constant 9920 : i32
    %add3A_459 = arith.addi %mul3A_4, %add3A_458 : i32
    %dma_wait3A_460 = arith.constant 1 : i32
    %dma_wait3A_461 = arith.constant 0 : i32
    %dma_wait3A_462 = tpu.memref_slice %arg12[%dma_wait3A_460, %dma_wait3A_461] : memref<3x80xi32, #tpu.memory_space<vmem>> -> memref<1x80xi32, #tpu.memory_space<vmem>>
    %dma_wait3A_463 = tpu.memref_squeeze %dma_wait3A_462 : memref<1x80xi32, #tpu.memory_space<vmem>> -> memref<80xi32, #tpu.memory_space<vmem>>
    %dma_wait3A_464 = tpu.memref_slice %arg3[%add3A_459] : memref<320000xi32, #tpu.memory_space<hbm>> -> memref<80xi32, #tpu.memory_space<hbm>>
    %dma_wait3A_465 = arith.constant 0 : i32
    %dma_wait3A_466 = tpu.memref_slice %arg12[%dma_wait3A_460, %dma_wait3A_465] : memref<3x80xi32, #tpu.memory_space<vmem>> -> memref<1x80xi32, #tpu.memory_space<vmem>>
    %dma_wait3A_467 = tpu.memref_squeeze %dma_wait3A_466 : memref<1x80xi32, #tpu.memory_space<vmem>> -> memref<80xi32, #tpu.memory_space<vmem>>
    %dma_wait3A_468 = tpu.memref_slice %arg3[%add3A_459] : memref<320000xi32, #tpu.memory_space<hbm>> -> memref<80xi32, #tpu.memory_space<hbm>>
    tpu.wait_dma2 semaphore(%arg23 : memref<!tpu.dma_semaphore, #tpu.memory_space<semaphore_mem>>) src(%dma_wait3A_468 : memref<80xi32, #tpu.memory_space<hbm>>) dst(%dma_wait3A_467 : memref<80xi32, #tpu.memory_space<vmem>>)
    %dma_start3A_469 = arith.constant 1 : i32
    %dma_start3A_470 = arith.constant 1 : i32
    %dma_start3A_471 = arith.constant 0 : i32
    %dma_start3A_472 = arith.constant 0 : i32
    %dma_start3A_473 = tpu.memref_slice %arg13[%dma_start3A_469, %dma_start3A_471, %dma_start3A_472] : memref<3x80x128xf32, #tpu.memory_space<vmem>> -> memref<1x80x128xf32, #tpu.memory_space<vmem>>
    %dma_start3A_474 = tpu.memref_squeeze %dma_start3A_473 : memref<1x80x128xf32, #tpu.memory_space<vmem>> -> memref<80x128xf32, #tpu.memory_space<vmem>>
    %dma_start3A_475 = arith.constant 0 : i32
    %dma_start3A_476 = tpu.memref_slice %arg12[%dma_start3A_470, %dma_start3A_475] : memref<3x80xi32, #tpu.memory_space<vmem>> -> memref<1x80xi32, #tpu.memory_space<vmem>>
    %dma_start3A_477 = tpu.memref_squeeze %dma_start3A_476 : memref<1x80xi32, #tpu.memory_space<vmem>> -> memref<80xi32, #tpu.memory_space<vmem>>
    %dma_start3A_478 = arith.constant 0 : i32
    %dma_start3A_479 = arith.constant 0 : i32
    %dma_start3A_480 = tpu.memref_slice %arg15[%dma_start3A_478, %dma_start3A_479] : memref<10112x128xf32, #tpu.memory_space<vmem_shared>> -> memref<10112x128xf32, #tpu.memory_space<vmem_shared>>
    tpu.enqueue_indirect_dma source(%dma_start3A_474 : memref<80x128xf32, #tpu.memory_space<vmem>>) target(%dma_start3A_480 : memref<10112x128xf32, #tpu.memory_space<vmem_shared>>) offsets(%dma_start3A_477 : memref<80xi32, #tpu.memory_space<vmem>>) semaphore(%arg20 : memref<!tpu.dma_semaphore, #tpu.memory_space<semaphore_mem>>) {add = true}
    %dma_wait3A_481 = arith.constant 2 : i32
    %dma_wait3A_482 = arith.constant 2 : i32
    %dma_wait3A_483 = arith.constant 0 : i32
    %dma_wait3A_484 = arith.constant 0 : i32
    %dma_wait3A_485 = tpu.memref_slice %arg13[%dma_wait3A_481, %dma_wait3A_483, %dma_wait3A_484] : memref<3x80x128xf32, #tpu.memory_space<vmem>> -> memref<1x80x128xf32, #tpu.memory_space<vmem>>
    %dma_wait3A_486 = tpu.memref_squeeze %dma_wait3A_485 : memref<1x80x128xf32, #tpu.memory_space<vmem>> -> memref<80x128xf32, #tpu.memory_space<vmem>>
    %dma_wait3A_487 = arith.constant 0 : i32
    %dma_wait3A_488 = tpu.memref_slice %arg12[%dma_wait3A_482, %dma_wait3A_487] : memref<3x80xi32, #tpu.memory_space<vmem>> -> memref<1x80xi32, #tpu.memory_space<vmem>>
    %dma_wait3A_489 = tpu.memref_squeeze %dma_wait3A_488 : memref<1x80xi32, #tpu.memory_space<vmem>> -> memref<80xi32, #tpu.memory_space<vmem>>
    %dma_wait3A_490 = arith.constant 0 : i32
    %dma_wait3A_491 = arith.constant 0 : i32
    %dma_wait3A_492 = tpu.memref_slice %arg15[%dma_wait3A_490, %dma_wait3A_491] : memref<10112x128xf32, #tpu.memory_space<vmem_shared>> -> memref<10112x128xf32, #tpu.memory_space<vmem_shared>>
    tpu.wait_indirect_dma semaphore(%arg21 : memref<!tpu.dma_semaphore, #tpu.memory_space<semaphore_mem>>) src(%dma_wait3A_486 : memref<80x128xf32, #tpu.memory_space<vmem>>) dst(%dma_wait3A_492 : memref<10112x128xf32, #tpu.memory_space<vmem_shared>>)
    %dma_wait3A_493 = arith.constant 0 : i32
    %dma_wait3A_494 = arith.constant 0 : i32
    %dma_wait3A_495 = arith.constant 0 : i32
    %dma_wait3A_496 = arith.constant 0 : i32
    %dma_wait3A_497 = tpu.memref_slice %arg13[%dma_wait3A_493, %dma_wait3A_495, %dma_wait3A_496] : memref<3x80x128xf32, #tpu.memory_space<vmem>> -> memref<1x80x128xf32, #tpu.memory_space<vmem>>
    %dma_wait3A_498 = tpu.memref_squeeze %dma_wait3A_497 : memref<1x80x128xf32, #tpu.memory_space<vmem>> -> memref<80x128xf32, #tpu.memory_space<vmem>>
    %dma_wait3A_499 = arith.constant 0 : i32
    %dma_wait3A_500 = tpu.memref_slice %arg12[%dma_wait3A_494, %dma_wait3A_499] : memref<3x80xi32, #tpu.memory_space<vmem>> -> memref<1x80xi32, #tpu.memory_space<vmem>>
    %dma_wait3A_501 = tpu.memref_squeeze %dma_wait3A_500 : memref<1x80xi32, #tpu.memory_space<vmem>> -> memref<80xi32, #tpu.memory_space<vmem>>
    %dma_wait3A_502 = arith.constant 0 : i32
    %dma_wait3A_503 = arith.constant 0 : i32
    %dma_wait3A_504 = tpu.memref_slice %arg15[%dma_wait3A_502, %dma_wait3A_503] : memref<10112x128xf32, #tpu.memory_space<vmem_shared>> -> memref<10112x128xf32, #tpu.memory_space<vmem_shared>>
    tpu.wait_indirect_dma semaphore(%arg19 : memref<!tpu.dma_semaphore, #tpu.memory_space<semaphore_mem>>) src(%dma_wait3A_498 : memref<80x128xf32, #tpu.memory_space<vmem>>) dst(%dma_wait3A_504 : memref<10112x128xf32, #tpu.memory_space<vmem_shared>>)
    %dma_wait3A_505 = arith.constant 1 : i32
    %dma_wait3A_506 = arith.constant 1 : i32
    %dma_wait3A_507 = arith.constant 0 : i32
    %dma_wait3A_508 = arith.constant 0 : i32
    %dma_wait3A_509 = tpu.memref_slice %arg13[%dma_wait3A_505, %dma_wait3A_507, %dma_wait3A_508] : memref<3x80x128xf32, #tpu.memory_space<vmem>> -> memref<1x80x128xf32, #tpu.memory_space<vmem>>
    %dma_wait3A_510 = tpu.memref_squeeze %dma_wait3A_509 : memref<1x80x128xf32, #tpu.memory_space<vmem>> -> memref<80x128xf32, #tpu.memory_space<vmem>>
    %dma_wait3A_511 = arith.constant 0 : i32
    %dma_wait3A_512 = tpu.memref_slice %arg12[%dma_wait3A_506, %dma_wait3A_511] : memref<3x80xi32, #tpu.memory_space<vmem>> -> memref<1x80xi32, #tpu.memory_space<vmem>>
    %dma_wait3A_513 = tpu.memref_squeeze %dma_wait3A_512 : memref<1x80xi32, #tpu.memory_space<vmem>> -> memref<80xi32, #tpu.memory_space<vmem>>
    %dma_wait3A_514 = arith.constant 0 : i32
    %dma_wait3A_515 = arith.constant 0 : i32
    %dma_wait3A_516 = tpu.memref_slice %arg15[%dma_wait3A_514, %dma_wait3A_515] : memref<10112x128xf32, #tpu.memory_space<vmem_shared>> -> memref<10112x128xf32, #tpu.memory_space<vmem_shared>>
    tpu.wait_indirect_dma semaphore(%arg20 : memref<!tpu.dma_semaphore, #tpu.memory_space<semaphore_mem>>) src(%dma_wait3A_510 : memref<80x128xf32, #tpu.memory_space<vmem>>) dst(%dma_wait3A_516 : memref<10112x128xf32, #tpu.memory_space<vmem_shared>>)
    %barrier3A_517 = arith.constant 0 : index
    tpu.barrier barrier_id(%barrier3A_517)
    %run_scoped3A_518 = arith.constant 2 : i32
    "tpu.region"() ({
      %run_scoped3A_692 = tpu.sem_alloc : memref<!tpu.dma_semaphore, #tpu.memory_space<semaphore_mem>>
      %dma_start3A_693 = arith.constant 0 : i32
      %dma_start3A_694 = tpu.memref_slice %arg10[%arg0, %run_scoped3A_518, %mul3A_0, %dma_start3A_693] : memref<2x4x10112x128xf32, #tpu.memory_space<hbm>> -> memref<1x1x632x128xf32, #tpu.memory_space<hbm>>
      %dma_start3A_695 = tpu.memref_squeeze %dma_start3A_694 : memref<1x1x632x128xf32, #tpu.memory_space<hbm>> -> memref<632x128xf32, #tpu.memory_space<hbm>>
      %dma_start3A_696 = arith.constant 0 : i32
      %dma_start3A_697 = tpu.memref_slice %arg15[%mul3A_0, %dma_start3A_696] : memref<10112x128xf32, #tpu.memory_space<vmem_shared>> -> memref<632x128xf32, #tpu.memory_space<vmem_shared>>
      tpu.enqueue_dma source(%dma_start3A_697 : memref<632x128xf32, #tpu.memory_space<vmem_shared>>) target(%dma_start3A_695 : memref<632x128xf32, #tpu.memory_space<hbm>>) target_semaphore(%run_scoped3A_692 : memref<!tpu.dma_semaphore, #tpu.memory_space<semaphore_mem>>)
      %dma_wait3A_698 = arith.constant 0 : i32
      %dma_wait3A_699 = tpu.memref_slice %arg10[%arg0, %run_scoped3A_518, %mul3A_0, %dma_wait3A_698] : memref<2x4x10112x128xf32, #tpu.memory_space<hbm>> -> memref<1x1x632x128xf32, #tpu.memory_space<hbm>>
      %dma_wait3A_700 = tpu.memref_squeeze %dma_wait3A_699 : memref<1x1x632x128xf32, #tpu.memory_space<hbm>> -> memref<632x128xf32, #tpu.memory_space<hbm>>
      %dma_wait3A_701 = arith.constant 0 : i32
      %dma_wait3A_702 = tpu.memref_slice %arg15[%mul3A_0, %dma_wait3A_701] : memref<10112x128xf32, #tpu.memory_space<vmem_shared>> -> memref<632x128xf32, #tpu.memory_space<vmem_shared>>
      tpu.wait_dma2 semaphore(%run_scoped3A_692 : memref<!tpu.dma_semaphore, #tpu.memory_space<semaphore_mem>>) src(%dma_wait3A_702 : memref<632x128xf32, #tpu.memory_space<vmem_shared>>) dst(%dma_wait3A_700 : memref<632x128xf32, #tpu.memory_space<hbm>>)
      tpu.yield
    }) : () -> ()
    %add3A_519 = arith.constant 0 : i32
    %add3A_520 = arith.addi %mul3A_4, %add3A_519 : i32
    %dma_start3A_521 = arith.constant 0 : i32
    %dma_start3A_522 = arith.constant 0 : i32
    %dma_start3A_523 = tpu.memref_slice %arg12[%dma_start3A_521, %dma_start3A_522] : memref<3x80xi32, #tpu.memory_space<vmem>> -> memref<1x80xi32, #tpu.memory_space<vmem>>
    %dma_start3A_524 = tpu.memref_squeeze %dma_start3A_523 : memref<1x80xi32, #tpu.memory_space<vmem>> -> memref<80xi32, #tpu.memory_space<vmem>>
    %dma_start3A_525 = tpu.memref_slice %arg3[%add3A_520] : memref<320000xi32, #tpu.memory_space<hbm>> -> memref<80xi32, #tpu.memory_space<hbm>>
    %dma_start3A_526 = arith.constant 0 : i32
    %dma_start3A_527 = tpu.memref_slice %arg12[%dma_start3A_521, %dma_start3A_526] : memref<3x80xi32, #tpu.memory_space<vmem>> -> memref<1x80xi32, #tpu.memory_space<vmem>>
    %dma_start3A_528 = tpu.memref_squeeze %dma_start3A_527 : memref<1x80xi32, #tpu.memory_space<vmem>> -> memref<80xi32, #tpu.memory_space<vmem>>
    %dma_start3A_529 = tpu.memref_slice %arg3[%add3A_520] : memref<320000xi32, #tpu.memory_space<hbm>> -> memref<80xi32, #tpu.memory_space<hbm>>
    tpu.enqueue_dma source(%dma_start3A_529 : memref<80xi32, #tpu.memory_space<hbm>>) target(%dma_start3A_528 : memref<80xi32, #tpu.memory_space<vmem>>) target_semaphore(%arg22 : memref<!tpu.dma_semaphore, #tpu.memory_space<semaphore_mem>>)
    %dma_start3A_530 = arith.constant 0 : i32
    %dma_start3A_531 = arith.constant 0 : i32
    %dma_start3A_532 = arith.constant 0 : i32
    %dma_start3A_533 = tpu.memref_slice %arg13[%dma_start3A_530, %dma_start3A_531, %dma_start3A_532] : memref<3x80x128xf32, #tpu.memory_space<vmem>> -> memref<1x80x128xf32, #tpu.memory_space<vmem>>
    %dma_start3A_534 = tpu.memref_squeeze %dma_start3A_533 : memref<1x80x128xf32, #tpu.memory_space<vmem>> -> memref<80x128xf32, #tpu.memory_space<vmem>>
    %dma_start3A_535 = arith.constant 0 : i32
    %dma_start3A_536 = tpu.memref_slice %arg11[%dma_start3A_535] : memref<10000xi32, #tpu.memory_space<vmem>> -> memref<80xi32, #tpu.memory_space<vmem>>
    %dma_start3A_537 = arith.constant 0 : i32
    %dma_start3A_538 = arith.constant 0 : i32
    %dma_start3A_539 = tpu.memref_slice %arg7[%dma_start3A_537, %dma_start3A_538] : memref<10000x128xf32, #tpu.memory_space<hbm>> -> memref<10000x128xf32, #tpu.memory_space<hbm>>
    tpu.enqueue_indirect_dma source(%dma_start3A_539 : memref<10000x128xf32, #tpu.memory_space<hbm>>) target(%dma_start3A_534 : memref<80x128xf32, #tpu.memory_space<vmem>>) offsets(%dma_start3A_536 : memref<80xi32, #tpu.memory_space<vmem>>) semaphore(%arg16 : memref<!tpu.dma_semaphore, #tpu.memory_space<semaphore_mem>>)
    %add3A_540 = arith.constant 80 : i32
    %add3A_541 = arith.addi %mul3A_4, %add3A_540 : i32
    %dma_start3A_542 = arith.constant 1 : i32
    %dma_start3A_543 = arith.constant 0 : i32
    %dma_start3A_544 = tpu.memref_slice %arg12[%dma_start3A_542, %dma_start3A_543] : memref<3x80xi32, #tpu.memory_space<vmem>> -> memref<1x80xi32, #tpu.memory_space<vmem>>
    %dma_start3A_545 = tpu.memref_squeeze %dma_start3A_544 : memref<1x80xi32, #tpu.memory_space<vmem>> -> memref<80xi32, #tpu.memory_space<vmem>>
    %dma_start3A_546 = tpu.memref_slice %arg3[%add3A_541] : memref<320000xi32, #tpu.memory_space<hbm>> -> memref<80xi32, #tpu.memory_space<hbm>>
    %dma_start3A_547 = arith.constant 0 : i32
    %dma_start3A_548 = tpu.memref_slice %arg12[%dma_start3A_542, %dma_start3A_547] : memref<3x80xi32, #tpu.memory_space<vmem>> -> memref<1x80xi32, #tpu.memory_space<vmem>>
    %dma_start3A_549 = tpu.memref_squeeze %dma_start3A_548 : memref<1x80xi32, #tpu.memory_space<vmem>> -> memref<80xi32, #tpu.memory_space<vmem>>
    %dma_start3A_550 = tpu.memref_slice %arg3[%add3A_541] : memref<320000xi32, #tpu.memory_space<hbm>> -> memref<80xi32, #tpu.memory_space<hbm>>
    tpu.enqueue_dma source(%dma_start3A_550 : memref<80xi32, #tpu.memory_space<hbm>>) target(%dma_start3A_549 : memref<80xi32, #tpu.memory_space<vmem>>) target_semaphore(%arg23 : memref<!tpu.dma_semaphore, #tpu.memory_space<semaphore_mem>>)
    %dma_start3A_551 = arith.constant 1 : i32
    %dma_start3A_552 = arith.constant 0 : i32
    %dma_start3A_553 = arith.constant 0 : i32
    %dma_start3A_554 = tpu.memref_slice %arg13[%dma_start3A_551, %dma_start3A_552, %dma_start3A_553] : memref<3x80x128xf32, #tpu.memory_space<vmem>> -> memref<1x80x128xf32, #tpu.memory_space<vmem>>
    %dma_start3A_555 = tpu.memref_squeeze %dma_start3A_554 : memref<1x80x128xf32, #tpu.memory_space<vmem>> -> memref<80x128xf32, #tpu.memory_space<vmem>>
    %dma_start3A_556 = arith.constant 80 : i32
    %dma_start3A_557 = tpu.memref_slice %arg11[%dma_start3A_556] : memref<10000xi32, #tpu.memory_space<vmem>> -> memref<80xi32, #tpu.memory_space<vmem>>
    %dma_start3A_558 = arith.constant 0 : i32
    %dma_start3A_559 = arith.constant 0 : i32
    %dma_start3A_560 = tpu.memref_slice %arg7[%dma_start3A_558, %dma_start3A_559] : memref<10000x128xf32, #tpu.memory_space<hbm>> -> memref<10000x128xf32, #tpu.memory_space<hbm>>
    tpu.enqueue_indirect_dma source(%dma_start3A_560 : memref<10000x128xf32, #tpu.memory_space<hbm>>) target(%dma_start3A_555 : memref<80x128xf32, #tpu.memory_space<vmem>>) offsets(%dma_start3A_557 : memref<80xi32, #tpu.memory_space<vmem>>) semaphore(%arg17 : memref<!tpu.dma_semaphore, #tpu.memory_space<semaphore_mem>>)
    "tpu.region"() ({
      %run_scoped3A_692 = tpu.sem_alloc : memref<!tpu.dma_semaphore, #tpu.memory_space<semaphore_mem>>
      %dma_start3A_693 = arith.constant 0 : i32
      %dma_start3A_694 = tpu.memref_slice %arg15[%mul3A_0, %dma_start3A_693] : memref<10112x128xf32, #tpu.memory_space<vmem_shared>> -> memref<632x128xf32, #tpu.memory_space<vmem_shared>>
      tpu.enqueue_dma source(%arg8 : memref<632x128xf32, #tpu.memory_space<hbm>>) target(%dma_start3A_694 : memref<632x128xf32, #tpu.memory_space<vmem_shared>>) target_semaphore(%run_scoped3A_692 : memref<!tpu.dma_semaphore, #tpu.memory_space<semaphore_mem>>)
      %dma_wait3A_695 = arith.constant 0 : i32
      %dma_wait3A_696 = tpu.memref_slice %arg15[%mul3A_0, %dma_wait3A_695] : memref<10112x128xf32, #tpu.memory_space<vmem_shared>> -> memref<632x128xf32, #tpu.memory_space<vmem_shared>>
      tpu.wait_dma2 semaphore(%run_scoped3A_692 : memref<!tpu.dma_semaphore, #tpu.memory_space<semaphore_mem>>) src(%arg8 : memref<632x128xf32, #tpu.memory_space<hbm>>) dst(%dma_wait3A_696 : memref<632x128xf32, #tpu.memory_space<vmem_shared>>)
      tpu.yield
    }) : () -> ()
    %barrier3A_561 = arith.constant 0 : index
    tpu.barrier barrier_id(%barrier3A_561)
    %dma_wait3A_562 = arith.constant 0 : i32
    %dma_wait3A_563 = arith.constant 0 : i32
    %dma_wait3A_564 = arith.constant 0 : i32
    %dma_wait3A_565 = tpu.memref_slice %arg13[%dma_wait3A_562, %dma_wait3A_563, %dma_wait3A_564] : memref<3x80x128xf32, #tpu.memory_space<vmem>> -> memref<1x80x128xf32, #tpu.memory_space<vmem>>
    %dma_wait3A_566 = tpu.memref_squeeze %dma_wait3A_565 : memref<1x80x128xf32, #tpu.memory_space<vmem>> -> memref<80x128xf32, #tpu.memory_space<vmem>>
    %dma_wait3A_567 = arith.constant 0 : i32
    %dma_wait3A_568 = tpu.memref_slice %arg11[%dma_wait3A_567] : memref<10000xi32, #tpu.memory_space<vmem>> -> memref<80xi32, #tpu.memory_space<vmem>>
    %dma_wait3A_569 = arith.constant 0 : i32
    %dma_wait3A_570 = arith.constant 0 : i32
    %dma_wait3A_571 = tpu.memref_slice %arg7[%dma_wait3A_569, %dma_wait3A_570] : memref<10000x128xf32, #tpu.memory_space<hbm>> -> memref<10000x128xf32, #tpu.memory_space<hbm>>
    tpu.wait_indirect_dma semaphore(%arg16 : memref<!tpu.dma_semaphore, #tpu.memory_space<semaphore_mem>>) src(%dma_wait3A_571 : memref<10000x128xf32, #tpu.memory_space<hbm>>) dst(%dma_wait3A_566 : memref<80x128xf32, #tpu.memory_space<vmem>>)
    %add3A_572 = arith.constant 0 : i32
    %add3A_573 = arith.addi %mul3A_4, %add3A_572 : i32
    %dma_wait3A_574 = arith.constant 0 : i32
    %dma_wait3A_575 = arith.constant 0 : i32
    %dma_wait3A_576 = tpu.memref_slice %arg12[%dma_wait3A_574, %dma_wait3A_575] : memref<3x80xi32, #tpu.memory_space<vmem>> -> memref<1x80xi32, #tpu.memory_space<vmem>>
    %dma_wait3A_577 = tpu.memref_squeeze %dma_wait3A_576 : memref<1x80xi32, #tpu.memory_space<vmem>> -> memref<80xi32, #tpu.memory_space<vmem>>
    %dma_wait3A_578 = tpu.memref_slice %arg3[%add3A_573] : memref<320000xi32, #tpu.memory_space<hbm>> -> memref<80xi32, #tpu.memory_space<hbm>>
    %dma_wait3A_579 = arith.constant 0 : i32
    %dma_wait3A_580 = tpu.memref_slice %arg12[%dma_wait3A_574, %dma_wait3A_579] : memref<3x80xi32, #tpu.memory_space<vmem>> -> memref<1x80xi32, #tpu.memory_space<vmem>>
    %dma_wait3A_581 = tpu.memref_squeeze %dma_wait3A_580 : memref<1x80xi32, #tpu.memory_space<vmem>> -> memref<80xi32, #tpu.memory_space<vmem>>
    %dma_wait3A_582 = tpu.memref_slice %arg3[%add3A_573] : memref<320000xi32, #tpu.memory_space<hbm>> -> memref<80xi32, #tpu.memory_space<hbm>>
    tpu.wait_dma2 semaphore(%arg22 : memref<!tpu.dma_semaphore, #tpu.memory_space<semaphore_mem>>) src(%dma_wait3A_582 : memref<80xi32, #tpu.memory_space<hbm>>) dst(%dma_wait3A_581 : memref<80xi32, #tpu.memory_space<vmem>>)
    %dma_start3A_583 = arith.constant 0 : i32
    %dma_start3A_584 = arith.constant 0 : i32
    %dma_start3A_585 = arith.constant 0 : i32
    %dma_start3A_586 = arith.constant 0 : i32
    %dma_start3A_587 = tpu.memref_slice %arg13[%dma_start3A_583, %dma_start3A_585, %dma_start3A_586] : memref<3x80x128xf32, #tpu.memory_space<vmem>> -> memref<1x80x128xf32, #tpu.memory_space<vmem>>
    %dma_start3A_588 = tpu.memref_squeeze %dma_start3A_587 : memref<1x80x128xf32, #tpu.memory_space<vmem>> -> memref<80x128xf32, #tpu.memory_space<vmem>>
    %dma_start3A_589 = arith.constant 0 : i32
    %dma_start3A_590 = tpu.memref_slice %arg12[%dma_start3A_584, %dma_start3A_589] : memref<3x80xi32, #tpu.memory_space<vmem>> -> memref<1x80xi32, #tpu.memory_space<vmem>>
    %dma_start3A_591 = tpu.memref_squeeze %dma_start3A_590 : memref<1x80xi32, #tpu.memory_space<vmem>> -> memref<80xi32, #tpu.memory_space<vmem>>
    %dma_start3A_592 = arith.constant 0 : i32
    %dma_start3A_593 = arith.constant 0 : i32
    %dma_start3A_594 = tpu.memref_slice %arg15[%dma_start3A_592, %dma_start3A_593] : memref<10112x128xf32, #tpu.memory_space<vmem_shared>> -> memref<10112x128xf32, #tpu.memory_space<vmem_shared>>
    tpu.enqueue_indirect_dma source(%dma_start3A_588 : memref<80x128xf32, #tpu.memory_space<vmem>>) target(%dma_start3A_594 : memref<10112x128xf32, #tpu.memory_space<vmem_shared>>) offsets(%dma_start3A_591 : memref<80xi32, #tpu.memory_space<vmem>>) semaphore(%arg19 : memref<!tpu.dma_semaphore, #tpu.memory_space<semaphore_mem>>) {add = true}
    %add3A_595 = arith.constant 160 : i32
    %add3A_596 = arith.addi %mul3A_4, %add3A_595 : i32
    %dma_start3A_597 = arith.constant 2 : i32
    %dma_start3A_598 = arith.constant 0 : i32
    %dma_start3A_599 = tpu.memref_slice %arg12[%dma_start3A_597, %dma_start3A_598] : memref<3x80xi32, #tpu.memory_space<vmem>> -> memref<1x80xi32, #tpu.memory_space<vmem>>
    %dma_start3A_600 = tpu.memref_squeeze %dma_start3A_599 : memref<1x80xi32, #tpu.memory_space<vmem>> -> memref<80xi32, #tpu.memory_space<vmem>>
    %dma_start3A_601 = tpu.memref_slice %arg3[%add3A_596] : memref<320000xi32, #tpu.memory_space<hbm>> -> memref<80xi32, #tpu.memory_space<hbm>>
    %dma_start3A_602 = arith.constant 0 : i32
    %dma_start3A_603 = tpu.memref_slice %arg12[%dma_start3A_597, %dma_start3A_602] : memref<3x80xi32, #tpu.memory_space<vmem>> -> memref<1x80xi32, #tpu.memory_space<vmem>>
    %dma_start3A_604 = tpu.memref_squeeze %dma_start3A_603 : memref<1x80xi32, #tpu.memory_space<vmem>> -> memref<80xi32, #tpu.memory_space<vmem>>
    %dma_start3A_605 = tpu.memref_slice %arg3[%add3A_596] : memref<320000xi32, #tpu.memory_space<hbm>> -> memref<80xi32, #tpu.memory_space<hbm>>
    tpu.enqueue_dma source(%dma_start3A_605 : memref<80xi32, #tpu.memory_space<hbm>>) target(%dma_start3A_604 : memref<80xi32, #tpu.memory_space<vmem>>) target_semaphore(%arg24 : memref<!tpu.dma_semaphore, #tpu.memory_space<semaphore_mem>>)
    %dma_start3A_606 = arith.constant 2 : i32
    %dma_start3A_607 = arith.constant 0 : i32
    %dma_start3A_608 = arith.constant 0 : i32
    %dma_start3A_609 = tpu.memref_slice %arg13[%dma_start3A_606, %dma_start3A_607, %dma_start3A_608] : memref<3x80x128xf32, #tpu.memory_space<vmem>> -> memref<1x80x128xf32, #tpu.memory_space<vmem>>
    %dma_start3A_610 = tpu.memref_squeeze %dma_start3A_609 : memref<1x80x128xf32, #tpu.memory_space<vmem>> -> memref<80x128xf32, #tpu.memory_space<vmem>>
    %dma_start3A_611 = arith.constant 160 : i32
    %dma_start3A_612 = tpu.memref_slice %arg11[%dma_start3A_611] : memref<10000xi32, #tpu.memory_space<vmem>> -> memref<80xi32, #tpu.memory_space<vmem>>
    %dma_start3A_613 = arith.constant 0 : i32
    %dma_start3A_614 = arith.constant 0 : i32
    %dma_start3A_615 = tpu.memref_slice %arg7[%dma_start3A_613, %dma_start3A_614] : memref<10000x128xf32, #tpu.memory_space<hbm>> -> memref<10000x128xf32, #tpu.memory_space<hbm>>
    tpu.enqueue_indirect_dma source(%dma_start3A_615 : memref<10000x128xf32, #tpu.memory_space<hbm>>) target(%dma_start3A_610 : memref<80x128xf32, #tpu.memory_space<vmem>>) offsets(%dma_start3A_612 : memref<80xi32, #tpu.memory_space<vmem>>) semaphore(%arg18 : memref<!tpu.dma_semaphore, #tpu.memory_space<semaphore_mem>>)
    %scan3A_616 = arith.constant 0 : i32
    %scan3A_617 = arith.constant 41 : i32
    %scan3A_618 = arith.addi %scan3A_616, %scan3A_617 : i32
    %scan3A_619 = arith.constant 1 : i32
    scf.for %scan3A_692 = %scan3A_616 to %scan3A_618 step %scan3A_619  : i32 {
      %mul3A_693 = arith.constant 3 : i32
      %mul3A_694 = arith.muli %mul3A_693, %scan3A_692 : i32
      %add3A_695 = arith.constant 1 : i32
      %add3A_696 = arith.addi %mul3A_694, %add3A_695 : i32
      %mul3A_697 = arith.constant 80 : i32
      %mul3A_698 = arith.muli %add3A_696, %mul3A_697 : i32
      %dma_wait3A_699 = arith.constant 1 : i32
      %dma_wait3A_700 = arith.constant 0 : i32
      %dma_wait3A_701 = arith.constant 0 : i32
      %dma_wait3A_702 = tpu.memref_slice %arg13[%dma_wait3A_699, %dma_wait3A_700, %dma_wait3A_701] : memref<3x80x128xf32, #tpu.memory_space<vmem>> -> memref<1x80x128xf32, #tpu.memory_space<vmem>>
      %dma_wait3A_703 = tpu.memref_squeeze %dma_wait3A_702 : memref<1x80x128xf32, #tpu.memory_space<vmem>> -> memref<80x128xf32, #tpu.memory_space<vmem>>
      %dma_wait3A_704 = tpu.memref_slice %arg11[%mul3A_698] : memref<10000xi32, #tpu.memory_space<vmem>> -> memref<80xi32, #tpu.memory_space<vmem>>
      %dma_wait3A_705 = arith.constant 0 : i32
      %dma_wait3A_706 = arith.constant 0 : i32
      %dma_wait3A_707 = tpu.memref_slice %arg7[%dma_wait3A_705, %dma_wait3A_706] : memref<10000x128xf32, #tpu.memory_space<hbm>> -> memref<10000x128xf32, #tpu.memory_space<hbm>>
      tpu.wait_indirect_dma semaphore(%arg17 : memref<!tpu.dma_semaphore, #tpu.memory_space<semaphore_mem>>) src(%dma_wait3A_707 : memref<10000x128xf32, #tpu.memory_space<hbm>>) dst(%dma_wait3A_703 : memref<80x128xf32, #tpu.memory_space<vmem>>)
      %mul3A_708 = arith.constant 80 : i32
      %mul3A_709 = arith.muli %add3A_696, %mul3A_708 : i32
      %add3A_710 = arith.addi %mul3A_4, %mul3A_709 : i32
      %dma_wait3A_711 = arith.constant 1 : i32
      %dma_wait3A_712 = arith.constant 0 : i32
      %dma_wait3A_713 = tpu.memref_slice %arg12[%dma_wait3A_711, %dma_wait3A_712] : memref<3x80xi32, #tpu.memory_space<vmem>> -> memref<1x80xi32, #tpu.memory_space<vmem>>
      %dma_wait3A_714 = tpu.memref_squeeze %dma_wait3A_713 : memref<1x80xi32, #tpu.memory_space<vmem>> -> memref<80xi32, #tpu.memory_space<vmem>>
      %dma_wait3A_715 = tpu.memref_slice %arg3[%add3A_710] : memref<320000xi32, #tpu.memory_space<hbm>> -> memref<80xi32, #tpu.memory_space<hbm>>
      %dma_wait3A_716 = arith.constant 0 : i32
      %dma_wait3A_717 = tpu.memref_slice %arg12[%dma_wait3A_711, %dma_wait3A_716] : memref<3x80xi32, #tpu.memory_space<vmem>> -> memref<1x80xi32, #tpu.memory_space<vmem>>
      %dma_wait3A_718 = tpu.memref_squeeze %dma_wait3A_717 : memref<1x80xi32, #tpu.memory_space<vmem>> -> memref<80xi32, #tpu.memory_space<vmem>>
      %dma_wait3A_719 = tpu.memref_slice %arg3[%add3A_710] : memref<320000xi32, #tpu.memory_space<hbm>> -> memref<80xi32, #tpu.memory_space<hbm>>
      tpu.wait_dma2 semaphore(%arg23 : memref<!tpu.dma_semaphore, #tpu.memory_space<semaphore_mem>>) src(%dma_wait3A_719 : memref<80xi32, #tpu.memory_space<hbm>>) dst(%dma_wait3A_718 : memref<80xi32, #tpu.memory_space<vmem>>)
      %dma_start3A_720 = arith.constant 1 : i32
      %dma_start3A_721 = arith.constant 1 : i32
      %dma_start3A_722 = arith.constant 0 : i32
      %dma_start3A_723 = arith.constant 0 : i32
      %dma_start3A_724 = tpu.memref_slice %arg13[%dma_start3A_720, %dma_start3A_722, %dma_start3A_723] : memref<3x80x128xf32, #tpu.memory_space<vmem>> -> memref<1x80x128xf32, #tpu.memory_space<vmem>>
      %dma_start3A_725 = tpu.memref_squeeze %dma_start3A_724 : memref<1x80x128xf32, #tpu.memory_space<vmem>> -> memref<80x128xf32, #tpu.memory_space<vmem>>
      %dma_start3A_726 = arith.constant 0 : i32
      %dma_start3A_727 = tpu.memref_slice %arg12[%dma_start3A_721, %dma_start3A_726] : memref<3x80xi32, #tpu.memory_space<vmem>> -> memref<1x80xi32, #tpu.memory_space<vmem>>
      %dma_start3A_728 = tpu.memref_squeeze %dma_start3A_727 : memref<1x80xi32, #tpu.memory_space<vmem>> -> memref<80xi32, #tpu.memory_space<vmem>>
      %dma_start3A_729 = arith.constant 0 : i32
      %dma_start3A_730 = arith.constant 0 : i32
      %dma_start3A_731 = tpu.memref_slice %arg15[%dma_start3A_729, %dma_start3A_730] : memref<10112x128xf32, #tpu.memory_space<vmem_shared>> -> memref<10112x128xf32, #tpu.memory_space<vmem_shared>>
      tpu.enqueue_indirect_dma source(%dma_start3A_725 : memref<80x128xf32, #tpu.memory_space<vmem>>) target(%dma_start3A_731 : memref<10112x128xf32, #tpu.memory_space<vmem_shared>>) offsets(%dma_start3A_728 : memref<80xi32, #tpu.memory_space<vmem>>) semaphore(%arg20 : memref<!tpu.dma_semaphore, #tpu.memory_space<semaphore_mem>>) {add = true}
      %add3A_732 = arith.constant 2 : i32
      %add3A_733 = arith.addi %add3A_696, %add3A_732 : i32
      %lt3A = arith.constant 125 : i32
      %lt3A_734 = arith.cmpi slt, %add3A_733, %lt3A : i32
      %convert_element_type3A = arith.extui %lt3A_734 : i1 to i32
      %cond3A = arith.constant 0 : i32
      %cond3A_735 = arith.cmpi ne, %convert_element_type3A, %cond3A : i32
      scf.if %cond3A_735 {
        %dma_wait3A_824 = arith.constant 0 : i32
        %dma_wait3A_825 = arith.constant 0 : i32
        %dma_wait3A_826 = arith.constant 0 : i32
        %dma_wait3A_827 = arith.constant 0 : i32
        %dma_wait3A_828 = tpu.memref_slice %arg13[%dma_wait3A_824, %dma_wait3A_826, %dma_wait3A_827] : memref<3x80x128xf32, #tpu.memory_space<vmem>> -> memref<1x80x128xf32, #tpu.memory_space<vmem>>
        %dma_wait3A_829 = tpu.memref_squeeze %dma_wait3A_828 : memref<1x80x128xf32, #tpu.memory_space<vmem>> -> memref<80x128xf32, #tpu.memory_space<vmem>>
        %dma_wait3A_830 = arith.constant 0 : i32
        %dma_wait3A_831 = tpu.memref_slice %arg12[%dma_wait3A_825, %dma_wait3A_830] : memref<3x80xi32, #tpu.memory_space<vmem>> -> memref<1x80xi32, #tpu.memory_space<vmem>>
        %dma_wait3A_832 = tpu.memref_squeeze %dma_wait3A_831 : memref<1x80xi32, #tpu.memory_space<vmem>> -> memref<80xi32, #tpu.memory_space<vmem>>
        %dma_wait3A_833 = arith.constant 0 : i32
        %dma_wait3A_834 = arith.constant 0 : i32
        %dma_wait3A_835 = tpu.memref_slice %arg15[%dma_wait3A_833, %dma_wait3A_834] : memref<10112x128xf32, #tpu.memory_space<vmem_shared>> -> memref<10112x128xf32, #tpu.memory_space<vmem_shared>>
        tpu.wait_indirect_dma semaphore(%arg19 : memref<!tpu.dma_semaphore, #tpu.memory_space<semaphore_mem>>) src(%dma_wait3A_829 : memref<80x128xf32, #tpu.memory_space<vmem>>) dst(%dma_wait3A_835 : memref<10112x128xf32, #tpu.memory_space<vmem_shared>>)
        %add3A_836 = arith.constant 2 : i32
        %add3A_837 = arith.addi %add3A_696, %add3A_836 : i32
        %mul3A_838 = arith.constant 80 : i32
        %mul3A_839 = arith.muli %add3A_837, %mul3A_838 : i32
        %add3A_840 = arith.addi %mul3A_4, %mul3A_839 : i32
        %dma_start3A_841 = arith.constant 0 : i32
        %dma_start3A_842 = arith.constant 0 : i32
        %dma_start3A_843 = tpu.memref_slice %arg12[%dma_start3A_841, %dma_start3A_842] : memref<3x80xi32, #tpu.memory_space<vmem>> -> memref<1x80xi32, #tpu.memory_space<vmem>>
        %dma_start3A_844 = tpu.memref_squeeze %dma_start3A_843 : memref<1x80xi32, #tpu.memory_space<vmem>> -> memref<80xi32, #tpu.memory_space<vmem>>
        %dma_start3A_845 = tpu.memref_slice %arg3[%add3A_840] : memref<320000xi32, #tpu.memory_space<hbm>> -> memref<80xi32, #tpu.memory_space<hbm>>
        %dma_start3A_846 = arith.constant 0 : i32
        %dma_start3A_847 = tpu.memref_slice %arg12[%dma_start3A_841, %dma_start3A_846] : memref<3x80xi32, #tpu.memory_space<vmem>> -> memref<1x80xi32, #tpu.memory_space<vmem>>
        %dma_start3A_848 = tpu.memref_squeeze %dma_start3A_847 : memref<1x80xi32, #tpu.memory_space<vmem>> -> memref<80xi32, #tpu.memory_space<vmem>>
        %dma_start3A_849 = tpu.memref_slice %arg3[%add3A_840] : memref<320000xi32, #tpu.memory_space<hbm>> -> memref<80xi32, #tpu.memory_space<hbm>>
        tpu.enqueue_dma source(%dma_start3A_849 : memref<80xi32, #tpu.memory_space<hbm>>) target(%dma_start3A_848 : memref<80xi32, #tpu.memory_space<vmem>>) target_semaphore(%arg22 : memref<!tpu.dma_semaphore, #tpu.memory_space<semaphore_mem>>)
        %add3A_850 = arith.constant 2 : i32
        %add3A_851 = arith.addi %add3A_696, %add3A_850 : i32
        %mul3A_852 = arith.constant 80 : i32
        %mul3A_853 = arith.muli %add3A_851, %mul3A_852 : i32
        %dma_start3A_854 = arith.constant 0 : i32
        %dma_start3A_855 = arith.constant 0 : i32
        %dma_start3A_856 = arith.constant 0 : i32
        %dma_start3A_857 = tpu.memref_slice %arg13[%dma_start3A_854, %dma_start3A_855, %dma_start3A_856] : memref<3x80x128xf32, #tpu.memory_space<vmem>> -> memref<1x80x128xf32, #tpu.memory_space<vmem>>
        %dma_start3A_858 = tpu.memref_squeeze %dma_start3A_857 : memref<1x80x128xf32, #tpu.memory_space<vmem>> -> memref<80x128xf32, #tpu.memory_space<vmem>>
        %dma_start3A_859 = tpu.memref_slice %arg11[%mul3A_853] : memref<10000xi32, #tpu.memory_space<vmem>> -> memref<80xi32, #tpu.memory_space<vmem>>
        %dma_start3A_860 = arith.constant 0 : i32
        %dma_start3A_861 = arith.constant 0 : i32
        %dma_start3A_862 = tpu.memref_slice %arg7[%dma_start3A_860, %dma_start3A_861] : memref<10000x128xf32, #tpu.memory_space<hbm>> -> memref<10000x128xf32, #tpu.memory_space<hbm>>
        tpu.enqueue_indirect_dma source(%dma_start3A_862 : memref<10000x128xf32, #tpu.memory_space<hbm>>) target(%dma_start3A_858 : memref<80x128xf32, #tpu.memory_space<vmem>>) offsets(%dma_start3A_859 : memref<80xi32, #tpu.memory_space<vmem>>) semaphore(%arg16 : memref<!tpu.dma_semaphore, #tpu.memory_space<semaphore_mem>>)
      } else {
      }
      %add3A_736 = arith.constant 1 : i32
      %add3A_737 = arith.addi %add3A_696, %add3A_736 : i32
      %mul3A_738 = arith.constant 80 : i32
      %mul3A_739 = arith.muli %add3A_737, %mul3A_738 : i32
      %dma_wait3A_740 = arith.constant 2 : i32
      %dma_wait3A_741 = arith.constant 0 : i32
      %dma_wait3A_742 = arith.constant 0 : i32
      %dma_wait3A_743 = tpu.memref_slice %arg13[%dma_wait3A_740, %dma_wait3A_741, %dma_wait3A_742] : memref<3x80x128xf32, #tpu.memory_space<vmem>> -> memref<1x80x128xf32, #tpu.memory_space<vmem>>
      %dma_wait3A_744 = tpu.memref_squeeze %dma_wait3A_743 : memref<1x80x128xf32, #tpu.memory_space<vmem>> -> memref<80x128xf32, #tpu.memory_space<vmem>>
      %dma_wait3A_745 = tpu.memref_slice %arg11[%mul3A_739] : memref<10000xi32, #tpu.memory_space<vmem>> -> memref<80xi32, #tpu.memory_space<vmem>>
      %dma_wait3A_746 = arith.constant 0 : i32
      %dma_wait3A_747 = arith.constant 0 : i32
      %dma_wait3A_748 = tpu.memref_slice %arg7[%dma_wait3A_746, %dma_wait3A_747] : memref<10000x128xf32, #tpu.memory_space<hbm>> -> memref<10000x128xf32, #tpu.memory_space<hbm>>
      tpu.wait_indirect_dma semaphore(%arg18 : memref<!tpu.dma_semaphore, #tpu.memory_space<semaphore_mem>>) src(%dma_wait3A_748 : memref<10000x128xf32, #tpu.memory_space<hbm>>) dst(%dma_wait3A_744 : memref<80x128xf32, #tpu.memory_space<vmem>>)
      %mul3A_749 = arith.constant 80 : i32
      %mul3A_750 = arith.muli %add3A_737, %mul3A_749 : i32
      %add3A_751 = arith.addi %mul3A_4, %mul3A_750 : i32
      %dma_wait3A_752 = arith.constant 2 : i32
      %dma_wait3A_753 = arith.constant 0 : i32
      %dma_wait3A_754 = tpu.memref_slice %arg12[%dma_wait3A_752, %dma_wait3A_753] : memref<3x80xi32, #tpu.memory_space<vmem>> -> memref<1x80xi32, #tpu.memory_space<vmem>>
      %dma_wait3A_755 = tpu.memref_squeeze %dma_wait3A_754 : memref<1x80xi32, #tpu.memory_space<vmem>> -> memref<80xi32, #tpu.memory_space<vmem>>
      %dma_wait3A_756 = tpu.memref_slice %arg3[%add3A_751] : memref<320000xi32, #tpu.memory_space<hbm>> -> memref<80xi32, #tpu.memory_space<hbm>>
      %dma_wait3A_757 = arith.constant 0 : i32
      %dma_wait3A_758 = tpu.memref_slice %arg12[%dma_wait3A_752, %dma_wait3A_757] : memref<3x80xi32, #tpu.memory_space<vmem>> -> memref<1x80xi32, #tpu.memory_space<vmem>>
      %dma_wait3A_759 = tpu.memref_squeeze %dma_wait3A_758 : memref<1x80xi32, #tpu.memory_space<vmem>> -> memref<80xi32, #tpu.memory_space<vmem>>
      %dma_wait3A_760 = tpu.memref_slice %arg3[%add3A_751] : memref<320000xi32, #tpu.memory_space<hbm>> -> memref<80xi32, #tpu.memory_space<hbm>>
      tpu.wait_dma2 semaphore(%arg24 : memref<!tpu.dma_semaphore, #tpu.memory_space<semaphore_mem>>) src(%dma_wait3A_760 : memref<80xi32, #tpu.memory_space<hbm>>) dst(%dma_wait3A_759 : memref<80xi32, #tpu.memory_space<vmem>>)
      %dma_start3A_761 = arith.constant 2 : i32
      %dma_start3A_762 = arith.constant 2 : i32
      %dma_start3A_763 = arith.constant 0 : i32
      %dma_start3A_764 = arith.constant 0 : i32
      %dma_start3A_765 = tpu.memref_slice %arg13[%dma_start3A_761, %dma_start3A_763, %dma_start3A_764] : memref<3x80x128xf32, #tpu.memory_space<vmem>> -> memref<1x80x128xf32, #tpu.memory_space<vmem>>
      %dma_start3A_766 = tpu.memref_squeeze %dma_start3A_765 : memref<1x80x128xf32, #tpu.memory_space<vmem>> -> memref<80x128xf32, #tpu.memory_space<vmem>>
      %dma_start3A_767 = arith.constant 0 : i32
      %dma_start3A_768 = tpu.memref_slice %arg12[%dma_start3A_762, %dma_start3A_767] : memref<3x80xi32, #tpu.memory_space<vmem>> -> memref<1x80xi32, #tpu.memory_space<vmem>>
      %dma_start3A_769 = tpu.memref_squeeze %dma_start3A_768 : memref<1x80xi32, #tpu.memory_space<vmem>> -> memref<80xi32, #tpu.memory_space<vmem>>
      %dma_start3A_770 = arith.constant 0 : i32
      %dma_start3A_771 = arith.constant 0 : i32
      %dma_start3A_772 = tpu.memref_slice %arg15[%dma_start3A_770, %dma_start3A_771] : memref<10112x128xf32, #tpu.memory_space<vmem_shared>> -> memref<10112x128xf32, #tpu.memory_space<vmem_shared>>
      tpu.enqueue_indirect_dma source(%dma_start3A_766 : memref<80x128xf32, #tpu.memory_space<vmem>>) target(%dma_start3A_772 : memref<10112x128xf32, #tpu.memory_space<vmem_shared>>) offsets(%dma_start3A_769 : memref<80xi32, #tpu.memory_space<vmem>>) semaphore(%arg21 : memref<!tpu.dma_semaphore, #tpu.memory_space<semaphore_mem>>) {add = true}
      %add3A_773 = arith.constant 2 : i32
      %add3A_774 = arith.addi %add3A_737, %add3A_773 : i32
      %lt3A_775 = arith.constant 125 : i32
      %lt3A_776 = arith.cmpi slt, %add3A_774, %lt3A_775 : i32
      %convert_element_type3A_777 = arith.extui %lt3A_776 : i1 to i32
      %cond3A_778 = arith.constant 0 : i32
      %cond3A_779 = arith.cmpi ne, %convert_element_type3A_777, %cond3A_778 : i32
      scf.if %cond3A_779 {
        %dma_wait3A_824 = arith.constant 1 : i32
        %dma_wait3A_825 = arith.constant 1 : i32
        %dma_wait3A_826 = arith.constant 0 : i32
        %dma_wait3A_827 = arith.constant 0 : i32
        %dma_wait3A_828 = tpu.memref_slice %arg13[%dma_wait3A_824, %dma_wait3A_826, %dma_wait3A_827] : memref<3x80x128xf32, #tpu.memory_space<vmem>> -> memref<1x80x128xf32, #tpu.memory_space<vmem>>
        %dma_wait3A_829 = tpu.memref_squeeze %dma_wait3A_828 : memref<1x80x128xf32, #tpu.memory_space<vmem>> -> memref<80x128xf32, #tpu.memory_space<vmem>>
        %dma_wait3A_830 = arith.constant 0 : i32
        %dma_wait3A_831 = tpu.memref_slice %arg12[%dma_wait3A_825, %dma_wait3A_830] : memref<3x80xi32, #tpu.memory_space<vmem>> -> memref<1x80xi32, #tpu.memory_space<vmem>>
        %dma_wait3A_832 = tpu.memref_squeeze %dma_wait3A_831 : memref<1x80xi32, #tpu.memory_space<vmem>> -> memref<80xi32, #tpu.memory_space<vmem>>
        %dma_wait3A_833 = arith.constant 0 : i32
        %dma_wait3A_834 = arith.constant 0 : i32
        %dma_wait3A_835 = tpu.memref_slice %arg15[%dma_wait3A_833, %dma_wait3A_834] : memref<10112x128xf32, #tpu.memory_space<vmem_shared>> -> memref<10112x128xf32, #tpu.memory_space<vmem_shared>>
        tpu.wait_indirect_dma semaphore(%arg20 : memref<!tpu.dma_semaphore, #tpu.memory_space<semaphore_mem>>) src(%dma_wait3A_829 : memref<80x128xf32, #tpu.memory_space<vmem>>) dst(%dma_wait3A_835 : memref<10112x128xf32, #tpu.memory_space<vmem_shared>>)
        %add3A_836 = arith.constant 2 : i32
        %add3A_837 = arith.addi %add3A_737, %add3A_836 : i32
        %mul3A_838 = arith.constant 80 : i32
        %mul3A_839 = arith.muli %add3A_837, %mul3A_838 : i32
        %add3A_840 = arith.addi %mul3A_4, %mul3A_839 : i32
        %dma_start3A_841 = arith.constant 1 : i32
        %dma_start3A_842 = arith.constant 0 : i32
        %dma_start3A_843 = tpu.memref_slice %arg12[%dma_start3A_841, %dma_start3A_842] : memref<3x80xi32, #tpu.memory_space<vmem>> -> memref<1x80xi32, #tpu.memory_space<vmem>>
        %dma_start3A_844 = tpu.memref_squeeze %dma_start3A_843 : memref<1x80xi32, #tpu.memory_space<vmem>> -> memref<80xi32, #tpu.memory_space<vmem>>
        %dma_start3A_845 = tpu.memref_slice %arg3[%add3A_840] : memref<320000xi32, #tpu.memory_space<hbm>> -> memref<80xi32, #tpu.memory_space<hbm>>
        %dma_start3A_846 = arith.constant 0 : i32
        %dma_start3A_847 = tpu.memref_slice %arg12[%dma_start3A_841, %dma_start3A_846] : memref<3x80xi32, #tpu.memory_space<vmem>> -> memref<1x80xi32, #tpu.memory_space<vmem>>
        %dma_start3A_848 = tpu.memref_squeeze %dma_start3A_847 : memref<1x80xi32, #tpu.memory_space<vmem>> -> memref<80xi32, #tpu.memory_space<vmem>>
        %dma_start3A_849 = tpu.memref_slice %arg3[%add3A_840] : memref<320000xi32, #tpu.memory_space<hbm>> -> memref<80xi32, #tpu.memory_space<hbm>>
        tpu.enqueue_dma source(%dma_start3A_849 : memref<80xi32, #tpu.memory_space<hbm>>) target(%dma_start3A_848 : memref<80xi32, #tpu.memory_space<vmem>>) target_semaphore(%arg23 : memref<!tpu.dma_semaphore, #tpu.memory_space<semaphore_mem>>)
        %add3A_850 = arith.constant 2 : i32
        %add3A_851 = arith.addi %add3A_737, %add3A_850 : i32
        %mul3A_852 = arith.constant 80 : i32
        %mul3A_853 = arith.muli %add3A_851, %mul3A_852 : i32
        %dma_start3A_854 = arith.constant 1 : i32
        %dma_start3A_855 = arith.constant 0 : i32
        %dma_start3A_856 = arith.constant 0 : i32
        %dma_start3A_857 = tpu.memref_slice %arg13[%dma_start3A_854, %dma_start3A_855, %dma_start3A_856] : memref<3x80x128xf32, #tpu.memory_space<vmem>> -> memref<1x80x128xf32, #tpu.memory_space<vmem>>
        %dma_start3A_858 = tpu.memref_squeeze %dma_start3A_857 : memref<1x80x128xf32, #tpu.memory_space<vmem>> -> memref<80x128xf32, #tpu.memory_space<vmem>>
        %dma_start3A_859 = tpu.memref_slice %arg11[%mul3A_853] : memref<10000xi32, #tpu.memory_space<vmem>> -> memref<80xi32, #tpu.memory_space<vmem>>
        %dma_start3A_860 = arith.constant 0 : i32
        %dma_start3A_861 = arith.constant 0 : i32
        %dma_start3A_862 = tpu.memref_slice %arg7[%dma_start3A_860, %dma_start3A_861] : memref<10000x128xf32, #tpu.memory_space<hbm>> -> memref<10000x128xf32, #tpu.memory_space<hbm>>
        tpu.enqueue_indirect_dma source(%dma_start3A_862 : memref<10000x128xf32, #tpu.memory_space<hbm>>) target(%dma_start3A_858 : memref<80x128xf32, #tpu.memory_space<vmem>>) offsets(%dma_start3A_859 : memref<80xi32, #tpu.memory_space<vmem>>) semaphore(%arg17 : memref<!tpu.dma_semaphore, #tpu.memory_space<semaphore_mem>>)
      } else {
      }
      %add3A_780 = arith.constant 2 : i32
      %add3A_781 = arith.addi %add3A_696, %add3A_780 : i32
      %mul3A_782 = arith.constant 80 : i32
      %mul3A_783 = arith.muli %add3A_781, %mul3A_782 : i32
      %dma_wait3A_784 = arith.constant 0 : i32
      %dma_wait3A_785 = arith.constant 0 : i32
      %dma_wait3A_786 = arith.constant 0 : i32
      %dma_wait3A_787 = tpu.memref_slice %arg13[%dma_wait3A_784, %dma_wait3A_785, %dma_wait3A_786] : memref<3x80x128xf32, #tpu.memory_space<vmem>> -> memref<1x80x128xf32, #tpu.memory_space<vmem>>
      %dma_wait3A_788 = tpu.memref_squeeze %dma_wait3A_787 : memref<1x80x128xf32, #tpu.memory_space<vmem>> -> memref<80x128xf32, #tpu.memory_space<vmem>>
      %dma_wait3A_789 = tpu.memref_slice %arg11[%mul3A_783] : memref<10000xi32, #tpu.memory_space<vmem>> -> memref<80xi32, #tpu.memory_space<vmem>>
      %dma_wait3A_790 = arith.constant 0 : i32
      %dma_wait3A_791 = arith.constant 0 : i32
      %dma_wait3A_792 = tpu.memref_slice %arg7[%dma_wait3A_790, %dma_wait3A_791] : memref<10000x128xf32, #tpu.memory_space<hbm>> -> memref<10000x128xf32, #tpu.memory_space<hbm>>
      tpu.wait_indirect_dma semaphore(%arg16 : memref<!tpu.dma_semaphore, #tpu.memory_space<semaphore_mem>>) src(%dma_wait3A_792 : memref<10000x128xf32, #tpu.memory_space<hbm>>) dst(%dma_wait3A_788 : memref<80x128xf32, #tpu.memory_space<vmem>>)
      %mul3A_793 = arith.constant 80 : i32
      %mul3A_794 = arith.muli %add3A_781, %mul3A_793 : i32
      %add3A_795 = arith.addi %mul3A_4, %mul3A_794 : i32
      %dma_wait3A_796 = arith.constant 0 : i32
      %dma_wait3A_797 = arith.constant 0 : i32
      %dma_wait3A_798 = tpu.memref_slice %arg12[%dma_wait3A_796, %dma_wait3A_797] : memref<3x80xi32, #tpu.memory_space<vmem>> -> memref<1x80xi32, #tpu.memory_space<vmem>>
      %dma_wait3A_799 = tpu.memref_squeeze %dma_wait3A_798 : memref<1x80xi32, #tpu.memory_space<vmem>> -> memref<80xi32, #tpu.memory_space<vmem>>
      %dma_wait3A_800 = tpu.memref_slice %arg3[%add3A_795] : memref<320000xi32, #tpu.memory_space<hbm>> -> memref<80xi32, #tpu.memory_space<hbm>>
      %dma_wait3A_801 = arith.constant 0 : i32
      %dma_wait3A_802 = tpu.memref_slice %arg12[%dma_wait3A_796, %dma_wait3A_801] : memref<3x80xi32, #tpu.memory_space<vmem>> -> memref<1x80xi32, #tpu.memory_space<vmem>>
      %dma_wait3A_803 = tpu.memref_squeeze %dma_wait3A_802 : memref<1x80xi32, #tpu.memory_space<vmem>> -> memref<80xi32, #tpu.memory_space<vmem>>
      %dma_wait3A_804 = tpu.memref_slice %arg3[%add3A_795] : memref<320000xi32, #tpu.memory_space<hbm>> -> memref<80xi32, #tpu.memory_space<hbm>>
      tpu.wait_dma2 semaphore(%arg22 : memref<!tpu.dma_semaphore, #tpu.memory_space<semaphore_mem>>) src(%dma_wait3A_804 : memref<80xi32, #tpu.memory_space<hbm>>) dst(%dma_wait3A_803 : memref<80xi32, #tpu.memory_space<vmem>>)
      %dma_start3A_805 = arith.constant 0 : i32
      %dma_start3A_806 = arith.constant 0 : i32
      %dma_start3A_807 = arith.constant 0 : i32
      %dma_start3A_808 = arith.constant 0 : i32
      %dma_start3A_809 = tpu.memref_slice %arg13[%dma_start3A_805, %dma_start3A_807, %dma_start3A_808] : memref<3x80x128xf32, #tpu.memory_space<vmem>> -> memref<1x80x128xf32, #tpu.memory_space<vmem>>
      %dma_start3A_810 = tpu.memref_squeeze %dma_start3A_809 : memref<1x80x128xf32, #tpu.memory_space<vmem>> -> memref<80x128xf32, #tpu.memory_space<vmem>>
      %dma_start3A_811 = arith.constant 0 : i32
      %dma_start3A_812 = tpu.memref_slice %arg12[%dma_start3A_806, %dma_start3A_811] : memref<3x80xi32, #tpu.memory_space<vmem>> -> memref<1x80xi32, #tpu.memory_space<vmem>>
      %dma_start3A_813 = tpu.memref_squeeze %dma_start3A_812 : memref<1x80xi32, #tpu.memory_space<vmem>> -> memref<80xi32, #tpu.memory_space<vmem>>
      %dma_start3A_814 = arith.constant 0 : i32
      %dma_start3A_815 = arith.constant 0 : i32
      %dma_start3A_816 = tpu.memref_slice %arg15[%dma_start3A_814, %dma_start3A_815] : memref<10112x128xf32, #tpu.memory_space<vmem_shared>> -> memref<10112x128xf32, #tpu.memory_space<vmem_shared>>
      tpu.enqueue_indirect_dma source(%dma_start3A_810 : memref<80x128xf32, #tpu.memory_space<vmem>>) target(%dma_start3A_816 : memref<10112x128xf32, #tpu.memory_space<vmem_shared>>) offsets(%dma_start3A_813 : memref<80xi32, #tpu.memory_space<vmem>>) semaphore(%arg19 : memref<!tpu.dma_semaphore, #tpu.memory_space<semaphore_mem>>) {add = true}
      %add3A_817 = arith.constant 2 : i32
      %add3A_818 = arith.addi %add3A_781, %add3A_817 : i32
      %lt3A_819 = arith.constant 125 : i32
      %lt3A_820 = arith.cmpi slt, %add3A_818, %lt3A_819 : i32
      %convert_element_type3A_821 = arith.extui %lt3A_820 : i1 to i32
      %cond3A_822 = arith.constant 0 : i32
      %cond3A_823 = arith.cmpi ne, %convert_element_type3A_821, %cond3A_822 : i32
      scf.if %cond3A_823 {
        %dma_wait3A_824 = arith.constant 2 : i32
        %dma_wait3A_825 = arith.constant 2 : i32
        %dma_wait3A_826 = arith.constant 0 : i32
        %dma_wait3A_827 = arith.constant 0 : i32
        %dma_wait3A_828 = tpu.memref_slice %arg13[%dma_wait3A_824, %dma_wait3A_826, %dma_wait3A_827] : memref<3x80x128xf32, #tpu.memory_space<vmem>> -> memref<1x80x128xf32, #tpu.memory_space<vmem>>
        %dma_wait3A_829 = tpu.memref_squeeze %dma_wait3A_828 : memref<1x80x128xf32, #tpu.memory_space<vmem>> -> memref<80x128xf32, #tpu.memory_space<vmem>>
        %dma_wait3A_830 = arith.constant 0 : i32
        %dma_wait3A_831 = tpu.memref_slice %arg12[%dma_wait3A_825, %dma_wait3A_830] : memref<3x80xi32, #tpu.memory_space<vmem>> -> memref<1x80xi32, #tpu.memory_space<vmem>>
        %dma_wait3A_832 = tpu.memref_squeeze %dma_wait3A_831 : memref<1x80xi32, #tpu.memory_space<vmem>> -> memref<80xi32, #tpu.memory_space<vmem>>
        %dma_wait3A_833 = arith.constant 0 : i32
        %dma_wait3A_834 = arith.constant 0 : i32
        %dma_wait3A_835 = tpu.memref_slice %arg15[%dma_wait3A_833, %dma_wait3A_834] : memref<10112x128xf32, #tpu.memory_space<vmem_shared>> -> memref<10112x128xf32, #tpu.memory_space<vmem_shared>>
        tpu.wait_indirect_dma semaphore(%arg21 : memref<!tpu.dma_semaphore, #tpu.memory_space<semaphore_mem>>) src(%dma_wait3A_829 : memref<80x128xf32, #tpu.memory_space<vmem>>) dst(%dma_wait3A_835 : memref<10112x128xf32, #tpu.memory_space<vmem_shared>>)
        %add3A_836 = arith.constant 2 : i32
        %add3A_837 = arith.addi %add3A_781, %add3A_836 : i32
        %mul3A_838 = arith.constant 80 : i32
        %mul3A_839 = arith.muli %add3A_837, %mul3A_838 : i32
        %add3A_840 = arith.addi %mul3A_4, %mul3A_839 : i32
        %dma_start3A_841 = arith.constant 2 : i32
        %dma_start3A_842 = arith.constant 0 : i32
        %dma_start3A_843 = tpu.memref_slice %arg12[%dma_start3A_841, %dma_start3A_842] : memref<3x80xi32, #tpu.memory_space<vmem>> -> memref<1x80xi32, #tpu.memory_space<vmem>>
        %dma_start3A_844 = tpu.memref_squeeze %dma_start3A_843 : memref<1x80xi32, #tpu.memory_space<vmem>> -> memref<80xi32, #tpu.memory_space<vmem>>
        %dma_start3A_845 = tpu.memref_slice %arg3[%add3A_840] : memref<320000xi32, #tpu.memory_space<hbm>> -> memref<80xi32, #tpu.memory_space<hbm>>
        %dma_start3A_846 = arith.constant 0 : i32
        %dma_start3A_847 = tpu.memref_slice %arg12[%dma_start3A_841, %dma_start3A_846] : memref<3x80xi32, #tpu.memory_space<vmem>> -> memref<1x80xi32, #tpu.memory_space<vmem>>
        %dma_start3A_848 = tpu.memref_squeeze %dma_start3A_847 : memref<1x80xi32, #tpu.memory_space<vmem>> -> memref<80xi32, #tpu.memory_space<vmem>>
        %dma_start3A_849 = tpu.memref_slice %arg3[%add3A_840] : memref<320000xi32, #tpu.memory_space<hbm>> -> memref<80xi32, #tpu.memory_space<hbm>>
        tpu.enqueue_dma source(%dma_start3A_849 : memref<80xi32, #tpu.memory_space<hbm>>) target(%dma_start3A_848 : memref<80xi32, #tpu.memory_space<vmem>>) target_semaphore(%arg24 : memref<!tpu.dma_semaphore, #tpu.memory_space<semaphore_mem>>)
        %add3A_850 = arith.constant 2 : i32
        %add3A_851 = arith.addi %add3A_781, %add3A_850 : i32
        %mul3A_852 = arith.constant 80 : i32
        %mul3A_853 = arith.muli %add3A_851, %mul3A_852 : i32
        %dma_start3A_854 = arith.constant 2 : i32
        %dma_start3A_855 = arith.constant 0 : i32
        %dma_start3A_856 = arith.constant 0 : i32
        %dma_start3A_857 = tpu.memref_slice %arg13[%dma_start3A_854, %dma_start3A_855, %dma_start3A_856] : memref<3x80x128xf32, #tpu.memory_space<vmem>> -> memref<1x80x128xf32, #tpu.memory_space<vmem>>
        %dma_start3A_858 = tpu.memref_squeeze %dma_start3A_857 : memref<1x80x128xf32, #tpu.memory_space<vmem>> -> memref<80x128xf32, #tpu.memory_space<vmem>>
        %dma_start3A_859 = tpu.memref_slice %arg11[%mul3A_853] : memref<10000xi32, #tpu.memory_space<vmem>> -> memref<80xi32, #tpu.memory_space<vmem>>
        %dma_start3A_860 = arith.constant 0 : i32
        %dma_start3A_861 = arith.constant 0 : i32
        %dma_start3A_862 = tpu.memref_slice %arg7[%dma_start3A_860, %dma_start3A_861] : memref<10000x128xf32, #tpu.memory_space<hbm>> -> memref<10000x128xf32, #tpu.memory_space<hbm>>
        tpu.enqueue_indirect_dma source(%dma_start3A_862 : memref<10000x128xf32, #tpu.memory_space<hbm>>) target(%dma_start3A_858 : memref<80x128xf32, #tpu.memory_space<vmem>>) offsets(%dma_start3A_859 : memref<80xi32, #tpu.memory_space<vmem>>) semaphore(%arg18 : memref<!tpu.dma_semaphore, #tpu.memory_space<semaphore_mem>>)
      } else {
      }
    }
    %scan3A_620 = arith.constant 41 : i32
    %dma_wait3A_621 = arith.constant 1 : i32
    %dma_wait3A_622 = arith.constant 0 : i32
    %dma_wait3A_623 = arith.constant 0 : i32
    %dma_wait3A_624 = tpu.memref_slice %arg13[%dma_wait3A_621, %dma_wait3A_622, %dma_wait3A_623] : memref<3x80x128xf32, #tpu.memory_space<vmem>> -> memref<1x80x128xf32, #tpu.memory_space<vmem>>
    %dma_wait3A_625 = tpu.memref_squeeze %dma_wait3A_624 : memref<1x80x128xf32, #tpu.memory_space<vmem>> -> memref<80x128xf32, #tpu.memory_space<vmem>>
    %dma_wait3A_626 = arith.constant 9920 : i32
    %dma_wait3A_627 = tpu.memref_slice %arg11[%dma_wait3A_626] : memref<10000xi32, #tpu.memory_space<vmem>> -> memref<80xi32, #tpu.memory_space<vmem>>
    %dma_wait3A_628 = arith.constant 0 : i32
    %dma_wait3A_629 = arith.constant 0 : i32
    %dma_wait3A_630 = tpu.memref_slice %arg7[%dma_wait3A_628, %dma_wait3A_629] : memref<10000x128xf32, #tpu.memory_space<hbm>> -> memref<10000x128xf32, #tpu.memory_space<hbm>>
    tpu.wait_indirect_dma semaphore(%arg17 : memref<!tpu.dma_semaphore, #tpu.memory_space<semaphore_mem>>) src(%dma_wait3A_630 : memref<10000x128xf32, #tpu.memory_space<hbm>>) dst(%dma_wait3A_625 : memref<80x128xf32, #tpu.memory_space<vmem>>)
    %add3A_631 = arith.constant 9920 : i32
    %add3A_632 = arith.addi %mul3A_4, %add3A_631 : i32
    %dma_wait3A_633 = arith.constant 1 : i32
    %dma_wait3A_634 = arith.constant 0 : i32
    %dma_wait3A_635 = tpu.memref_slice %arg12[%dma_wait3A_633, %dma_wait3A_634] : memref<3x80xi32, #tpu.memory_space<vmem>> -> memref<1x80xi32, #tpu.memory_space<vmem>>
    %dma_wait3A_636 = tpu.memref_squeeze %dma_wait3A_635 : memref<1x80xi32, #tpu.memory_space<vmem>> -> memref<80xi32, #tpu.memory_space<vmem>>
    %dma_wait3A_637 = tpu.memref_slice %arg3[%add3A_632] : memref<320000xi32, #tpu.memory_space<hbm>> -> memref<80xi32, #tpu.memory_space<hbm>>
    %dma_wait3A_638 = arith.constant 0 : i32
    %dma_wait3A_639 = tpu.memref_slice %arg12[%dma_wait3A_633, %dma_wait3A_638] : memref<3x80xi32, #tpu.memory_space<vmem>> -> memref<1x80xi32, #tpu.memory_space<vmem>>
    %dma_wait3A_640 = tpu.memref_squeeze %dma_wait3A_639 : memref<1x80xi32, #tpu.memory_space<vmem>> -> memref<80xi32, #tpu.memory_space<vmem>>
    %dma_wait3A_641 = tpu.memref_slice %arg3[%add3A_632] : memref<320000xi32, #tpu.memory_space<hbm>> -> memref<80xi32, #tpu.memory_space<hbm>>
    tpu.wait_dma2 semaphore(%arg23 : memref<!tpu.dma_semaphore, #tpu.memory_space<semaphore_mem>>) src(%dma_wait3A_641 : memref<80xi32, #tpu.memory_space<hbm>>) dst(%dma_wait3A_640 : memref<80xi32, #tpu.memory_space<vmem>>)
    %dma_start3A_642 = arith.constant 1 : i32
    %dma_start3A_643 = arith.constant 1 : i32
    %dma_start3A_644 = arith.constant 0 : i32
    %dma_start3A_645 = arith.constant 0 : i32
    %dma_start3A_646 = tpu.memref_slice %arg13[%dma_start3A_642, %dma_start3A_644, %dma_start3A_645] : memref<3x80x128xf32, #tpu.memory_space<vmem>> -> memref<1x80x128xf32, #tpu.memory_space<vmem>>
    %dma_start3A_647 = tpu.memref_squeeze %dma_start3A_646 : memref<1x80x128xf32, #tpu.memory_space<vmem>> -> memref<80x128xf32, #tpu.memory_space<vmem>>
    %dma_start3A_648 = arith.constant 0 : i32
    %dma_start3A_649 = tpu.memref_slice %arg12[%dma_start3A_643, %dma_start3A_648] : memref<3x80xi32, #tpu.memory_space<vmem>> -> memref<1x80xi32, #tpu.memory_space<vmem>>
    %dma_start3A_650 = tpu.memref_squeeze %dma_start3A_649 : memref<1x80xi32, #tpu.memory_space<vmem>> -> memref<80xi32, #tpu.memory_space<vmem>>
    %dma_start3A_651 = arith.constant 0 : i32
    %dma_start3A_652 = arith.constant 0 : i32
    %dma_start3A_653 = tpu.memref_slice %arg15[%dma_start3A_651, %dma_start3A_652] : memref<10112x128xf32, #tpu.memory_space<vmem_shared>> -> memref<10112x128xf32, #tpu.memory_space<vmem_shared>>
    tpu.enqueue_indirect_dma source(%dma_start3A_647 : memref<80x128xf32, #tpu.memory_space<vmem>>) target(%dma_start3A_653 : memref<10112x128xf32, #tpu.memory_space<vmem_shared>>) offsets(%dma_start3A_650 : memref<80xi32, #tpu.memory_space<vmem>>) semaphore(%arg20 : memref<!tpu.dma_semaphore, #tpu.memory_space<semaphore_mem>>) {add = true}
    %dma_wait3A_654 = arith.constant 2 : i32
    %dma_wait3A_655 = arith.constant 2 : i32
    %dma_wait3A_656 = arith.constant 0 : i32
    %dma_wait3A_657 = arith.constant 0 : i32
    %dma_wait3A_658 = tpu.memref_slice %arg13[%dma_wait3A_654, %dma_wait3A_656, %dma_wait3A_657] : memref<3x80x128xf32, #tpu.memory_space<vmem>> -> memref<1x80x128xf32, #tpu.memory_space<vmem>>
    %dma_wait3A_659 = tpu.memref_squeeze %dma_wait3A_658 : memref<1x80x128xf32, #tpu.memory_space<vmem>> -> memref<80x128xf32, #tpu.memory_space<vmem>>
    %dma_wait3A_660 = arith.constant 0 : i32
    %dma_wait3A_661 = tpu.memref_slice %arg12[%dma_wait3A_655, %dma_wait3A_660] : memref<3x80xi32, #tpu.memory_space<vmem>> -> memref<1x80xi32, #tpu.memory_space<vmem>>
    %dma_wait3A_662 = tpu.memref_squeeze %dma_wait3A_661 : memref<1x80xi32, #tpu.memory_space<vmem>> -> memref<80xi32, #tpu.memory_space<vmem>>
    %dma_wait3A_663 = arith.constant 0 : i32
    %dma_wait3A_664 = arith.constant 0 : i32
    %dma_wait3A_665 = tpu.memref_slice %arg15[%dma_wait3A_663, %dma_wait3A_664] : memref<10112x128xf32, #tpu.memory_space<vmem_shared>> -> memref<10112x128xf32, #tpu.memory_space<vmem_shared>>
    tpu.wait_indirect_dma semaphore(%arg21 : memref<!tpu.dma_semaphore, #tpu.memory_space<semaphore_mem>>) src(%dma_wait3A_659 : memref<80x128xf32, #tpu.memory_space<vmem>>) dst(%dma_wait3A_665 : memref<10112x128xf32, #tpu.memory_space<vmem_shared>>)
    %dma_wait3A_666 = arith.constant 0 : i32
    %dma_wait3A_667 = arith.constant 0 : i32
    %dma_wait3A_668 = arith.constant 0 : i32
    %dma_wait3A_669 = arith.constant 0 : i32
    %dma_wait3A_670 = tpu.memref_slice %arg13[%dma_wait3A_666, %dma_wait3A_668, %dma_wait3A_669] : memref<3x80x128xf32, #tpu.memory_space<vmem>> -> memref<1x80x128xf32, #tpu.memory_space<vmem>>
    %dma_wait3A_671 = tpu.memref_squeeze %dma_wait3A_670 : memref<1x80x128xf32, #tpu.memory_space<vmem>> -> memref<80x128xf32, #tpu.memory_space<vmem>>
    %dma_wait3A_672 = arith.constant 0 : i32
    %dma_wait3A_673 = tpu.memref_slice %arg12[%dma_wait3A_667, %dma_wait3A_672] : memref<3x80xi32, #tpu.memory_space<vmem>> -> memref<1x80xi32, #tpu.memory_space<vmem>>
    %dma_wait3A_674 = tpu.memref_squeeze %dma_wait3A_673 : memref<1x80xi32, #tpu.memory_space<vmem>> -> memref<80xi32, #tpu.memory_space<vmem>>
    %dma_wait3A_675 = arith.constant 0 : i32
    %dma_wait3A_676 = arith.constant 0 : i32
    %dma_wait3A_677 = tpu.memref_slice %arg15[%dma_wait3A_675, %dma_wait3A_676] : memref<10112x128xf32, #tpu.memory_space<vmem_shared>> -> memref<10112x128xf32, #tpu.memory_space<vmem_shared>>
    tpu.wait_indirect_dma semaphore(%arg19 : memref<!tpu.dma_semaphore, #tpu.memory_space<semaphore_mem>>) src(%dma_wait3A_671 : memref<80x128xf32, #tpu.memory_space<vmem>>) dst(%dma_wait3A_677 : memref<10112x128xf32, #tpu.memory_space<vmem_shared>>)
    %dma_wait3A_678 = arith.constant 1 : i32
    %dma_wait3A_679 = arith.constant 1 : i32
    %dma_wait3A_680 = arith.constant 0 : i32
    %dma_wait3A_681 = arith.constant 0 : i32
    %dma_wait3A_682 = tpu.memref_slice %arg13[%dma_wait3A_678, %dma_wait3A_680, %dma_wait3A_681] : memref<3x80x128xf32, #tpu.memory_space<vmem>> -> memref<1x80x128xf32, #tpu.memory_space<vmem>>
    %dma_wait3A_683 = tpu.memref_squeeze %dma_wait3A_682 : memref<1x80x128xf32, #tpu.memory_space<vmem>> -> memref<80x128xf32, #tpu.memory_space<vmem>>
    %dma_wait3A_684 = arith.constant 0 : i32
    %dma_wait3A_685 = tpu.memref_slice %arg12[%dma_wait3A_679, %dma_wait3A_684] : memref<3x80xi32, #tpu.memory_space<vmem>> -> memref<1x80xi32, #tpu.memory_space<vmem>>
    %dma_wait3A_686 = tpu.memref_squeeze %dma_wait3A_685 : memref<1x80xi32, #tpu.memory_space<vmem>> -> memref<80xi32, #tpu.memory_space<vmem>>
    %dma_wait3A_687 = arith.constant 0 : i32
    %dma_wait3A_688 = arith.constant 0 : i32
    %dma_wait3A_689 = tpu.memref_slice %arg15[%dma_wait3A_687, %dma_wait3A_688] : memref<10112x128xf32, #tpu.memory_space<vmem_shared>> -> memref<10112x128xf32, #tpu.memory_space<vmem_shared>>
    tpu.wait_indirect_dma semaphore(%arg20 : memref<!tpu.dma_semaphore, #tpu.memory_space<semaphore_mem>>) src(%dma_wait3A_683 : memref<80x128xf32, #tpu.memory_space<vmem>>) dst(%dma_wait3A_689 : memref<10112x128xf32, #tpu.memory_space<vmem_shared>>)
    %barrier3A_690 = arith.constant 0 : index
    tpu.barrier barrier_id(%barrier3A_690)
    %run_scoped3A_691 = arith.constant 3 : i32
    "tpu.region"() ({
      %run_scoped3A_692 = tpu.sem_alloc : memref<!tpu.dma_semaphore, #tpu.memory_space<semaphore_mem>>
      %dma_start3A_693 = arith.constant 0 : i32
      %dma_start3A_694 = tpu.memref_slice %arg10[%arg0, %run_scoped3A_691, %mul3A_0, %dma_start3A_693] : memref<2x4x10112x128xf32, #tpu.memory_space<hbm>> -> memref<1x1x632x128xf32, #tpu.memory_space<hbm>>
      %dma_start3A_695 = tpu.memref_squeeze %dma_start3A_694 : memref<1x1x632x128xf32, #tpu.memory_space<hbm>> -> memref<632x128xf32, #tpu.memory_space<hbm>>
      %dma_start3A_696 = arith.constant 0 : i32
      %dma_start3A_697 = tpu.memref_slice %arg15[%mul3A_0, %dma_start3A_696] : memref<10112x128xf32, #tpu.memory_space<vmem_shared>> -> memref<632x128xf32, #tpu.memory_space<vmem_shared>>
      tpu.enqueue_dma source(%dma_start3A_697 : memref<632x128xf32, #tpu.memory_space<vmem_shared>>) target(%dma_start3A_695 : memref<632x128xf32, #tpu.memory_space<hbm>>) target_semaphore(%run_scoped3A_692 : memref<!tpu.dma_semaphore, #tpu.memory_space<semaphore_mem>>)
      %dma_wait3A_698 = arith.constant 0 : i32
      %dma_wait3A_699 = tpu.memref_slice %arg10[%arg0, %run_scoped3A_691, %mul3A_0, %dma_wait3A_698] : memref<2x4x10112x128xf32, #tpu.memory_space<hbm>> -> memref<1x1x632x128xf32, #tpu.memory_space<hbm>>
      %dma_wait3A_700 = tpu.memref_squeeze %dma_wait3A_699 : memref<1x1x632x128xf32, #tpu.memory_space<hbm>> -> memref<632x128xf32, #tpu.memory_space<hbm>>
      %dma_wait3A_701 = arith.constant 0 : i32
      %dma_wait3A_702 = tpu.memref_slice %arg15[%mul3A_0, %dma_wait3A_701] : memref<10112x128xf32, #tpu.memory_space<vmem_shared>> -> memref<632x128xf32, #tpu.memory_space<vmem_shared>>
      tpu.wait_dma2 semaphore(%run_scoped3A_692 : memref<!tpu.dma_semaphore, #tpu.memory_space<semaphore_mem>>) src(%dma_wait3A_702 : memref<632x128xf32, #tpu.memory_space<vmem_shared>>) dst(%dma_wait3A_700 : memref<632x128xf32, #tpu.memory_space<hbm>>)
      tpu.yield
    }) : () -> ()
    return
  }
}

module attributes {stable_mosaic.version = 14 : i64} {
  func.func @_tc1_body(%arg0: i32, %arg1: memref<400x128xf32, #tpu.memory_space<vmem>>, %arg2: memref<2x1x400x128xf32, #tpu.memory_space<vmem>>, %arg3: memref<2x400x1xf32, #tpu.memory_space<vmem>>, %arg4: memref<512x128xf32, #tpu.memory_space<vmem>>, %arg5: memref<1x512xf32, #tpu.memory_space<vmem>>, %arg6: memref<512x128xf32, #tpu.memory_space<vmem>>, %arg7: memref<400x128xf32, #tpu.memory_space<vmem>>, %arg8: memref<400x128xf32, #tpu.memory_space<vmem>>, %arg9: memref<400x128xf32, #tpu.memory_space<vmem>>, %arg10: memref<400x128xf32, #tpu.memory_space<vmem>>) attributes {dimension_semantics = [#tpu.dimension_semantics<arbitrary>], iteration_bounds = array<i64: 25>, scalar_prefetch = 0 : i64, scratch_operands = 0 : i64, tpu.core_type = #tpu.core_type<tc>, window_params = [{transform_indices = @transform_0, window_bounds = array<i64: 400, 128>}, {transform_indices = @transform_1, window_bounds = array<i64: 2, 1, 400, 128>}, {transform_indices = @transform_2, window_bounds = array<i64: 2, 400, 1>}, {pipeline_mode = #tpu.pipeline_mode<synchronous>, transform_indices = @transform_3, window_bounds = array<i64: 512, 128>}, {pipeline_mode = #tpu.pipeline_mode<synchronous>, transform_indices = @transform_4, window_bounds = array<i64: 1, 512>}, {pipeline_mode = #tpu.pipeline_mode<synchronous>, transform_indices = @transform_5, window_bounds = array<i64: 512, 128>}, {transform_indices = @transform_6, window_bounds = array<i64: 400, 128>}, {transform_indices = @transform_7, window_bounds = array<i64: 400, 128>}, {transform_indices = @transform_8, window_bounds = array<i64: 400, 128>}, {transform_indices = @transform_9, window_bounds = array<i64: 400, 128>}]} {
    %get3A = arith.constant 0 : index
    %get3A_0 = arith.constant 0 : index
    %get3A_1 = arith.constant 0 : index
    %get3A_2 = vector.load %arg3[%get3A, %get3A_0, %get3A_1] : memref<2x400x1xf32, #tpu.memory_space<vmem>>, vector<1x400x1xf32>
    %get3A_3 = vector.shape_cast %get3A_2 : vector<1x400x1xf32> to vector<400xf32>
    %get3A_4 = arith.constant 1 : index
    %get3A_5 = arith.constant 0 : index
    %get3A_6 = arith.constant 0 : index
    %get3A_7 = vector.load %arg3[%get3A_4, %get3A_5, %get3A_6] : memref<2x400x1xf32, #tpu.memory_space<vmem>>, vector<1x400x1xf32>
    %get3A_8 = vector.shape_cast %get3A_7 : vector<1x400x1xf32> to vector<400xf32>
    %add3A = arith.addf %get3A_3, %get3A_8 : vector<400xf32>
    %max3A = arith.constant 1.000000e+00 : f32
    %max3A_9 = vector.broadcast %max3A : f32 to vector<400xf32>
    %max3A_10 = arith.maximumf %add3A, %max3A_9 : vector<400xf32>
    %div3A = arith.constant 1.000000e+00 : f32
    %div3A_11 = vector.broadcast %div3A : f32 to vector<400xf32>
    %div3A_12 = arith.divf %div3A_11, %max3A_10 : vector<400xf32>
    %get3A_13 = arith.constant 0 : index
    %get3A_14 = arith.constant 0 : index
    %get3A_15 = arith.constant 0 : index
    %get3A_16 = arith.constant 0 : index
    %get3A_17 = vector.load %arg2[%get3A_13, %get3A_14, %get3A_15, %get3A_16] : memref<2x1x400x128xf32, #tpu.memory_space<vmem>>, vector<1x1x400x128xf32>
    %get3A_18 = vector.shape_cast %get3A_17 : vector<1x1x400x128xf32> to vector<400x128xf32>
    %get3A_19 = arith.constant 1 : index
    %get3A_20 = arith.constant 0 : index
    %get3A_21 = arith.constant 0 : index
    %get3A_22 = arith.constant 0 : index
    %get3A_23 = vector.load %arg2[%get3A_19, %get3A_20, %get3A_21, %get3A_22] : memref<2x1x400x128xf32, #tpu.memory_space<vmem>>, vector<1x1x400x128xf32>
    %get3A_24 = vector.shape_cast %get3A_23 : vector<1x1x400x128xf32> to vector<400x128xf32>
    %add3A_25 = arith.addf %get3A_18, %get3A_24 : vector<400x128xf32>
    %broadcast_in_dim3A = vector.shape_cast %div3A_12 : vector<400xf32> to vector<400x1xf32>
    %mul3A = vector.broadcast %broadcast_in_dim3A : vector<400x1xf32> to vector<400x128xf32>
    %mul3A_26 = arith.mulf %add3A_25, %mul3A : vector<400x128xf32>
    %get3A_27 = arith.constant 0 : index
    %get3A_28 = arith.constant 0 : index
    %get3A_29 = vector.load %arg4[%get3A_27, %get3A_28] : memref<512x128xf32, #tpu.memory_space<vmem>>, vector<512x128xf32>
    %dot_general3A = arith.constant dense<0.000000e+00> : vector<400x512xf32>
    %dot_general3A_30 = tpu.matmul %mul3A_26, %get3A_29, %dot_general3A {dimension_numbers = #tpu.dot_dimension_numbers<[1], [1], [0], [0], [0, 0, 1, 0], [], []>, transpose_lhs_hint = false} : vector<400x128xf32>, vector<512x128xf32>, vector<400x512xf32> -> vector<400x512xf32>
    %get3A_31 = arith.constant 0 : index
    %get3A_32 = arith.constant 0 : index
    %get3A_33 = vector.load %arg5[%get3A_31, %get3A_32] : memref<1x512xf32, #tpu.memory_space<vmem>>, vector<1x512xf32>
    %add3A_34 = vector.broadcast %get3A_33 : vector<1x512xf32> to vector<400x512xf32>
    %add3A_35 = arith.addf %dot_general3A_30, %add3A_34 : vector<400x512xf32>
    %get3A_36 = arith.constant 0 : index
    %get3A_37 = arith.constant 0 : index
    %get3A_38 = vector.load %arg1[%get3A_36, %get3A_37] : memref<400x128xf32, #tpu.memory_space<vmem>>, vector<400x128xf32>
    %get3A_39 = arith.constant 0 : index
    %get3A_40 = arith.constant 0 : index
    %get3A_41 = vector.load %arg6[%get3A_39, %get3A_40] : memref<512x128xf32, #tpu.memory_space<vmem>>, vector<512x128xf32>
    %dot_general3A_42 = arith.constant dense<0.000000e+00> : vector<400x512xf32>
    %dot_general3A_43 = tpu.matmul %get3A_38, %get3A_41, %dot_general3A_42 {dimension_numbers = #tpu.dot_dimension_numbers<[1], [1], [0], [0], [0, 0, 1, 0], [], []>, transpose_lhs_hint = false} : vector<400x128xf32>, vector<512x128xf32>, vector<400x512xf32> -> vector<400x512xf32>
    %add3A_44 = arith.addf %add3A_35, %dot_general3A_43 : vector<400x512xf32>
    %max3A_45 = arith.constant 0.000000e+00 : f32
    %max3A_46 = vector.broadcast %max3A_45 : f32 to vector<400x512xf32>
    %max3A_47 = arith.maximumf %add3A_44, %max3A_46 : vector<400x512xf32>
    %slice3A = vector.extract_strided_slice %max3A_47 {offsets = [0, 0], sizes = [400, 128], strides = [1, 1]} : vector<400x512xf32> to vector<400x128xf32>
    %swap3A = arith.constant 0 : index
    %swap3A_48 = arith.constant 0 : index
    %swap3A_49 = vector.load %arg7[%swap3A, %swap3A_48] : memref<400x128xf32, #tpu.memory_space<vmem>>, vector<400x128xf32>
    tpu.vector_store %arg7[%swap3A, %swap3A_48], %slice3A {strides = array<i32>} : memref<400x128xf32, #tpu.memory_space<vmem>>, vector<400x128xf32>,
    %slice3A_50 = vector.extract_strided_slice %max3A_47 {offsets = [0, 128], sizes = [400, 128], strides = [1, 1]} : vector<400x512xf32> to vector<400x128xf32>
    %swap3A_51 = arith.constant 0 : index
    %swap3A_52 = arith.constant 0 : index
    %swap3A_53 = vector.load %arg8[%swap3A_51, %swap3A_52] : memref<400x128xf32, #tpu.memory_space<vmem>>, vector<400x128xf32>
    tpu.vector_store %arg8[%swap3A_51, %swap3A_52], %slice3A_50 {strides = array<i32>} : memref<400x128xf32, #tpu.memory_space<vmem>>, vector<400x128xf32>,
    %slice3A_54 = vector.extract_strided_slice %max3A_47 {offsets = [0, 256], sizes = [400, 128], strides = [1, 1]} : vector<400x512xf32> to vector<400x128xf32>
    %swap3A_55 = arith.constant 0 : index
    %swap3A_56 = arith.constant 0 : index
    %swap3A_57 = vector.load %arg9[%swap3A_55, %swap3A_56] : memref<400x128xf32, #tpu.memory_space<vmem>>, vector<400x128xf32>
    tpu.vector_store %arg9[%swap3A_55, %swap3A_56], %slice3A_54 {strides = array<i32>} : memref<400x128xf32, #tpu.memory_space<vmem>>, vector<400x128xf32>,
    %slice3A_58 = vector.extract_strided_slice %max3A_47 {offsets = [0, 384], sizes = [400, 128], strides = [1, 1]} : vector<400x512xf32> to vector<400x128xf32>
    %swap3A_59 = arith.constant 0 : index
    %swap3A_60 = arith.constant 0 : index
    %swap3A_61 = vector.load %arg10[%swap3A_59, %swap3A_60] : memref<400x128xf32, #tpu.memory_space<vmem>>, vector<400x128xf32>
    tpu.vector_store %arg10[%swap3A_59, %swap3A_60], %slice3A_58 {strides = array<i32>} : memref<400x128xf32, #tpu.memory_space<vmem>>, vector<400x128xf32>,
    return
  }
  func.func @transform_0(%arg0: i32) -> (i32, i32) {
    %c0_i32 = arith.constant 0 : i32
    %c0_i32_0 = arith.constant 0 : i32
    return %arg0, %c0_i32 : i32, i32
  }
  func.func @transform_1(%arg0: i32) -> (i32, i32, i32, i32) {
    %c0_i32 = arith.constant 0 : i32
    %c0_i32_0 = arith.constant 0 : i32
    %c0_i32_1 = arith.constant 0 : i32
    %c0_i32_2 = arith.constant 0 : i32
    return %c0_i32, %c0_i32_0, %arg0, %c0_i32_1 : i32, i32, i32, i32
  }
  func.func @transform_2(%arg0: i32) -> (i32, i32, i32) {
    %c0_i32 = arith.constant 0 : i32
    %c0_i32_0 = arith.constant 0 : i32
    %c0_i32_1 = arith.constant 0 : i32
    return %c0_i32, %arg0, %c0_i32_0 : i32, i32, i32
  }
  func.func @transform_3(%arg0: i32) -> (i32, i32) {
    %c0_i32 = arith.constant 0 : i32
    %c0_i32_0 = arith.constant 0 : i32
    %c0_i32_1 = arith.constant 0 : i32
    return %c0_i32, %c0_i32_0 : i32, i32
  }
  func.func @transform_4(%arg0: i32) -> (i32, i32) {
    %c0_i32 = arith.constant 0 : i32
    %c0_i32_0 = arith.constant 0 : i32
    %c0_i32_1 = arith.constant 0 : i32
    return %c0_i32, %c0_i32_0 : i32, i32
  }
  func.func @transform_5(%arg0: i32) -> (i32, i32) {
    %c0_i32 = arith.constant 0 : i32
    %c0_i32_0 = arith.constant 0 : i32
    %c0_i32_1 = arith.constant 0 : i32
    return %c0_i32, %c0_i32_0 : i32, i32
  }
  func.func @transform_6(%arg0: i32) -> (i32, i32) {
    %c0_i32 = arith.constant 0 : i32
    %c0_i32_0 = arith.constant 0 : i32
    return %arg0, %c0_i32 : i32, i32
  }
  func.func @transform_7(%arg0: i32) -> (i32, i32) {
    %c0_i32 = arith.constant 0 : i32
    %c0_i32_0 = arith.constant 0 : i32
    return %arg0, %c0_i32 : i32, i32
  }
  func.func @transform_8(%arg0: i32) -> (i32, i32) {
    %c0_i32 = arith.constant 0 : i32
    %c0_i32_0 = arith.constant 0 : i32
    return %arg0, %c0_i32 : i32, i32
  }
  func.func @transform_9(%arg0: i32) -> (i32, i32) {
    %c0_i32 = arith.constant 0 : i32
    %c0_i32_0 = arith.constant 0 : i32
    return %arg0, %c0_i32 : i32, i32
  }
}

module attributes {stable_mosaic.version = 14 : i64} {
  func.func @_tc2_body(%arg0: i32, %arg1: memref<400x128xf32, #tpu.memory_space<vmem>>, %arg2: memref<400x128xf32, #tpu.memory_space<vmem>>, %arg3: memref<400x128xf32, #tpu.memory_space<vmem>>, %arg4: memref<400x128xf32, #tpu.memory_space<vmem>>, %arg5: memref<2x4x400x128xf32, #tpu.memory_space<vmem>>, %arg6: memref<2x400x1xf32, #tpu.memory_space<vmem>>, %arg7: memref<512x512xf32, #tpu.memory_space<vmem>>, %arg8: memref<1x512xf32, #tpu.memory_space<vmem>>, %arg9: memref<512x512xf32, #tpu.memory_space<vmem>>, %arg10: memref<400x512xf32, #tpu.memory_space<vmem>>) attributes {dimension_semantics = [#tpu.dimension_semantics<arbitrary>], iteration_bounds = array<i64: 25>, scalar_prefetch = 0 : i64, scratch_operands = 0 : i64, tpu.core_type = #tpu.core_type<tc>, window_params = [{transform_indices = @transform_0, window_bounds = array<i64: 400, 128>}, {transform_indices = @transform_1, window_bounds = array<i64: 400, 128>}, {transform_indices = @transform_2, window_bounds = array<i64: 400, 128>}, {transform_indices = @transform_3, window_bounds = array<i64: 400, 128>}, {transform_indices = @transform_4, window_bounds = array<i64: 2, 4, 400, 128>}, {transform_indices = @transform_5, window_bounds = array<i64: 2, 400, 1>}, {pipeline_mode = #tpu.pipeline_mode<synchronous>, transform_indices = @transform_6, window_bounds = array<i64: 512, 512>}, {pipeline_mode = #tpu.pipeline_mode<synchronous>, transform_indices = @transform_7, window_bounds = array<i64: 1, 512>}, {pipeline_mode = #tpu.pipeline_mode<synchronous>, transform_indices = @transform_8, window_bounds = array<i64: 512, 512>}, {transform_indices = @transform_9, window_bounds = array<i64: 400, 512>}]} {
    %get3A = arith.constant 0 : index
    %get3A_0 = arith.constant 0 : index
    %get3A_1 = arith.constant 0 : index
    %get3A_2 = vector.load %arg6[%get3A, %get3A_0, %get3A_1] : memref<2x400x1xf32, #tpu.memory_space<vmem>>, vector<1x400x1xf32>
    %get3A_3 = vector.shape_cast %get3A_2 : vector<1x400x1xf32> to vector<400xf32>
    %get3A_4 = arith.constant 1 : index
    %get3A_5 = arith.constant 0 : index
    %get3A_6 = arith.constant 0 : index
    %get3A_7 = vector.load %arg6[%get3A_4, %get3A_5, %get3A_6] : memref<2x400x1xf32, #tpu.memory_space<vmem>>, vector<1x400x1xf32>
    %get3A_8 = vector.shape_cast %get3A_7 : vector<1x400x1xf32> to vector<400xf32>
    %add3A = arith.addf %get3A_3, %get3A_8 : vector<400xf32>
    %max3A = arith.constant 1.000000e+00 : f32
    %max3A_9 = vector.broadcast %max3A : f32 to vector<400xf32>
    %max3A_10 = arith.maximumf %add3A, %max3A_9 : vector<400xf32>
    %div3A = arith.constant 1.000000e+00 : f32
    %div3A_11 = vector.broadcast %div3A : f32 to vector<400xf32>
    %div3A_12 = arith.divf %div3A_11, %max3A_10 : vector<400xf32>
    %get3A_13 = arith.constant 0 : index
    %get3A_14 = arith.constant 0 : index
    %get3A_15 = arith.constant 0 : index
    %get3A_16 = arith.constant 0 : index
    %get3A_17 = vector.load %arg5[%get3A_13, %get3A_14, %get3A_15, %get3A_16] : memref<2x4x400x128xf32, #tpu.memory_space<vmem>>, vector<1x4x400x128xf32>
    %get3A_18 = vector.shape_cast %get3A_17 : vector<1x4x400x128xf32> to vector<4x400x128xf32>
    %get3A_19 = arith.constant 1 : index
    %get3A_20 = arith.constant 0 : index
    %get3A_21 = arith.constant 0 : index
    %get3A_22 = arith.constant 0 : index
    %get3A_23 = vector.load %arg5[%get3A_19, %get3A_20, %get3A_21, %get3A_22] : memref<2x4x400x128xf32, #tpu.memory_space<vmem>>, vector<1x4x400x128xf32>
    %get3A_24 = vector.shape_cast %get3A_23 : vector<1x4x400x128xf32> to vector<4x400x128xf32>
    %add3A_25 = arith.addf %get3A_18, %get3A_24 : vector<4x400x128xf32>
    %slice3A = vector.extract_strided_slice %add3A_25 {offsets = [0, 0, 0], sizes = [1, 400, 128], strides = [1, 1, 1]} : vector<4x400x128xf32> to vector<1x400x128xf32>
    %squeeze3A = vector.shape_cast %slice3A : vector<1x400x128xf32> to vector<400x128xf32>
    %slice3A_26 = vector.extract_strided_slice %add3A_25 {offsets = [1, 0, 0], sizes = [1, 400, 128], strides = [1, 1, 1]} : vector<4x400x128xf32> to vector<1x400x128xf32>
    %squeeze3A_27 = vector.shape_cast %slice3A_26 : vector<1x400x128xf32> to vector<400x128xf32>
    %slice3A_28 = vector.extract_strided_slice %add3A_25 {offsets = [2, 0, 0], sizes = [1, 400, 128], strides = [1, 1, 1]} : vector<4x400x128xf32> to vector<1x400x128xf32>
    %squeeze3A_29 = vector.shape_cast %slice3A_28 : vector<1x400x128xf32> to vector<400x128xf32>
    %slice3A_30 = vector.extract_strided_slice %add3A_25 {offsets = [3, 0, 0], sizes = [1, 400, 128], strides = [1, 1, 1]} : vector<4x400x128xf32> to vector<1x400x128xf32>
    %squeeze3A_31 = vector.shape_cast %slice3A_30 : vector<1x400x128xf32> to vector<400x128xf32>
    %concatenate3A = tpu.concatenate %squeeze3A, %squeeze3A_27, %squeeze3A_29, %squeeze3A_31 in 1 : vector<400x128xf32>, vector<400x128xf32>, vector<400x128xf32>, vector<400x128xf32> -> vector<400x512xf32>
    %broadcast_in_dim3A = vector.shape_cast %div3A_12 : vector<400xf32> to vector<400x1xf32>
    %mul3A = vector.broadcast %broadcast_in_dim3A : vector<400x1xf32> to vector<400x512xf32>
    %mul3A_32 = arith.mulf %concatenate3A, %mul3A : vector<400x512xf32>
    %get3A_33 = arith.constant 0 : index
    %get3A_34 = arith.constant 0 : index
    %get3A_35 = vector.load %arg7[%get3A_33, %get3A_34] : memref<512x512xf32, #tpu.memory_space<vmem>>, vector<512x512xf32>
    %dot_general3A = arith.constant dense<0.000000e+00> : vector<400x512xf32>
    %dot_general3A_36 = tpu.matmul %mul3A_32, %get3A_35, %dot_general3A {dimension_numbers = #tpu.dot_dimension_numbers<[1], [1], [0], [0], [0, 0, 1, 0], [], []>, transpose_lhs_hint = false} : vector<400x512xf32>, vector<512x512xf32>, vector<400x512xf32> -> vector<400x512xf32>
    %get3A_37 = arith.constant 0 : index
    %get3A_38 = arith.constant 0 : index
    %get3A_39 = vector.load %arg8[%get3A_37, %get3A_38] : memref<1x512xf32, #tpu.memory_space<vmem>>, vector<1x512xf32>
    %add3A_40 = vector.broadcast %get3A_39 : vector<1x512xf32> to vector<400x512xf32>
    %add3A_41 = arith.addf %dot_general3A_36, %add3A_40 : vector<400x512xf32>
    %get3A_42 = arith.constant 0 : index
    %get3A_43 = arith.constant 0 : index
    %get3A_44 = vector.load %arg1[%get3A_42, %get3A_43] : memref<400x128xf32, #tpu.memory_space<vmem>>, vector<400x128xf32>
    %get3A_45 = arith.constant 0 : index
    %get3A_46 = arith.constant 0 : index
    %get3A_47 = vector.load %arg2[%get3A_45, %get3A_46] : memref<400x128xf32, #tpu.memory_space<vmem>>, vector<400x128xf32>
    %get3A_48 = arith.constant 0 : index
    %get3A_49 = arith.constant 0 : index
    %get3A_50 = vector.load %arg3[%get3A_48, %get3A_49] : memref<400x128xf32, #tpu.memory_space<vmem>>, vector<400x128xf32>
    %get3A_51 = arith.constant 0 : index
    %get3A_52 = arith.constant 0 : index
    %get3A_53 = vector.load %arg4[%get3A_51, %get3A_52] : memref<400x128xf32, #tpu.memory_space<vmem>>, vector<400x128xf32>
    %concatenate3A_54 = tpu.concatenate %get3A_44, %get3A_47, %get3A_50, %get3A_53 in 1 : vector<400x128xf32>, vector<400x128xf32>, vector<400x128xf32>, vector<400x128xf32> -> vector<400x512xf32>
    %get3A_55 = arith.constant 0 : index
    %get3A_56 = arith.constant 0 : index
    %get3A_57 = vector.load %arg9[%get3A_55, %get3A_56] : memref<512x512xf32, #tpu.memory_space<vmem>>, vector<512x512xf32>
    %dot_general3A_58 = arith.constant dense<0.000000e+00> : vector<400x512xf32>
    %dot_general3A_59 = tpu.matmul %concatenate3A_54, %get3A_57, %dot_general3A_58 {dimension_numbers = #tpu.dot_dimension_numbers<[1], [1], [0], [0], [0, 0, 1, 0], [], []>, transpose_lhs_hint = false} : vector<400x512xf32>, vector<512x512xf32>, vector<400x512xf32> -> vector<400x512xf32>
    %add3A_60 = arith.addf %add3A_41, %dot_general3A_59 : vector<400x512xf32>
    %max3A_61 = arith.constant 0.000000e+00 : f32
    %max3A_62 = vector.broadcast %max3A_61 : f32 to vector<400x512xf32>
    %max3A_63 = arith.maximumf %add3A_60, %max3A_62 : vector<400x512xf32>
    %swap3A = arith.constant 0 : index
    %swap3A_64 = arith.constant 0 : index
    %swap3A_65 = vector.load %arg10[%swap3A, %swap3A_64] : memref<400x512xf32, #tpu.memory_space<vmem>>, vector<400x512xf32>
    tpu.vector_store %arg10[%swap3A, %swap3A_64], %max3A_63 {strides = array<i32>} : memref<400x512xf32, #tpu.memory_space<vmem>>, vector<400x512xf32>,
    return
  }
  func.func @transform_0(%arg0: i32) -> (i32, i32) {
    %c0_i32 = arith.constant 0 : i32
    %c0_i32_0 = arith.constant 0 : i32
    return %arg0, %c0_i32 : i32, i32
  }
  func.func @transform_1(%arg0: i32) -> (i32, i32) {
    %c0_i32 = arith.constant 0 : i32
    %c0_i32_0 = arith.constant 0 : i32
    return %arg0, %c0_i32 : i32, i32
  }
  func.func @transform_2(%arg0: i32) -> (i32, i32) {
    %c0_i32 = arith.constant 0 : i32
    %c0_i32_0 = arith.constant 0 : i32
    return %arg0, %c0_i32 : i32, i32
  }
  func.func @transform_3(%arg0: i32) -> (i32, i32) {
    %c0_i32 = arith.constant 0 : i32
    %c0_i32_0 = arith.constant 0 : i32
    return %arg0, %c0_i32 : i32, i32
  }
  func.func @transform_4(%arg0: i32) -> (i32, i32, i32, i32) {
    %c0_i32 = arith.constant 0 : i32
    %c0_i32_0 = arith.constant 0 : i32
    %c0_i32_1 = arith.constant 0 : i32
    %c0_i32_2 = arith.constant 0 : i32
    return %c0_i32, %c0_i32_0, %arg0, %c0_i32_1 : i32, i32, i32, i32
  }
  func.func @transform_5(%arg0: i32) -> (i32, i32, i32) {
    %c0_i32 = arith.constant 0 : i32
    %c0_i32_0 = arith.constant 0 : i32
    %c0_i32_1 = arith.constant 0 : i32
    return %c0_i32, %arg0, %c0_i32_0 : i32, i32, i32
  }
  func.func @transform_6(%arg0: i32) -> (i32, i32) {
    %c0_i32 = arith.constant 0 : i32
    %c0_i32_0 = arith.constant 0 : i32
    %c0_i32_1 = arith.constant 0 : i32
    return %c0_i32, %c0_i32_0 : i32, i32
  }
  func.func @transform_7(%arg0: i32) -> (i32, i32) {
    %c0_i32 = arith.constant 0 : i32
    %c0_i32_0 = arith.constant 0 : i32
    %c0_i32_1 = arith.constant 0 : i32
    return %c0_i32, %c0_i32_0 : i32, i32
  }
  func.func @transform_8(%arg0: i32) -> (i32, i32) {
    %c0_i32 = arith.constant 0 : i32
    %c0_i32_0 = arith.constant 0 : i32
    %c0_i32_1 = arith.constant 0 : i32
    return %c0_i32, %c0_i32_0 : i32, i32
  }
  func.func @transform_9(%arg0: i32) -> (i32, i32) {
    %c0_i32 = arith.constant 0 : i32
    %c0_i32_0 = arith.constant 0 : i32
    return %arg0, %c0_i32 : i32, i32
  }
}

</mosaic_0001>

<sc_bundles>
// kernel: kernel.6.cloned.1.call-start
scs
__scs_entry_jumppad:
0x0: {  	(pc) =	sbr.rel $0x88, $3  }
0x1: {  	(tag) =	ssettag $0x0;
	lr =	simm.s32 $0x1  }
0x2: {  	[smem:$0x3F99] =	sst lr;
	_ =	strace $0xD0000000  }
0x3: {  	_ = 	snop  }
0x4: {  	_ = 	snop  }
0x5: {  	_ = 	snop  }
0x6: {  	_ = 	snop  }
0x7: {  	_ = 	snop  }
__scs_overlays_trampoline_lowered:
0x8: {  	[smem:$0x3FA8] =	sst s0  }
0x9: {  	[smem:$0x3FA9] =	sst s1  }
0xa: {  	[smem:$0x3FAA] =	sst s2  }
0xb: {  	[smem:$0x3FAB] =	sst s3  }
0xc: {  	[smem:$0x3FAC] =	sst s4  }
0xd: {  	[smem:$0x3FAD] =	sst s5  }
0xe: {  	[smem:$0x3FAE] =	sst s6  }
0xf: {  	[smem:$0x3FAF] =	sst s7  }
0x10: {  	[smem:$0x3FB0] =	sst s8  }
0x11: {  	[smem:$0x3FB1] =	sst s9;
	s0 =	simm.s32 @!p0 $0x0  }
0x12: {  	s1 =	sld [smem:$0x3F97];
	s0 =	simm.s32 @p0 $0x1  }
0x13: {  	[smem:$0x3FB2] =	sst s0;
	s0 =	simm.s32 @!p1 $0x0  }
0x14: {  	s2 =	sld [smem:$0x3F96];
	s0 =	simm.s32 @p1 $0x1  }
0x15: {  	[smem:$0x3FB3] =	sst s0;
	s0 =	simm.s32 @!p2 $0x0  }
0x16: {  	s3 =	sld [smem:$0x3FDB];
	s0 =	simm.s32 @p2 $0x1  }
0x17: {  	s4 =	simm.s32 $0x1BF5;
	[smem:$0x3FB5] =	sst s0  }
0x18: {  	s0 =	sld [smem:$0x3F98];
	_ =	swait.ge [sflag:s4], $0x0  }
0x19: {  	s7 =	sld [smem:$0x3F99]  }
0x1a: {  	s8 =	sadd.s32 $0xFFFFE003, lr  }
0x1b: {  	s9 =	sadd.s32 $0xFFFFFEF7, lr;
	s5 =	simm.s32 $0xFFFFFFFF;
	p2 =	slt.u32 s8, $0xFFFFF086  }
0x1c: {  	p1 =	slt.u32 s9, $0xF7A;
	s5 =	simm.s32 @!p2 $0x0  }
0x1d: {  	s5 =	simm.s32 @p1 $0x1;
	p0 =	seq.s32 s7, s2  }
0x1e: {  	s7 =	smul.u32 @!p0 $0xF7A, s2;
	p2 =	seq.s32 @!p0 s5, $0x0  }
0x1f: {  	s9 =	smul.u32 $0xF7A, s1;
	s8 =	simm.s32 @!p0 $0x1BF5;
	p2 =	por !p2, p0  }
0x20: {  	[sflag:s8] =	ssyncset.s32 @!p0 $0xFFFFF086;
	s6 =	sadd.s32 @!p0 s3, s7;
	s7 =	simm.s32 @!p0 $0x108  }
0x21: {  	s3 =	sadd.s32 s3, s9;
	s6 =	sadd.s32 @!p0 $0x88, s6;
	s7 =	simm.s32 @p2 $0x1082  }
0x22: {  	[simem:s7], [sflag:s8] =	dma.local @!p0 [hbm:s6], $0xF7A  }
0x23: {  	s9 =	sor.u32 $0xD0000000, s2;
	s6 =	simm.s32 $0x108;
	_ =	swait.ge @!p0 [sflag:s8], $0x0  }
0x24: {  	s3 =	sadd.s32 $0x88, s3;
	s6 =	simm.s32 @!p1 $0x1082;
	[sflag:s4] =	ssyncset.s32 $0xFFFFF086  }
0x25: {  	[simem:s6], [sflag:s4] =	dma.local [hbm:s3], $0xF7A  }
0x26: {  	[smem:$0x3F99] =	sst s1;
	(tag) =	ssettag s2;
	_ =	strace s9  }
0x27: {  	s1 =	sld [smem:$0x3FA9]  }
0x28: {  	s2 =	sld [smem:$0x3FAA]  }
0x29: {  	s4 =	sld [smem:$0x3FAC]  }
0x2a: {  	p0 =	seq.s32 s5, $0x0;
	s5 =	sld [smem:$0x3FAD]  }
0x2b: {  	s6 =	sld [smem:$0x3FAE]  }
0x2c: {  	s7 =	sld [smem:$0x3FAF]  }
0x2d: {  	s3 =	simm.s32 $0x108;
	s8 =	sld [smem:$0x3FB0]  }
0x2e: {  	s3 =	simm.s32 @!p0 $0x1082;
	s9 =	sld [smem:$0x3FB1]  }
0x2f: {  	lr =	sadd.s32 s0, s3;
	s0 =	sld [smem:$0x3FA8]  }
0x30: {  	s3 =	sld [smem:$0x3FAB]  }
0x31: {  	[smem:$0x3FB4] =	sst s10  }
0x32: {  	s10 =	sld [smem:$0x3FB2];
	_ =	sdelay $0x3  }
0x33: {  	p0 =	seq.s32 s10, $0x1;
	s10 =	sld [smem:$0x3FB4];
	_ =	sdelay $0x3  }
0x34: {  	[smem:$0x3FB4] =	sst s10  }
0x35: {  	s10 =	sld [smem:$0x3FB3];
	_ =	sdelay $0x3  }
0x36: {  	p1 =	seq.s32 s10, $0x1;
	s10 =	sld [smem:$0x3FB4];
	_ =	sdelay $0x3  }
0x37: {  	[smem:$0x3FB4] =	sst s10  }
0x38: {  	s10 =	sld [smem:$0x3FB5]  }
0x39: {  	_ = 	snop;
	(pc) =	sbr.ind lr, $3  }
0x3a: {  	_ = 	snop  }
0x3b: {  	_ = 	snop  }
0x3c: {  	p2 =	seq.s32 s10, $0x1;
	s10 =	sld [smem:$0x3FB4]  }
0x3d: {  	_ =	shalt  }
0x3e: {  	_ =	shalt  }
0x3f: {  	_ =	shalt  }
0x40: {  	_ =	shalt  }
0x41: {  	_ =	shalt  }
0x42: {  	_ =	shalt  }
0x43: {  	_ =	shalt  }
0x44: {  	_ =	shalt  }
0x45: {  	_ =	shalt  }
0x46: {  	_ =	shalt  }
0x47: {  	_ =	shalt  }
0x48: {  	_ =	shalt  }
0x49: {  	_ =	shalt  }
0x4a: {  	_ =	shalt  }
0x4b: {  	_ =	shalt  }
0x4c: {  	_ =	shalt  }
0x4d: {  	_ =	shalt  }
0x4e: {  	_ =	shalt  }
0x4f: {  	_ =	shalt  }
0x50: {  	_ =	shalt  }
0x51: {  	_ =	shalt  }
0x52: {  	_ =	shalt  }
0x53: {  	_ =	shalt  }
0x54: {  	_ =	shalt  }
0x55: {  	_ =	shalt  }
0x56: {  	_ =	shalt  }
0x57: {  	_ =	shalt  }
0x58: {  	_ =	shalt  }
0x59: {  	_ =	shalt  }
0x5a: {  	_ =	shalt  }
0x5b: {  	_ =	shalt  }
0x5c: {  	_ =	shalt  }
0x5d: {  	_ =	shalt  }
0x5e: {  	_ =	shalt  }
0x5f: {  	_ =	shalt  }
0x60: {  	_ =	shalt  }
0x61: {  	_ =	shalt  }
0x62: {  	_ =	shalt  }
0x63: {  	_ =	shalt  }
0x64: {  	_ =	shalt  }
0x65: {  	_ =	shalt  }
0x66: {  	_ =	shalt  }
0x67: {  	_ =	shalt  }
0x68: {  	_ =	shalt  }
0x69: {  	_ =	shalt  }
0x6a: {  	_ =	shalt  }
0x6b: {  	_ =	shalt  }
0x6c: {  	_ =	shalt  }
0x6d: {  	_ =	shalt  }
0x6e: {  	_ =	shalt  }
0x6f: {  	_ =	shalt  }
0x70: {  	_ =	shalt  }
0x71: {  	_ =	shalt  }
0x72: {  	_ =	shalt  }
0x73: {  	_ =	shalt  }
0x74: {  	_ =	shalt  }
0x75: {  	_ =	shalt  }
0x76: {  	_ =	shalt  }
0x77: {  	_ =	shalt  }
0x78: {  	_ =	shalt  }
0x79: {  	_ =	shalt  }
0x7a: {  	_ =	shalt  }
0x7b: {  	_ =	shalt  }
0x7c: {  	_ =	shalt  }
0x7d: {  	_ =	shalt  }
0x7e: {  	_ =	shalt  }
0x7f: {  	_ =	shalt  }
0x80: {  	_ =	shalt  }
0x81: {  	_ =	shalt  }
0x82: {  	_ =	shalt  }
0x83: {  	_ =	shalt  }
0x84: {  	_ =	shalt  }
0x85: {  	_ =	shalt  }
0x86: {  	_ =	shalt  }
0x87: {  	_ =	shalt  }
.Lfunc_end0:
.L_simem_size_0:
called_computation_lowered:
.L_overlay_start_0:
0x88: {  	s2 =	sld [smem:$0x3FD9]  }
0x89: {  	s3 =	sld [smem:$0x3FFE];
	_ =	sdelay $0x1  }
0x8a: {  	s1 =	srdreg.scid  }
0x8b: {  	s0 =	sand.u32 $0x1, s1  }
0x8c: {  	s17 =	sshll.u32 s0, $0xA;
	s2 =	sadd.s32 s3, s2  }
0x8d: {  	s2 =	sadd.s32 s2, s17  }
0x8e: {  	[smem:$0x3FC0] =	sst s2  }
0x8f: {  	_ = 	snop  }
0x90: {  	s2 =	sld [smem:$0x3FC9]  }
0x91: {  	s18 =	sld [smem:$0x3FD0];
	(tm) =	ssettm $0x1  }
0x92: {  	s4 =	sld [smem:$0x3FFB];
	_ =	sdelay $0x3  }
0x93: {  	_ =	strace s4  }
0x94: {  	s4 =	sld [smem:$0x3FFC];
	_ =	sdelay $0x3  }
0x95: {  	_ =	strace s4  }
0x96: {  	s4 =	sld [smem:$0x3FFD];
	_ =	sdelay $0x3  }
0x97: {  	_ =	strace s4  }
0x98: {  	_ =	strace $0x8FFFFFFF  }
0x99: {  	s19 =	sld [smem:$0x3FDB];
	_ =	sdelay $0x1  }
0x9a: {  	s5 =	simm.s32 $_scs_section_size  }
0x9b: {  	s6 =	simm.s32 $_size__tile_overlayer_lowered;
	s7 =	simm.s32 $_tile_overlayer_lowered  }
0x9c: {  	s22 =	simm.s32 $0x1BFF;
	s21 =	sshll.u32 s7, $0x1;
	s4 =	sadd.s32 s5, s19  }
0x9d: {  	s8 =	simm.s32 $0x0;
	s20 =	sshll.u32 s6, $0x1;
	s6 =	sadd.s32 s21, s4  }
0x9e: {  	[timem:s8], [sflag:s22] =	dma.local [hbm:s6], s20  }
0x9f: {  	_ =	swait.ge [sflag:s22], s20  }
0xa0: {  	s5 =	ssub.s32 $0x0, s20;
	[sflag:s22] =	ssyncset.done $0x0  }
0xa1: {  	[sflag:s22] =	ssyncadd.s32 s5;
	_ =	sdelay $0x1  }
0xa2: {  	s23 =	simm.s32 $0x1B8B  }
0xa3: {  	_ =	swait.ge [sflag:s23], $0x1  }
0xa4: {  	[sflag:s23] =	ssyncset.done $0x0  }
0xa5: {  	s25 =	simm.s32 $0x1B8E;
	s24 =	sld [smem:$0x3FFE];
	[sflag:s23] =	ssyncadd.s32 $0xFFFFFFFF  }
0xa6: {  	s26 =	simm.s32 $execute0_lowered;
	[smem:$0x3FD2] =	sst s25  }
0xa7: {  	s6 =	sshll.u32 s26, $0x1;
	_ =	strace $0x80000046;
	[dreg:$0x1] =	wrdreg $0xFFFFFFFF  }
0xa8: {  	s28 =	simm.s32 $_size_execute0_lowered;
	s4 =	sadd.s32 s4, s6;
	[dreg:$0x0] =	wrdreg $0x0  }
0xa9: {  	s6 =	sshll.u32 s28, $0x1;
	[dreg:$0x2] =	wrdreg s4  }
0xaa: {  	[dreg:$0x3] =	wrdreg s6  }
0xab: {  	[dreg:$0x4] =	wrdreg $0xC0  }
0xac: {  	_ =	task [dreg:s8], $0x5FFFF  }
0xad: {  	[dreg:$0x1] =	wrdreg $0xFFFFFFFF  }
0xae: {  	[dreg:$0x0] =	wrdreg $0x60  }
0xaf: {  	[dreg:$0x2] =	wrdreg s24  }
0xb0: {  	[dreg:$0x3] =	wrdreg s2  }
0xb1: {  	[dreg:$0x4] =	wrdreg s18  }
0xb2: {  	[dreg:$0x5] =	wrdreg $0xA2000  }
0xb3: {  	[dreg:$0x6] =	wrdreg $0x1DE000  }
0xb4: {  	[dreg:$0x7] =	wrdreg $0x9  }
0xb5: {  	_ =	task.clear_ibuf [dreg:s8], $0x8FFFF;
	_ =	strace $0x90000046  }
0xb6: {  	s29 =	simm.s32 $0x9;
	_ =	strace $0x80000048  }
0xb7: {  	_ =	swait.ge [sflag:s29], $0x1  }
0xb8: {  	[sflag:s29] =	ssyncadd.s32 $0xFFFFFFFF  }
0xb9: {  	_ =	strace $0x90000048  }
0xba: {  	_ =	sfence  }
0xbb: {  	s30 =	sld [smem:$0x0];
	_ =	sdelay $0x2  }
0xbc: {  	s31 =	sshll.u32 s1, $0xD;
	s1 =	sshrl.u32 s1, $0x2  }
0xbd: {  	s3 =	sand.u32 $0x4000, s31;
	s1 =	sadd.s32 s1, s30  }
0xbe: {  	s0 =	sor.u32 s3, s0;
	s1 =	sshll.u32 s1, $0x11  }
0xbf: {  	s0 =	sor.u32 s1, s0  }
0xc0: {  	s0 =	sadd.s32 $0x8F2B, s0  }
0xc1: {  	[sflag:s0] =	ssyncadd.remote.s32 $0x1  }
0xc2: {  	_ =	sfence.sel $0xFFFF  }
0xc3: {  	[dreg:$0x0] =	wrdreg $0xFFFFFFFF;
	(pc) =	sbr.abs _section_cstart, $3  }
0xc4: {  	[dreg:$0x1] =	wrdreg $0xFFFFFFFF  }
0xc5: {  	_ =	task.clear_ibuf [dreg:s8], $0x2FFFF;
	_ =	strace $0x9FFFFFFF  }
0xc6: {  	(tm) =	ssettm $0x7FFFFFFF  }
0xc7: {  	_ =	shalt  }
tec
execute0_lowered:
.L_overlay_start_1:
0x0: {  	(tag) =	ssettag $0x1  }
0x1: {  	s0 =	rddreg [dreg:$0x0]  }
0x2: {  	s2 =	srdreg.scid;
	s1 =	rddreg [dreg:$0x1]  }
0x3: {  	s7 =	rddreg [dreg:$0x2];
	s16 =	stileid.u32  }
0x4: {  	s3 =	rddreg [dreg:$0x3];
	s28 =	simm.s32 $0x1;
	s9 =	smul.u32 $0x280, s16  }
0x5: {  	s29 =	simm.s32 $0x7;
	s30 =	simm.s32 $0xA180;
	s13 =	smul.u32 $0x4F000, s16  }
0x6: {  	s31 =	simm.s32 $0x2880;
	s2 =	sand.u32 $0x1, s2;
	s26 =	smul.u32 $0x13C00, s16  }
0x7: {  	s12 =	sadd.s32 $0x16000, s0;
	s23 =	sadd.s32 $0x15E00, s0;
	s11 =	smul.u32 $0x2800, s2  }
0x8: {  	s4 =	sshll.u32 s2, $0x4;
	s24 =	ssub.s32 $0x2, s2;
	s15 =	smul.u32 $0x13C000, s2  }
0x9: {  	s2 =	smul.u32 $0x27100, s2;
	s5 =	sor.u32 s16, s4;
	s4 =	rddreg [dreg:$0x4]  }
0xa: {  	s14 =	sshrl.u32 s24, $0x1;
	s13 =	sshrl.u32 s13, $0x2;
	s16 =	smul.u32 $0x2710, s16  }
0xb: {  	s6 =	smul.u32 $0x2710, s5;
	s5 =	simm.s32 $0x0;
	s11 =	sadd.s32 s9, s11  }
0xc: {  	s25 =	ssub.s32 s24, s14;
	s17 =	sadd.s32 s9, s4;
	s18 =	sadd.s32 s26, s15  }
0xd: {  	s9 =	simm.s32 $0xA;
	s14 =	simm.s32 $0xB;
	s15 =	simm.s32 $0x6  }
0xe: {  	[smem:$0x7FF] =	sst s5;
	s11 =	sshrl.u32 s11, $0x3;
	s2 =	sadd.s32 s16, s2  }
0xf: {  	s24 =	smax.u32 s25, $0x1;
	_ =	strace $0x80000047;
	[dreg:$0x6] =	wrdreg s12  }
0x10: {  	s8 =	sshrl.u32 s6, $0x3;
	s6 =	sadd.s32 $0x2200, s0;
	[dreg:$0x7] =	wrdreg s23  }
0x11: {  	[dreg:$0xc] =	wrdreg s17;
	s20 =	sadd.s32 $0x190, s2;
	s21 =	sadd.s32 $0x140, s2  }
0x12: {  	[dreg:$0x10] =	wrdreg s24;
	s26 =	sadd.s32 $0xF0, s2;
	s24 =	simm.s32 $0x2980  }
0x13: {  	s2 =	simm.s32 $0x2;
	s12 =	simm.s32 $0x9;
	s17 =	simm.s32 $0x0  }
0x14: {  	s10 =	sadd.s32 s8, s0;
	s0 =	sadd.s32 s11, s0;
	s22 =	sshrl.u32 s20, $0x3  }
0x15: {  	s23 =	sshrl.u32 s21, $0x3;
	[dreg:$0x13] =	wrdreg s26;
	s10 =	sadd.s32 $0xC000, s10  }
0x16: {  	s26 =	simm.s32 $0x5180;
	s0 =	sadd.s32 $0x18800, s0;
	[dreg:$0x8] =	wrdreg s10  }
0x17: {  	s11 =	simm.s32 $0x3;
	s25 =	sadd.s32 s23, s6;
	[dreg:$0xf] =	wrdreg s0  }
0x18: {  	s23 =	simm.s32 $0x50;
	s10 =	sadd.s32 s6, s8;
	[dreg:$0x12] =	wrdreg s25  }
0x19: {  	s0 =	sadd.s32 s22, s6;
	s22 =	simm.s32 $0x2780;
	[dreg:$0x9] =	wrdreg s10  }
0x1a: {  	s25 =	simm.s32 $0x2800;
	s8 =	sadd.s32 $0xA, s10;
	[dreg:$0x11] =	wrdreg s0  }
.Ltmp0:
0x1b: {  	s19 =	sadd.s32 $0x14, s10;
	[dreg:$0xa] =	wrdreg s8;
	(pc) =	sbr.rel .LBB2_1-.Ltmp0, $4  }
0x1c: {  	s0 =	simm.s32 $0x7980;
	s8 =	sadd.s32 s13, s3;
	[dreg:$0xd] =	wrdreg s19  }
0x1d: {  	s10 =	simm.s32 $0xC;
	[dreg:$0xb] =	wrdreg s8;
	s8 =	sshrl.u32 s18, $0x3  }
0x1e: {  	s13 =	simm.s32 $0x5;
	s18 =	simm.s32 $0xD;
	s7 =	sadd.s32 s7, s8  }
0x1f: {  	v0 =	vimm.f32 $1.000000000e+00;
	s8 =	simm.s32 $0x4;
	[dreg:$0xe] =	wrdreg s7;
	s7 =	simm.s32 $0x8  }
.LBB2_4:
0x20: {  	_ =	swait.ge [sflag:s2], $0x2800  }
0x21: {  	[sflag:s2] =	ssyncset.done $0x0  }
0x22: {  	[sflag:s2] =	ssyncadd.s32 $0xFFFFD800  }
0x23: {  	_ =	swait.ge [sflag:s7], $0x50  }
0x24: {  	[sflag:s7] =	ssyncset.done $0x0  }
0x25: {  	[sflag:s7] =	ssyncadd.s32 $0xFFFFFFB0  }
0x26: {  	[spmem:s3] =	stream.indirect.scatter.add.f32 [tilespmem:s26], [sflag:$0x5], $0x80, s25, s23, $0xb8;
	[tilespmem:$0x1E080] =	vst v63  }
0x27: {  	_ = 	snop  }
0x28: {  	[spmem:s4] =	stream.indirect.scatter.add.f32 [tilespmem:s30], [sflag:$0xB], $0x1, s25, s23, $0xb8;
	[tilespmem:$0x1E080] =	vst v63  }
0x29: {  	_ =	swait.ge [sflag:s15], $0x2800  }
0x2a: {  	[sflag:s15] =	ssyncset.done $0x0  }
0x2b: {  	[sflag:s15] =	ssyncadd.s32 $0xFFFFD800  }
0x2c: {  	_ =	swait.ge [sflag:s10], $0x50  }
0x2d: {  	[sflag:s10] =	ssyncset.done $0x0  }
0x2e: {  	[sflag:s10] =	ssyncadd.s32 $0xFFFFFFB0  }
0x2f: {  	_ =	swait.ge [sflag:s8], $0x2800  }
0x30: {  	[sflag:s8] =	ssyncset.done $0x0  }
0x31: {  	[sflag:s8] =	ssyncadd.s32 $0xFFFFD800  }
0x32: {  	_ =	swait.ge [sflag:s9], $0x50  }
0x33: {  	[sflag:s9] =	ssyncset.done $0x0  }
0x34: {  	[sflag:s9] =	ssyncadd.s32 $0xFFFFFFB0  }
0x35: {  	_ =	swait.ge [sflag:s13], $0x2800  }
0x36: {  	[sflag:s13] =	ssyncset.done $0x0  }
0x37: {  	[sflag:s13] =	ssyncadd.s32 $0xFFFFD800  }
0x38: {  	_ =	swait.ge [sflag:s14], $0x50  }
0x39: {  	[sflag:s14] =	ssyncset.done $0x0  }
0x3a: {  	[sflag:s14] =	ssyncadd.s32 $0xFFFFFFB0  }
0x3b: {  	[bflag:$0x0] =	sbarrier.arrive $0xFFFF  }
0x3c: {  	s16 =	rddreg [dreg:$0xe]  }
0x3d: {  	s17 =	rddreg [dreg:$0x15]  }
0x3e: {  	s18 =	rddreg [dreg:$0x16]  }
0x3f: {  	[hbm:s16], [sflag:s17] =	dma.local [spmem:s18], $0x2780  }
0x40: {  	s18 =	simm.s32 $0xD  }
0x41: {  	_ =	swait.ge [sflag:s18], $0x2780  }
0x42: {  	[sflag:s18] =	ssyncset.done $0x0;
	s21 =	rddreg [dreg:$0xf]  }
0x43: {  	s19 =	rddreg [dreg:$0x17];
	[sflag:s18] =	ssyncadd.s32 $0xFFFFD880  }
0x44: {  	[hbm:s21], [sflag:s17] =	dma.local [spmem:s19], $0x50  }
0x45: {  	_ =	swait.ge [sflag:s18], $0x50  }
0x46: {  	s20 =	rddreg [dreg:$0x14]  }
0x47: {  	s21 =	rddreg [dreg:$0x10];
	s17 =	sadd.s32 $0x1, s20  }
0x48: {  	p0 =	sne.s32 s17, s21  }
.Ltmp1:
0x49: {  	_ = 	snop;
	(pc) =	sbr.rel @!p0 .LBB2_5-.Ltmp1, $3  }
0x4a: {  	_ =	sdelay $0x1  }
0x4b: {  	[sflag:s18] =	ssyncset.done $0x0  }
0x4c: {  	[sflag:s18] =	ssyncadd.s32 $0xFFFFFFB0  }
.LBB2_1:
0x4d: {  	[dreg:$0x14] =	wrdreg s17  }
0x4e: {  	s16 =	rddreg [dreg:$0x8]  }
0x4f: {  	[tilespmem:s5], [sflag:$0xD] =	stream.linear.gather [hbm4b:s16+s5], $0x2710, $0x38;
	[tilespmem:$0x1E080] =	vst v63  }
0x50: {  	_ =	swait.ge [sflag:s18], $0x2710  }
0x51: {  	[sflag:s18] =	ssyncset.done $0x0  }
0x52: {  	[sflag:s18] =	ssyncadd.s32 $0xFFFFD8F0  }
0x53: {  	[tilespmem:$0xA180] =	vst v0  }
0x54: {  	[tilespmem:$0xA190] =	vst v0  }
0x55: {  	[tilespmem:$0xA1A0] =	vst v0  }
0x56: {  	[tilespmem:$0xA1B0] =	vst v0  }
0x57: {  	s17 =	stileid.u32;
	s20 =	rddreg [dreg:$0x9];
	[tilespmem:$0xA1C0] =	vst v0  }
0x58: {  	[tilespmem:s22], [sflag:$0x7] =	stream.linear.gather [hbm4b:s20+s5], $0x50, $0x38;
	[tilespmem:$0x1E080] =	vst v63  }
0x59: {  	s19 =	sshll.u32 s17, $0x6;
	s20 =	rddreg [dreg:$0xb]  }
0x5a: {  	s17 =	sor.u32 $0x1C0D, s19;
	s21 =	rddreg [dreg:$0xa];
	s19 =	sshrl.u32 s20, $0x3  }
0x5b: {  	[tilespmem:s24], [sflag:$0x1] =	stream.indirect.gather [hbm4b:s1+s23], $0x80, s5, s23, $0xb8;
	[tilespmem:$0x1E080] =	vst v63  }
0x5c: {  	[dreg:$0x16] =	wrdreg s19  }
0x5d: {  	[tilespmem:s25], [sflag:$0x8] =	stream.linear.gather [hbm4b:s21+s5], $0x50, $0x38;
	[tilespmem:$0x1E080] =	vst v63  }
0x5e: {  	s21 =	rddreg [dreg:$0x6]  }
0x5f: {  	[tilespmem:s26], [sflag:$0x2] =	stream.indirect.gather [hbm4b:s1+s23], $0x80, s23, s23, $0xb8;
	[tilespmem:$0x1E080] =	vst v63  }
0x60: {  	[spmem:s19], [sflag:s17] =	dma.local [hbm:s21], $0x2780  }
0x61: {  	_ =	swait.ge [sflag:s18], $0x2780;
	[dreg:$0x15] =	wrdreg s17  }
0x62: {  	s19 =	rddreg [dreg:$0xc]  }
0x63: {  	[sflag:s18] =	ssyncset.done $0x0;
	s21 =	rddreg [dreg:$0x7];
	s20 =	sshrl.u32 s19, $0x3  }
0x64: {  	[sflag:s18] =	ssyncadd.s32 $0xFFFFD880;
	[dreg:$0x17] =	wrdreg s20  }
0x65: {  	[spmem:s20], [sflag:s17] =	dma.local [hbm:s21], $0x50  }
0x66: {  	_ =	swait.ge [sflag:s18], $0x50  }
0x67: {  	[sflag:s18] =	ssyncset.done $0x0  }
0x68: {  	[sflag:s18] =	ssyncadd.s32 $0xFFFFFFB0  }
0x69: {  	[bflag:$0x0] =	sbarrier.arrive $0xFFFF  }
0x6a: {  	_ =	swait.ge [sflag:s28], $0x2800  }
0x6b: {  	[sflag:s28] =	ssyncset.done $0x0  }
0x6c: {  	[sflag:s28] =	ssyncadd.s32 $0xFFFFD800  }
0x6d: {  	_ =	swait.ge [sflag:s29], $0x50  }
0x6e: {  	[sflag:s29] =	ssyncset.done $0x0  }
0x6f: {  	s20 =	rddreg [dreg:$0xd];
	[sflag:s29] =	ssyncadd.s32 $0xFFFFFFB0  }
0x70: {  	[spmem:s3] =	stream.indirect.scatter.add.f32 [tilespmem:s24], [sflag:$0x4], $0x80, s22, s23, $0xb8;
	[tilespmem:$0x1E080] =	vst v63  }
0x71: {  	s18 =	rddreg [dreg:$0x12]  }
0x72: {  	[spmem:s4] =	stream.indirect.scatter.add.f32 [tilespmem:s30], [sflag:$0xA], $0x1, s22, s23, $0xb8;
	[tilespmem:$0x1E080] =	vst v63  }
0x73: {  	s17 =	rddreg [dreg:$0x11]  }
0x74: {  	[tilespmem:s31], [sflag:$0x9] =	stream.linear.gather [hbm4b:s20+s5], $0x50, $0x38;
	[tilespmem:$0x1E080] =	vst v63  }
0x75: {  	s19 =	simm.s32 $0x0;
	s21 =	simm.s32 $0xA0;
	s20 =	rddreg [dreg:$0x13]  }
0x76: {  	[tilespmem:s0], [sflag:$0x3] =	stream.indirect.gather [hbm4b:s1+s23], $0x80, s21, s23, $0xb8;
	[tilespmem:$0x1E080] =	vst v63  }
.LBB2_2:
0x77: {  	_ =	swait.ge [sflag:s2], $0x2800  }
0x78: {  	[sflag:s2] =	ssyncset.done $0x0  }
0x79: {  	[sflag:s2] =	ssyncadd.s32 $0xFFFFD800  }
0x7a: {  	_ =	swait.ge [sflag:s7], $0x50  }
0x7b: {  	[sflag:s7] =	ssyncset.done $0x0  }
0x7c: {  	[sflag:s7] =	ssyncadd.s32 $0xFFFFFFB0  }
0x7d: {  	[spmem:s3] =	stream.indirect.scatter.add.f32 [tilespmem:s26], [sflag:$0x5], $0x80, s25, s23, $0xb8;
	[tilespmem:$0x1E080] =	vst v63  }
0x7e: {  	_ = 	snop  }
0x7f: {  	[spmem:s4] =	stream.indirect.scatter.add.f32 [tilespmem:s30], [sflag:$0xB], $0x1, s25, s23, $0xb8;
	[tilespmem:$0x1E080] =	vst v63  }
0x80: {  	_ =	swait.ge [sflag:s8], $0x2800  }
0x81: {  	[sflag:s8] =	ssyncset.done $0x0  }
0x82: {  	[sflag:s8] =	ssyncadd.s32 $0xFFFFD800  }
0x83: {  	_ =	swait.ge [sflag:s9], $0x50  }
0x84: {  	s21 =	sshrl.u32 s20, $0x3;
	[sflag:s9] =	ssyncset.done $0x0  }
0x85: {  	s21 =	sadd.s32 s6, s21;
	[sflag:s9] =	ssyncadd.s32 $0xFFFFFFB0  }
0x86: {  	[tilespmem:s22], [sflag:$0x7] =	stream.linear.gather [hbm4b:s21+s5], $0x50, $0x38;
	[tilespmem:$0x1E080] =	vst v63  }
0x87: {  	s21 =	sshra.s32 s19, $0x2  }
0x88: {  	s16 =	sadd.s32 $0xF0, s21  }
0x89: {  	[tilespmem:s24], [sflag:$0x1] =	stream.indirect.gather [hbm4b:s1+s23], $0x80, s16, s23, $0xb8;
	[tilespmem:$0x1E080] =	vst v63  }
0x8a: {  	_ =	swait.ge [sflag:s11], $0x2800  }
0x8b: {  	[sflag:s11] =	ssyncset.done $0x0  }
0x8c: {  	[sflag:s11] =	ssyncadd.s32 $0xFFFFD800  }
0x8d: {  	_ =	swait.ge [sflag:s12], $0x50  }
0x8e: {  	[sflag:s12] =	ssyncset.done $0x0  }
0x8f: {  	[sflag:s12] =	ssyncadd.s32 $0xFFFFFFB0  }
0x90: {  	[spmem:s3] =	stream.indirect.scatter.add.f32 [tilespmem:s0], [sflag:$0x6], $0x80, s31, s23, $0xb8;
	[tilespmem:$0x1E080] =	vst v63  }
0x91: {  	_ = 	snop  }
0x92: {  	[spmem:s4] =	stream.indirect.scatter.add.f32 [tilespmem:s30], [sflag:$0xC], $0x1, s31, s23, $0xb8;
	[tilespmem:$0x1E080] =	vst v63  }
0x93: {  	_ =	swait.ge [sflag:s13], $0x2800  }
0x94: {  	[sflag:s13] =	ssyncset.done $0x0  }
0x95: {  	[sflag:s13] =	ssyncadd.s32 $0xFFFFD800  }
0x96: {  	_ =	swait.ge [sflag:s14], $0x50  }
0x97: {  	[sflag:s14] =	ssyncset.done $0x0  }
0x98: {  	[sflag:s14] =	ssyncadd.s32 $0xFFFFFFB0  }
0x99: {  	[tilespmem:s25], [sflag:$0x8] =	stream.linear.gather [hbm4b:s18+s5], $0x50, $0x38;
	[tilespmem:$0x1E080] =	vst v63  }
0x9a: {  	s16 =	sadd.s32 $0x140, s21  }
0x9b: {  	[tilespmem:s26], [sflag:$0x2] =	stream.indirect.gather [hbm4b:s1+s23], $0x80, s16, s23, $0xb8;
	[tilespmem:$0x1E080] =	vst v63  }
0x9c: {  	_ =	swait.ge [sflag:s28], $0x2800  }
0x9d: {  	[sflag:s28] =	ssyncset.done $0x0  }
0x9e: {  	[sflag:s28] =	ssyncadd.s32 $0xFFFFD800  }
0x9f: {  	p0 =	seq.s32 s19, $0x9600;
	_ =	swait.ge [sflag:s29], $0x50  }
.Ltmp2:
0xa0: {  	[sflag:s29] =	ssyncset.done $0x0;
	(pc) =	sbr.rel @p0 .LBB2_4-.Ltmp2, $4  }
0xa1: {  	[sflag:s29] =	ssyncadd.s32 $0xFFFFFFB0  }
0xa2: {  	[spmem:s3] =	stream.indirect.scatter.add.f32 [tilespmem:s24], [sflag:$0x4], $0x80, s22, s23, $0xb8;
	[tilespmem:$0x1E080] =	vst v63  }
0xa3: {  	_ = 	snop  }
0xa4: {  	[spmem:s4] =	stream.indirect.scatter.add.f32 [tilespmem:s30], [sflag:$0xA], $0x1, s22, s23, $0xb8;
	[tilespmem:$0x1E080] =	vst v63  }
0xa5: {  	_ =	swait.ge [sflag:s15], $0x2800  }
0xa6: {  	[sflag:s15] =	ssyncset.done $0x0  }
0xa7: {  	[sflag:s15] =	ssyncadd.s32 $0xFFFFD800  }
0xa8: {  	_ =	swait.ge [sflag:s10], $0x50  }
.Ltmp3:
0xa9: {  	[sflag:s10] =	ssyncset.done $0x0;
	(pc) =	sbr.rel .LBB2_2-.Ltmp3, $4  }
0xaa: {  	s16 =	sadd.s32 $0x190, s21;
	s19 =	sadd.s32 $0x3C0, s19;
	[sflag:s10] =	ssyncadd.s32 $0xFFFFFFB0  }
0xab: {  	[tilespmem:s31], [sflag:$0x9] =	stream.linear.gather [hbm4b:s17+s5], $0x50, $0x38;
	[tilespmem:$0x1E080] =	vst v63  }
0xac: {  	s18 =	sadd.s32 $0x1E, s18;
	s20 =	sadd.s32 $0xF0, s20;
	s17 =	sadd.s32 $0x1E, s17  }
0xad: {  	[tilespmem:s0], [sflag:$0x3] =	stream.indirect.gather [hbm4b:s1+s23], $0x80, s16, s23, $0xb8;
	[tilespmem:$0x1E080] =	vst v63  }
.LBB2_5:
0xae: {  	_ =	sfence.sel $0x180000  }
0xaf: {  	[bflag:$0x0] =	sbarrier.arrive $0xFFFF  }
0xb0: {  	_ =	strace $0x90000047  }
0xb1: {  	s0 =	stileid.u32;
	[bflag:$0x2] =	sbarrier.arrive $0xFFFF  }
0xb2: {  	p0 =	sne.s32 s0, $0x0;
	s0 =	rddreg [dreg:$0x5]  }
0xb3: {  	s0 =	sadd.s32 @!p0 $0x100000, s0  }
0xb4: {  	[sflag:s0] =	ssyncadd.tile.s32 @!p0 $0x1;
	_ =	shalt  }
.Lfunc_end2:
_tile_overlayer_lowered:
.L_overlay_start_2:
0xb5: {  	(tag) =	ssettag $0x2  }
0xb6: {  	s0 =	rddreg [dreg:$0x0];
	s2 =	stileid.u32  }
0xb7: {  	s1 =	rddreg [dreg:$0x1];
	p0 =	sne.s32 s2, $0x0  }
0xb8: {  	s3 =	rddreg [dreg:$0x2];
	[bflag:$0x3] =	sbarrier.arrive $0xFFFF;
	s2 =	simm.s32 @!p0 $0x1C0D  }
0xb9: {  	[timem:s3], [sflag:s2] =	dma.local @!p0 [hbm:s0], s1  }
0xba: {  	s0 =	simm.s32 @!p0 $0xD  }
0xbb: {  	_ =	swait.ge @!p0 [sflag:s0], s1  }
0xbc: {  	s1 =	ssub.s32 @!p0 $0x0, s1;
	[sflag:s0] =	ssyncset.done @!p0 $0x0  }
0xbd: {  	[sflag:s0] =	ssyncadd.s32 @!p0 s1  }
0xbe: {  	[bflag:$0x3] =	sbarrier.arrive $0xFFFF  }
0xbf: {  	_ =	shalt  }

// kernel: kernel.9.cloned.1.call-start
scs
__scs_entry_jumppad:
0x0: {  	(pc) =	sbr.rel $0x88, $3  }
0x1: {  	(tag) =	ssettag $0x0;
	lr =	simm.s32 $0x1  }
0x2: {  	[smem:$0x3F99] =	sst lr;
	_ =	strace $0xD0000000  }
0x3: {  	_ = 	snop  }
0x4: {  	_ = 	snop  }
0x5: {  	_ = 	snop  }
0x6: {  	_ = 	snop  }
0x7: {  	_ = 	snop  }
__scs_overlays_trampoline_lowered:
0x8: {  	[smem:$0x3FA8] =	sst s0  }
0x9: {  	[smem:$0x3FA9] =	sst s1  }
0xa: {  	[smem:$0x3FAA] =	sst s2  }
0xb: {  	[smem:$0x3FAB] =	sst s3  }
0xc: {  	[smem:$0x3FAC] =	sst s4  }
0xd: {  	[smem:$0x3FAD] =	sst s5  }
0xe: {  	[smem:$0x3FAE] =	sst s6  }
0xf: {  	[smem:$0x3FAF] =	sst s7  }
0x10: {  	[smem:$0x3FB0] =	sst s8  }
0x11: {  	[smem:$0x3FB1] =	sst s9;
	s0 =	simm.s32 @!p0 $0x0  }
0x12: {  	s1 =	sld [smem:$0x3F97];
	s0 =	simm.s32 @p0 $0x1  }
0x13: {  	[smem:$0x3FB2] =	sst s0;
	s0 =	simm.s32 @!p1 $0x0  }
0x14: {  	s2 =	sld [smem:$0x3F96];
	s0 =	simm.s32 @p1 $0x1  }
0x15: {  	[smem:$0x3FB3] =	sst s0;
	s0 =	simm.s32 @!p2 $0x0  }
0x16: {  	s3 =	sld [smem:$0x3FDB];
	s0 =	simm.s32 @p2 $0x1  }
0x17: {  	s4 =	simm.s32 $0x1BF5;
	[smem:$0x3FB5] =	sst s0  }
0x18: {  	s0 =	sld [smem:$0x3F98];
	_ =	swait.ge [sflag:s4], $0x0  }
0x19: {  	s7 =	sld [smem:$0x3F99]  }
0x1a: {  	s8 =	sadd.s32 $0xFFFFE003, lr  }
0x1b: {  	s9 =	sadd.s32 $0xFFFFFEF7, lr;
	s5 =	simm.s32 $0xFFFFFFFF;
	p2 =	slt.u32 s8, $0xFFFFF086  }
0x1c: {  	p1 =	slt.u32 s9, $0xF7A;
	s5 =	simm.s32 @!p2 $0x0  }
0x1d: {  	s5 =	simm.s32 @p1 $0x1;
	p0 =	seq.s32 s7, s2  }
0x1e: {  	s7 =	smul.u32 @!p0 $0xF7A, s2;
	p2 =	seq.s32 @!p0 s5, $0x0  }
0x1f: {  	s9 =	smul.u32 $0xF7A, s1;
	s8 =	simm.s32 @!p0 $0x1BF5;
	p2 =	por !p2, p0  }
0x20: {  	[sflag:s8] =	ssyncset.s32 @!p0 $0xFFFFF086;
	s6 =	sadd.s32 @!p0 s3, s7;
	s7 =	simm.s32 @!p0 $0x108  }
0x21: {  	s3 =	sadd.s32 s3, s9;
	s6 =	sadd.s32 @!p0 $0x88, s6;
	s7 =	simm.s32 @p2 $0x1082  }
0x22: {  	[simem:s7], [sflag:s8] =	dma.local @!p0 [hbm:s6], $0xF7A  }
0x23: {  	s9 =	sor.u32 $0xD0000000, s2;
	s6 =	simm.s32 $0x108;
	_ =	swait.ge @!p0 [sflag:s8], $0x0  }
0x24: {  	s3 =	sadd.s32 $0x88, s3;
	s6 =	simm.s32 @!p1 $0x1082;
	[sflag:s4] =	ssyncset.s32 $0xFFFFF086  }
0x25: {  	[simem:s6], [sflag:s4] =	dma.local [hbm:s3], $0xF7A  }
0x26: {  	[smem:$0x3F99] =	sst s1;
	(tag) =	ssettag s2;
	_ =	strace s9  }
0x27: {  	s1 =	sld [smem:$0x3FA9]  }
0x28: {  	s2 =	sld [smem:$0x3FAA]  }
0x29: {  	s4 =	sld [smem:$0x3FAC]  }
0x2a: {  	p0 =	seq.s32 s5, $0x0;
	s5 =	sld [smem:$0x3FAD]  }
0x2b: {  	s6 =	sld [smem:$0x3FAE]  }
0x2c: {  	s7 =	sld [smem:$0x3FAF]  }
0x2d: {  	s3 =	simm.s32 $0x108;
	s8 =	sld [smem:$0x3FB0]  }
0x2e: {  	s3 =	simm.s32 @!p0 $0x1082;
	s9 =	sld [smem:$0x3FB1]  }
0x2f: {  	lr =	sadd.s32 s0, s3;
	s0 =	sld [smem:$0x3FA8]  }
0x30: {  	s3 =	sld [smem:$0x3FAB]  }
0x31: {  	[smem:$0x3FB4] =	sst s10  }
0x32: {  	s10 =	sld [smem:$0x3FB2];
	_ =	sdelay $0x3  }
0x33: {  	p0 =	seq.s32 s10, $0x1;
	s10 =	sld [smem:$0x3FB4];
	_ =	sdelay $0x3  }
0x34: {  	[smem:$0x3FB4] =	sst s10  }
0x35: {  	s10 =	sld [smem:$0x3FB3];
	_ =	sdelay $0x3  }
0x36: {  	p1 =	seq.s32 s10, $0x1;
	s10 =	sld [smem:$0x3FB4];
	_ =	sdelay $0x3  }
0x37: {  	[smem:$0x3FB4] =	sst s10  }
0x38: {  	s10 =	sld [smem:$0x3FB5]  }
0x39: {  	_ = 	snop;
	(pc) =	sbr.ind lr, $3  }
0x3a: {  	_ = 	snop  }
0x3b: {  	_ = 	snop  }
0x3c: {  	p2 =	seq.s32 s10, $0x1;
	s10 =	sld [smem:$0x3FB4]  }
0x3d: {  	_ =	shalt  }
0x3e: {  	_ =	shalt  }
0x3f: {  	_ =	shalt  }
0x40: {  	_ =	shalt  }
0x41: {  	_ =	shalt  }
0x42: {  	_ =	shalt  }
0x43: {  	_ =	shalt  }
0x44: {  	_ =	shalt  }
0x45: {  	_ =	shalt  }
0x46: {  	_ =	shalt  }
0x47: {  	_ =	shalt  }
0x48: {  	_ =	shalt  }
0x49: {  	_ =	shalt  }
0x4a: {  	_ =	shalt  }
0x4b: {  	_ =	shalt  }
0x4c: {  	_ =	shalt  }
0x4d: {  	_ =	shalt  }
0x4e: {  	_ =	shalt  }
0x4f: {  	_ =	shalt  }
0x50: {  	_ =	shalt  }
0x51: {  	_ =	shalt  }
0x52: {  	_ =	shalt  }
0x53: {  	_ =	shalt  }
0x54: {  	_ =	shalt  }
0x55: {  	_ =	shalt  }
0x56: {  	_ =	shalt  }
0x57: {  	_ =	shalt  }
0x58: {  	_ =	shalt  }
0x59: {  	_ =	shalt  }
0x5a: {  	_ =	shalt  }
0x5b: {  	_ =	shalt  }
0x5c: {  	_ =	shalt  }
0x5d: {  	_ =	shalt  }
0x5e: {  	_ =	shalt  }
0x5f: {  	_ =	shalt  }
0x60: {  	_ =	shalt  }
0x61: {  	_ =	shalt  }
0x62: {  	_ =	shalt  }
0x63: {  	_ =	shalt  }
0x64: {  	_ =	shalt  }
0x65: {  	_ =	shalt  }
0x66: {  	_ =	shalt  }
0x67: {  	_ =	shalt  }
0x68: {  	_ =	shalt  }
0x69: {  	_ =	shalt  }
0x6a: {  	_ =	shalt  }
0x6b: {  	_ =	shalt  }
0x6c: {  	_ =	shalt  }
0x6d: {  	_ =	shalt  }
0x6e: {  	_ =	shalt  }
0x6f: {  	_ =	shalt  }
0x70: {  	_ =	shalt  }
0x71: {  	_ =	shalt  }
0x72: {  	_ =	shalt  }
0x73: {  	_ =	shalt  }
0x74: {  	_ =	shalt  }
0x75: {  	_ =	shalt  }
0x76: {  	_ =	shalt  }
0x77: {  	_ =	shalt  }
0x78: {  	_ =	shalt  }
0x79: {  	_ =	shalt  }
0x7a: {  	_ =	shalt  }
0x7b: {  	_ =	shalt  }
0x7c: {  	_ =	shalt  }
0x7d: {  	_ =	shalt  }
0x7e: {  	_ =	shalt  }
0x7f: {  	_ =	shalt  }
0x80: {  	_ =	shalt  }
0x81: {  	_ =	shalt  }
0x82: {  	_ =	shalt  }
0x83: {  	_ =	shalt  }
0x84: {  	_ =	shalt  }
0x85: {  	_ =	shalt  }
0x86: {  	_ =	shalt  }
0x87: {  	_ =	shalt  }
.Lfunc_end0:
.L_simem_size_0:
called_computation.1_lowered:
.L_overlay_start_0:
0x88: {  	s2 =	sld [smem:$0x3FD9]  }
0x89: {  	s3 =	sld [smem:$0x3FFE];
	_ =	sdelay $0x1  }
0x8a: {  	s1 =	srdreg.scid  }
0x8b: {  	s0 =	sand.u32 $0x1, s1  }
0x8c: {  	s17 =	sshll.u32 s0, $0xA;
	s2 =	sadd.s32 s3, s2  }
0x8d: {  	s2 =	sadd.s32 s2, s17  }
0x8e: {  	[smem:$0x3FC0] =	sst s2  }
0x8f: {  	_ = 	snop  }
0x90: {  	s2 =	sld [smem:$0x3FD0];
	(tm) =	ssettm $0x1  }
0x91: {  	s18 =	sld [smem:$0x3FFB];
	_ =	sdelay $0x3  }
0x92: {  	_ =	strace s18  }
0x93: {  	s3 =	sld [smem:$0x3FFC];
	_ =	sdelay $0x3  }
0x94: {  	_ =	strace s3  }
0x95: {  	s3 =	sld [smem:$0x3FFD];
	_ =	sdelay $0x3  }
0x96: {  	_ =	strace s3  }
0x97: {  	_ =	strace $0x8FFFFFFF  }
0x98: {  	s19 =	sld [smem:$0x3FDB];
	_ =	sdelay $0x1  }
0x99: {  	s4 =	simm.s32 $_scs_section_size  }
0x9a: {  	s5 =	simm.s32 $_size__tile_overlayer_lowered;
	s6 =	simm.s32 $_tile_overlayer_lowered  }
0x9b: {  	s22 =	simm.s32 $0x1BFF;
	s21 =	sshll.u32 s6, $0x1;
	s3 =	sadd.s32 s4, s19  }
0x9c: {  	s7 =	simm.s32 $0x0;
	s20 =	sshll.u32 s5, $0x1;
	s5 =	sadd.s32 s21, s3  }
0x9d: {  	[timem:s7], [sflag:s22] =	dma.local [hbm:s5], s20  }
0x9e: {  	_ =	swait.ge [sflag:s22], s20  }
0x9f: {  	s4 =	ssub.s32 $0x0, s20;
	[sflag:s22] =	ssyncset.done $0x0  }
0xa0: {  	[sflag:s22] =	ssyncadd.s32 s4;
	_ =	sdelay $0x1  }
0xa1: {  	s23 =	simm.s32 $0x1B8B  }
0xa2: {  	_ =	swait.ge [sflag:s23], $0x1  }
0xa3: {  	[sflag:s23] =	ssyncset.done $0x0  }
0xa4: {  	s25 =	simm.s32 $0x1B8E;
	s24 =	sld [smem:$0x3FFE];
	[sflag:s23] =	ssyncadd.s32 $0xFFFFFFFF  }
0xa5: {  	s26 =	simm.s32 $execute0_lowered;
	[smem:$0x3FD2] =	sst s25  }
0xa6: {  	s5 =	sshll.u32 s26, $0x1;
	_ =	strace $0x80000049;
	[dreg:$0x1] =	wrdreg $0xFFFFFFFF  }
0xa7: {  	s28 =	simm.s32 $_size_execute0_lowered;
	s3 =	sadd.s32 s3, s5;
	[dreg:$0x0] =	wrdreg $0x0  }
0xa8: {  	s5 =	sshll.u32 s28, $0x1;
	[dreg:$0x2] =	wrdreg s3  }
0xa9: {  	[dreg:$0x3] =	wrdreg s5  }
0xaa: {  	[dreg:$0x4] =	wrdreg $0xC0  }
0xab: {  	_ =	task [dreg:s7], $0x5FFFF  }
0xac: {  	[dreg:$0x1] =	wrdreg $0xFFFFFFFF  }
0xad: {  	[dreg:$0x0] =	wrdreg $0x60  }
0xae: {  	[dreg:$0x2] =	wrdreg s24  }
0xaf: {  	[dreg:$0x3] =	wrdreg s2  }
0xb0: {  	[dreg:$0x4] =	wrdreg $0xA1800  }
0xb1: {  	[dreg:$0x5] =	wrdreg $0x9  }
0xb2: {  	_ =	task.clear_ibuf [dreg:s7], $0x6FFFF;
	_ =	strace $0x90000049  }
0xb3: {  	s29 =	simm.s32 $0x9;
	_ =	strace $0x8000004B  }
0xb4: {  	_ =	swait.ge [sflag:s29], $0x1  }
0xb5: {  	[sflag:s29] =	ssyncadd.s32 $0xFFFFFFFF  }
0xb6: {  	_ =	strace $0x9000004B  }
0xb7: {  	_ =	sfence  }
0xb8: {  	s30 =	sld [smem:$0x0];
	_ =	sdelay $0x2  }
0xb9: {  	s31 =	sshll.u32 s1, $0xD;
	s1 =	sshrl.u32 s1, $0x2  }
0xba: {  	s3 =	sand.u32 $0x4000, s31;
	s1 =	sadd.s32 s1, s30  }
0xbb: {  	s0 =	sor.u32 s3, s0;
	s1 =	sshll.u32 s1, $0x11  }
0xbc: {  	s0 =	sor.u32 s1, s0  }
0xbd: {  	s0 =	sadd.s32 $0x8F2B, s0  }
0xbe: {  	[sflag:s0] =	ssyncadd.remote.s32 $0x1  }
0xbf: {  	_ =	sfence.sel $0xFFFF  }
0xc0: {  	[dreg:$0x0] =	wrdreg $0xFFFFFFFF;
	(pc) =	sbr.abs _section_cstart, $3  }
0xc1: {  	[dreg:$0x1] =	wrdreg $0xFFFFFFFF  }
0xc2: {  	_ =	task.clear_ibuf [dreg:s7], $0x2FFFF;
	_ =	strace $0x9FFFFFFF  }
0xc3: {  	(tm) =	ssettm $0x7FFFFFFF  }
tec
execute0_lowered:
.L_overlay_start_1:
0x0: {  	(tag) =	ssettag $0x1  }
0x1: {  	s0 =	srdreg.scid;
	s1 =	rddreg [dreg:$0x0]  }
0x2: {  	s2 =	rddreg [dreg:$0x1];
	s14 =	stileid.u32  }
0x3: {  	s3 =	rddreg [dreg:$0x2];
	s28 =	simm.s32 $0x50;
	s29 =	simm.s32 $0x2980  }
0x4: {  	s30 =	simm.s32 $0x2800;
	s0 =	sand.u32 $0x1, s0;
	s11 =	smul.u32 $0x13C00, s14  }
0x5: {  	s6 =	sadd.s32 $0x69200, s1;
	s7 =	sadd.s32 $0x90400, s1;
	s13 =	smul.u32 $0x4F000, s14  }
0x6: {  	s8 =	sadd.s32 $0xB7600, s1;
	s22 =	sadd.s32 $0x16000, s1;
	s17 =	smul.u32 $0x2710, s14  }
0x7: {  	s4 =	sshll.u32 s0, $0x4;
	s9 =	smul.u32 $0x4F0000, s0;
	s23 =	ssub.s32 $0x2, s0  }
0x8: {  	s0 =	smul.u32 $0x27100, s0;
	s5 =	sor.u32 s14, s4;
	s4 =	simm.s32 $0x0  }
0x9: {  	s24 =	sshrl.u32 s23, $0x1;
	s5 =	smul.u32 $0x2710, s5;
	[smem:$0x7FF] =	sst s4  }
0xa: {  	s9 =	sadd.s32 s11, s9;
	s0 =	sadd.s32 s17, s0;
	_ =	strace $0x8000004A  }
0xb: {  	[dreg:$0x4] =	wrdreg s22;
	s9 =	sshrl.u32 s9, $0x3;
	s10 =	sshrl.u32 s5, $0x3  }
0xc: {  	s5 =	sadd.s32 $0x2200, s1;
	s12 =	sadd.s32 s10, s1;
	s1 =	sadd.s32 s9, s1  }
0xd: {  	s9 =	ssub.s32 s23, s24;
	s26 =	sadd.s32 s5, s10;
	s23 =	sadd.s32 $0x190, s0  }
0xe: {  	s24 =	sadd.s32 $0x140, s0;
	s0 =	sadd.s32 $0xF0, s0;
	[dreg:$0x6] =	wrdreg s26  }
0xf: {  	s31 =	simm.s32 $0x5180;
	s25 =	sadd.s32 $0xC000, s12;
	[dreg:$0x13] =	wrdreg s0  }
0x10: {  	s15 =	sshrl.u32 s13, $0x2;
	s10 =	sadd.s32 $0xA, s26;
	[dreg:$0x5] =	wrdreg s25  }
0x11: {  	s13 =	simm.s32 $0x9;
	s16 =	sadd.s32 $0x14, s26;
	[dreg:$0x7] =	wrdreg s10  }
0x12: {  	s14 =	simm.s32 $0x0;
	s18 =	sadd.s32 $0xDE800, s1;
	[dreg:$0x9] =	wrdreg s16  }
0x13: {  	s17 =	simm.s32 $0x8;
	s19 =	sadd.s32 $0x106000, s1;
	[dreg:$0xa] =	wrdreg s18  }
0x14: {  	s20 =	sadd.s32 $0x12D800, s1;
	s1 =	sadd.s32 $0x155000, s1;
	[dreg:$0xb] =	wrdreg s19  }
0x15: {  	s21 =	smax.u32 s9, $0x1;
	s22 =	sadd.s32 $0x4CE, s26;
	[dreg:$0xc] =	wrdreg s20  }
0x16: {  	s9 =	sshrl.u32 s24, $0x3;
	s0 =	simm.s32 $0x7;
	[dreg:$0xd] =	wrdreg s1  }
0x17: {  	s12 =	simm.s32 $0x6;
	s10 =	sadd.s32 s15, s3;
	[dreg:$0xe] =	wrdreg s21  }
0x18: {  	[dreg:$0xf] =	wrdreg s22;
	s25 =	sadd.s32 $0x4D8, s26;
	s1 =	sshrl.u32 s23, $0x3  }
0x19: {  	s26 =	sadd.s32 s9, s5;
	s15 =	simm.s32 $0x7980;
	s16 =	simm.s32 $0x2  }
0x1a: {  	s18 =	simm.s32 $0x4;
	s19 =	simm.s32 $0x3;
	[dreg:$0x8] =	wrdreg s10  }
0x1b: {  	s9 =	simm.s32 $0x5;
	[dreg:$0x10] =	wrdreg s25;
	s1 =	sadd.s32 s1, s5  }
0x1c: {  	[dreg:$0x12] =	wrdreg s26;
	s25 =	simm.s32 $0xA;
	s26 =	simm.s32 $0x2780  }
0x1d: {  	s10 =	simm.s32 $0x2880;
	[dreg:$0x11] =	wrdreg s1;
	s1 =	simm.s32 $0x1  }
.LBB2_1:
0x1e: {  	[dreg:$0x14] =	wrdreg s14  }
0x1f: {  	s11 =	rddreg [dreg:$0x5]  }
0x20: {  	[tilespmem:s4], [sflag:$0xA] =	stream.linear.gather [hbm4b:s11+s4], $0x2710, $0x38;
	[tilespmem:$0x1DD80] =	vst v63  }
0x21: {  	_ =	swait.ge [sflag:s25], $0x2710  }
0x22: {  	s14 =	stileid.u32;
	[sflag:s25] =	ssyncset.done $0x0;
	s23 =	rddreg [dreg:$0x6]  }
0x23: {  	s11 =	sshll.u32 s14, $0x6;
	s24 =	rddreg [dreg:$0x7];
	[sflag:s25] =	ssyncadd.s32 $0xFFFFD8F0  }
0x24: {  	[tilespmem:s26], [sflag:$0x7] =	stream.linear.gather [hbm4b:s23+s4], $0x50, $0x38;
	[tilespmem:$0x1DD80] =	vst v63  }
0x25: {  	s20 =	sor.u32 $0x1C0A, s11;
	s22 =	rddreg [dreg:$0x8]  }
0x26: {  	[tilespmem:s29], [sflag:$0x1] =	stream.indirect.gather [hbm4b:s2+s28], $0x80, s4, s28, $0xb8;
	[tilespmem:$0x1DD80] =	vst v63  }
0x27: {  	[dreg:$0x15] =	wrdreg s20  }
0x28: {  	[tilespmem:s30], [sflag:$0x8] =	stream.linear.gather [hbm4b:s24+s4], $0x50, $0x38;
	[tilespmem:$0x1DD80] =	vst v63  }
0x29: {  	s21 =	sshrl.u32 s22, $0x3;
	s23 =	rddreg [dreg:$0x4]  }
0x2a: {  	[tilespmem:s31], [sflag:$0x2] =	stream.indirect.gather [hbm4b:s2+s28], $0x80, s28, s28, $0xb8;
	[tilespmem:$0x1DD80] =	vst v63  }
0x2b: {  	[spmem:s21], [sflag:s20] =	dma.local [hbm:s23], $0x2780  }
0x2c: {  	_ =	swait.ge [sflag:s25], $0x2780  }
0x2d: {  	[sflag:s25] =	ssyncset.done $0x0  }
0x2e: {  	[sflag:s25] =	ssyncadd.s32 $0xFFFFD880  }
0x2f: {  	[bflag:$0x0] =	sbarrier.arrive $0xFFFF  }
0x30: {  	_ =	swait.ge [sflag:s1], $0x2800  }
0x31: {  	[sflag:s1] =	ssyncset.done $0x0  }
0x32: {  	[sflag:s1] =	ssyncadd.s32 $0xFFFFD800  }
0x33: {  	_ =	swait.ge [sflag:s0], $0x50  }
0x34: {  	[sflag:s0] =	ssyncset.done $0x0  }
0x35: {  	[sflag:s0] =	ssyncadd.s32 $0xFFFFFFB0  }
0x36: {  	[spmem:s3] =	stream.indirect.scatter.add.f32 [tilespmem:s29], [sflag:$0x4], $0x80, s26, s28, $0xb8;
	[tilespmem:$0x1DD80] =	vst v63  }
0x37: {  	s24 =	rddreg [dreg:$0x9]  }
0x38: {  	[tilespmem:s10], [sflag:$0x9] =	stream.linear.gather [hbm4b:s24+s4], $0x50, $0x38;
	[tilespmem:$0x1DD80] =	vst v63  }
0x39: {  	s14 =	simm.s32 $0xA0  }
0x3a: {  	[tilespmem:s15], [sflag:$0x3] =	stream.indirect.gather [hbm4b:s2+s28], $0x80, s14, s28, $0xb8;
	[tilespmem:$0x1DD80] =	vst v63  }
0x3b: {  	_ =	swait.ge [sflag:s16], $0x2800  }
0x3c: {  	[sflag:s16] =	ssyncset.done $0x0  }
0x3d: {  	[sflag:s16] =	ssyncadd.s32 $0xFFFFD800  }
0x3e: {  	_ =	swait.ge [sflag:s17], $0x50  }
0x3f: {  	[sflag:s17] =	ssyncset.done $0x0  }
0x40: {  	[sflag:s17] =	ssyncadd.s32 $0xFFFFFFB0  }
0x41: {  	[spmem:s3] =	stream.indirect.scatter.add.f32 [tilespmem:s31], [sflag:$0x5], $0x80, s30, s28, $0xb8;
	[tilespmem:$0x1DD80] =	vst v63  }
0x42: {  	_ =	swait.ge [sflag:s18], $0x2800  }
0x43: {  	s22 =	rddreg [dreg:$0x13]  }
0x44: {  	[sflag:s18] =	ssyncset.done $0x0;
	s20 =	sshrl.u32 s22, $0x3  }
0x45: {  	[sflag:s18] =	ssyncadd.s32 $0xFFFFD800;
	s11 =	sadd.s32 s5, s20  }
0x46: {  	[tilespmem:s26], [sflag:$0x7] =	stream.linear.gather [hbm4b:s11+s4], $0x50, $0x38;
	[tilespmem:$0x1DD80] =	vst v63  }
0x47: {  	s23 =	simm.s32 $0xF0;
	[dreg:$0x16] =	wrdreg s11  }
0x48: {  	[tilespmem:s29], [sflag:$0x1] =	stream.indirect.gather [hbm4b:s2+s28], $0x80, s23, s28, $0xb8;
	[tilespmem:$0x1DD80] =	vst v63  }
0x49: {  	_ =	swait.ge [sflag:s19], $0x2800  }
0x4a: {  	[sflag:s19] =	ssyncset.done $0x0  }
0x4b: {  	[sflag:s19] =	ssyncadd.s32 $0xFFFFD800  }
0x4c: {  	_ =	swait.ge [sflag:s13], $0x50  }
0x4d: {  	[sflag:s13] =	ssyncset.done $0x0  }
0x4e: {  	[sflag:s13] =	ssyncadd.s32 $0xFFFFFFB0  }
0x4f: {  	[spmem:s3] =	stream.indirect.scatter.add.f32 [tilespmem:s15], [sflag:$0x6], $0x80, s10, s28, $0xb8;
	[tilespmem:$0x1DD80] =	vst v63  }
0x50: {  	_ =	swait.ge [sflag:s9], $0x2800  }
0x51: {  	[sflag:s9] =	ssyncset.done $0x0  }
0x52: {  	s20 =	rddreg [dreg:$0x12];
	[sflag:s9] =	ssyncadd.s32 $0xFFFFD800  }
0x53: {  	[tilespmem:s30], [sflag:$0x8] =	stream.linear.gather [hbm4b:s20+s4], $0x50, $0x38;
	[tilespmem:$0x1DD80] =	vst v63  }
0x54: {  	s24 =	simm.s32 $0x140  }
0x55: {  	[tilespmem:s31], [sflag:$0x2] =	stream.indirect.gather [hbm4b:s2+s28], $0x80, s24, s28, $0xb8;
	[tilespmem:$0x1DD80] =	vst v63  }
0x56: {  	_ =	swait.ge [sflag:s1], $0x2800  }
0x57: {  	[sflag:s1] =	ssyncset.done $0x0  }
0x58: {  	[sflag:s1] =	ssyncadd.s32 $0xFFFFD800  }
0x59: {  	_ =	swait.ge [sflag:s0], $0x50  }
0x5a: {  	[sflag:s0] =	ssyncset.done $0x0  }
0x5b: {  	[sflag:s0] =	ssyncadd.s32 $0xFFFFFFB0  }
0x5c: {  	[spmem:s3] =	stream.indirect.scatter.add.f32 [tilespmem:s29], [sflag:$0x4], $0x80, s26, s28, $0xb8;
	[tilespmem:$0x1DD80] =	vst v63  }
0x5d: {  	_ =	swait.ge [sflag:s12], $0x2800  }
0x5e: {  	s11 =	sadd.s32 $0xF0, s22;
	[sflag:s12] =	ssyncset.done $0x0  }
0x5f: {  	s23 =	simm.s32 $0x190;
	s14 =	rddreg [dreg:$0x11];
	[sflag:s12] =	ssyncadd.s32 $0xFFFFD800  }
0x60: {  	[tilespmem:s10], [sflag:$0x9] =	stream.linear.gather [hbm4b:s14+s4], $0x50, $0x38;
	[tilespmem:$0x1DD80] =	vst v63  }
0x61: {  	s22 =	sadd.s32 $0x1E, s20;
	s24 =	simm.s32 $0x3C0;
	s14 =	sadd.s32 $0x1E, s14  }
.LBB2_2:
0x62: {  	[tilespmem:s15], [sflag:$0x3] =	stream.indirect.gather [hbm4b:s2+s28], $0x80, s23, s28, $0xb8;
	[tilespmem:$0x1DD80] =	vst v63  }
0x63: {  	s23 =	smov.u32 s24  }
0x64: {  	p0 =	sne.s32 s24, $0x9240;
	s24 =	sadd.s32 $0x3C0, s24;
	_ =	swait.ge [sflag:s16], $0x2800  }
0x65: {  	[sflag:s16] =	ssyncset.done $0x0  }
0x66: {  	[sflag:s16] =	ssyncadd.s32 $0xFFFFD800  }
0x67: {  	_ =	swait.ge [sflag:s17], $0x50  }
0x68: {  	[sflag:s17] =	ssyncset.done $0x0  }
0x69: {  	[sflag:s17] =	ssyncadd.s32 $0xFFFFFFB0  }
0x6a: {  	[spmem:s3] =	stream.indirect.scatter.add.f32 [tilespmem:s31], [sflag:$0x5], $0x80, s30, s28, $0xb8;
	[tilespmem:$0x1DD80] =	vst v63  }
0x6b: {  	_ =	swait.ge [sflag:s18], $0x2800  }
0x6c: {  	s20 =	sshrl.u32 s11, $0x3;
	[sflag:s18] =	ssyncset.done $0x0  }
0x6d: {  	s20 =	sadd.s32 s5, s20;
	s23 =	sshra.s32 s23, $0x2;
	[sflag:s18] =	ssyncadd.s32 $0xFFFFD800  }
0x6e: {  	[tilespmem:s26], [sflag:$0x7] =	stream.linear.gather [hbm4b:s20+s4], $0x50, $0x38;
	[tilespmem:$0x1DD80] =	vst v63  }
0x6f: {  	s20 =	sadd.s32 $0xF0, s23  }
0x70: {  	[tilespmem:s29], [sflag:$0x1] =	stream.indirect.gather [hbm4b:s2+s28], $0x80, s20, s28, $0xb8;
	[tilespmem:$0x1DD80] =	vst v63  }
0x71: {  	_ =	swait.ge [sflag:s19], $0x2800  }
0x72: {  	[sflag:s19] =	ssyncset.done $0x0  }
0x73: {  	[sflag:s19] =	ssyncadd.s32 $0xFFFFD800  }
0x74: {  	_ =	swait.ge [sflag:s13], $0x50  }
0x75: {  	[sflag:s13] =	ssyncset.done $0x0  }
0x76: {  	[sflag:s13] =	ssyncadd.s32 $0xFFFFFFB0  }
0x77: {  	[spmem:s3] =	stream.indirect.scatter.add.f32 [tilespmem:s15], [sflag:$0x6], $0x80, s10, s28, $0xb8;
	[tilespmem:$0x1DD80] =	vst v63  }
0x78: {  	_ =	swait.ge [sflag:s9], $0x2800  }
0x79: {  	[sflag:s9] =	ssyncset.done $0x0  }
0x7a: {  	[sflag:s9] =	ssyncadd.s32 $0xFFFFD800  }
0x7b: {  	[tilespmem:s30], [sflag:$0x8] =	stream.linear.gather [hbm4b:s22+s4], $0x50, $0x38;
	[tilespmem:$0x1DD80] =	vst v63  }
0x7c: {  	s20 =	sadd.s32 $0x140, s23  }
0x7d: {  	[tilespmem:s31], [sflag:$0x2] =	stream.indirect.gather [hbm4b:s2+s28], $0x80, s20, s28, $0xb8;
	[tilespmem:$0x1DD80] =	vst v63  }
0x7e: {  	_ =	swait.ge [sflag:s1], $0x2800  }
0x7f: {  	[sflag:s1] =	ssyncset.done $0x0  }
0x80: {  	[sflag:s1] =	ssyncadd.s32 $0xFFFFD800  }
0x81: {  	_ =	swait.ge [sflag:s0], $0x50  }
0x82: {  	[sflag:s0] =	ssyncset.done $0x0  }
0x83: {  	[sflag:s0] =	ssyncadd.s32 $0xFFFFFFB0  }
0x84: {  	[spmem:s3] =	stream.indirect.scatter.add.f32 [tilespmem:s29], [sflag:$0x4], $0x80, s26, s28, $0xb8;
	[tilespmem:$0x1DD80] =	vst v63  }
.Ltmp0:
0x85: {  	_ =	swait.ge [sflag:s12], $0x2800;
	(pc) =	sbr.rel @p0 .LBB2_2-.Ltmp0, $4  }
0x86: {  	[sflag:s12] =	ssyncset.done $0x0  }
0x87: {  	s11 =	sadd.s32 $0xF0, s11;
	[sflag:s12] =	ssyncadd.s32 $0xFFFFD800  }
0x88: {  	[tilespmem:s10], [sflag:$0x9] =	stream.linear.gather [hbm4b:s14+s4], $0x50, $0x38;
	[tilespmem:$0x1DD80] =	vst v63  }
0x89: {  	s23 =	sadd.s32 $0x190, s23;
	s22 =	sadd.s32 $0x1E, s22;
	s14 =	sadd.s32 $0x1E, s14  }
0x8a: {  	[tilespmem:s15], [sflag:$0x3] =	stream.indirect.gather [hbm4b:s2+s28], $0x80, s23, s28, $0xb8;
	[tilespmem:$0x1DD80] =	vst v63  }
0x8b: {  	_ =	swait.ge [sflag:s16], $0x2800  }
0x8c: {  	[sflag:s16] =	ssyncset.done $0x0  }
0x8d: {  	[sflag:s16] =	ssyncadd.s32 $0xFFFFD800  }
0x8e: {  	_ =	swait.ge [sflag:s17], $0x50  }
0x8f: {  	[sflag:s17] =	ssyncset.done $0x0  }
0x90: {  	[sflag:s17] =	ssyncadd.s32 $0xFFFFFFB0  }
0x91: {  	[spmem:s3] =	stream.indirect.scatter.add.f32 [tilespmem:s31], [sflag:$0x5], $0x80, s30, s28, $0xb8;
	[tilespmem:$0x1DD80] =	vst v63  }
0x92: {  	_ =	swait.ge [sflag:s18], $0x2800  }
0x93: {  	[sflag:s18] =	ssyncset.done $0x0  }
0x94: {  	s11 =	simm.s32 $0x0;
	s14 =	rddreg [dreg:$0xf];
	[sflag:s18] =	ssyncadd.s32 $0xFFFFD800  }
0x95: {  	[tilespmem:s26], [sflag:$0x7] =	stream.linear.gather [hbm4b:s14+s11], $0x50, $0x38;
	[tilespmem:$0x1DD80] =	vst v63  }
0x96: {  	s20 =	simm.s32 $0x2670  }
0x97: {  	[tilespmem:s29], [sflag:$0x1] =	stream.indirect.gather [hbm4b:s2+s28], $0x80, s20, s28, $0xb8;
	[tilespmem:$0x1DD80] =	vst v63  }
0x98: {  	_ =	swait.ge [sflag:s19], $0x2800  }
0x99: {  	[sflag:s19] =	ssyncset.done $0x0  }
0x9a: {  	[sflag:s19] =	ssyncadd.s32 $0xFFFFD800  }
0x9b: {  	_ =	swait.ge [sflag:s13], $0x50  }
0x9c: {  	[sflag:s13] =	ssyncset.done $0x0  }
0x9d: {  	[sflag:s13] =	ssyncadd.s32 $0xFFFFFFB0  }
0x9e: {  	[spmem:s3] =	stream.indirect.scatter.add.f32 [tilespmem:s15], [sflag:$0x6], $0x80, s10, s28, $0xb8;
	[tilespmem:$0x1DD80] =	vst v63  }
0x9f: {  	_ =	swait.ge [sflag:s9], $0x2800  }
0xa0: {  	[sflag:s9] =	ssyncset.done $0x0  }
0xa1: {  	s22 =	rddreg [dreg:$0x10];
	[sflag:s9] =	ssyncadd.s32 $0xFFFFD800  }
0xa2: {  	[tilespmem:s30], [sflag:$0x8] =	stream.linear.gather [hbm4b:s22+s11], $0x50, $0x38;
	[tilespmem:$0x1DD80] =	vst v63  }
0xa3: {  	s23 =	simm.s32 $0x26C0  }
0xa4: {  	[tilespmem:s31], [sflag:$0x2] =	stream.indirect.gather [hbm4b:s2+s28], $0x80, s23, s28, $0xb8;
	[tilespmem:$0x1DD80] =	vst v63  }
0xa5: {  	_ =	swait.ge [sflag:s1], $0x2800  }
0xa6: {  	[sflag:s1] =	ssyncset.done $0x0  }
0xa7: {  	[sflag:s1] =	ssyncadd.s32 $0xFFFFD800  }
0xa8: {  	_ =	swait.ge [sflag:s0], $0x50  }
0xa9: {  	[sflag:s0] =	ssyncset.done $0x0  }
0xaa: {  	[sflag:s0] =	ssyncadd.s32 $0xFFFFFFB0  }
0xab: {  	[spmem:s3] =	stream.indirect.scatter.add.f32 [tilespmem:s29], [sflag:$0x4], $0x80, s26, s28, $0xb8;
	[tilespmem:$0x1DD80] =	vst v63  }
0xac: {  	_ =	swait.ge [sflag:s16], $0x2800  }
0xad: {  	[sflag:s16] =	ssyncset.done $0x0  }
0xae: {  	[sflag:s16] =	ssyncadd.s32 $0xFFFFD800  }
0xaf: {  	_ =	swait.ge [sflag:s17], $0x50  }
0xb0: {  	[sflag:s17] =	ssyncset.done $0x0  }
0xb1: {  	[sflag:s17] =	ssyncadd.s32 $0xFFFFFFB0  }
0xb2: {  	[spmem:s3] =	stream.indirect.scatter.add.f32 [tilespmem:s31], [sflag:$0x5], $0x80, s30, s28, $0xb8;
	[tilespmem:$0x1DD80] =	vst v63  }
0xb3: {  	_ =	swait.ge [sflag:s12], $0x2800  }
0xb4: {  	[sflag:s12] =	ssyncset.done $0x0  }
0xb5: {  	[sflag:s12] =	ssyncadd.s32 $0xFFFFD800  }
0xb6: {  	_ =	swait.ge [sflag:s18], $0x2800  }
0xb7: {  	[sflag:s18] =	ssyncset.done $0x0  }
0xb8: {  	[sflag:s18] =	ssyncadd.s32 $0xFFFFD800  }
0xb9: {  	_ =	swait.ge [sflag:s9], $0x2800  }
0xba: {  	[sflag:s9] =	ssyncset.done $0x0  }
0xbb: {  	[sflag:s9] =	ssyncadd.s32 $0xFFFFD800  }
0xbc: {  	[bflag:$0x0] =	sbarrier.arrive $0xFFFF  }
0xbd: {  	s24 =	rddreg [dreg:$0xa]  }
0xbe: {  	s20 =	rddreg [dreg:$0x15]  }
0xbf: {  	[hbm:s24], [sflag:s20] =	dma.local [spmem:s21], $0x2780  }
0xc0: {  	_ =	swait.ge [sflag:s25], $0x2780  }
0xc1: {  	[sflag:s25] =	ssyncset.done $0x0  }
0xc2: {  	s22 =	rddreg [dreg:$0x6];
	[sflag:s25] =	ssyncadd.s32 $0xFFFFD880  }
0xc3: {  	[tilespmem:s26], [sflag:$0x7] =	stream.linear.gather [hbm4b:s22+s11], $0x50, $0x38;
	[tilespmem:$0x1DD80] =	vst v63  }
0xc4: {  	_ = 	snop  }
0xc5: {  	[tilespmem:s29], [sflag:$0x1] =	stream.indirect.gather [hbm4b:s6+s28], $0x80, s11, s28, $0xb8;
	[tilespmem:$0x1DD80] =	vst v63  }
0xc6: {  	s23 =	rddreg [dreg:$0x7]  }
0xc7: {  	[tilespmem:s30], [sflag:$0x8] =	stream.linear.gather [hbm4b:s23+s11], $0x50, $0x38;
	[tilespmem:$0x1DD80] =	vst v63  }
0xc8: {  	s24 =	rddreg [dreg:$0x4]  }
0xc9: {  	[tilespmem:s31], [sflag:$0x2] =	stream.indirect.gather [hbm4b:s6+s28], $0x80, s28, s28, $0xb8;
	[tilespmem:$0x1DD80] =	vst v63  }
0xca: {  	[spmem:s21], [sflag:s20] =	dma.local [hbm:s24], $0x2780  }
0xcb: {  	_ =	swait.ge [sflag:s25], $0x2780  }
0xcc: {  	[sflag:s25] =	ssyncset.done $0x0  }
0xcd: {  	[sflag:s25] =	ssyncadd.s32 $0xFFFFD880  }
0xce: {  	[bflag:$0x0] =	sbarrier.arrive $0xFFFF  }
0xcf: {  	_ =	swait.ge [sflag:s1], $0x2800  }
0xd0: {  	[sflag:s1] =	ssyncset.done $0x0  }
0xd1: {  	[sflag:s1] =	ssyncadd.s32 $0xFFFFD800  }
0xd2: {  	_ =	swait.ge [sflag:s0], $0x50  }
0xd3: {  	[sflag:s0] =	ssyncset.done $0x0  }
0xd4: {  	[sflag:s0] =	ssyncadd.s32 $0xFFFFFFB0  }
0xd5: {  	[spmem:s3] =	stream.indirect.scatter.add.f32 [tilespmem:s29], [sflag:$0x4], $0x80, s26, s28, $0xb8;
	[tilespmem:$0x1DD80] =	vst v63  }
0xd6: {  	s20 =	rddreg [dreg:$0x9]  }
0xd7: {  	[tilespmem:s10], [sflag:$0x9] =	stream.linear.gather [hbm4b:s20+s11], $0x50, $0x38;
	[tilespmem:$0x1DD80] =	vst v63  }
0xd8: {  	s22 =	simm.s32 $0xA0  }
0xd9: {  	[tilespmem:s15], [sflag:$0x3] =	stream.indirect.gather [hbm4b:s6+s28], $0x80, s22, s28, $0xb8;
	[tilespmem:$0x1DD80] =	vst v63  }
0xda: {  	_ =	swait.ge [sflag:s16], $0x2800  }
0xdb: {  	[sflag:s16] =	ssyncset.done $0x0  }
0xdc: {  	[sflag:s16] =	ssyncadd.s32 $0xFFFFD800  }
0xdd: {  	_ =	swait.ge [sflag:s17], $0x50  }
0xde: {  	[sflag:s17] =	ssyncset.done $0x0  }
0xdf: {  	[sflag:s17] =	ssyncadd.s32 $0xFFFFFFB0  }
0xe0: {  	[spmem:s3] =	stream.indirect.scatter.add.f32 [tilespmem:s31], [sflag:$0x5], $0x80, s30, s28, $0xb8;
	[tilespmem:$0x1DD80] =	vst v63  }
0xe1: {  	_ =	swait.ge [sflag:s18], $0x2800  }
0xe2: {  	[sflag:s18] =	ssyncset.done $0x0  }
0xe3: {  	s23 =	rddreg [dreg:$0x16];
	[sflag:s18] =	ssyncadd.s32 $0xFFFFD800  }
0xe4: {  	[tilespmem:s26], [sflag:$0x7] =	stream.linear.gather [hbm4b:s23+s4], $0x50, $0x38;
	[tilespmem:$0x1DD80] =	vst v63  }
0xe5: {  	s24 =	simm.s32 $0xF0  }
0xe6: {  	[tilespmem:s29], [sflag:$0x1] =	stream.indirect.gather [hbm4b:s6+s28], $0x80, s24, s28, $0xb8;
	[tilespmem:$0x1DD80] =	vst v63  }
0xe7: {  	_ =	swait.ge [sflag:s19], $0x2800  }
0xe8: {  	[sflag:s19] =	ssyncset.done $0x0  }
0xe9: {  	[sflag:s19] =	ssyncadd.s32 $0xFFFFD800  }
0xea: {  	_ =	swait.ge [sflag:s13], $0x50  }
0xeb: {  	[sflag:s13] =	ssyncset.done $0x0  }
0xec: {  	[sflag:s13] =	ssyncadd.s32 $0xFFFFFFB0  }
0xed: {  	[spmem:s3] =	stream.indirect.scatter.add.f32 [tilespmem:s15], [sflag:$0x6], $0x80, s10, s28, $0xb8;
	[tilespmem:$0x1DD80] =	vst v63  }
0xee: {  	_ =	swait.ge [sflag:s9], $0x2800  }
0xef: {  	[sflag:s9] =	ssyncset.done $0x0  }
0xf0: {  	s20 =	rddreg [dreg:$0x12];
	[sflag:s9] =	ssyncadd.s32 $0xFFFFD800  }
0xf1: {  	[tilespmem:s30], [sflag:$0x8] =	stream.linear.gather [hbm4b:s20+s4], $0x50, $0x38;
	[tilespmem:$0x1DD80] =	vst v63  }
0xf2: {  	s14 =	simm.s32 $0x140  }
0xf3: {  	[tilespmem:s31], [sflag:$0x2] =	stream.indirect.gather [hbm4b:s6+s28], $0x80, s14, s28, $0xb8;
	[tilespmem:$0x1DD80] =	vst v63  }
0xf4: {  	_ =	swait.ge [sflag:s1], $0x2800  }
0xf5: {  	[sflag:s1] =	ssyncset.done $0x0  }
0xf6: {  	[sflag:s1] =	ssyncadd.s32 $0xFFFFD800  }
0xf7: {  	_ =	swait.ge [sflag:s0], $0x50  }
0xf8: {  	[sflag:s0] =	ssyncset.done $0x0  }
0xf9: {  	[sflag:s0] =	ssyncadd.s32 $0xFFFFFFB0  }
0xfa: {  	[spmem:s3] =	stream.indirect.scatter.add.f32 [tilespmem:s29], [sflag:$0x4], $0x80, s26, s28, $0xb8;
	[tilespmem:$0x1DD80] =	vst v63  }
0xfb: {  	_ =	swait.ge [sflag:s12], $0x2800  }
0xfc: {  	s24 =	simm.s32 $0x3C0;
	[sflag:s12] =	ssyncset.done $0x0;
	s23 =	rddreg [dreg:$0x13]  }
0xfd: {  	s22 =	rddreg [dreg:$0x11];
	[sflag:s12] =	ssyncadd.s32 $0xFFFFD800;
	s11 =	sadd.s32 $0xF0, s23  }
0xfe: {  	[tilespmem:s10], [sflag:$0x9] =	stream.linear.gather [hbm4b:s22+s4], $0x50, $0x38;
	[tilespmem:$0x1DD80] =	vst v63  }
0xff: {  	s23 =	simm.s32 $0x190;
	s14 =	sadd.s32 $0x1E, s22;
	s22 =	sadd.s32 $0x1E, s20  }
.LBB2_4:
0x100: {  	[tilespmem:s15], [sflag:$0x3] =	stream.indirect.gather [hbm4b:s6+s28], $0x80, s23, s28, $0xb8;
	[tilespmem:$0x1DD80] =	vst v63  }
0x101: {  	s20 =	smov.u32 s24  }
0x102: {  	p0 =	sne.s32 s24, $0x9240;
	s24 =	sadd.s32 $0x3C0, s24;
	_ =	swait.ge [sflag:s16], $0x2800  }
0x103: {  	[sflag:s16] =	ssyncset.done $0x0  }
0x104: {  	[sflag:s16] =	ssyncadd.s32 $0xFFFFD800  }
0x105: {  	_ =	swait.ge [sflag:s17], $0x50  }
0x106: {  	[sflag:s17] =	ssyncset.done $0x0  }
0x107: {  	[sflag:s17] =	ssyncadd.s32 $0xFFFFFFB0  }
0x108: {  	[spmem:s3] =	stream.indirect.scatter.add.f32 [tilespmem:s31], [sflag:$0x5], $0x80, s30, s28, $0xb8;
	[tilespmem:$0x1DD80] =	vst v63  }
0x109: {  	_ =	swait.ge [sflag:s18], $0x2800  }
0x10a: {  	s23 =	sshrl.u32 s11, $0x3;
	[sflag:s18] =	ssyncset.done $0x0  }
0x10b: {  	s23 =	sadd.s32 s5, s23;
	s20 =	sshra.s32 s20, $0x2;
	[sflag:s18] =	ssyncadd.s32 $0xFFFFD800  }
0x10c: {  	[tilespmem:s26], [sflag:$0x7] =	stream.linear.gather [hbm4b:s23+s4], $0x50, $0x38;
	[tilespmem:$0x1DD80] =	vst v63  }
0x10d: {  	s23 =	sadd.s32 $0xF0, s20  }
0x10e: {  	[tilespmem:s29], [sflag:$0x1] =	stream.indirect.gather [hbm4b:s6+s28], $0x80, s23, s28, $0xb8;
	[tilespmem:$0x1DD80] =	vst v63  }
0x10f: {  	_ =	swait.ge [sflag:s19], $0x2800  }
0x110: {  	[sflag:s19] =	ssyncset.done $0x0  }
0x111: {  	[sflag:s19] =	ssyncadd.s32 $0xFFFFD800  }
0x112: {  	_ =	swait.ge [sflag:s13], $0x50  }
0x113: {  	[sflag:s13] =	ssyncset.done $0x0  }
0x114: {  	[sflag:s13] =	ssyncadd.s32 $0xFFFFFFB0  }
0x115: {  	[spmem:s3] =	stream.indirect.scatter.add.f32 [tilespmem:s15], [sflag:$0x6], $0x80, s10, s28, $0xb8;
	[tilespmem:$0x1DD80] =	vst v63  }
0x116: {  	_ =	swait.ge [sflag:s9], $0x2800  }
0x117: {  	[sflag:s9] =	ssyncset.done $0x0  }
0x118: {  	[sflag:s9] =	ssyncadd.s32 $0xFFFFD800  }
0x119: {  	[tilespmem:s30], [sflag:$0x8] =	stream.linear.gather [hbm4b:s22+s4], $0x50, $0x38;
	[tilespmem:$0x1DD80] =	vst v63  }
0x11a: {  	s23 =	sadd.s32 $0x140, s20  }
0x11b: {  	[tilespmem:s31], [sflag:$0x2] =	stream.indirect.gather [hbm4b:s6+s28], $0x80, s23, s28, $0xb8;
	[tilespmem:$0x1DD80] =	vst v63  }
0x11c: {  	_ =	swait.ge [sflag:s1], $0x2800  }
0x11d: {  	[sflag:s1] =	ssyncset.done $0x0  }
0x11e: {  	[sflag:s1] =	ssyncadd.s32 $0xFFFFD800  }
0x11f: {  	_ =	swait.ge [sflag:s0], $0x50  }
0x120: {  	[sflag:s0] =	ssyncset.done $0x0  }
0x121: {  	[sflag:s0] =	ssyncadd.s32 $0xFFFFFFB0  }
0x122: {  	[spmem:s3] =	stream.indirect.scatter.add.f32 [tilespmem:s29], [sflag:$0x4], $0x80, s26, s28, $0xb8;
	[tilespmem:$0x1DD80] =	vst v63  }
.Ltmp1:
0x123: {  	_ =	swait.ge [sflag:s12], $0x2800;
	(pc) =	sbr.rel @p0 .LBB2_4-.Ltmp1, $4  }
0x124: {  	[sflag:s12] =	ssyncset.done $0x0  }
0x125: {  	s11 =	sadd.s32 $0xF0, s11;
	[sflag:s12] =	ssyncadd.s32 $0xFFFFD800  }
0x126: {  	[tilespmem:s10], [sflag:$0x9] =	stream.linear.gather [hbm4b:s14+s4], $0x50, $0x38;
	[tilespmem:$0x1DD80] =	vst v63  }
0x127: {  	s22 =	sadd.s32 $0x1E, s22;
	s23 =	sadd.s32 $0x190, s20;
	s14 =	sadd.s32 $0x1E, s14  }
0x128: {  	[tilespmem:s15], [sflag:$0x3] =	stream.indirect.gather [hbm4b:s6+s28], $0x80, s23, s28, $0xb8;
	[tilespmem:$0x1DD80] =	vst v63  }
0x129: {  	_ =	swait.ge [sflag:s16], $0x2800  }
0x12a: {  	[sflag:s16] =	ssyncset.done $0x0  }
0x12b: {  	[sflag:s16] =	ssyncadd.s32 $0xFFFFD800  }
0x12c: {  	_ =	swait.ge [sflag:s17], $0x50  }
0x12d: {  	[sflag:s17] =	ssyncset.done $0x0  }
0x12e: {  	[sflag:s17] =	ssyncadd.s32 $0xFFFFFFB0  }
0x12f: {  	[spmem:s3] =	stream.indirect.scatter.add.f32 [tilespmem:s31], [sflag:$0x5], $0x80, s30, s28, $0xb8;
	[tilespmem:$0x1DD80] =	vst v63  }
0x130: {  	_ =	swait.ge [sflag:s18], $0x2800  }
0x131: {  	[sflag:s18] =	ssyncset.done $0x0  }
0x132: {  	s11 =	simm.s32 $0x0;
	s14 =	rddreg [dreg:$0xf];
	[sflag:s18] =	ssyncadd.s32 $0xFFFFD800  }
0x133: {  	[tilespmem:s26], [sflag:$0x7] =	stream.linear.gather [hbm4b:s14+s11], $0x50, $0x38;
	[tilespmem:$0x1DD80] =	vst v63  }
0x134: {  	s20 =	simm.s32 $0x2670  }
0x135: {  	[tilespmem:s29], [sflag:$0x1] =	stream.indirect.gather [hbm4b:s6+s28], $0x80, s20, s28, $0xb8;
	[tilespmem:$0x1DD80] =	vst v63  }
0x136: {  	_ =	swait.ge [sflag:s19], $0x2800  }
0x137: {  	[sflag:s19] =	ssyncset.done $0x0  }
0x138: {  	[sflag:s19] =	ssyncadd.s32 $0xFFFFD800  }
0x139: {  	_ =	swait.ge [sflag:s13], $0x50  }
0x13a: {  	[sflag:s13] =	ssyncset.done $0x0  }
0x13b: {  	[sflag:s13] =	ssyncadd.s32 $0xFFFFFFB0  }
0x13c: {  	[spmem:s3] =	stream.indirect.scatter.add.f32 [tilespmem:s15], [sflag:$0x6], $0x80, s10, s28, $0xb8;
	[tilespmem:$0x1DD80] =	vst v63  }
0x13d: {  	_ =	swait.ge [sflag:s9], $0x2800  }
0x13e: {  	[sflag:s9] =	ssyncset.done $0x0  }
0x13f: {  	s22 =	rddreg [dreg:$0x10];
	[sflag:s9] =	ssyncadd.s32 $0xFFFFD800  }
0x140: {  	[tilespmem:s30], [sflag:$0x8] =	stream.linear.gather [hbm4b:s22+s11], $0x50, $0x38;
	[tilespmem:$0x1DD80] =	vst v63  }
0x141: {  	s23 =	simm.s32 $0x26C0  }
0x142: {  	[tilespmem:s31], [sflag:$0x2] =	stream.indirect.gather [hbm4b:s6+s28], $0x80, s23, s28, $0xb8;
	[tilespmem:$0x1DD80] =	vst v63  }
0x143: {  	_ =	swait.ge [sflag:s1], $0x2800  }
0x144: {  	[sflag:s1] =	ssyncset.done $0x0  }
0x145: {  	[sflag:s1] =	ssyncadd.s32 $0xFFFFD800  }
0x146: {  	_ =	swait.ge [sflag:s0], $0x50  }
0x147: {  	[sflag:s0] =	ssyncset.done $0x0  }
0x148: {  	[sflag:s0] =	ssyncadd.s32 $0xFFFFFFB0  }
0x149: {  	[spmem:s3] =	stream.indirect.scatter.add.f32 [tilespmem:s29], [sflag:$0x4], $0x80, s26, s28, $0xb8;
	[tilespmem:$0x1DD80] =	vst v63  }
0x14a: {  	_ =	swait.ge [sflag:s16], $0x2800  }
0x14b: {  	[sflag:s16] =	ssyncset.done $0x0  }
0x14c: {  	[sflag:s16] =	ssyncadd.s32 $0xFFFFD800  }
0x14d: {  	_ =	swait.ge [sflag:s17], $0x50  }
0x14e: {  	[sflag:s17] =	ssyncset.done $0x0  }
0x14f: {  	[sflag:s17] =	ssyncadd.s32 $0xFFFFFFB0  }
0x150: {  	[spmem:s3] =	stream.indirect.scatter.add.f32 [tilespmem:s31], [sflag:$0x5], $0x80, s30, s28, $0xb8;
	[tilespmem:$0x1DD80] =	vst v63  }
0x151: {  	_ =	swait.ge [sflag:s12], $0x2800  }
0x152: {  	[sflag:s12] =	ssyncset.done $0x0  }
0x153: {  	[sflag:s12] =	ssyncadd.s32 $0xFFFFD800  }
0x154: {  	_ =	swait.ge [sflag:s18], $0x2800  }
0x155: {  	[sflag:s18] =	ssyncset.done $0x0  }
0x156: {  	[sflag:s18] =	ssyncadd.s32 $0xFFFFD800  }
0x157: {  	_ =	swait.ge [sflag:s9], $0x2800  }
0x158: {  	[sflag:s9] =	ssyncset.done $0x0  }
0x159: {  	[sflag:s9] =	ssyncadd.s32 $0xFFFFD800  }
0x15a: {  	[bflag:$0x0] =	sbarrier.arrive $0xFFFF  }
0x15b: {  	s24 =	rddreg [dreg:$0xb]  }
0x15c: {  	s20 =	rddreg [dreg:$0x15]  }
0x15d: {  	[hbm:s24], [sflag:s20] =	dma.local [spmem:s21], $0x2780  }
0x15e: {  	_ =	swait.ge [sflag:s25], $0x2780  }
0x15f: {  	[sflag:s25] =	ssyncset.done $0x0  }
0x160: {  	s22 =	rddreg [dreg:$0x6];
	[sflag:s25] =	ssyncadd.s32 $0xFFFFD880  }
0x161: {  	[tilespmem:s26], [sflag:$0x7] =	stream.linear.gather [hbm4b:s22+s11], $0x50, $0x38;
	[tilespmem:$0x1DD80] =	vst v63  }
0x162: {  	_ = 	snop  }
0x163: {  	[tilespmem:s29], [sflag:$0x1] =	stream.indirect.gather [hbm4b:s7+s28], $0x80, s11, s28, $0xb8;
	[tilespmem:$0x1DD80] =	vst v63  }
0x164: {  	s23 =	rddreg [dreg:$0x7]  }
0x165: {  	[tilespmem:s30], [sflag:$0x8] =	stream.linear.gather [hbm4b:s23+s11], $0x50, $0x38;
	[tilespmem:$0x1DD80] =	vst v63  }
0x166: {  	s24 =	rddreg [dreg:$0x4]  }
0x167: {  	[tilespmem:s31], [sflag:$0x2] =	stream.indirect.gather [hbm4b:s7+s28], $0x80, s28, s28, $0xb8;
	[tilespmem:$0x1DD80] =	vst v63  }
0x168: {  	[spmem:s21], [sflag:s20] =	dma.local [hbm:s24], $0x2780  }
0x169: {  	_ =	swait.ge [sflag:s25], $0x2780  }
0x16a: {  	[sflag:s25] =	ssyncset.done $0x0  }
0x16b: {  	[sflag:s25] =	ssyncadd.s32 $0xFFFFD880  }
0x16c: {  	[bflag:$0x0] =	sbarrier.arrive $0xFFFF  }
0x16d: {  	_ =	swait.ge [sflag:s1], $0x2800  }
0x16e: {  	[sflag:s1] =	ssyncset.done $0x0  }
0x16f: {  	[sflag:s1] =	ssyncadd.s32 $0xFFFFD800  }
0x170: {  	_ =	swait.ge [sflag:s0], $0x50  }
0x171: {  	[sflag:s0] =	ssyncset.done $0x0  }
0x172: {  	[sflag:s0] =	ssyncadd.s32 $0xFFFFFFB0  }
0x173: {  	[spmem:s3] =	stream.indirect.scatter.add.f32 [tilespmem:s29], [sflag:$0x4], $0x80, s26, s28, $0xb8;
	[tilespmem:$0x1DD80] =	vst v63  }
0x174: {  	s20 =	rddreg [dreg:$0x9]  }
0x175: {  	[tilespmem:s10], [sflag:$0x9] =	stream.linear.gather [hbm4b:s20+s11], $0x50, $0x38;
	[tilespmem:$0x1DD80] =	vst v63  }
0x176: {  	s22 =	simm.s32 $0xA0  }
0x177: {  	[tilespmem:s15], [sflag:$0x3] =	stream.indirect.gather [hbm4b:s7+s28], $0x80, s22, s28, $0xb8;
	[tilespmem:$0x1DD80] =	vst v63  }
0x178: {  	_ =	swait.ge [sflag:s16], $0x2800  }
0x179: {  	[sflag:s16] =	ssyncset.done $0x0  }
0x17a: {  	[sflag:s16] =	ssyncadd.s32 $0xFFFFD800  }
0x17b: {  	_ =	swait.ge [sflag:s17], $0x50  }
0x17c: {  	[sflag:s17] =	ssyncset.done $0x0  }
0x17d: {  	[sflag:s17] =	ssyncadd.s32 $0xFFFFFFB0  }
0x17e: {  	[spmem:s3] =	stream.indirect.scatter.add.f32 [tilespmem:s31], [sflag:$0x5], $0x80, s30, s28, $0xb8;
	[tilespmem:$0x1DD80] =	vst v63  }
0x17f: {  	_ =	swait.ge [sflag:s18], $0x2800  }
0x180: {  	[sflag:s18] =	ssyncset.done $0x0  }
0x181: {  	s23 =	rddreg [dreg:$0x16];
	[sflag:s18] =	ssyncadd.s32 $0xFFFFD800  }
0x182: {  	[tilespmem:s26], [sflag:$0x7] =	stream.linear.gather [hbm4b:s23+s4], $0x50, $0x38;
	[tilespmem:$0x1DD80] =	vst v63  }
0x183: {  	s24 =	simm.s32 $0xF0  }
0x184: {  	[tilespmem:s29], [sflag:$0x1] =	stream.indirect.gather [hbm4b:s7+s28], $0x80, s24, s28, $0xb8;
	[tilespmem:$0x1DD80] =	vst v63  }
0x185: {  	_ =	swait.ge [sflag:s19], $0x2800  }
0x186: {  	[sflag:s19] =	ssyncset.done $0x0  }
0x187: {  	[sflag:s19] =	ssyncadd.s32 $0xFFFFD800  }
0x188: {  	_ =	swait.ge [sflag:s13], $0x50  }
0x189: {  	[sflag:s13] =	ssyncset.done $0x0  }
0x18a: {  	[sflag:s13] =	ssyncadd.s32 $0xFFFFFFB0  }
0x18b: {  	[spmem:s3] =	stream.indirect.scatter.add.f32 [tilespmem:s15], [sflag:$0x6], $0x80, s10, s28, $0xb8;
	[tilespmem:$0x1DD80] =	vst v63  }
0x18c: {  	_ =	swait.ge [sflag:s9], $0x2800  }
0x18d: {  	[sflag:s9] =	ssyncset.done $0x0  }
0x18e: {  	s20 =	rddreg [dreg:$0x12];
	[sflag:s9] =	ssyncadd.s32 $0xFFFFD800  }
0x18f: {  	[tilespmem:s30], [sflag:$0x8] =	stream.linear.gather [hbm4b:s20+s4], $0x50, $0x38;
	[tilespmem:$0x1DD80] =	vst v63  }
0x190: {  	s14 =	simm.s32 $0x140  }
0x191: {  	[tilespmem:s31], [sflag:$0x2] =	stream.indirect.gather [hbm4b:s7+s28], $0x80, s14, s28, $0xb8;
	[tilespmem:$0x1DD80] =	vst v63  }
0x192: {  	_ =	swait.ge [sflag:s1], $0x2800  }
0x193: {  	[sflag:s1] =	ssyncset.done $0x0  }
0x194: {  	[sflag:s1] =	ssyncadd.s32 $0xFFFFD800  }
0x195: {  	_ =	swait.ge [sflag:s0], $0x50  }
0x196: {  	[sflag:s0] =	ssyncset.done $0x0  }
0x197: {  	[sflag:s0] =	ssyncadd.s32 $0xFFFFFFB0  }
0x198: {  	[spmem:s3] =	stream.indirect.scatter.add.f32 [tilespmem:s29], [sflag:$0x4], $0x80, s26, s28, $0xb8;
	[tilespmem:$0x1DD80] =	vst v63  }
0x199: {  	_ =	swait.ge [sflag:s12], $0x2800  }
0x19a: {  	s24 =	simm.s32 $0x3C0;
	[sflag:s12] =	ssyncset.done $0x0;
	s23 =	rddreg [dreg:$0x13]  }
0x19b: {  	s22 =	rddreg [dreg:$0x11];
	[sflag:s12] =	ssyncadd.s32 $0xFFFFD800;
	s11 =	sadd.s32 $0xF0, s23  }
0x19c: {  	[tilespmem:s10], [sflag:$0x9] =	stream.linear.gather [hbm4b:s22+s4], $0x50, $0x38;
	[tilespmem:$0x1DD80] =	vst v63  }
0x19d: {  	s23 =	simm.s32 $0x190;
	s14 =	sadd.s32 $0x1E, s22;
	s22 =	sadd.s32 $0x1E, s20  }
.LBB2_6:
0x19e: {  	[tilespmem:s15], [sflag:$0x3] =	stream.indirect.gather [hbm4b:s7+s28], $0x80, s23, s28, $0xb8;
	[tilespmem:$0x1DD80] =	vst v63  }
0x19f: {  	s20 =	smov.u32 s24  }
0x1a0: {  	p0 =	sne.s32 s24, $0x9240;
	s24 =	sadd.s32 $0x3C0, s24;
	_ =	swait.ge [sflag:s16], $0x2800  }
0x1a1: {  	[sflag:s16] =	ssyncset.done $0x0  }
0x1a2: {  	[sflag:s16] =	ssyncadd.s32 $0xFFFFD800  }
0x1a3: {  	_ =	swait.ge [sflag:s17], $0x50  }
0x1a4: {  	[sflag:s17] =	ssyncset.done $0x0  }
0x1a5: {  	[sflag:s17] =	ssyncadd.s32 $0xFFFFFFB0  }
0x1a6: {  	[spmem:s3] =	stream.indirect.scatter.add.f32 [tilespmem:s31], [sflag:$0x5], $0x80, s30, s28, $0xb8;
	[tilespmem:$0x1DD80] =	vst v63  }
0x1a7: {  	_ =	swait.ge [sflag:s18], $0x2800  }
0x1a8: {  	s23 =	sshrl.u32 s11, $0x3;
	[sflag:s18] =	ssyncset.done $0x0  }
0x1a9: {  	s23 =	sadd.s32 s5, s23;
	s20 =	sshra.s32 s20, $0x2;
	[sflag:s18] =	ssyncadd.s32 $0xFFFFD800  }
0x1aa: {  	[tilespmem:s26], [sflag:$0x7] =	stream.linear.gather [hbm4b:s23+s4], $0x50, $0x38;
	[tilespmem:$0x1DD80] =	vst v63  }
0x1ab: {  	s23 =	sadd.s32 $0xF0, s20  }
0x1ac: {  	[tilespmem:s29], [sflag:$0x1] =	stream.indirect.gather [hbm4b:s7+s28], $0x80, s23, s28, $0xb8;
	[tilespmem:$0x1DD80] =	vst v63  }
0x1ad: {  	_ =	swait.ge [sflag:s19], $0x2800  }
0x1ae: {  	[sflag:s19] =	ssyncset.done $0x0  }
0x1af: {  	[sflag:s19] =	ssyncadd.s32 $0xFFFFD800  }
0x1b0: {  	_ =	swait.ge [sflag:s13], $0x50  }
0x1b1: {  	[sflag:s13] =	ssyncset.done $0x0  }
0x1b2: {  	[sflag:s13] =	ssyncadd.s32 $0xFFFFFFB0  }
0x1b3: {  	[spmem:s3] =	stream.indirect.scatter.add.f32 [tilespmem:s15], [sflag:$0x6], $0x80, s10, s28, $0xb8;
	[tilespmem:$0x1DD80] =	vst v63  }
0x1b4: {  	_ =	swait.ge [sflag:s9], $0x2800  }
0x1b5: {  	[sflag:s9] =	ssyncset.done $0x0  }
0x1b6: {  	[sflag:s9] =	ssyncadd.s32 $0xFFFFD800  }
0x1b7: {  	[tilespmem:s30], [sflag:$0x8] =	stream.linear.gather [hbm4b:s22+s4], $0x50, $0x38;
	[tilespmem:$0x1DD80] =	vst v63  }
0x1b8: {  	s23 =	sadd.s32 $0x140, s20  }
0x1b9: {  	[tilespmem:s31], [sflag:$0x2] =	stream.indirect.gather [hbm4b:s7+s28], $0x80, s23, s28, $0xb8;
	[tilespmem:$0x1DD80] =	vst v63  }
0x1ba: {  	_ =	swait.ge [sflag:s1], $0x2800  }
0x1bb: {  	[sflag:s1] =	ssyncset.done $0x0  }
0x1bc: {  	[sflag:s1] =	ssyncadd.s32 $0xFFFFD800  }
0x1bd: {  	_ =	swait.ge [sflag:s0], $0x50  }
0x1be: {  	[sflag:s0] =	ssyncset.done $0x0  }
0x1bf: {  	[sflag:s0] =	ssyncadd.s32 $0xFFFFFFB0  }
0x1c0: {  	[spmem:s3] =	stream.indirect.scatter.add.f32 [tilespmem:s29], [sflag:$0x4], $0x80, s26, s28, $0xb8;
	[tilespmem:$0x1DD80] =	vst v63  }
.Ltmp2:
0x1c1: {  	_ =	swait.ge [sflag:s12], $0x2800;
	(pc) =	sbr.rel @p0 .LBB2_6-.Ltmp2, $4  }
0x1c2: {  	[sflag:s12] =	ssyncset.done $0x0  }
0x1c3: {  	s11 =	sadd.s32 $0xF0, s11;
	[sflag:s12] =	ssyncadd.s32 $0xFFFFD800  }
0x1c4: {  	[tilespmem:s10], [sflag:$0x9] =	stream.linear.gather [hbm4b:s14+s4], $0x50, $0x38;
	[tilespmem:$0x1DD80] =	vst v63  }
0x1c5: {  	s22 =	sadd.s32 $0x1E, s22;
	s23 =	sadd.s32 $0x190, s20;
	s14 =	sadd.s32 $0x1E, s14  }
0x1c6: {  	[tilespmem:s15], [sflag:$0x3] =	stream.indirect.gather [hbm4b:s7+s28], $0x80, s23, s28, $0xb8;
	[tilespmem:$0x1DD80] =	vst v63  }
0x1c7: {  	_ =	swait.ge [sflag:s16], $0x2800  }
0x1c8: {  	[sflag:s16] =	ssyncset.done $0x0  }
0x1c9: {  	[sflag:s16] =	ssyncadd.s32 $0xFFFFD800  }
0x1ca: {  	_ =	swait.ge [sflag:s17], $0x50  }
0x1cb: {  	[sflag:s17] =	ssyncset.done $0x0  }
0x1cc: {  	[sflag:s17] =	ssyncadd.s32 $0xFFFFFFB0  }
0x1cd: {  	[spmem:s3] =	stream.indirect.scatter.add.f32 [tilespmem:s31], [sflag:$0x5], $0x80, s30, s28, $0xb8;
	[tilespmem:$0x1DD80] =	vst v63  }
0x1ce: {  	_ =	swait.ge [sflag:s18], $0x2800  }
0x1cf: {  	[sflag:s18] =	ssyncset.done $0x0  }
0x1d0: {  	s11 =	simm.s32 $0x0;
	s14 =	rddreg [dreg:$0xf];
	[sflag:s18] =	ssyncadd.s32 $0xFFFFD800  }
0x1d1: {  	[tilespmem:s26], [sflag:$0x7] =	stream.linear.gather [hbm4b:s14+s11], $0x50, $0x38;
	[tilespmem:$0x1DD80] =	vst v63  }
0x1d2: {  	s24 =	simm.s32 $0x2670  }
0x1d3: {  	[tilespmem:s29], [sflag:$0x1] =	stream.indirect.gather [hbm4b:s7+s28], $0x80, s24, s28, $0xb8;
	[tilespmem:$0x1DD80] =	vst v63  }
0x1d4: {  	_ =	swait.ge [sflag:s19], $0x2800  }
0x1d5: {  	[sflag:s19] =	ssyncset.done $0x0  }
0x1d6: {  	[sflag:s19] =	ssyncadd.s32 $0xFFFFD800  }
0x1d7: {  	_ =	swait.ge [sflag:s13], $0x50  }
0x1d8: {  	[sflag:s13] =	ssyncset.done $0x0  }
0x1d9: {  	[sflag:s13] =	ssyncadd.s32 $0xFFFFFFB0  }
0x1da: {  	[spmem:s3] =	stream.indirect.scatter.add.f32 [tilespmem:s15], [sflag:$0x6], $0x80, s10, s28, $0xb8;
	[tilespmem:$0x1DD80] =	vst v63  }
0x1db: {  	_ =	swait.ge [sflag:s9], $0x2800  }
0x1dc: {  	[sflag:s9] =	ssyncset.done $0x0  }
0x1dd: {  	s20 =	rddreg [dreg:$0x10];
	[sflag:s9] =	ssyncadd.s32 $0xFFFFD800  }
0x1de: {  	[tilespmem:s30], [sflag:$0x8] =	stream.linear.gather [hbm4b:s20+s11], $0x50, $0x38;
	[tilespmem:$0x1DD80] =	vst v63  }
0x1df: {  	s22 =	simm.s32 $0x26C0  }
0x1e0: {  	[tilespmem:s31], [sflag:$0x2] =	stream.indirect.gather [hbm4b:s7+s28], $0x80, s22, s28, $0xb8;
	[tilespmem:$0x1DD80] =	vst v63  }
0x1e1: {  	_ =	swait.ge [sflag:s1], $0x2800  }
0x1e2: {  	[sflag:s1] =	ssyncset.done $0x0  }
0x1e3: {  	[sflag:s1] =	ssyncadd.s32 $0xFFFFD800  }
0x1e4: {  	_ =	swait.ge [sflag:s0], $0x50  }
0x1e5: {  	[sflag:s0] =	ssyncset.done $0x0  }
0x1e6: {  	[sflag:s0] =	ssyncadd.s32 $0xFFFFFFB0  }
0x1e7: {  	[spmem:s3] =	stream.indirect.scatter.add.f32 [tilespmem:s29], [sflag:$0x4], $0x80, s26, s28, $0xb8;
	[tilespmem:$0x1DD80] =	vst v63  }
0x1e8: {  	_ =	swait.ge [sflag:s16], $0x2800  }
0x1e9: {  	[sflag:s16] =	ssyncset.done $0x0  }
0x1ea: {  	[sflag:s16] =	ssyncadd.s32 $0xFFFFD800  }
0x1eb: {  	_ =	swait.ge [sflag:s17], $0x50  }
0x1ec: {  	[sflag:s17] =	ssyncset.done $0x0  }
0x1ed: {  	[sflag:s17] =	ssyncadd.s32 $0xFFFFFFB0  }
0x1ee: {  	[spmem:s3] =	stream.indirect.scatter.add.f32 [tilespmem:s31], [sflag:$0x5], $0x80, s30, s28, $0xb8;
	[tilespmem:$0x1DD80] =	vst v63  }
0x1ef: {  	_ =	swait.ge [sflag:s12], $0x2800  }
0x1f0: {  	[sflag:s12] =	ssyncset.done $0x0  }
0x1f1: {  	[sflag:s12] =	ssyncadd.s32 $0xFFFFD800  }
0x1f2: {  	_ =	swait.ge [sflag:s18], $0x2800  }
0x1f3: {  	[sflag:s18] =	ssyncset.done $0x0  }
0x1f4: {  	[sflag:s18] =	ssyncadd.s32 $0xFFFFD800  }
0x1f5: {  	_ =	swait.ge [sflag:s9], $0x2800  }
0x1f6: {  	[sflag:s9] =	ssyncset.done $0x0  }
0x1f7: {  	[sflag:s9] =	ssyncadd.s32 $0xFFFFD800  }
0x1f8: {  	[bflag:$0x0] =	sbarrier.arrive $0xFFFF  }
0x1f9: {  	s23 =	rddreg [dreg:$0xc]  }
0x1fa: {  	s20 =	rddreg [dreg:$0x15]  }
0x1fb: {  	[hbm:s23], [sflag:s20] =	dma.local [spmem:s21], $0x2780  }
0x1fc: {  	_ =	swait.ge [sflag:s25], $0x2780  }
0x1fd: {  	[sflag:s25] =	ssyncset.done $0x0  }
0x1fe: {  	s24 =	rddreg [dreg:$0x6];
	[sflag:s25] =	ssyncadd.s32 $0xFFFFD880  }
0x1ff: {  	[tilespmem:s26], [sflag:$0x7] =	stream.linear.gather [hbm4b:s24+s11], $0x50, $0x38;
	[tilespmem:$0x1DD80] =	vst v63  }
0x200: {  	_ = 	snop  }
0x201: {  	[tilespmem:s29], [sflag:$0x1] =	stream.indirect.gather [hbm4b:s8+s28], $0x80, s11, s28, $0xb8;
	[tilespmem:$0x1DD80] =	vst v63  }
0x202: {  	s22 =	rddreg [dreg:$0x7]  }
0x203: {  	[tilespmem:s30], [sflag:$0x8] =	stream.linear.gather [hbm4b:s22+s11], $0x50, $0x38;
	[tilespmem:$0x1DD80] =	vst v63  }
0x204: {  	s23 =	rddreg [dreg:$0x4]  }
0x205: {  	[tilespmem:s31], [sflag:$0x2] =	stream.indirect.gather [hbm4b:s8+s28], $0x80, s28, s28, $0xb8;
	[tilespmem:$0x1DD80] =	vst v63  }
0x206: {  	[spmem:s21], [sflag:s20] =	dma.local [hbm:s23], $0x2780  }
0x207: {  	_ =	swait.ge [sflag:s25], $0x2780  }
0x208: {  	[sflag:s25] =	ssyncset.done $0x0  }
0x209: {  	[sflag:s25] =	ssyncadd.s32 $0xFFFFD880  }
0x20a: {  	[bflag:$0x0] =	sbarrier.arrive $0xFFFF  }
0x20b: {  	_ =	swait.ge [sflag:s1], $0x2800  }
0x20c: {  	[sflag:s1] =	ssyncset.done $0x0  }
0x20d: {  	[sflag:s1] =	ssyncadd.s32 $0xFFFFD800  }
0x20e: {  	_ =	swait.ge [sflag:s0], $0x50  }
0x20f: {  	[sflag:s0] =	ssyncset.done $0x0  }
0x210: {  	[sflag:s0] =	ssyncadd.s32 $0xFFFFFFB0  }
0x211: {  	[spmem:s3] =	stream.indirect.scatter.add.f32 [tilespmem:s29], [sflag:$0x4], $0x80, s26, s28, $0xb8;
	[tilespmem:$0x1DD80] =	vst v63  }
0x212: {  	s24 =	rddreg [dreg:$0x9]  }
0x213: {  	[tilespmem:s10], [sflag:$0x9] =	stream.linear.gather [hbm4b:s24+s11], $0x50, $0x38;
	[tilespmem:$0x1DD80] =	vst v63  }
0x214: {  	s20 =	simm.s32 $0xA0  }
0x215: {  	[tilespmem:s15], [sflag:$0x3] =	stream.indirect.gather [hbm4b:s8+s28], $0x80, s20, s28, $0xb8;
	[tilespmem:$0x1DD80] =	vst v63  }
0x216: {  	_ =	swait.ge [sflag:s16], $0x2800  }
0x217: {  	[sflag:s16] =	ssyncset.done $0x0  }
0x218: {  	[sflag:s16] =	ssyncadd.s32 $0xFFFFD800  }
0x219: {  	_ =	swait.ge [sflag:s17], $0x50  }
0x21a: {  	[sflag:s17] =	ssyncset.done $0x0  }
0x21b: {  	[sflag:s17] =	ssyncadd.s32 $0xFFFFFFB0  }
0x21c: {  	[spmem:s3] =	stream.indirect.scatter.add.f32 [tilespmem:s31], [sflag:$0x5], $0x80, s30, s28, $0xb8;
	[tilespmem:$0x1DD80] =	vst v63  }
0x21d: {  	_ =	swait.ge [sflag:s18], $0x2800  }
0x21e: {  	[sflag:s18] =	ssyncset.done $0x0  }
0x21f: {  	s22 =	rddreg [dreg:$0x16];
	[sflag:s18] =	ssyncadd.s32 $0xFFFFD800  }
0x220: {  	[tilespmem:s26], [sflag:$0x7] =	stream.linear.gather [hbm4b:s22+s4], $0x50, $0x38;
	[tilespmem:$0x1DD80] =	vst v63  }
0x221: {  	s23 =	simm.s32 $0xF0  }
0x222: {  	[tilespmem:s29], [sflag:$0x1] =	stream.indirect.gather [hbm4b:s8+s28], $0x80, s23, s28, $0xb8;
	[tilespmem:$0x1DD80] =	vst v63  }
0x223: {  	_ =	swait.ge [sflag:s19], $0x2800  }
0x224: {  	[sflag:s19] =	ssyncset.done $0x0  }
0x225: {  	[sflag:s19] =	ssyncadd.s32 $0xFFFFD800  }
0x226: {  	_ =	swait.ge [sflag:s13], $0x50  }
0x227: {  	[sflag:s13] =	ssyncset.done $0x0  }
0x228: {  	[sflag:s13] =	ssyncadd.s32 $0xFFFFFFB0  }
0x229: {  	[spmem:s3] =	stream.indirect.scatter.add.f32 [tilespmem:s15], [sflag:$0x6], $0x80, s10, s28, $0xb8;
	[tilespmem:$0x1DD80] =	vst v63  }
0x22a: {  	_ =	swait.ge [sflag:s9], $0x2800  }
0x22b: {  	[sflag:s9] =	ssyncset.done $0x0  }
0x22c: {  	s20 =	rddreg [dreg:$0x12];
	[sflag:s9] =	ssyncadd.s32 $0xFFFFD800  }
0x22d: {  	[tilespmem:s30], [sflag:$0x8] =	stream.linear.gather [hbm4b:s20+s4], $0x50, $0x38;
	[tilespmem:$0x1DD80] =	vst v63  }
0x22e: {  	s24 =	simm.s32 $0x140  }
0x22f: {  	[tilespmem:s31], [sflag:$0x2] =	stream.indirect.gather [hbm4b:s8+s28], $0x80, s24, s28, $0xb8;
	[tilespmem:$0x1DD80] =	vst v63  }
0x230: {  	_ =	swait.ge [sflag:s1], $0x2800  }
0x231: {  	[sflag:s1] =	ssyncset.done $0x0  }
0x232: {  	[sflag:s1] =	ssyncadd.s32 $0xFFFFD800  }
0x233: {  	_ =	swait.ge [sflag:s0], $0x50  }
0x234: {  	[sflag:s0] =	ssyncset.done $0x0  }
0x235: {  	[sflag:s0] =	ssyncadd.s32 $0xFFFFFFB0  }
0x236: {  	[spmem:s3] =	stream.indirect.scatter.add.f32 [tilespmem:s29], [sflag:$0x4], $0x80, s26, s28, $0xb8;
	[tilespmem:$0x1DD80] =	vst v63  }
0x237: {  	_ =	swait.ge [sflag:s12], $0x2800  }
0x238: {  	s11 =	simm.s32 $0x3C0;
	[sflag:s12] =	ssyncset.done $0x0;
	s14 =	rddreg [dreg:$0x11]  }
0x239: {  	s23 =	simm.s32 $0x190;
	s22 =	rddreg [dreg:$0x13];
	[sflag:s12] =	ssyncadd.s32 $0xFFFFD800  }
0x23a: {  	[tilespmem:s10], [sflag:$0x9] =	stream.linear.gather [hbm4b:s14+s4], $0x50, $0x38;
	[tilespmem:$0x1DD80] =	vst v63  }
0x23b: {  	s24 =	sadd.s32 $0xF0, s22;
	s22 =	sadd.s32 $0x1E, s20;
	s14 =	sadd.s32 $0x1E, s14  }
.LBB2_8:
0x23c: {  	[tilespmem:s15], [sflag:$0x3] =	stream.indirect.gather [hbm4b:s8+s28], $0x80, s23, s28, $0xb8;
	[tilespmem:$0x1DD80] =	vst v63  }
0x23d: {  	s20 =	smov.u32 s11  }
0x23e: {  	p0 =	sne.s32 s11, $0x9240;
	s11 =	sadd.s32 $0x3C0, s11;
	_ =	swait.ge [sflag:s16], $0x2800  }
0x23f: {  	[sflag:s16] =	ssyncset.done $0x0  }
0x240: {  	[sflag:s16] =	ssyncadd.s32 $0xFFFFD800  }
0x241: {  	_ =	swait.ge [sflag:s17], $0x50  }
0x242: {  	[sflag:s17] =	ssyncset.done $0x0  }
0x243: {  	[sflag:s17] =	ssyncadd.s32 $0xFFFFFFB0  }
0x244: {  	[spmem:s3] =	stream.indirect.scatter.add.f32 [tilespmem:s31], [sflag:$0x5], $0x80, s30, s28, $0xb8;
	[tilespmem:$0x1DD80] =	vst v63  }
0x245: {  	_ =	swait.ge [sflag:s18], $0x2800  }
0x246: {  	s23 =	sshrl.u32 s24, $0x3;
	[sflag:s18] =	ssyncset.done $0x0  }
0x247: {  	s23 =	sadd.s32 s5, s23;
	s20 =	sshra.s32 s20, $0x2;
	[sflag:s18] =	ssyncadd.s32 $0xFFFFD800  }
0x248: {  	[tilespmem:s26], [sflag:$0x7] =	stream.linear.gather [hbm4b:s23+s4], $0x50, $0x38;
	[tilespmem:$0x1DD80] =	vst v63  }
0x249: {  	s23 =	sadd.s32 $0xF0, s20  }
0x24a: {  	[tilespmem:s29], [sflag:$0x1] =	stream.indirect.gather [hbm4b:s8+s28], $0x80, s23, s28, $0xb8;
	[tilespmem:$0x1DD80] =	vst v63  }
0x24b: {  	_ =	swait.ge [sflag:s19], $0x2800  }
0x24c: {  	[sflag:s19] =	ssyncset.done $0x0  }
0x24d: {  	[sflag:s19] =	ssyncadd.s32 $0xFFFFD800  }
0x24e: {  	_ =	swait.ge [sflag:s13], $0x50  }
0x24f: {  	[sflag:s13] =	ssyncset.done $0x0  }
0x250: {  	[sflag:s13] =	ssyncadd.s32 $0xFFFFFFB0  }
0x251: {  	[spmem:s3] =	stream.indirect.scatter.add.f32 [tilespmem:s15], [sflag:$0x6], $0x80, s10, s28, $0xb8;
	[tilespmem:$0x1DD80] =	vst v63  }
0x252: {  	_ =	swait.ge [sflag:s9], $0x2800  }
0x253: {  	[sflag:s9] =	ssyncset.done $0x0  }
0x254: {  	[sflag:s9] =	ssyncadd.s32 $0xFFFFD800  }
0x255: {  	[tilespmem:s30], [sflag:$0x8] =	stream.linear.gather [hbm4b:s22+s4], $0x50, $0x38;
	[tilespmem:$0x1DD80] =	vst v63  }
0x256: {  	s23 =	sadd.s32 $0x140, s20  }
0x257: {  	[tilespmem:s31], [sflag:$0x2] =	stream.indirect.gather [hbm4b:s8+s28], $0x80, s23, s28, $0xb8;
	[tilespmem:$0x1DD80] =	vst v63  }
0x258: {  	_ =	swait.ge [sflag:s1], $0x2800  }
0x259: {  	[sflag:s1] =	ssyncset.done $0x0  }
0x25a: {  	[sflag:s1] =	ssyncadd.s32 $0xFFFFD800  }
0x25b: {  	_ =	swait.ge [sflag:s0], $0x50  }
0x25c: {  	[sflag:s0] =	ssyncset.done $0x0  }
0x25d: {  	[sflag:s0] =	ssyncadd.s32 $0xFFFFFFB0  }
0x25e: {  	[spmem:s3] =	stream.indirect.scatter.add.f32 [tilespmem:s29], [sflag:$0x4], $0x80, s26, s28, $0xb8;
	[tilespmem:$0x1DD80] =	vst v63  }
.Ltmp3:
0x25f: {  	_ =	swait.ge [sflag:s12], $0x2800;
	(pc) =	sbr.rel @p0 .LBB2_8-.Ltmp3, $4  }
0x260: {  	[sflag:s12] =	ssyncset.done $0x0  }
0x261: {  	s24 =	sadd.s32 $0xF0, s24;
	[sflag:s12] =	ssyncadd.s32 $0xFFFFD800  }
0x262: {  	[tilespmem:s10], [sflag:$0x9] =	stream.linear.gather [hbm4b:s14+s4], $0x50, $0x38;
	[tilespmem:$0x1DD80] =	vst v63  }
0x263: {  	s22 =	sadd.s32 $0x1E, s22;
	s23 =	sadd.s32 $0x190, s20;
	s14 =	sadd.s32 $0x1E, s14  }
0x264: {  	[tilespmem:s15], [sflag:$0x3] =	stream.indirect.gather [hbm4b:s8+s28], $0x80, s23, s28, $0xb8;
	[tilespmem:$0x1DD80] =	vst v63  }
0x265: {  	_ =	swait.ge [sflag:s16], $0x2800  }
0x266: {  	[sflag:s16] =	ssyncset.done $0x0  }
0x267: {  	[sflag:s16] =	ssyncadd.s32 $0xFFFFD800  }
0x268: {  	_ =	swait.ge [sflag:s17], $0x50  }
0x269: {  	[sflag:s17] =	ssyncset.done $0x0  }
0x26a: {  	[sflag:s17] =	ssyncadd.s32 $0xFFFFFFB0  }
0x26b: {  	[spmem:s3] =	stream.indirect.scatter.add.f32 [tilespmem:s31], [sflag:$0x5], $0x80, s30, s28, $0xb8;
	[tilespmem:$0x1DD80] =	vst v63  }
0x26c: {  	_ =	swait.ge [sflag:s18], $0x2800  }
0x26d: {  	[sflag:s18] =	ssyncset.done $0x0  }
0x26e: {  	s11 =	rddreg [dreg:$0xf];
	[sflag:s18] =	ssyncadd.s32 $0xFFFFD800  }
0x26f: {  	[tilespmem:s26], [sflag:$0x7] =	stream.linear.gather [hbm4b:s11+s4], $0x50, $0x38;
	[tilespmem:$0x1DD80] =	vst v63  }
0x270: {  	s24 =	simm.s32 $0x2670  }
0x271: {  	[tilespmem:s29], [sflag:$0x1] =	stream.indirect.gather [hbm4b:s8+s28], $0x80, s24, s28, $0xb8;
	[tilespmem:$0x1DD80] =	vst v63  }
0x272: {  	_ =	swait.ge [sflag:s19], $0x2800  }
0x273: {  	[sflag:s19] =	ssyncset.done $0x0  }
0x274: {  	[sflag:s19] =	ssyncadd.s32 $0xFFFFD800  }
0x275: {  	_ =	swait.ge [sflag:s13], $0x50  }
0x276: {  	[sflag:s13] =	ssyncset.done $0x0  }
0x277: {  	[sflag:s13] =	ssyncadd.s32 $0xFFFFFFB0  }
0x278: {  	[spmem:s3] =	stream.indirect.scatter.add.f32 [tilespmem:s15], [sflag:$0x6], $0x80, s10, s28, $0xb8;
	[tilespmem:$0x1DD80] =	vst v63  }
0x279: {  	_ =	swait.ge [sflag:s9], $0x2800  }
0x27a: {  	[sflag:s9] =	ssyncset.done $0x0  }
0x27b: {  	s14 =	rddreg [dreg:$0x10];
	[sflag:s9] =	ssyncadd.s32 $0xFFFFD800  }
0x27c: {  	[tilespmem:s30], [sflag:$0x8] =	stream.linear.gather [hbm4b:s14+s4], $0x50, $0x38;
	[tilespmem:$0x1DD80] =	vst v63  }
0x27d: {  	s20 =	simm.s32 $0x26C0  }
0x27e: {  	[tilespmem:s31], [sflag:$0x2] =	stream.indirect.gather [hbm4b:s8+s28], $0x80, s20, s28, $0xb8;
	[tilespmem:$0x1DD80] =	vst v63  }
0x27f: {  	_ =	swait.ge [sflag:s1], $0x2800  }
0x280: {  	[sflag:s1] =	ssyncset.done $0x0  }
0x281: {  	[sflag:s1] =	ssyncadd.s32 $0xFFFFD800  }
0x282: {  	_ =	swait.ge [sflag:s0], $0x50  }
0x283: {  	[sflag:s0] =	ssyncset.done $0x0  }
0x284: {  	[sflag:s0] =	ssyncadd.s32 $0xFFFFFFB0  }
0x285: {  	[spmem:s3] =	stream.indirect.scatter.add.f32 [tilespmem:s29], [sflag:$0x4], $0x80, s26, s28, $0xb8;
	[tilespmem:$0x1DD80] =	vst v63  }
0x286: {  	_ =	swait.ge [sflag:s16], $0x2800  }
0x287: {  	[sflag:s16] =	ssyncset.done $0x0  }
0x288: {  	[sflag:s16] =	ssyncadd.s32 $0xFFFFD800  }
0x289: {  	_ =	swait.ge [sflag:s17], $0x50  }
0x28a: {  	[sflag:s17] =	ssyncset.done $0x0  }
0x28b: {  	[sflag:s17] =	ssyncadd.s32 $0xFFFFFFB0  }
0x28c: {  	[spmem:s3] =	stream.indirect.scatter.add.f32 [tilespmem:s31], [sflag:$0x5], $0x80, s30, s28, $0xb8;
	[tilespmem:$0x1DD80] =	vst v63  }
0x28d: {  	_ =	swait.ge [sflag:s12], $0x2800  }
0x28e: {  	[sflag:s12] =	ssyncset.done $0x0  }
0x28f: {  	[sflag:s12] =	ssyncadd.s32 $0xFFFFD800  }
0x290: {  	_ =	swait.ge [sflag:s18], $0x2800  }
0x291: {  	[sflag:s18] =	ssyncset.done $0x0  }
0x292: {  	[sflag:s18] =	ssyncadd.s32 $0xFFFFD800  }
0x293: {  	_ =	swait.ge [sflag:s9], $0x2800  }
0x294: {  	[sflag:s9] =	ssyncset.done $0x0  }
0x295: {  	[sflag:s9] =	ssyncadd.s32 $0xFFFFD800  }
0x296: {  	[bflag:$0x0] =	sbarrier.arrive $0xFFFF  }
0x297: {  	s22 =	rddreg [dreg:$0xd]  }
0x298: {  	s14 =	rddreg [dreg:$0x15]  }
0x299: {  	[hbm:s22], [sflag:s14] =	dma.local [spmem:s21], $0x2780  }
0x29a: {  	_ =	swait.ge [sflag:s25], $0x2780  }
0x29b: {  	s23 =	rddreg [dreg:$0x14]  }
0x29c: {  	s24 =	rddreg [dreg:$0xe];
	s14 =	sadd.s32 $0x1, s23  }
0x29d: {  	p0 =	sne.s32 s14, s24  }
.Ltmp4:
0x29e: {  	_ = 	snop;
	(pc) =	sbr.rel @p0 .LBB2_1-.Ltmp4, $3  }
0x29f: {  	_ =	sdelay $0x1  }
0x2a0: {  	[sflag:s25] =	ssyncset.done $0x0  }
0x2a1: {  	[sflag:s25] =	ssyncadd.s32 $0xFFFFD880  }
0x2a2: {  	_ =	sfence.sel $0x180000  }
0x2a3: {  	[bflag:$0x0] =	sbarrier.arrive $0xFFFF  }
0x2a4: {  	_ =	strace $0x9000004A  }
0x2a5: {  	s0 =	stileid.u32;
	[bflag:$0x2] =	sbarrier.arrive $0xFFFF  }
0x2a6: {  	p0 =	sne.s32 s0, $0x0;
	s0 =	rddreg [dreg:$0x3]  }
0x2a7: {  	s0 =	sadd.s32 @!p0 $0x100000, s0  }
0x2a8: {  	[sflag:s0] =	ssyncadd.tile.s32 @!p0 $0x1;
	_ =	shalt  }
.Lfunc_end2:
_tile_overlayer_lowered:
.L_overlay_start_2:
0x2a9: {  	(tag) =	ssettag $0x2  }
0x2aa: {  	s0 =	rddreg [dreg:$0x0];
	s2 =	stileid.u32  }
0x2ab: {  	s1 =	rddreg [dreg:$0x1];
	p0 =	sne.s32 s2, $0x0  }
0x2ac: {  	s3 =	rddreg [dreg:$0x2];
	[bflag:$0x3] =	sbarrier.arrive $0xFFFF;
	s2 =	simm.s32 @!p0 $0x1C0A  }
0x2ad: {  	[timem:s3], [sflag:s2] =	dma.local @!p0 [hbm:s0], s1  }
0x2ae: {  	s0 =	simm.s32 @!p0 $0xA  }
0x2af: {  	_ =	swait.ge @!p0 [sflag:s0], s1  }
0x2b0: {  	s1 =	ssub.s32 @!p0 $0x0, s1;
	[sflag:s0] =	ssyncset.done @!p0 $0x0  }
0x2b1: {  	[sflag:s0] =	ssyncadd.s32 @!p0 s1  }
0x2b2: {  	[bflag:$0x3] =	sbarrier.arrive $0xFFFF  }
0x2b3: {  	_ =	shalt  }

</sc_bundles>
